<compile_context>
chip_gen: v7x
topology: tpu7x:2x2x1
jax: 0.10.2.dev20260603
libtpu: 0.0.44.dev20260713+nightly
codegen_flags: <defaults>
</compile_context>

<pallas_src>
import functools

import jax
import jax.numpy as jnp
from jax import lax
from jax.experimental import pallas as pl
from jax.experimental.pallas import tpu as pltpu
from jax.experimental.pallas import tpu_sc as plsc

_VOCAB = 1000
_D = 1000
_BATCH = 4096
_SEQ = 20
_NW = 32
_CW = 32
_CS = 33
_NPASS = 32
_NT = _CW // 8
_NBLK = 4
_CBT = 125
_IR = 9

_mesh = plsc.VectorSubcoreMesh(core_axis_name="c", subcore_axis_name="s")


@functools.partial(
    pl.kernel,
    mesh=_mesh,
    out_type=jax.ShapeDtypeStruct((_SEQ, _CBT, _NW, 8, 128), jnp.float32),
    scratch_types=[
        pltpu.VMEM((_SEQ, 128), jnp.int32),
        pltpu.VMEM((_SEQ, 64, 16), jnp.int32),
        [pltpu.VMEM((_VOCAB, _CS), jnp.float32) for _ in range(2)],
        [pltpu.VMEM((_NT, 8, 129), jnp.float32) for _ in range(_NBLK)],
        [pltpu.SemaphoreType.DMA for _ in range(2)],
        [pltpu.SemaphoreType.DMA for _ in range(_NBLK)],
        pltpu.SemaphoreType.DMA,
    ],
    compiler_params=pltpu.CompilerParams(
        use_tc_tiling_on_sc=False, needs_layout_passes=False
    ),
)
def _emb_t(xt_hbm, tpad_hbm, out_hbm, idx_v, pairbuf, chunks, blks, csem,
           osem, isem):
    w = lax.axis_index("s") * 2 + lax.axis_index("c")

    iota = lax.iota(jnp.int32, 16)
    k07 = lax.rem(iota, 8)
    bsel8 = (iota // 8) * 8

    pltpu.async_copy(xt_hbm.at[:, pl.ds(w * 128, 128)], idx_v, isem).wait()

    @pl.loop(0, _SEQ)
    def _rep(s):
        sv = jnp.full((16,), s, jnp.int32)
        for g in range(8):
            for j in range(8):
                bv = jnp.full((16,), 16 * g + j, jnp.int32) + bsel8
                iv = plsc.load_gather(idx_v, [sv, bv])
                pairbuf[s, 8 * g + j] = iv

    def load_chunk(p, par):
        off = jnp.minimum(p, _NPASS - 1) * _CW
        pltpu.async_copy(
            tpad_hbm.at[:, pl.ds(off, _CW)],
            chunks[par].at[:, pl.ds(0, _CW)],
            csem[par],
        )

    def wait_chunk(par):
        pltpu.make_async_copy(
            tpad_hbm.at[:, pl.ds(0, _CW)],
            chunks[par].at[:, pl.ds(0, _CW)],
            csem[par],
        ).wait()

    def fill_tiles(par, b, s):
        @plsc.parallel_loop(0, 64, unroll=4)
        def _bp(p_):
            b0 = (p_ // 8) * 16 + lax.rem(p_, 8)
            bv = jnp.full((16,), b0, jnp.int32) + bsel8
            iv = pairbuf[s, p_]
            for t in range(_NT):
                cv = k07 + (8 * t)
                v = plsc.load_gather(chunks[par], [iv, cv])
                tv = jnp.full((16,), t, jnp.int32)
                plsc.store_scatter(blks[b], [tv, k07, bv], v)

    def blk_wait(b, nt):
        pltpu.make_async_copy(
            blks[b].at[pl.ds(0, nt), :, pl.ds(0, 128)],
            out_hbm.at[0, pl.ds(0, nt), 0],
            osem[b],
        ).wait()

    def squad_loop(par, p):
        @pl.loop(0, _SEQ, step=_NBLK)
        def _squad(s0):
            for b in range(_NBLK):
                s = s0 + b
                skip = jnp.logical_and(p == 0, s0 == 0)
                last_rep = jnp.logical_and(p == _NPASS - 1, s0 > 0)

                @pl.when(jnp.logical_and(jnp.logical_not(skip),
                                         jnp.logical_not(last_rep)))
                def _():
                    blk_wait(b, _NT)

                @pl.when(last_rep)
                def _():
                    blk_wait(b, 1)

                fill_tiles(par, b, s)

                @pl.when(p < _NPASS - 1)
                def _():
                    pltpu.async_copy(
                        blks[b].at[:, :, pl.ds(0, 128)],
                        out_hbm.at[s, pl.ds(p * _NT, _NT), w],
                        osem[b],
                    )

                @pl.when(p == _NPASS - 1)
                def _():
                    pltpu.async_copy(
                        blks[b].at[pl.ds(0, 1), :, pl.ds(0, 128)],
                        out_hbm.at[s, pl.ds(_CBT - 1, 1), w],
                        osem[b],
                    )

    load_chunk(0, 0)
    load_chunk(1, 1)

    @pl.loop(0, _NPASS, step=2)
    def _pair(p):
        wait_chunk(0)
        squad_loop(0, p)
        load_chunk(p + 2, 0)
        wait_chunk(1)
        squad_loop(1, p + 1)
        load_chunk(p + 3, 1)

    for b in range(_NBLK):
        blk_wait(b, 1)
    wait_chunk(0)
    wait_chunk(1)


def kernel(x, table):
    xt = x.T.astype(jnp.int32)
    tpad = jnp.pad(table, ((0, 0), (0, 24)))
    out5 = _emb_t(xt, tpad)
    return out5.transpose(2, 4, 0, 1, 3).reshape(_BATCH, _SEQ, _D)

# --- scband reference (transcript-rebuilt; emitter-appended) ---
"""Pipeline reference for scband-emb-as-logits-44968307589600 (READ-ONLY COPY).

The authoritative reference and input builder live on the scoring server;
editing this copy changes nothing except your own understanding.
"""

import jax, jax.numpy as jnp
import numpy as np

VOCAB = 1000
BATCH = 4096
SEQ = 20

def setup_inputs(seed: int = 0) -> dict:
    key = jax.random.key(seed)
    k_idx, k_w = jax.random.split(key)
    x = jax.random.randint(k_idx, (BATCH, SEQ), 0, VOCAB, dtype=jnp.int64 if jax.config.jax_enable_x64 else jnp.int32)
    # nn.Embedding(vocab_size, vocab_size) with normal init mean=0, std=0.01
    table = jax.random.normal(k_w, (VOCAB, VOCAB), dtype=jnp.float32) * 0.01
    return {"x": x, "table": table}

def reference(x, table):
    # logits = self.token_embedding_table(x)
    logits = jnp.take(table, x, axis=0)
    return logits

if __name__ == "__main__":
    import jax
    _d = setup_inputs()
    print(jax.jit(kernel)(*tuple(_d.values())))

</pallas_src>

<mosaic_0001>
#map = affine_map<(d0, d1) -> (0, 0)>
#map1 = affine_map<(d0, d1) -> (0, 0, 0, 0, 0)>
module attributes {stable_mosaic.version = 14 : i64} {
  func.func @_emb_t(%arg0: i32, %arg1: i32, %arg2: memref<20x4096xi32, #tpu.memory_space<hbm>>, %arg3: memref<1000x1024xf32, #tpu.memory_space<hbm>>, %arg4: memref<20x125x32x8x128xf32, #tpu.memory_space<hbm>>, %arg5: memref<20x128xi32, #tpu.memory_space<vmem>>, %arg6: memref<20x64x16xi32, #tpu.memory_space<vmem>>, %arg7: memref<1000x33xf32, #tpu.memory_space<vmem>>, %arg8: memref<1000x33xf32, #tpu.memory_space<vmem>>, %arg9: memref<4x8x129xf32, #tpu.memory_space<vmem>>, %arg10: memref<4x8x129xf32, #tpu.memory_space<vmem>>, %arg11: memref<4x8x129xf32, #tpu.memory_space<vmem>>, %arg12: memref<4x8x129xf32, #tpu.memory_space<vmem>>, %arg13: memref<!tpu.dma_semaphore, #tpu.memory_space<semaphore_mem>>, %arg14: memref<!tpu.dma_semaphore, #tpu.memory_space<semaphore_mem>>, %arg15: memref<!tpu.dma_semaphore, #tpu.memory_space<semaphore_mem>>, %arg16: memref<!tpu.dma_semaphore, #tpu.memory_space<semaphore_mem>>, %arg17: memref<!tpu.dma_semaphore, #tpu.memory_space<semaphore_mem>>, %arg18: memref<!tpu.dma_semaphore, #tpu.memory_space<semaphore_mem>>, %arg19: memref<!tpu.dma_semaphore, #tpu.memory_space<semaphore_mem>>) attributes {dimension_semantics = [#tpu.dimension_semantics<core_parallel>, #tpu.dimension_semantics<subcore_parallel>], iteration_bounds = array<i64: 2, 16>, scalar_prefetch = 0 : i64, scratch_operands = 15 : i64, tpu.core_type = #tpu.core_type<sc_vector_subcore>, window_params = [{transform_indices = #map}, {transform_indices = #map}, {transform_indices = #map1}]} {
    %mul3A = arith.constant 2 : i32
    %mul3A_0 = arith.muli %arg1, %mul3A : i32
    %add3A = arith.addi %mul3A_0, %arg0 : i32
    %iota3A = tpu.iota {dimensions = array<i32: 0>} : vector<16xi32>
    %rem3A = arith.constant 8 : i32
    %rem3A_1 = vector.broadcast %rem3A : i32 to vector<16xi32>
    %rem3A_2 = arith.remsi %iota3A, %rem3A_1 : vector<16xi32>
    %jit3A = arith.constant 8 : i32
    %div3A = vector.broadcast %jit3A : i32 to vector<16xi32>
    %div3A_3 = arith.divsi %iota3A, %div3A : vector<16xi32>
    %sign3A = arith.constant 0 : i32
    %sign3A_4 = vector.broadcast %sign3A : i32 to vector<16xi32>
    %sign3A_5 = arith.cmpi sgt, %iota3A, %sign3A_4 : vector<16xi32>
    %sign3A_6 = arith.extui %sign3A_5 : vector<16xi1> to vector<16xi32>
    %sign3A_7 = arith.constant 0 : i32
    %sign3A_8 = vector.broadcast %sign3A_7 : i32 to vector<16xi32>
    %sign3A_9 = arith.cmpi slt, %iota3A, %sign3A_8 : vector<16xi32>
    %sign3A_10 = arith.extui %sign3A_9 : vector<16xi1> to vector<16xi32>
    %sign3A_11 = arith.subi %sign3A_6, %sign3A_10 : vector<16xi32>
    %sign3A_12 = arith.constant 0 : i32
    %sign3A_13 = arith.cmpi sgt, %jit3A, %sign3A_12 : i32
    %sign3A_14 = arith.extui %sign3A_13 : i1 to i32
    %sign3A_15 = arith.constant 0 : i32
    %sign3A_16 = arith.cmpi slt, %jit3A, %sign3A_15 : i32
    %sign3A_17 = arith.extui %sign3A_16 : i1 to i32
    %sign3A_18 = arith.subi %sign3A_14, %sign3A_17 : i32
    %ne3A = vector.broadcast %sign3A_18 : i32 to vector<16xi32>
    %ne3A_19 = arith.cmpi ne, %sign3A_11, %ne3A : vector<16xi32>
    %rem3A_20 = vector.broadcast %jit3A : i32 to vector<16xi32>
    %rem3A_21 = arith.remsi %iota3A, %rem3A_20 : vector<16xi32>
    %ne3A_22 = arith.constant 0 : i32
    %ne3A_23 = vector.broadcast %ne3A_22 : i32 to vector<16xi32>
    %ne3A_24 = arith.cmpi ne, %rem3A_21, %ne3A_23 : vector<16xi32>
    %and3A = arith.andi %ne3A_19, %ne3A_24 : vector<16xi1>
    %sub3A = arith.constant 1 : i32
    %sub3A_25 = vector.broadcast %sub3A : i32 to vector<16xi32>
    %sub3A_26 = arith.subi %div3A_3, %sub3A_25 : vector<16xi32>
    %select_n3A = arith.select %and3A, %sub3A_26, %div3A_3 : vector<16xi1>, vector<16xi32>
    %mul3A_27 = arith.constant 8 : i32
    %mul3A_28 = vector.broadcast %mul3A_27 : i32 to vector<16xi32>
    %mul3A_29 = arith.muli %select_n3A, %mul3A_28 : vector<16xi32>
    %mul3A_30 = arith.constant 128 : i32
    %mul3A_31 = arith.muli %add3A, %mul3A_30 : i32
    %dma_start3A = arith.constant 0 : i32
    %dma_start3A_32 = tpu.memref_slice %arg2[%dma_start3A, %mul3A_31] : memref<20x4096xi32, #tpu.memory_space<hbm>> -> memref<20x128xi32, #tpu.memory_space<hbm>>
    %dma_start3A_33 = arith.constant 0 : i32
    %dma_start3A_34 = tpu.memref_slice %arg2[%dma_start3A_33, %mul3A_31] : memref<20x4096xi32, #tpu.memory_space<hbm>> -> memref<20x128xi32, #tpu.memory_space<hbm>>
    tpu.enqueue_dma source(%dma_start3A_34 : memref<20x128xi32, #tpu.memory_space<hbm>>) target(%arg5 : memref<20x128xi32, #tpu.memory_space<vmem>>) target_semaphore(%arg19 : memref<!tpu.dma_semaphore, #tpu.memory_space<semaphore_mem>>)
    %dma_wait3A = arith.constant 0 : i32
    %dma_wait3A_35 = tpu.memref_slice %arg2[%dma_wait3A, %mul3A_31] : memref<20x4096xi32, #tpu.memory_space<hbm>> -> memref<20x128xi32, #tpu.memory_space<hbm>>
    %dma_wait3A_36 = arith.constant 0 : i32
    %dma_wait3A_37 = tpu.memref_slice %arg2[%dma_wait3A_36, %mul3A_31] : memref<20x4096xi32, #tpu.memory_space<hbm>> -> memref<20x128xi32, #tpu.memory_space<hbm>>
    tpu.wait_dma2 semaphore(%arg19 : memref<!tpu.dma_semaphore, #tpu.memory_space<semaphore_mem>>) src(%dma_wait3A_37 : memref<20x128xi32, #tpu.memory_space<hbm>>) dst(%arg5 : memref<20x128xi32, #tpu.memory_space<vmem>>)
    %scan3A = arith.constant 0 : i32
    %scan3A_38 = arith.constant 20 : i32
    %scan3A_39 = arith.addi %scan3A, %scan3A_38 : i32
    %scan3A_40 = arith.constant 1 : i32
    scf.for %scan3A_180 = %scan3A to %scan3A_39 step %scan3A_40  : i32 {
      %mul3A_181 = arith.constant 1 : i32
      %mul3A_182 = arith.muli %scan3A_180, %mul3A_181 : i32
      %add3A_183 = arith.constant 0 : i32
      %add3A_184 = arith.addi %add3A_183, %mul3A_182 : i32
      %broadcast_in_dim3A = vector.broadcast %add3A_184 : i32 to vector<16xi32>
      %broadcast_in_dim3A_185 = arith.constant 0 : i32
      %broadcast_in_dim3A_186 = vector.broadcast %broadcast_in_dim3A_185 : i32 to vector<16xi32>
      %add3A_187 = arith.addi %broadcast_in_dim3A_186, %mul3A_29 : vector<16xi32>
      %gather3A = tpu.vector_load_idx %arg5[%broadcast_in_dim3A, %add3A_187] : memref<20x128xi32, #tpu.memory_space<vmem>>[vector<16xi32>, vector<16xi32>], vector<16xi32>,
      %swap3A = arith.constant 0 : i32
      %swap3A_188 = arith.index_cast %add3A_184 : i32 to index
      %swap3A_189 = arith.index_cast %swap3A : i32 to index
      %swap3A_190 = arith.constant 0 : index
      %swap3A_191 = tpu.vector_load %arg6[%swap3A_188, %swap3A_189, %swap3A_190] {strides = array<i32>} : memref<20x64x16xi32, #tpu.memory_space<vmem>>, vector<16xi32>,
      tpu.vector_store %arg6[%swap3A_188, %swap3A_189, %swap3A_190], %gather3A {strides = array<i32>} : memref<20x64x16xi32, #tpu.memory_space<vmem>>, vector<16xi32>,
      %broadcast_in_dim3A_192 = arith.constant 1 : i32
      %broadcast_in_dim3A_193 = vector.broadcast %broadcast_in_dim3A_192 : i32 to vector<16xi32>
      %add3A_194 = arith.addi %broadcast_in_dim3A_193, %mul3A_29 : vector<16xi32>
      %gather3A_195 = tpu.vector_load_idx %arg5[%broadcast_in_dim3A, %add3A_194] : memref<20x128xi32, #tpu.memory_space<vmem>>[vector<16xi32>, vector<16xi32>], vector<16xi32>,
      %swap3A_196 = arith.constant 1 : i32
      %swap3A_197 = arith.index_cast %add3A_184 : i32 to index
      %swap3A_198 = arith.index_cast %swap3A_196 : i32 to index
      %swap3A_199 = arith.constant 0 : index
      %swap3A_200 = tpu.vector_load %arg6[%swap3A_197, %swap3A_198, %swap3A_199] {strides = array<i32>} : memref<20x64x16xi32, #tpu.memory_space<vmem>>, vector<16xi32>,
      tpu.vector_store %arg6[%swap3A_197, %swap3A_198, %swap3A_199], %gather3A_195 {strides = array<i32>} : memref<20x64x16xi32, #tpu.memory_space<vmem>>, vector<16xi32>,
      %broadcast_in_dim3A_201 = arith.constant 2 : i32
      %broadcast_in_dim3A_202 = vector.broadcast %broadcast_in_dim3A_201 : i32 to vector<16xi32>
      %add3A_203 = arith.addi %broadcast_in_dim3A_202, %mul3A_29 : vector<16xi32>
      %gather3A_204 = tpu.vector_load_idx %arg5[%broadcast_in_dim3A, %add3A_203] : memref<20x128xi32, #tpu.memory_space<vmem>>[vector<16xi32>, vector<16xi32>], vector<16xi32>,
      %swap3A_205 = arith.constant 2 : i32
      %swap3A_206 = arith.index_cast %add3A_184 : i32 to index
      %swap3A_207 = arith.index_cast %swap3A_205 : i32 to index
      %swap3A_208 = arith.constant 0 : index
      %swap3A_209 = tpu.vector_load %arg6[%swap3A_206, %swap3A_207, %swap3A_208] {strides = array<i32>} : memref<20x64x16xi32, #tpu.memory_space<vmem>>, vector<16xi32>,
      tpu.vector_store %arg6[%swap3A_206, %swap3A_207, %swap3A_208], %gather3A_204 {strides = array<i32>} : memref<20x64x16xi32, #tpu.memory_space<vmem>>, vector<16xi32>,
      %broadcast_in_dim3A_210 = arith.constant 3 : i32
      %broadcast_in_dim3A_211 = vector.broadcast %broadcast_in_dim3A_210 : i32 to vector<16xi32>
      %add3A_212 = arith.addi %broadcast_in_dim3A_211, %mul3A_29 : vector<16xi32>
      %gather3A_213 = tpu.vector_load_idx %arg5[%broadcast_in_dim3A, %add3A_212] : memref<20x128xi32, #tpu.memory_space<vmem>>[vector<16xi32>, vector<16xi32>], vector<16xi32>,
      %swap3A_214 = arith.constant 3 : i32
      %swap3A_215 = arith.index_cast %add3A_184 : i32 to index
      %swap3A_216 = arith.index_cast %swap3A_214 : i32 to index
      %swap3A_217 = arith.constant 0 : index
      %swap3A_218 = tpu.vector_load %arg6[%swap3A_215, %swap3A_216, %swap3A_217] {strides = array<i32>} : memref<20x64x16xi32, #tpu.memory_space<vmem>>, vector<16xi32>,
      tpu.vector_store %arg6[%swap3A_215, %swap3A_216, %swap3A_217], %gather3A_213 {strides = array<i32>} : memref<20x64x16xi32, #tpu.memory_space<vmem>>, vector<16xi32>,
      %broadcast_in_dim3A_219 = arith.constant 4 : i32
      %broadcast_in_dim3A_220 = vector.broadcast %broadcast_in_dim3A_219 : i32 to vector<16xi32>
      %add3A_221 = arith.addi %broadcast_in_dim3A_220, %mul3A_29 : vector<16xi32>
      %gather3A_222 = tpu.vector_load_idx %arg5[%broadcast_in_dim3A, %add3A_221] : memref<20x128xi32, #tpu.memory_space<vmem>>[vector<16xi32>, vector<16xi32>], vector<16xi32>,
      %swap3A_223 = arith.constant 4 : i32
      %swap3A_224 = arith.index_cast %add3A_184 : i32 to index
      %swap3A_225 = arith.index_cast %swap3A_223 : i32 to index
      %swap3A_226 = arith.constant 0 : index
      %swap3A_227 = tpu.vector_load %arg6[%swap3A_224, %swap3A_225, %swap3A_226] {strides = array<i32>} : memref<20x64x16xi32, #tpu.memory_space<vmem>>, vector<16xi32>,
      tpu.vector_store %arg6[%swap3A_224, %swap3A_225, %swap3A_226], %gather3A_222 {strides = array<i32>} : memref<20x64x16xi32, #tpu.memory_space<vmem>>, vector<16xi32>,
      %broadcast_in_dim3A_228 = arith.constant 5 : i32
      %broadcast_in_dim3A_229 = vector.broadcast %broadcast_in_dim3A_228 : i32 to vector<16xi32>
      %add3A_230 = arith.addi %broadcast_in_dim3A_229, %mul3A_29 : vector<16xi32>
      %gather3A_231 = tpu.vector_load_idx %arg5[%broadcast_in_dim3A, %add3A_230] : memref<20x128xi32, #tpu.memory_space<vmem>>[vector<16xi32>, vector<16xi32>], vector<16xi32>,
      %swap3A_232 = arith.constant 5 : i32
      %swap3A_233 = arith.index_cast %add3A_184 : i32 to index
      %swap3A_234 = arith.index_cast %swap3A_232 : i32 to index
      %swap3A_235 = arith.constant 0 : index
      %swap3A_236 = tpu.vector_load %arg6[%swap3A_233, %swap3A_234, %swap3A_235] {strides = array<i32>} : memref<20x64x16xi32, #tpu.memory_space<vmem>>, vector<16xi32>,
      tpu.vector_store %arg6[%swap3A_233, %swap3A_234, %swap3A_235], %gather3A_231 {strides = array<i32>} : memref<20x64x16xi32, #tpu.memory_space<vmem>>, vector<16xi32>,
      %broadcast_in_dim3A_237 = arith.constant 6 : i32
      %broadcast_in_dim3A_238 = vector.broadcast %broadcast_in_dim3A_237 : i32 to vector<16xi32>
      %add3A_239 = arith.addi %broadcast_in_dim3A_238, %mul3A_29 : vector<16xi32>
      %gather3A_240 = tpu.vector_load_idx %arg5[%broadcast_in_dim3A, %add3A_239] : memref<20x128xi32, #tpu.memory_space<vmem>>[vector<16xi32>, vector<16xi32>], vector<16xi32>,
      %swap3A_241 = arith.constant 6 : i32
      %swap3A_242 = arith.index_cast %add3A_184 : i32 to index
      %swap3A_243 = arith.index_cast %swap3A_241 : i32 to index
      %swap3A_244 = arith.constant 0 : index
      %swap3A_245 = tpu.vector_load %arg6[%swap3A_242, %swap3A_243, %swap3A_244] {strides = array<i32>} : memref<20x64x16xi32, #tpu.memory_space<vmem>>, vector<16xi32>,
      tpu.vector_store %arg6[%swap3A_242, %swap3A_243, %swap3A_244], %gather3A_240 {strides = array<i32>} : memref<20x64x16xi32, #tpu.memory_space<vmem>>, vector<16xi32>,
      %broadcast_in_dim3A_246 = arith.constant 7 : i32
      %broadcast_in_dim3A_247 = vector.broadcast %broadcast_in_dim3A_246 : i32 to vector<16xi32>
      %add3A_248 = arith.addi %broadcast_in_dim3A_247, %mul3A_29 : vector<16xi32>
      %gather3A_249 = tpu.vector_load_idx %arg5[%broadcast_in_dim3A, %add3A_248] : memref<20x128xi32, #tpu.memory_space<vmem>>[vector<16xi32>, vector<16xi32>], vector<16xi32>,
      %swap3A_250 = arith.constant 7 : i32
      %swap3A_251 = arith.index_cast %add3A_184 : i32 to index
      %swap3A_252 = arith.index_cast %swap3A_250 : i32 to index
      %swap3A_253 = arith.constant 0 : index
      %swap3A_254 = tpu.vector_load %arg6[%swap3A_251, %swap3A_252, %swap3A_253] {strides = array<i32>} : memref<20x64x16xi32, #tpu.memory_space<vmem>>, vector<16xi32>,
      tpu.vector_store %arg6[%swap3A_251, %swap3A_252, %swap3A_253], %gather3A_249 {strides = array<i32>} : memref<20x64x16xi32, #tpu.memory_space<vmem>>, vector<16xi32>,
      %broadcast_in_dim3A_255 = arith.constant 16 : i32
      %broadcast_in_dim3A_256 = vector.broadcast %broadcast_in_dim3A_255 : i32 to vector<16xi32>
      %add3A_257 = arith.addi %broadcast_in_dim3A_256, %mul3A_29 : vector<16xi32>
      %gather3A_258 = tpu.vector_load_idx %arg5[%broadcast_in_dim3A, %add3A_257] : memref<20x128xi32, #tpu.memory_space<vmem>>[vector<16xi32>, vector<16xi32>], vector<16xi32>,
      %swap3A_259 = arith.constant 8 : i32
      %swap3A_260 = arith.index_cast %add3A_184 : i32 to index
      %swap3A_261 = arith.index_cast %swap3A_259 : i32 to index
      %swap3A_262 = arith.constant 0 : index
      %swap3A_263 = tpu.vector_load %arg6[%swap3A_260, %swap3A_261, %swap3A_262] {strides = array<i32>} : memref<20x64x16xi32, #tpu.memory_space<vmem>>, vector<16xi32>,
      tpu.vector_store %arg6[%swap3A_260, %swap3A_261, %swap3A_262], %gather3A_258 {strides = array<i32>} : memref<20x64x16xi32, #tpu.memory_space<vmem>>, vector<16xi32>,
      %broadcast_in_dim3A_264 = arith.constant 17 : i32
      %broadcast_in_dim3A_265 = vector.broadcast %broadcast_in_dim3A_264 : i32 to vector<16xi32>
      %add3A_266 = arith.addi %broadcast_in_dim3A_265, %mul3A_29 : vector<16xi32>
      %gather3A_267 = tpu.vector_load_idx %arg5[%broadcast_in_dim3A, %add3A_266] : memref<20x128xi32, #tpu.memory_space<vmem>>[vector<16xi32>, vector<16xi32>], vector<16xi32>,
      %swap3A_268 = arith.constant 9 : i32
      %swap3A_269 = arith.index_cast %add3A_184 : i32 to index
      %swap3A_270 = arith.index_cast %swap3A_268 : i32 to index
      %swap3A_271 = arith.constant 0 : index
      %swap3A_272 = tpu.vector_load %arg6[%swap3A_269, %swap3A_270, %swap3A_271] {strides = array<i32>} : memref<20x64x16xi32, #tpu.memory_space<vmem>>, vector<16xi32>,
      tpu.vector_store %arg6[%swap3A_269, %swap3A_270, %swap3A_271], %gather3A_267 {strides = array<i32>} : memref<20x64x16xi32, #tpu.memory_space<vmem>>, vector<16xi32>,
      %broadcast_in_dim3A_273 = arith.constant 18 : i32
      %broadcast_in_dim3A_274 = vector.broadcast %broadcast_in_dim3A_273 : i32 to vector<16xi32>
      %add3A_275 = arith.addi %broadcast_in_dim3A_274, %mul3A_29 : vector<16xi32>
      %gather3A_276 = tpu.vector_load_idx %arg5[%broadcast_in_dim3A, %add3A_275] : memref<20x128xi32, #tpu.memory_space<vmem>>[vector<16xi32>, vector<16xi32>], vector<16xi32>,
      %swap3A_277 = arith.constant 10 : i32
      %swap3A_278 = arith.index_cast %add3A_184 : i32 to index
      %swap3A_279 = arith.index_cast %swap3A_277 : i32 to index
      %swap3A_280 = arith.constant 0 : index
      %swap3A_281 = tpu.vector_load %arg6[%swap3A_278, %swap3A_279, %swap3A_280] {strides = array<i32>} : memref<20x64x16xi32, #tpu.memory_space<vmem>>, vector<16xi32>,
      tpu.vector_store %arg6[%swap3A_278, %swap3A_279, %swap3A_280], %gather3A_276 {strides = array<i32>} : memref<20x64x16xi32, #tpu.memory_space<vmem>>, vector<16xi32>,
      %broadcast_in_dim3A_282 = arith.constant 19 : i32
      %broadcast_in_dim3A_283 = vector.broadcast %broadcast_in_dim3A_282 : i32 to vector<16xi32>
      %add3A_284 = arith.addi %broadcast_in_dim3A_283, %mul3A_29 : vector<16xi32>
      %gather3A_285 = tpu.vector_load_idx %arg5[%broadcast_in_dim3A, %add3A_284] : memref<20x128xi32, #tpu.memory_space<vmem>>[vector<16xi32>, vector<16xi32>], vector<16xi32>,
      %swap3A_286 = arith.constant 11 : i32
      %swap3A_287 = arith.index_cast %add3A_184 : i32 to index
      %swap3A_288 = arith.index_cast %swap3A_286 : i32 to index
      %swap3A_289 = arith.constant 0 : index
      %swap3A_290 = tpu.vector_load %arg6[%swap3A_287, %swap3A_288, %swap3A_289] {strides = array<i32>} : memref<20x64x16xi32, #tpu.memory_space<vmem>>, vector<16xi32>,
      tpu.vector_store %arg6[%swap3A_287, %swap3A_288, %swap3A_289], %gather3A_285 {strides = array<i32>} : memref<20x64x16xi32, #tpu.memory_space<vmem>>, vector<16xi32>,
      %broadcast_in_dim3A_291 = arith.constant 20 : i32
      %broadcast_in_dim3A_292 = vector.broadcast %broadcast_in_dim3A_291 : i32 to vector<16xi32>
      %add3A_293 = arith.addi %broadcast_in_dim3A_292, %mul3A_29 : vector<16xi32>
      %gather3A_294 = tpu.vector_load_idx %arg5[%broadcast_in_dim3A, %add3A_293] : memref<20x128xi32, #tpu.memory_space<vmem>>[vector<16xi32>, vector<16xi32>], vector<16xi32>,
      %swap3A_295 = arith.constant 12 : i32
      %swap3A_296 = arith.index_cast %add3A_184 : i32 to index
      %swap3A_297 = arith.index_cast %swap3A_295 : i32 to index
      %swap3A_298 = arith.constant 0 : index
      %swap3A_299 = tpu.vector_load %arg6[%swap3A_296, %swap3A_297, %swap3A_298] {strides = array<i32>} : memref<20x64x16xi32, #tpu.memory_space<vmem>>, vector<16xi32>,
      tpu.vector_store %arg6[%swap3A_296, %swap3A_297, %swap3A_298], %gather3A_294 {strides = array<i32>} : memref<20x64x16xi32, #tpu.memory_space<vmem>>, vector<16xi32>,
      %broadcast_in_dim3A_300 = arith.constant 21 : i32
      %broadcast_in_dim3A_301 = vector.broadcast %broadcast_in_dim3A_300 : i32 to vector<16xi32>
      %add3A_302 = arith.addi %broadcast_in_dim3A_301, %mul3A_29 : vector<16xi32>
      %gather3A_303 = tpu.vector_load_idx %arg5[%broadcast_in_dim3A, %add3A_302] : memref<20x128xi32, #tpu.memory_space<vmem>>[vector<16xi32>, vector<16xi32>], vector<16xi32>,
      %swap3A_304 = arith.constant 13 : i32
      %swap3A_305 = arith.index_cast %add3A_184 : i32 to index
      %swap3A_306 = arith.index_cast %swap3A_304 : i32 to index
      %swap3A_307 = arith.constant 0 : index
      %swap3A_308 = tpu.vector_load %arg6[%swap3A_305, %swap3A_306, %swap3A_307] {strides = array<i32>} : memref<20x64x16xi32, #tpu.memory_space<vmem>>, vector<16xi32>,
      tpu.vector_store %arg6[%swap3A_305, %swap3A_306, %swap3A_307], %gather3A_303 {strides = array<i32>} : memref<20x64x16xi32, #tpu.memory_space<vmem>>, vector<16xi32>,
      %broadcast_in_dim3A_309 = arith.constant 22 : i32
      %broadcast_in_dim3A_310 = vector.broadcast %broadcast_in_dim3A_309 : i32 to vector<16xi32>
      %add3A_311 = arith.addi %broadcast_in_dim3A_310, %mul3A_29 : vector<16xi32>
      %gather3A_312 = tpu.vector_load_idx %arg5[%broadcast_in_dim3A, %add3A_311] : memref<20x128xi32, #tpu.memory_space<vmem>>[vector<16xi32>, vector<16xi32>], vector<16xi32>,
      %swap3A_313 = arith.constant 14 : i32
      %swap3A_314 = arith.index_cast %add3A_184 : i32 to index
      %swap3A_315 = arith.index_cast %swap3A_313 : i32 to index
      %swap3A_316 = arith.constant 0 : index
      %swap3A_317 = tpu.vector_load %arg6[%swap3A_314, %swap3A_315, %swap3A_316] {strides = array<i32>} : memref<20x64x16xi32, #tpu.memory_space<vmem>>, vector<16xi32>,
      tpu.vector_store %arg6[%swap3A_314, %swap3A_315, %swap3A_316], %gather3A_312 {strides = array<i32>} : memref<20x64x16xi32, #tpu.memory_space<vmem>>, vector<16xi32>,
      %broadcast_in_dim3A_318 = arith.constant 23 : i32
      %broadcast_in_dim3A_319 = vector.broadcast %broadcast_in_dim3A_318 : i32 to vector<16xi32>
      %add3A_320 = arith.addi %broadcast_in_dim3A_319, %mul3A_29 : vector<16xi32>
      %gather3A_321 = tpu.vector_load_idx %arg5[%broadcast_in_dim3A, %add3A_320] : memref<20x128xi32, #tpu.memory_space<vmem>>[vector<16xi32>, vector<16xi32>], vector<16xi32>,
      %swap3A_322 = arith.constant 15 : i32
      %swap3A_323 = arith.index_cast %add3A_184 : i32 to index
      %swap3A_324 = arith.index_cast %swap3A_322 : i32 to index
      %swap3A_325 = arith.constant 0 : index
      %swap3A_326 = tpu.vector_load %arg6[%swap3A_323, %swap3A_324, %swap3A_325] {strides = array<i32>} : memref<20x64x16xi32, #tpu.memory_space<vmem>>, vector<16xi32>,
      tpu.vector_store %arg6[%swap3A_323, %swap3A_324, %swap3A_325], %gather3A_321 {strides = array<i32>} : memref<20x64x16xi32, #tpu.memory_space<vmem>>, vector<16xi32>,
      %broadcast_in_dim3A_327 = arith.constant 32 : i32
      %broadcast_in_dim3A_328 = vector.broadcast %broadcast_in_dim3A_327 : i32 to vector<16xi32>
      %add3A_329 = arith.addi %broadcast_in_dim3A_328, %mul3A_29 : vector<16xi32>
      %gather3A_330 = tpu.vector_load_idx %arg5[%broadcast_in_dim3A, %add3A_329] : memref<20x128xi32, #tpu.memory_space<vmem>>[vector<16xi32>, vector<16xi32>], vector<16xi32>,
      %swap3A_331 = arith.constant 16 : i32
      %swap3A_332 = arith.index_cast %add3A_184 : i32 to index
      %swap3A_333 = arith.index_cast %swap3A_331 : i32 to index
      %swap3A_334 = arith.constant 0 : index
      %swap3A_335 = tpu.vector_load %arg6[%swap3A_332, %swap3A_333, %swap3A_334] {strides = array<i32>} : memref<20x64x16xi32, #tpu.memory_space<vmem>>, vector<16xi32>,
      tpu.vector_store %arg6[%swap3A_332, %swap3A_333, %swap3A_334], %gather3A_330 {strides = array<i32>} : memref<20x64x16xi32, #tpu.memory_space<vmem>>, vector<16xi32>,
      %broadcast_in_dim3A_336 = arith.constant 33 : i32
      %broadcast_in_dim3A_337 = vector.broadcast %broadcast_in_dim3A_336 : i32 to vector<16xi32>
      %add3A_338 = arith.addi %broadcast_in_dim3A_337, %mul3A_29 : vector<16xi32>
      %gather3A_339 = tpu.vector_load_idx %arg5[%broadcast_in_dim3A, %add3A_338] : memref<20x128xi32, #tpu.memory_space<vmem>>[vector<16xi32>, vector<16xi32>], vector<16xi32>,
      %swap3A_340 = arith.constant 17 : i32
      %swap3A_341 = arith.index_cast %add3A_184 : i32 to index
      %swap3A_342 = arith.index_cast %swap3A_340 : i32 to index
      %swap3A_343 = arith.constant 0 : index
      %swap3A_344 = tpu.vector_load %arg6[%swap3A_341, %swap3A_342, %swap3A_343] {strides = array<i32>} : memref<20x64x16xi32, #tpu.memory_space<vmem>>, vector<16xi32>,
      tpu.vector_store %arg6[%swap3A_341, %swap3A_342, %swap3A_343], %gather3A_339 {strides = array<i32>} : memref<20x64x16xi32, #tpu.memory_space<vmem>>, vector<16xi32>,
      %broadcast_in_dim3A_345 = arith.constant 34 : i32
      %broadcast_in_dim3A_346 = vector.broadcast %broadcast_in_dim3A_345 : i32 to vector<16xi32>
      %add3A_347 = arith.addi %broadcast_in_dim3A_346, %mul3A_29 : vector<16xi32>
      %gather3A_348 = tpu.vector_load_idx %arg5[%broadcast_in_dim3A, %add3A_347] : memref<20x128xi32, #tpu.memory_space<vmem>>[vector<16xi32>, vector<16xi32>], vector<16xi32>,
      %swap3A_349 = arith.constant 18 : i32
      %swap3A_350 = arith.index_cast %add3A_184 : i32 to index
      %swap3A_351 = arith.index_cast %swap3A_349 : i32 to index
      %swap3A_352 = arith.constant 0 : index
      %swap3A_353 = tpu.vector_load %arg6[%swap3A_350, %swap3A_351, %swap3A_352] {strides = array<i32>} : memref<20x64x16xi32, #tpu.memory_space<vmem>>, vector<16xi32>,
      tpu.vector_store %arg6[%swap3A_350, %swap3A_351, %swap3A_352], %gather3A_348 {strides = array<i32>} : memref<20x64x16xi32, #tpu.memory_space<vmem>>, vector<16xi32>,
      %broadcast_in_dim3A_354 = arith.constant 35 : i32
      %broadcast_in_dim3A_355 = vector.broadcast %broadcast_in_dim3A_354 : i32 to vector<16xi32>
      %add3A_356 = arith.addi %broadcast_in_dim3A_355, %mul3A_29 : vector<16xi32>
      %gather3A_357 = tpu.vector_load_idx %arg5[%broadcast_in_dim3A, %add3A_356] : memref<20x128xi32, #tpu.memory_space<vmem>>[vector<16xi32>, vector<16xi32>], vector<16xi32>,
      %swap3A_358 = arith.constant 19 : i32
      %swap3A_359 = arith.index_cast %add3A_184 : i32 to index
      %swap3A_360 = arith.index_cast %swap3A_358 : i32 to index
      %swap3A_361 = arith.constant 0 : index
      %swap3A_362 = tpu.vector_load %arg6[%swap3A_359, %swap3A_360, %swap3A_361] {strides = array<i32>} : memref<20x64x16xi32, #tpu.memory_space<vmem>>, vector<16xi32>,
      tpu.vector_store %arg6[%swap3A_359, %swap3A_360, %swap3A_361], %gather3A_357 {strides = array<i32>} : memref<20x64x16xi32, #tpu.memory_space<vmem>>, vector<16xi32>,
      %broadcast_in_dim3A_363 = arith.constant 36 : i32
      %broadcast_in_dim3A_364 = vector.broadcast %broadcast_in_dim3A_363 : i32 to vector<16xi32>
      %add3A_365 = arith.addi %broadcast_in_dim3A_364, %mul3A_29 : vector<16xi32>
      %gather3A_366 = tpu.vector_load_idx %arg5[%broadcast_in_dim3A, %add3A_365] : memref<20x128xi32, #tpu.memory_space<vmem>>[vector<16xi32>, vector<16xi32>], vector<16xi32>,
      %swap3A_367 = arith.constant 20 : i32
      %swap3A_368 = arith.index_cast %add3A_184 : i32 to index
      %swap3A_369 = arith.index_cast %swap3A_367 : i32 to index
      %swap3A_370 = arith.constant 0 : index
      %swap3A_371 = tpu.vector_load %arg6[%swap3A_368, %swap3A_369, %swap3A_370] {strides = array<i32>} : memref<20x64x16xi32, #tpu.memory_space<vmem>>, vector<16xi32>,
      tpu.vector_store %arg6[%swap3A_368, %swap3A_369, %swap3A_370], %gather3A_366 {strides = array<i32>} : memref<20x64x16xi32, #tpu.memory_space<vmem>>, vector<16xi32>,
      %broadcast_in_dim3A_372 = arith.constant 37 : i32
      %broadcast_in_dim3A_373 = vector.broadcast %broadcast_in_dim3A_372 : i32 to vector<16xi32>
      %add3A_374 = arith.addi %broadcast_in_dim3A_373, %mul3A_29 : vector<16xi32>
      %gather3A_375 = tpu.vector_load_idx %arg5[%broadcast_in_dim3A, %add3A_374] : memref<20x128xi32, #tpu.memory_space<vmem>>[vector<16xi32>, vector<16xi32>], vector<16xi32>,
      %swap3A_376 = arith.constant 21 : i32
      %swap3A_377 = arith.index_cast %add3A_184 : i32 to index
      %swap3A_378 = arith.index_cast %swap3A_376 : i32 to index
      %swap3A_379 = arith.constant 0 : index
      %swap3A_380 = tpu.vector_load %arg6[%swap3A_377, %swap3A_378, %swap3A_379] {strides = array<i32>} : memref<20x64x16xi32, #tpu.memory_space<vmem>>, vector<16xi32>,
      tpu.vector_store %arg6[%swap3A_377, %swap3A_378, %swap3A_379], %gather3A_375 {strides = array<i32>} : memref<20x64x16xi32, #tpu.memory_space<vmem>>, vector<16xi32>,
      %broadcast_in_dim3A_381 = arith.constant 38 : i32
      %broadcast_in_dim3A_382 = vector.broadcast %broadcast_in_dim3A_381 : i32 to vector<16xi32>
      %add3A_383 = arith.addi %broadcast_in_dim3A_382, %mul3A_29 : vector<16xi32>
      %gather3A_384 = tpu.vector_load_idx %arg5[%broadcast_in_dim3A, %add3A_383] : memref<20x128xi32, #tpu.memory_space<vmem>>[vector<16xi32>, vector<16xi32>], vector<16xi32>,
      %swap3A_385 = arith.constant 22 : i32
      %swap3A_386 = arith.index_cast %add3A_184 : i32 to index
      %swap3A_387 = arith.index_cast %swap3A_385 : i32 to index
      %swap3A_388 = arith.constant 0 : index
      %swap3A_389 = tpu.vector_load %arg6[%swap3A_386, %swap3A_387, %swap3A_388] {strides = array<i32>} : memref<20x64x16xi32, #tpu.memory_space<vmem>>, vector<16xi32>,
      tpu.vector_store %arg6[%swap3A_386, %swap3A_387, %swap3A_388], %gather3A_384 {strides = array<i32>} : memref<20x64x16xi32, #tpu.memory_space<vmem>>, vector<16xi32>,
      %broadcast_in_dim3A_390 = arith.constant 39 : i32
      %broadcast_in_dim3A_391 = vector.broadcast %broadcast_in_dim3A_390 : i32 to vector<16xi32>
      %add3A_392 = arith.addi %broadcast_in_dim3A_391, %mul3A_29 : vector<16xi32>
      %gather3A_393 = tpu.vector_load_idx %arg5[%broadcast_in_dim3A, %add3A_392] : memref<20x128xi32, #tpu.memory_space<vmem>>[vector<16xi32>, vector<16xi32>], vector<16xi32>,
      %swap3A_394 = arith.constant 23 : i32
      %swap3A_395 = arith.index_cast %add3A_184 : i32 to index
      %swap3A_396 = arith.index_cast %swap3A_394 : i32 to index
      %swap3A_397 = arith.constant 0 : index
      %swap3A_398 = tpu.vector_load %arg6[%swap3A_395, %swap3A_396, %swap3A_397] {strides = array<i32>} : memref<20x64x16xi32, #tpu.memory_space<vmem>>, vector<16xi32>,
      tpu.vector_store %arg6[%swap3A_395, %swap3A_396, %swap3A_397], %gather3A_393 {strides = array<i32>} : memref<20x64x16xi32, #tpu.memory_space<vmem>>, vector<16xi32>,
      %broadcast_in_dim3A_399 = arith.constant 48 : i32
      %broadcast_in_dim3A_400 = vector.broadcast %broadcast_in_dim3A_399 : i32 to vector<16xi32>
      %add3A_401 = arith.addi %broadcast_in_dim3A_400, %mul3A_29 : vector<16xi32>
      %gather3A_402 = tpu.vector_load_idx %arg5[%broadcast_in_dim3A, %add3A_401] : memref<20x128xi32, #tpu.memory_space<vmem>>[vector<16xi32>, vector<16xi32>], vector<16xi32>,
      %swap3A_403 = arith.constant 24 : i32
      %swap3A_404 = arith.index_cast %add3A_184 : i32 to index
      %swap3A_405 = arith.index_cast %swap3A_403 : i32 to index
      %swap3A_406 = arith.constant 0 : index
      %swap3A_407 = tpu.vector_load %arg6[%swap3A_404, %swap3A_405, %swap3A_406] {strides = array<i32>} : memref<20x64x16xi32, #tpu.memory_space<vmem>>, vector<16xi32>,
      tpu.vector_store %arg6[%swap3A_404, %swap3A_405, %swap3A_406], %gather3A_402 {strides = array<i32>} : memref<20x64x16xi32, #tpu.memory_space<vmem>>, vector<16xi32>,
      %broadcast_in_dim3A_408 = arith.constant 49 : i32
      %broadcast_in_dim3A_409 = vector.broadcast %broadcast_in_dim3A_408 : i32 to vector<16xi32>
      %add3A_410 = arith.addi %broadcast_in_dim3A_409, %mul3A_29 : vector<16xi32>
      %gather3A_411 = tpu.vector_load_idx %arg5[%broadcast_in_dim3A, %add3A_410] : memref<20x128xi32, #tpu.memory_space<vmem>>[vector<16xi32>, vector<16xi32>], vector<16xi32>,
      %swap3A_412 = arith.constant 25 : i32
      %swap3A_413 = arith.index_cast %add3A_184 : i32 to index
      %swap3A_414 = arith.index_cast %swap3A_412 : i32 to index
      %swap3A_415 = arith.constant 0 : index
      %swap3A_416 = tpu.vector_load %arg6[%swap3A_413, %swap3A_414, %swap3A_415] {strides = array<i32>} : memref<20x64x16xi32, #tpu.memory_space<vmem>>, vector<16xi32>,
      tpu.vector_store %arg6[%swap3A_413, %swap3A_414, %swap3A_415], %gather3A_411 {strides = array<i32>} : memref<20x64x16xi32, #tpu.memory_space<vmem>>, vector<16xi32>,
      %broadcast_in_dim3A_417 = arith.constant 50 : i32
      %broadcast_in_dim3A_418 = vector.broadcast %broadcast_in_dim3A_417 : i32 to vector<16xi32>
      %add3A_419 = arith.addi %broadcast_in_dim3A_418, %mul3A_29 : vector<16xi32>
      %gather3A_420 = tpu.vector_load_idx %arg5[%broadcast_in_dim3A, %add3A_419] : memref<20x128xi32, #tpu.memory_space<vmem>>[vector<16xi32>, vector<16xi32>], vector<16xi32>,
      %swap3A_421 = arith.constant 26 : i32
      %swap3A_422 = arith.index_cast %add3A_184 : i32 to index
      %swap3A_423 = arith.index_cast %swap3A_421 : i32 to index
      %swap3A_424 = arith.constant 0 : index
      %swap3A_425 = tpu.vector_load %arg6[%swap3A_422, %swap3A_423, %swap3A_424] {strides = array<i32>} : memref<20x64x16xi32, #tpu.memory_space<vmem>>, vector<16xi32>,
      tpu.vector_store %arg6[%swap3A_422, %swap3A_423, %swap3A_424], %gather3A_420 {strides = array<i32>} : memref<20x64x16xi32, #tpu.memory_space<vmem>>, vector<16xi32>,
      %broadcast_in_dim3A_426 = arith.constant 51 : i32
      %broadcast_in_dim3A_427 = vector.broadcast %broadcast_in_dim3A_426 : i32 to vector<16xi32>
      %add3A_428 = arith.addi %broadcast_in_dim3A_427, %mul3A_29 : vector<16xi32>
      %gather3A_429 = tpu.vector_load_idx %arg5[%broadcast_in_dim3A, %add3A_428] : memref<20x128xi32, #tpu.memory_space<vmem>>[vector<16xi32>, vector<16xi32>], vector<16xi32>,
      %swap3A_430 = arith.constant 27 : i32
      %swap3A_431 = arith.index_cast %add3A_184 : i32 to index
      %swap3A_432 = arith.index_cast %swap3A_430 : i32 to index
      %swap3A_433 = arith.constant 0 : index
      %swap3A_434 = tpu.vector_load %arg6[%swap3A_431, %swap3A_432, %swap3A_433] {strides = array<i32>} : memref<20x64x16xi32, #tpu.memory_space<vmem>>, vector<16xi32>,
      tpu.vector_store %arg6[%swap3A_431, %swap3A_432, %swap3A_433], %gather3A_429 {strides = array<i32>} : memref<20x64x16xi32, #tpu.memory_space<vmem>>, vector<16xi32>,
      %broadcast_in_dim3A_435 = arith.constant 52 : i32
      %broadcast_in_dim3A_436 = vector.broadcast %broadcast_in_dim3A_435 : i32 to vector<16xi32>
      %add3A_437 = arith.addi %broadcast_in_dim3A_436, %mul3A_29 : vector<16xi32>
      %gather3A_438 = tpu.vector_load_idx %arg5[%broadcast_in_dim3A, %add3A_437] : memref<20x128xi32, #tpu.memory_space<vmem>>[vector<16xi32>, vector<16xi32>], vector<16xi32>,
      %swap3A_439 = arith.constant 28 : i32
      %swap3A_440 = arith.index_cast %add3A_184 : i32 to index
      %swap3A_441 = arith.index_cast %swap3A_439 : i32 to index
      %swap3A_442 = arith.constant 0 : index
      %swap3A_443 = tpu.vector_load %arg6[%swap3A_440, %swap3A_441, %swap3A_442] {strides = array<i32>} : memref<20x64x16xi32, #tpu.memory_space<vmem>>, vector<16xi32>,
      tpu.vector_store %arg6[%swap3A_440, %swap3A_441, %swap3A_442], %gather3A_438 {strides = array<i32>} : memref<20x64x16xi32, #tpu.memory_space<vmem>>, vector<16xi32>,
      %broadcast_in_dim3A_444 = arith.constant 53 : i32
      %broadcast_in_dim3A_445 = vector.broadcast %broadcast_in_dim3A_444 : i32 to vector<16xi32>
      %add3A_446 = arith.addi %broadcast_in_dim3A_445, %mul3A_29 : vector<16xi32>
      %gather3A_447 = tpu.vector_load_idx %arg5[%broadcast_in_dim3A, %add3A_446] : memref<20x128xi32, #tpu.memory_space<vmem>>[vector<16xi32>, vector<16xi32>], vector<16xi32>,
      %swap3A_448 = arith.constant 29 : i32
      %swap3A_449 = arith.index_cast %add3A_184 : i32 to index
      %swap3A_450 = arith.index_cast %swap3A_448 : i32 to index
      %swap3A_451 = arith.constant 0 : index
      %swap3A_452 = tpu.vector_load %arg6[%swap3A_449, %swap3A_450, %swap3A_451] {strides = array<i32>} : memref<20x64x16xi32, #tpu.memory_space<vmem>>, vector<16xi32>,
      tpu.vector_store %arg6[%swap3A_449, %swap3A_450, %swap3A_451], %gather3A_447 {strides = array<i32>} : memref<20x64x16xi32, #tpu.memory_space<vmem>>, vector<16xi32>,
      %broadcast_in_dim3A_453 = arith.constant 54 : i32
      %broadcast_in_dim3A_454 = vector.broadcast %broadcast_in_dim3A_453 : i32 to vector<16xi32>
      %add3A_455 = arith.addi %broadcast_in_dim3A_454, %mul3A_29 : vector<16xi32>
      %gather3A_456 = tpu.vector_load_idx %arg5[%broadcast_in_dim3A, %add3A_455] : memref<20x128xi32, #tpu.memory_space<vmem>>[vector<16xi32>, vector<16xi32>], vector<16xi32>,
      %swap3A_457 = arith.constant 30 : i32
      %swap3A_458 = arith.index_cast %add3A_184 : i32 to index
      %swap3A_459 = arith.index_cast %swap3A_457 : i32 to index
      %swap3A_460 = arith.constant 0 : index
      %swap3A_461 = tpu.vector_load %arg6[%swap3A_458, %swap3A_459, %swap3A_460] {strides = array<i32>} : memref<20x64x16xi32, #tpu.memory_space<vmem>>, vector<16xi32>,
      tpu.vector_store %arg6[%swap3A_458, %swap3A_459, %swap3A_460], %gather3A_456 {strides = array<i32>} : memref<20x64x16xi32, #tpu.memory_space<vmem>>, vector<16xi32>,
      %broadcast_in_dim3A_462 = arith.constant 55 : i32
      %broadcast_in_dim3A_463 = vector.broadcast %broadcast_in_dim3A_462 : i32 to vector<16xi32>
      %add3A_464 = arith.addi %broadcast_in_dim3A_463, %mul3A_29 : vector<16xi32>
      %gather3A_465 = tpu.vector_load_idx %arg5[%broadcast_in_dim3A, %add3A_464] : memref<20x128xi32, #tpu.memory_space<vmem>>[vector<16xi32>, vector<16xi32>], vector<16xi32>,
      %swap3A_466 = arith.constant 31 : i32
      %swap3A_467 = arith.index_cast %add3A_184 : i32 to index
      %swap3A_468 = arith.index_cast %swap3A_466 : i32 to index
      %swap3A_469 = arith.constant 0 : index
      %swap3A_470 = tpu.vector_load %arg6[%swap3A_467, %swap3A_468, %swap3A_469] {strides = array<i32>} : memref<20x64x16xi32, #tpu.memory_space<vmem>>, vector<16xi32>,
      tpu.vector_store %arg6[%swap3A_467, %swap3A_468, %swap3A_469], %gather3A_465 {strides = array<i32>} : memref<20x64x16xi32, #tpu.memory_space<vmem>>, vector<16xi32>,
      %broadcast_in_dim3A_471 = arith.constant 64 : i32
      %broadcast_in_dim3A_472 = vector.broadcast %broadcast_in_dim3A_471 : i32 to vector<16xi32>
      %add3A_473 = arith.addi %broadcast_in_dim3A_472, %mul3A_29 : vector<16xi32>
      %gather3A_474 = tpu.vector_load_idx %arg5[%broadcast_in_dim3A, %add3A_473] : memref<20x128xi32, #tpu.memory_space<vmem>>[vector<16xi32>, vector<16xi32>], vector<16xi32>,
      %swap3A_475 = arith.constant 32 : i32
      %swap3A_476 = arith.index_cast %add3A_184 : i32 to index
      %swap3A_477 = arith.index_cast %swap3A_475 : i32 to index
      %swap3A_478 = arith.constant 0 : index
      %swap3A_479 = tpu.vector_load %arg6[%swap3A_476, %swap3A_477, %swap3A_478] {strides = array<i32>} : memref<20x64x16xi32, #tpu.memory_space<vmem>>, vector<16xi32>,
      tpu.vector_store %arg6[%swap3A_476, %swap3A_477, %swap3A_478], %gather3A_474 {strides = array<i32>} : memref<20x64x16xi32, #tpu.memory_space<vmem>>, vector<16xi32>,
      %broadcast_in_dim3A_480 = arith.constant 65 : i32
      %broadcast_in_dim3A_481 = vector.broadcast %broadcast_in_dim3A_480 : i32 to vector<16xi32>
      %add3A_482 = arith.addi %broadcast_in_dim3A_481, %mul3A_29 : vector<16xi32>
      %gather3A_483 = tpu.vector_load_idx %arg5[%broadcast_in_dim3A, %add3A_482] : memref<20x128xi32, #tpu.memory_space<vmem>>[vector<16xi32>, vector<16xi32>], vector<16xi32>,
      %swap3A_484 = arith.constant 33 : i32
      %swap3A_485 = arith.index_cast %add3A_184 : i32 to index
      %swap3A_486 = arith.index_cast %swap3A_484 : i32 to index
      %swap3A_487 = arith.constant 0 : index
      %swap3A_488 = tpu.vector_load %arg6[%swap3A_485, %swap3A_486, %swap3A_487] {strides = array<i32>} : memref<20x64x16xi32, #tpu.memory_space<vmem>>, vector<16xi32>,
      tpu.vector_store %arg6[%swap3A_485, %swap3A_486, %swap3A_487], %gather3A_483 {strides = array<i32>} : memref<20x64x16xi32, #tpu.memory_space<vmem>>, vector<16xi32>,
      %broadcast_in_dim3A_489 = arith.constant 66 : i32
      %broadcast_in_dim3A_490 = vector.broadcast %broadcast_in_dim3A_489 : i32 to vector<16xi32>
      %add3A_491 = arith.addi %broadcast_in_dim3A_490, %mul3A_29 : vector<16xi32>
      %gather3A_492 = tpu.vector_load_idx %arg5[%broadcast_in_dim3A, %add3A_491] : memref<20x128xi32, #tpu.memory_space<vmem>>[vector<16xi32>, vector<16xi32>], vector<16xi32>,
      %swap3A_493 = arith.constant 34 : i32
      %swap3A_494 = arith.index_cast %add3A_184 : i32 to index
      %swap3A_495 = arith.index_cast %swap3A_493 : i32 to index
      %swap3A_496 = arith.constant 0 : index
      %swap3A_497 = tpu.vector_load %arg6[%swap3A_494, %swap3A_495, %swap3A_496] {strides = array<i32>} : memref<20x64x16xi32, #tpu.memory_space<vmem>>, vector<16xi32>,
      tpu.vector_store %arg6[%swap3A_494, %swap3A_495, %swap3A_496], %gather3A_492 {strides = array<i32>} : memref<20x64x16xi32, #tpu.memory_space<vmem>>, vector<16xi32>,
      %broadcast_in_dim3A_498 = arith.constant 67 : i32
      %broadcast_in_dim3A_499 = vector.broadcast %broadcast_in_dim3A_498 : i32 to vector<16xi32>
      %add3A_500 = arith.addi %broadcast_in_dim3A_499, %mul3A_29 : vector<16xi32>
      %gather3A_501 = tpu.vector_load_idx %arg5[%broadcast_in_dim3A, %add3A_500] : memref<20x128xi32, #tpu.memory_space<vmem>>[vector<16xi32>, vector<16xi32>], vector<16xi32>,
      %swap3A_502 = arith.constant 35 : i32
      %swap3A_503 = arith.index_cast %add3A_184 : i32 to index
      %swap3A_504 = arith.index_cast %swap3A_502 : i32 to index
      %swap3A_505 = arith.constant 0 : index
      %swap3A_506 = tpu.vector_load %arg6[%swap3A_503, %swap3A_504, %swap3A_505] {strides = array<i32>} : memref<20x64x16xi32, #tpu.memory_space<vmem>>, vector<16xi32>,
      tpu.vector_store %arg6[%swap3A_503, %swap3A_504, %swap3A_505], %gather3A_501 {strides = array<i32>} : memref<20x64x16xi32, #tpu.memory_space<vmem>>, vector<16xi32>,
      %broadcast_in_dim3A_507 = arith.constant 68 : i32
      %broadcast_in_dim3A_508 = vector.broadcast %broadcast_in_dim3A_507 : i32 to vector<16xi32>
      %add3A_509 = arith.addi %broadcast_in_dim3A_508, %mul3A_29 : vector<16xi32>
      %gather3A_510 = tpu.vector_load_idx %arg5[%broadcast_in_dim3A, %add3A_509] : memref<20x128xi32, #tpu.memory_space<vmem>>[vector<16xi32>, vector<16xi32>], vector<16xi32>,
      %swap3A_511 = arith.constant 36 : i32
      %swap3A_512 = arith.index_cast %add3A_184 : i32 to index
      %swap3A_513 = arith.index_cast %swap3A_511 : i32 to index
      %swap3A_514 = arith.constant 0 : index
      %swap3A_515 = tpu.vector_load %arg6[%swap3A_512, %swap3A_513, %swap3A_514] {strides = array<i32>} : memref<20x64x16xi32, #tpu.memory_space<vmem>>, vector<16xi32>,
      tpu.vector_store %arg6[%swap3A_512, %swap3A_513, %swap3A_514], %gather3A_510 {strides = array<i32>} : memref<20x64x16xi32, #tpu.memory_space<vmem>>, vector<16xi32>,
      %broadcast_in_dim3A_516 = arith.constant 69 : i32
      %broadcast_in_dim3A_517 = vector.broadcast %broadcast_in_dim3A_516 : i32 to vector<16xi32>
      %add3A_518 = arith.addi %broadcast_in_dim3A_517, %mul3A_29 : vector<16xi32>
      %gather3A_519 = tpu.vector_load_idx %arg5[%broadcast_in_dim3A, %add3A_518] : memref<20x128xi32, #tpu.memory_space<vmem>>[vector<16xi32>, vector<16xi32>], vector<16xi32>,
      %swap3A_520 = arith.constant 37 : i32
      %swap3A_521 = arith.index_cast %add3A_184 : i32 to index
      %swap3A_522 = arith.index_cast %swap3A_520 : i32 to index
      %swap3A_523 = arith.constant 0 : index
      %swap3A_524 = tpu.vector_load %arg6[%swap3A_521, %swap3A_522, %swap3A_523] {strides = array<i32>} : memref<20x64x16xi32, #tpu.memory_space<vmem>>, vector<16xi32>,
      tpu.vector_store %arg6[%swap3A_521, %swap3A_522, %swap3A_523], %gather3A_519 {strides = array<i32>} : memref<20x64x16xi32, #tpu.memory_space<vmem>>, vector<16xi32>,
      %broadcast_in_dim3A_525 = arith.constant 70 : i32
      %broadcast_in_dim3A_526 = vector.broadcast %broadcast_in_dim3A_525 : i32 to vector<16xi32>
      %add3A_527 = arith.addi %broadcast_in_dim3A_526, %mul3A_29 : vector<16xi32>
      %gather3A_528 = tpu.vector_load_idx %arg5[%broadcast_in_dim3A, %add3A_527] : memref<20x128xi32, #tpu.memory_space<vmem>>[vector<16xi32>, vector<16xi32>], vector<16xi32>,
      %swap3A_529 = arith.constant 38 : i32
      %swap3A_530 = arith.index_cast %add3A_184 : i32 to index
      %swap3A_531 = arith.index_cast %swap3A_529 : i32 to index
      %swap3A_532 = arith.constant 0 : index
      %swap3A_533 = tpu.vector_load %arg6[%swap3A_530, %swap3A_531, %swap3A_532] {strides = array<i32>} : memref<20x64x16xi32, #tpu.memory_space<vmem>>, vector<16xi32>,
      tpu.vector_store %arg6[%swap3A_530, %swap3A_531, %swap3A_532], %gather3A_528 {strides = array<i32>} : memref<20x64x16xi32, #tpu.memory_space<vmem>>, vector<16xi32>,
      %broadcast_in_dim3A_534 = arith.constant 71 : i32
      %broadcast_in_dim3A_535 = vector.broadcast %broadcast_in_dim3A_534 : i32 to vector<16xi32>
      %add3A_536 = arith.addi %broadcast_in_dim3A_535, %mul3A_29 : vector<16xi32>
      %gather3A_537 = tpu.vector_load_idx %arg5[%broadcast_in_dim3A, %add3A_536] : memref<20x128xi32, #tpu.memory_space<vmem>>[vector<16xi32>, vector<16xi32>], vector<16xi32>,
      %swap3A_538 = arith.constant 39 : i32
      %swap3A_539 = arith.index_cast %add3A_184 : i32 to index
      %swap3A_540 = arith.index_cast %swap3A_538 : i32 to index
      %swap3A_541 = arith.constant 0 : index
      %swap3A_542 = tpu.vector_load %arg6[%swap3A_539, %swap3A_540, %swap3A_541] {strides = array<i32>} : memref<20x64x16xi32, #tpu.memory_space<vmem>>, vector<16xi32>,
      tpu.vector_store %arg6[%swap3A_539, %swap3A_540, %swap3A_541], %gather3A_537 {strides = array<i32>} : memref<20x64x16xi32, #tpu.memory_space<vmem>>, vector<16xi32>,
      %broadcast_in_dim3A_543 = arith.constant 80 : i32
      %broadcast_in_dim3A_544 = vector.broadcast %broadcast_in_dim3A_543 : i32 to vector<16xi32>
      %add3A_545 = arith.addi %broadcast_in_dim3A_544, %mul3A_29 : vector<16xi32>
      %gather3A_546 = tpu.vector_load_idx %arg5[%broadcast_in_dim3A, %add3A_545] : memref<20x128xi32, #tpu.memory_space<vmem>>[vector<16xi32>, vector<16xi32>], vector<16xi32>,
      %swap3A_547 = arith.constant 40 : i32
      %swap3A_548 = arith.index_cast %add3A_184 : i32 to index
      %swap3A_549 = arith.index_cast %swap3A_547 : i32 to index
      %swap3A_550 = arith.constant 0 : index
      %swap3A_551 = tpu.vector_load %arg6[%swap3A_548, %swap3A_549, %swap3A_550] {strides = array<i32>} : memref<20x64x16xi32, #tpu.memory_space<vmem>>, vector<16xi32>,
      tpu.vector_store %arg6[%swap3A_548, %swap3A_549, %swap3A_550], %gather3A_546 {strides = array<i32>} : memref<20x64x16xi32, #tpu.memory_space<vmem>>, vector<16xi32>,
      %broadcast_in_dim3A_552 = arith.constant 81 : i32
      %broadcast_in_dim3A_553 = vector.broadcast %broadcast_in_dim3A_552 : i32 to vector<16xi32>
      %add3A_554 = arith.addi %broadcast_in_dim3A_553, %mul3A_29 : vector<16xi32>
      %gather3A_555 = tpu.vector_load_idx %arg5[%broadcast_in_dim3A, %add3A_554] : memref<20x128xi32, #tpu.memory_space<vmem>>[vector<16xi32>, vector<16xi32>], vector<16xi32>,
      %swap3A_556 = arith.constant 41 : i32
      %swap3A_557 = arith.index_cast %add3A_184 : i32 to index
      %swap3A_558 = arith.index_cast %swap3A_556 : i32 to index
      %swap3A_559 = arith.constant 0 : index
      %swap3A_560 = tpu.vector_load %arg6[%swap3A_557, %swap3A_558, %swap3A_559] {strides = array<i32>} : memref<20x64x16xi32, #tpu.memory_space<vmem>>, vector<16xi32>,
      tpu.vector_store %arg6[%swap3A_557, %swap3A_558, %swap3A_559], %gather3A_555 {strides = array<i32>} : memref<20x64x16xi32, #tpu.memory_space<vmem>>, vector<16xi32>,
      %broadcast_in_dim3A_561 = arith.constant 82 : i32
      %broadcast_in_dim3A_562 = vector.broadcast %broadcast_in_dim3A_561 : i32 to vector<16xi32>
      %add3A_563 = arith.addi %broadcast_in_dim3A_562, %mul3A_29 : vector<16xi32>
      %gather3A_564 = tpu.vector_load_idx %arg5[%broadcast_in_dim3A, %add3A_563] : memref<20x128xi32, #tpu.memory_space<vmem>>[vector<16xi32>, vector<16xi32>], vector<16xi32>,
      %swap3A_565 = arith.constant 42 : i32
      %swap3A_566 = arith.index_cast %add3A_184 : i32 to index
      %swap3A_567 = arith.index_cast %swap3A_565 : i32 to index
      %swap3A_568 = arith.constant 0 : index
      %swap3A_569 = tpu.vector_load %arg6[%swap3A_566, %swap3A_567, %swap3A_568] {strides = array<i32>} : memref<20x64x16xi32, #tpu.memory_space<vmem>>, vector<16xi32>,
      tpu.vector_store %arg6[%swap3A_566, %swap3A_567, %swap3A_568], %gather3A_564 {strides = array<i32>} : memref<20x64x16xi32, #tpu.memory_space<vmem>>, vector<16xi32>,
      %broadcast_in_dim3A_570 = arith.constant 83 : i32
      %broadcast_in_dim3A_571 = vector.broadcast %broadcast_in_dim3A_570 : i32 to vector<16xi32>
      %add3A_572 = arith.addi %broadcast_in_dim3A_571, %mul3A_29 : vector<16xi32>
      %gather3A_573 = tpu.vector_load_idx %arg5[%broadcast_in_dim3A, %add3A_572] : memref<20x128xi32, #tpu.memory_space<vmem>>[vector<16xi32>, vector<16xi32>], vector<16xi32>,
      %swap3A_574 = arith.constant 43 : i32
      %swap3A_575 = arith.index_cast %add3A_184 : i32 to index
      %swap3A_576 = arith.index_cast %swap3A_574 : i32 to index
      %swap3A_577 = arith.constant 0 : index
      %swap3A_578 = tpu.vector_load %arg6[%swap3A_575, %swap3A_576, %swap3A_577] {strides = array<i32>} : memref<20x64x16xi32, #tpu.memory_space<vmem>>, vector<16xi32>,
      tpu.vector_store %arg6[%swap3A_575, %swap3A_576, %swap3A_577], %gather3A_573 {strides = array<i32>} : memref<20x64x16xi32, #tpu.memory_space<vmem>>, vector<16xi32>,
      %broadcast_in_dim3A_579 = arith.constant 84 : i32
      %broadcast_in_dim3A_580 = vector.broadcast %broadcast_in_dim3A_579 : i32 to vector<16xi32>
      %add3A_581 = arith.addi %broadcast_in_dim3A_580, %mul3A_29 : vector<16xi32>
      %gather3A_582 = tpu.vector_load_idx %arg5[%broadcast_in_dim3A, %add3A_581] : memref<20x128xi32, #tpu.memory_space<vmem>>[vector<16xi32>, vector<16xi32>], vector<16xi32>,
      %swap3A_583 = arith.constant 44 : i32
      %swap3A_584 = arith.index_cast %add3A_184 : i32 to index
      %swap3A_585 = arith.index_cast %swap3A_583 : i32 to index
      %swap3A_586 = arith.constant 0 : index
      %swap3A_587 = tpu.vector_load %arg6[%swap3A_584, %swap3A_585, %swap3A_586] {strides = array<i32>} : memref<20x64x16xi32, #tpu.memory_space<vmem>>, vector<16xi32>,
      tpu.vector_store %arg6[%swap3A_584, %swap3A_585, %swap3A_586], %gather3A_582 {strides = array<i32>} : memref<20x64x16xi32, #tpu.memory_space<vmem>>, vector<16xi32>,
      %broadcast_in_dim3A_588 = arith.constant 85 : i32
      %broadcast_in_dim3A_589 = vector.broadcast %broadcast_in_dim3A_588 : i32 to vector<16xi32>
      %add3A_590 = arith.addi %broadcast_in_dim3A_589, %mul3A_29 : vector<16xi32>
      %gather3A_591 = tpu.vector_load_idx %arg5[%broadcast_in_dim3A, %add3A_590] : memref<20x128xi32, #tpu.memory_space<vmem>>[vector<16xi32>, vector<16xi32>], vector<16xi32>,
      %swap3A_592 = arith.constant 45 : i32
      %swap3A_593 = arith.index_cast %add3A_184 : i32 to index
      %swap3A_594 = arith.index_cast %swap3A_592 : i32 to index
      %swap3A_595 = arith.constant 0 : index
      %swap3A_596 = tpu.vector_load %arg6[%swap3A_593, %swap3A_594, %swap3A_595] {strides = array<i32>} : memref<20x64x16xi32, #tpu.memory_space<vmem>>, vector<16xi32>,
      tpu.vector_store %arg6[%swap3A_593, %swap3A_594, %swap3A_595], %gather3A_591 {strides = array<i32>} : memref<20x64x16xi32, #tpu.memory_space<vmem>>, vector<16xi32>,
      %broadcast_in_dim3A_597 = arith.constant 86 : i32
      %broadcast_in_dim3A_598 = vector.broadcast %broadcast_in_dim3A_597 : i32 to vector<16xi32>
      %add3A_599 = arith.addi %broadcast_in_dim3A_598, %mul3A_29 : vector<16xi32>
      %gather3A_600 = tpu.vector_load_idx %arg5[%broadcast_in_dim3A, %add3A_599] : memref<20x128xi32, #tpu.memory_space<vmem>>[vector<16xi32>, vector<16xi32>], vector<16xi32>,
      %swap3A_601 = arith.constant 46 : i32
      %swap3A_602 = arith.index_cast %add3A_184 : i32 to index
      %swap3A_603 = arith.index_cast %swap3A_601 : i32 to index
      %swap3A_604 = arith.constant 0 : index
      %swap3A_605 = tpu.vector_load %arg6[%swap3A_602, %swap3A_603, %swap3A_604] {strides = array<i32>} : memref<20x64x16xi32, #tpu.memory_space<vmem>>, vector<16xi32>,
      tpu.vector_store %arg6[%swap3A_602, %swap3A_603, %swap3A_604], %gather3A_600 {strides = array<i32>} : memref<20x64x16xi32, #tpu.memory_space<vmem>>, vector<16xi32>,
      %broadcast_in_dim3A_606 = arith.constant 87 : i32
      %broadcast_in_dim3A_607 = vector.broadcast %broadcast_in_dim3A_606 : i32 to vector<16xi32>
      %add3A_608 = arith.addi %broadcast_in_dim3A_607, %mul3A_29 : vector<16xi32>
      %gather3A_609 = tpu.vector_load_idx %arg5[%broadcast_in_dim3A, %add3A_608] : memref<20x128xi32, #tpu.memory_space<vmem>>[vector<16xi32>, vector<16xi32>], vector<16xi32>,
      %swap3A_610 = arith.constant 47 : i32
      %swap3A_611 = arith.index_cast %add3A_184 : i32 to index
      %swap3A_612 = arith.index_cast %swap3A_610 : i32 to index
      %swap3A_613 = arith.constant 0 : index
      %swap3A_614 = tpu.vector_load %arg6[%swap3A_611, %swap3A_612, %swap3A_613] {strides = array<i32>} : memref<20x64x16xi32, #tpu.memory_space<vmem>>, vector<16xi32>,
      tpu.vector_store %arg6[%swap3A_611, %swap3A_612, %swap3A_613], %gather3A_609 {strides = array<i32>} : memref<20x64x16xi32, #tpu.memory_space<vmem>>, vector<16xi32>,
      %broadcast_in_dim3A_615 = arith.constant 96 : i32
      %broadcast_in_dim3A_616 = vector.broadcast %broadcast_in_dim3A_615 : i32 to vector<16xi32>
      %add3A_617 = arith.addi %broadcast_in_dim3A_616, %mul3A_29 : vector<16xi32>
      %gather3A_618 = tpu.vector_load_idx %arg5[%broadcast_in_dim3A, %add3A_617] : memref<20x128xi32, #tpu.memory_space<vmem>>[vector<16xi32>, vector<16xi32>], vector<16xi32>,
      %swap3A_619 = arith.constant 48 : i32
      %swap3A_620 = arith.index_cast %add3A_184 : i32 to index
      %swap3A_621 = arith.index_cast %swap3A_619 : i32 to index
      %swap3A_622 = arith.constant 0 : index
      %swap3A_623 = tpu.vector_load %arg6[%swap3A_620, %swap3A_621, %swap3A_622] {strides = array<i32>} : memref<20x64x16xi32, #tpu.memory_space<vmem>>, vector<16xi32>,
      tpu.vector_store %arg6[%swap3A_620, %swap3A_621, %swap3A_622], %gather3A_618 {strides = array<i32>} : memref<20x64x16xi32, #tpu.memory_space<vmem>>, vector<16xi32>,
      %broadcast_in_dim3A_624 = arith.constant 97 : i32
      %broadcast_in_dim3A_625 = vector.broadcast %broadcast_in_dim3A_624 : i32 to vector<16xi32>
      %add3A_626 = arith.addi %broadcast_in_dim3A_625, %mul3A_29 : vector<16xi32>
      %gather3A_627 = tpu.vector_load_idx %arg5[%broadcast_in_dim3A, %add3A_626] : memref<20x128xi32, #tpu.memory_space<vmem>>[vector<16xi32>, vector<16xi32>], vector<16xi32>,
      %swap3A_628 = arith.constant 49 : i32
      %swap3A_629 = arith.index_cast %add3A_184 : i32 to index
      %swap3A_630 = arith.index_cast %swap3A_628 : i32 to index
      %swap3A_631 = arith.constant 0 : index
      %swap3A_632 = tpu.vector_load %arg6[%swap3A_629, %swap3A_630, %swap3A_631] {strides = array<i32>} : memref<20x64x16xi32, #tpu.memory_space<vmem>>, vector<16xi32>,
      tpu.vector_store %arg6[%swap3A_629, %swap3A_630, %swap3A_631], %gather3A_627 {strides = array<i32>} : memref<20x64x16xi32, #tpu.memory_space<vmem>>, vector<16xi32>,
      %broadcast_in_dim3A_633 = arith.constant 98 : i32
      %broadcast_in_dim3A_634 = vector.broadcast %broadcast_in_dim3A_633 : i32 to vector<16xi32>
      %add3A_635 = arith.addi %broadcast_in_dim3A_634, %mul3A_29 : vector<16xi32>
      %gather3A_636 = tpu.vector_load_idx %arg5[%broadcast_in_dim3A, %add3A_635] : memref<20x128xi32, #tpu.memory_space<vmem>>[vector<16xi32>, vector<16xi32>], vector<16xi32>,
      %swap3A_637 = arith.constant 50 : i32
      %swap3A_638 = arith.index_cast %add3A_184 : i32 to index
      %swap3A_639 = arith.index_cast %swap3A_637 : i32 to index
      %swap3A_640 = arith.constant 0 : index
      %swap3A_641 = tpu.vector_load %arg6[%swap3A_638, %swap3A_639, %swap3A_640] {strides = array<i32>} : memref<20x64x16xi32, #tpu.memory_space<vmem>>, vector<16xi32>,
      tpu.vector_store %arg6[%swap3A_638, %swap3A_639, %swap3A_640], %gather3A_636 {strides = array<i32>} : memref<20x64x16xi32, #tpu.memory_space<vmem>>, vector<16xi32>,
      %broadcast_in_dim3A_642 = arith.constant 99 : i32
      %broadcast_in_dim3A_643 = vector.broadcast %broadcast_in_dim3A_642 : i32 to vector<16xi32>
      %add3A_644 = arith.addi %broadcast_in_dim3A_643, %mul3A_29 : vector<16xi32>
      %gather3A_645 = tpu.vector_load_idx %arg5[%broadcast_in_dim3A, %add3A_644] : memref<20x128xi32, #tpu.memory_space<vmem>>[vector<16xi32>, vector<16xi32>], vector<16xi32>,
      %swap3A_646 = arith.constant 51 : i32
      %swap3A_647 = arith.index_cast %add3A_184 : i32 to index
      %swap3A_648 = arith.index_cast %swap3A_646 : i32 to index
      %swap3A_649 = arith.constant 0 : index
      %swap3A_650 = tpu.vector_load %arg6[%swap3A_647, %swap3A_648, %swap3A_649] {strides = array<i32>} : memref<20x64x16xi32, #tpu.memory_space<vmem>>, vector<16xi32>,
      tpu.vector_store %arg6[%swap3A_647, %swap3A_648, %swap3A_649], %gather3A_645 {strides = array<i32>} : memref<20x64x16xi32, #tpu.memory_space<vmem>>, vector<16xi32>,
      %broadcast_in_dim3A_651 = arith.constant 100 : i32
      %broadcast_in_dim3A_652 = vector.broadcast %broadcast_in_dim3A_651 : i32 to vector<16xi32>
      %add3A_653 = arith.addi %broadcast_in_dim3A_652, %mul3A_29 : vector<16xi32>
      %gather3A_654 = tpu.vector_load_idx %arg5[%broadcast_in_dim3A, %add3A_653] : memref<20x128xi32, #tpu.memory_space<vmem>>[vector<16xi32>, vector<16xi32>], vector<16xi32>,
      %swap3A_655 = arith.constant 52 : i32
      %swap3A_656 = arith.index_cast %add3A_184 : i32 to index
      %swap3A_657 = arith.index_cast %swap3A_655 : i32 to index
      %swap3A_658 = arith.constant 0 : index
      %swap3A_659 = tpu.vector_load %arg6[%swap3A_656, %swap3A_657, %swap3A_658] {strides = array<i32>} : memref<20x64x16xi32, #tpu.memory_space<vmem>>, vector<16xi32>,
      tpu.vector_store %arg6[%swap3A_656, %swap3A_657, %swap3A_658], %gather3A_654 {strides = array<i32>} : memref<20x64x16xi32, #tpu.memory_space<vmem>>, vector<16xi32>,
      %broadcast_in_dim3A_660 = arith.constant 101 : i32
      %broadcast_in_dim3A_661 = vector.broadcast %broadcast_in_dim3A_660 : i32 to vector<16xi32>
      %add3A_662 = arith.addi %broadcast_in_dim3A_661, %mul3A_29 : vector<16xi32>
      %gather3A_663 = tpu.vector_load_idx %arg5[%broadcast_in_dim3A, %add3A_662] : memref<20x128xi32, #tpu.memory_space<vmem>>[vector<16xi32>, vector<16xi32>], vector<16xi32>,
      %swap3A_664 = arith.constant 53 : i32
      %swap3A_665 = arith.index_cast %add3A_184 : i32 to index
      %swap3A_666 = arith.index_cast %swap3A_664 : i32 to index
      %swap3A_667 = arith.constant 0 : index
      %swap3A_668 = tpu.vector_load %arg6[%swap3A_665, %swap3A_666, %swap3A_667] {strides = array<i32>} : memref<20x64x16xi32, #tpu.memory_space<vmem>>, vector<16xi32>,
      tpu.vector_store %arg6[%swap3A_665, %swap3A_666, %swap3A_667], %gather3A_663 {strides = array<i32>} : memref<20x64x16xi32, #tpu.memory_space<vmem>>, vector<16xi32>,
      %broadcast_in_dim3A_669 = arith.constant 102 : i32
      %broadcast_in_dim3A_670 = vector.broadcast %broadcast_in_dim3A_669 : i32 to vector<16xi32>
      %add3A_671 = arith.addi %broadcast_in_dim3A_670, %mul3A_29 : vector<16xi32>
      %gather3A_672 = tpu.vector_load_idx %arg5[%broadcast_in_dim3A, %add3A_671] : memref<20x128xi32, #tpu.memory_space<vmem>>[vector<16xi32>, vector<16xi32>], vector<16xi32>,
      %swap3A_673 = arith.constant 54 : i32
      %swap3A_674 = arith.index_cast %add3A_184 : i32 to index
      %swap3A_675 = arith.index_cast %swap3A_673 : i32 to index
      %swap3A_676 = arith.constant 0 : index
      %swap3A_677 = tpu.vector_load %arg6[%swap3A_674, %swap3A_675, %swap3A_676] {strides = array<i32>} : memref<20x64x16xi32, #tpu.memory_space<vmem>>, vector<16xi32>,
      tpu.vector_store %arg6[%swap3A_674, %swap3A_675, %swap3A_676], %gather3A_672 {strides = array<i32>} : memref<20x64x16xi32, #tpu.memory_space<vmem>>, vector<16xi32>,
      %broadcast_in_dim3A_678 = arith.constant 103 : i32
      %broadcast_in_dim3A_679 = vector.broadcast %broadcast_in_dim3A_678 : i32 to vector<16xi32>
      %add3A_680 = arith.addi %broadcast_in_dim3A_679, %mul3A_29 : vector<16xi32>
      %gather3A_681 = tpu.vector_load_idx %arg5[%broadcast_in_dim3A, %add3A_680] : memref<20x128xi32, #tpu.memory_space<vmem>>[vector<16xi32>, vector<16xi32>], vector<16xi32>,
      %swap3A_682 = arith.constant 55 : i32
      %swap3A_683 = arith.index_cast %add3A_184 : i32 to index
      %swap3A_684 = arith.index_cast %swap3A_682 : i32 to index
      %swap3A_685 = arith.constant 0 : index
      %swap3A_686 = tpu.vector_load %arg6[%swap3A_683, %swap3A_684, %swap3A_685] {strides = array<i32>} : memref<20x64x16xi32, #tpu.memory_space<vmem>>, vector<16xi32>,
      tpu.vector_store %arg6[%swap3A_683, %swap3A_684, %swap3A_685], %gather3A_681 {strides = array<i32>} : memref<20x64x16xi32, #tpu.memory_space<vmem>>, vector<16xi32>,
      %broadcast_in_dim3A_687 = arith.constant 112 : i32
      %broadcast_in_dim3A_688 = vector.broadcast %broadcast_in_dim3A_687 : i32 to vector<16xi32>
      %add3A_689 = arith.addi %broadcast_in_dim3A_688, %mul3A_29 : vector<16xi32>
      %gather3A_690 = tpu.vector_load_idx %arg5[%broadcast_in_dim3A, %add3A_689] : memref<20x128xi32, #tpu.memory_space<vmem>>[vector<16xi32>, vector<16xi32>], vector<16xi32>,
      %swap3A_691 = arith.constant 56 : i32
      %swap3A_692 = arith.index_cast %add3A_184 : i32 to index
      %swap3A_693 = arith.index_cast %swap3A_691 : i32 to index
      %swap3A_694 = arith.constant 0 : index
      %swap3A_695 = tpu.vector_load %arg6[%swap3A_692, %swap3A_693, %swap3A_694] {strides = array<i32>} : memref<20x64x16xi32, #tpu.memory_space<vmem>>, vector<16xi32>,
      tpu.vector_store %arg6[%swap3A_692, %swap3A_693, %swap3A_694], %gather3A_690 {strides = array<i32>} : memref<20x64x16xi32, #tpu.memory_space<vmem>>, vector<16xi32>,
      %broadcast_in_dim3A_696 = arith.constant 113 : i32
      %broadcast_in_dim3A_697 = vector.broadcast %broadcast_in_dim3A_696 : i32 to vector<16xi32>
      %add3A_698 = arith.addi %broadcast_in_dim3A_697, %mul3A_29 : vector<16xi32>
      %gather3A_699 = tpu.vector_load_idx %arg5[%broadcast_in_dim3A, %add3A_698] : memref<20x128xi32, #tpu.memory_space<vmem>>[vector<16xi32>, vector<16xi32>], vector<16xi32>,
      %swap3A_700 = arith.constant 57 : i32
      %swap3A_701 = arith.index_cast %add3A_184 : i32 to index
      %swap3A_702 = arith.index_cast %swap3A_700 : i32 to index
      %swap3A_703 = arith.constant 0 : index
      %swap3A_704 = tpu.vector_load %arg6[%swap3A_701, %swap3A_702, %swap3A_703] {strides = array<i32>} : memref<20x64x16xi32, #tpu.memory_space<vmem>>, vector<16xi32>,
      tpu.vector_store %arg6[%swap3A_701, %swap3A_702, %swap3A_703], %gather3A_699 {strides = array<i32>} : memref<20x64x16xi32, #tpu.memory_space<vmem>>, vector<16xi32>,
      %broadcast_in_dim3A_705 = arith.constant 114 : i32
      %broadcast_in_dim3A_706 = vector.broadcast %broadcast_in_dim3A_705 : i32 to vector<16xi32>
      %add3A_707 = arith.addi %broadcast_in_dim3A_706, %mul3A_29 : vector<16xi32>
      %gather3A_708 = tpu.vector_load_idx %arg5[%broadcast_in_dim3A, %add3A_707] : memref<20x128xi32, #tpu.memory_space<vmem>>[vector<16xi32>, vector<16xi32>], vector<16xi32>,
      %swap3A_709 = arith.constant 58 : i32
      %swap3A_710 = arith.index_cast %add3A_184 : i32 to index
      %swap3A_711 = arith.index_cast %swap3A_709 : i32 to index
      %swap3A_712 = arith.constant 0 : index
      %swap3A_713 = tpu.vector_load %arg6[%swap3A_710, %swap3A_711, %swap3A_712] {strides = array<i32>} : memref<20x64x16xi32, #tpu.memory_space<vmem>>, vector<16xi32>,
      tpu.vector_store %arg6[%swap3A_710, %swap3A_711, %swap3A_712], %gather3A_708 {strides = array<i32>} : memref<20x64x16xi32, #tpu.memory_space<vmem>>, vector<16xi32>,
      %broadcast_in_dim3A_714 = arith.constant 115 : i32
      %broadcast_in_dim3A_715 = vector.broadcast %broadcast_in_dim3A_714 : i32 to vector<16xi32>
      %add3A_716 = arith.addi %broadcast_in_dim3A_715, %mul3A_29 : vector<16xi32>
      %gather3A_717 = tpu.vector_load_idx %arg5[%broadcast_in_dim3A, %add3A_716] : memref<20x128xi32, #tpu.memory_space<vmem>>[vector<16xi32>, vector<16xi32>], vector<16xi32>,
      %swap3A_718 = arith.constant 59 : i32
      %swap3A_719 = arith.index_cast %add3A_184 : i32 to index
      %swap3A_720 = arith.index_cast %swap3A_718 : i32 to index
      %swap3A_721 = arith.constant 0 : index
      %swap3A_722 = tpu.vector_load %arg6[%swap3A_719, %swap3A_720, %swap3A_721] {strides = array<i32>} : memref<20x64x16xi32, #tpu.memory_space<vmem>>, vector<16xi32>,
      tpu.vector_store %arg6[%swap3A_719, %swap3A_720, %swap3A_721], %gather3A_717 {strides = array<i32>} : memref<20x64x16xi32, #tpu.memory_space<vmem>>, vector<16xi32>,
      %broadcast_in_dim3A_723 = arith.constant 116 : i32
      %broadcast_in_dim3A_724 = vector.broadcast %broadcast_in_dim3A_723 : i32 to vector<16xi32>
      %add3A_725 = arith.addi %broadcast_in_dim3A_724, %mul3A_29 : vector<16xi32>
      %gather3A_726 = tpu.vector_load_idx %arg5[%broadcast_in_dim3A, %add3A_725] : memref<20x128xi32, #tpu.memory_space<vmem>>[vector<16xi32>, vector<16xi32>], vector<16xi32>,
      %swap3A_727 = arith.constant 60 : i32
      %swap3A_728 = arith.index_cast %add3A_184 : i32 to index
      %swap3A_729 = arith.index_cast %swap3A_727 : i32 to index
      %swap3A_730 = arith.constant 0 : index
      %swap3A_731 = tpu.vector_load %arg6[%swap3A_728, %swap3A_729, %swap3A_730] {strides = array<i32>} : memref<20x64x16xi32, #tpu.memory_space<vmem>>, vector<16xi32>,
      tpu.vector_store %arg6[%swap3A_728, %swap3A_729, %swap3A_730], %gather3A_726 {strides = array<i32>} : memref<20x64x16xi32, #tpu.memory_space<vmem>>, vector<16xi32>,
      %broadcast_in_dim3A_732 = arith.constant 117 : i32
      %broadcast_in_dim3A_733 = vector.broadcast %broadcast_in_dim3A_732 : i32 to vector<16xi32>
      %add3A_734 = arith.addi %broadcast_in_dim3A_733, %mul3A_29 : vector<16xi32>
      %gather3A_735 = tpu.vector_load_idx %arg5[%broadcast_in_dim3A, %add3A_734] : memref<20x128xi32, #tpu.memory_space<vmem>>[vector<16xi32>, vector<16xi32>], vector<16xi32>,
      %swap3A_736 = arith.constant 61 : i32
      %swap3A_737 = arith.index_cast %add3A_184 : i32 to index
      %swap3A_738 = arith.index_cast %swap3A_736 : i32 to index
      %swap3A_739 = arith.constant 0 : index
      %swap3A_740 = tpu.vector_load %arg6[%swap3A_737, %swap3A_738, %swap3A_739] {strides = array<i32>} : memref<20x64x16xi32, #tpu.memory_space<vmem>>, vector<16xi32>,
      tpu.vector_store %arg6[%swap3A_737, %swap3A_738, %swap3A_739], %gather3A_735 {strides = array<i32>} : memref<20x64x16xi32, #tpu.memory_space<vmem>>, vector<16xi32>,
      %broadcast_in_dim3A_741 = arith.constant 118 : i32
      %broadcast_in_dim3A_742 = vector.broadcast %broadcast_in_dim3A_741 : i32 to vector<16xi32>
      %add3A_743 = arith.addi %broadcast_in_dim3A_742, %mul3A_29 : vector<16xi32>
      %gather3A_744 = tpu.vector_load_idx %arg5[%broadcast_in_dim3A, %add3A_743] : memref<20x128xi32, #tpu.memory_space<vmem>>[vector<16xi32>, vector<16xi32>], vector<16xi32>,
      %swap3A_745 = arith.constant 62 : i32
      %swap3A_746 = arith.index_cast %add3A_184 : i32 to index
      %swap3A_747 = arith.index_cast %swap3A_745 : i32 to index
      %swap3A_748 = arith.constant 0 : index
      %swap3A_749 = tpu.vector_load %arg6[%swap3A_746, %swap3A_747, %swap3A_748] {strides = array<i32>} : memref<20x64x16xi32, #tpu.memory_space<vmem>>, vector<16xi32>,
      tpu.vector_store %arg6[%swap3A_746, %swap3A_747, %swap3A_748], %gather3A_744 {strides = array<i32>} : memref<20x64x16xi32, #tpu.memory_space<vmem>>, vector<16xi32>,
      %broadcast_in_dim3A_750 = arith.constant 119 : i32
      %broadcast_in_dim3A_751 = vector.broadcast %broadcast_in_dim3A_750 : i32 to vector<16xi32>
      %add3A_752 = arith.addi %broadcast_in_dim3A_751, %mul3A_29 : vector<16xi32>
      %gather3A_753 = tpu.vector_load_idx %arg5[%broadcast_in_dim3A, %add3A_752] : memref<20x128xi32, #tpu.memory_space<vmem>>[vector<16xi32>, vector<16xi32>], vector<16xi32>,
      %swap3A_754 = arith.constant 63 : i32
      %swap3A_755 = arith.index_cast %add3A_184 : i32 to index
      %swap3A_756 = arith.index_cast %swap3A_754 : i32 to index
      %swap3A_757 = arith.constant 0 : index
      %swap3A_758 = tpu.vector_load %arg6[%swap3A_755, %swap3A_756, %swap3A_757] {strides = array<i32>} : memref<20x64x16xi32, #tpu.memory_space<vmem>>, vector<16xi32>,
      tpu.vector_store %arg6[%swap3A_755, %swap3A_756, %swap3A_757], %gather3A_753 {strides = array<i32>} : memref<20x64x16xi32, #tpu.memory_space<vmem>>, vector<16xi32>,
    }
    %scan3A_41 = arith.constant 20 : i32
    %min3A = arith.constant 0 : i32
    %min3A_42 = arith.constant 31 : i32
    %min3A_43 = arith.minsi %min3A, %min3A_42 : i32
    %mul3A_44 = arith.constant 32 : i32
    %mul3A_45 = arith.muli %min3A_43, %mul3A_44 : i32
    %dma_start3A_46 = arith.constant 0 : i32
    %dma_start3A_47 = arith.constant 0 : i32
    %dma_start3A_48 = tpu.memref_slice %arg7[%dma_start3A_46, %dma_start3A_47] : memref<1000x33xf32, #tpu.memory_space<vmem>> -> memref<1000x32xf32, #tpu.memory_space<vmem>>
    %dma_start3A_49 = arith.constant 0 : i32
    %dma_start3A_50 = tpu.memref_slice %arg3[%dma_start3A_49, %mul3A_45] : memref<1000x1024xf32, #tpu.memory_space<hbm>> -> memref<1000x32xf32, #tpu.memory_space<hbm>>
    %dma_start3A_51 = arith.constant 0 : i32
    %dma_start3A_52 = arith.constant 0 : i32
    %dma_start3A_53 = tpu.memref_slice %arg7[%dma_start3A_51, %dma_start3A_52] : memref<1000x33xf32, #tpu.memory_space<vmem>> -> memref<1000x32xf32, #tpu.memory_space<vmem>>
    %dma_start3A_54 = arith.constant 0 : i32
    %dma_start3A_55 = tpu.memref_slice %arg3[%dma_start3A_54, %mul3A_45] : memref<1000x1024xf32, #tpu.memory_space<hbm>> -> memref<1000x32xf32, #tpu.memory_space<hbm>>
    tpu.enqueue_dma source(%dma_start3A_55 : memref<1000x32xf32, #tpu.memory_space<hbm>>) target(%dma_start3A_53 : memref<1000x32xf32, #tpu.memory_space<vmem>>) target_semaphore(%arg13 : memref<!tpu.dma_semaphore, #tpu.memory_space<semaphore_mem>>)
    %min3A_56 = arith.constant 1 : i32
    %min3A_57 = arith.constant 31 : i32
    %min3A_58 = arith.minsi %min3A_56, %min3A_57 : i32
    %mul3A_59 = arith.constant 32 : i32
    %mul3A_60 = arith.muli %min3A_58, %mul3A_59 : i32
    %dma_start3A_61 = arith.constant 0 : i32
    %dma_start3A_62 = arith.constant 0 : i32
    %dma_start3A_63 = tpu.memref_slice %arg8[%dma_start3A_61, %dma_start3A_62] : memref<1000x33xf32, #tpu.memory_space<vmem>> -> memref<1000x32xf32, #tpu.memory_space<vmem>>
    %dma_start3A_64 = arith.constant 0 : i32
    %dma_start3A_65 = tpu.memref_slice %arg3[%dma_start3A_64, %mul3A_60] : memref<1000x1024xf32, #tpu.memory_space<hbm>> -> memref<1000x32xf32, #tpu.memory_space<hbm>>
    %dma_start3A_66 = arith.constant 0 : i32
    %dma_start3A_67 = arith.constant 0 : i32
    %dma_start3A_68 = tpu.memref_slice %arg8[%dma_start3A_66, %dma_start3A_67] : memref<1000x33xf32, #tpu.memory_space<vmem>> -> memref<1000x32xf32, #tpu.memory_space<vmem>>
    %dma_start3A_69 = arith.constant 0 : i32
    %dma_start3A_70 = tpu.memref_slice %arg3[%dma_start3A_69, %mul3A_60] : memref<1000x1024xf32, #tpu.memory_space<hbm>> -> memref<1000x32xf32, #tpu.memory_space<hbm>>
    tpu.enqueue_dma source(%dma_start3A_70 : memref<1000x32xf32, #tpu.memory_space<hbm>>) target(%dma_start3A_68 : memref<1000x32xf32, #tpu.memory_space<vmem>>) target_semaphore(%arg14 : memref<!tpu.dma_semaphore, #tpu.memory_space<semaphore_mem>>)
    %scan3A_71 = arith.constant 0 : i32
    %scan3A_72 = arith.constant 16 : i32
    %scan3A_73 = arith.addi %scan3A_71, %scan3A_72 : i32
    %scan3A_74 = arith.constant 1 : i32
    scf.for %scan3A_180 = %scan3A_71 to %scan3A_73 step %scan3A_74  : i32 {
      %mul3A_181 = arith.constant 2 : i32
      %mul3A_182 = arith.muli %scan3A_180, %mul3A_181 : i32
      %add3A_183 = arith.constant 0 : i32
      %add3A_184 = arith.addi %add3A_183, %mul3A_182 : i32
      %dma_wait3A_185 = arith.constant 0 : i32
      %dma_wait3A_186 = arith.constant 0 : i32
      %dma_wait3A_187 = tpu.memref_slice %arg7[%dma_wait3A_185, %dma_wait3A_186] : memref<1000x33xf32, #tpu.memory_space<vmem>> -> memref<1000x32xf32, #tpu.memory_space<vmem>>
      %dma_wait3A_188 = arith.constant 0 : i32
      %dma_wait3A_189 = arith.constant 0 : i32
      %dma_wait3A_190 = tpu.memref_slice %arg3[%dma_wait3A_188, %dma_wait3A_189] : memref<1000x1024xf32, #tpu.memory_space<hbm>> -> memref<1000x32xf32, #tpu.memory_space<hbm>>
      %dma_wait3A_191 = arith.constant 0 : i32
      %dma_wait3A_192 = arith.constant 0 : i32
      %dma_wait3A_193 = tpu.memref_slice %arg7[%dma_wait3A_191, %dma_wait3A_192] : memref<1000x33xf32, #tpu.memory_space<vmem>> -> memref<1000x32xf32, #tpu.memory_space<vmem>>
      %dma_wait3A_194 = arith.constant 0 : i32
      %dma_wait3A_195 = arith.constant 0 : i32
      %dma_wait3A_196 = tpu.memref_slice %arg3[%dma_wait3A_194, %dma_wait3A_195] : memref<1000x1024xf32, #tpu.memory_space<hbm>> -> memref<1000x32xf32, #tpu.memory_space<hbm>>
      tpu.wait_dma2 semaphore(%arg13 : memref<!tpu.dma_semaphore, #tpu.memory_space<semaphore_mem>>) src(%dma_wait3A_196 : memref<1000x32xf32, #tpu.memory_space<hbm>>) dst(%dma_wait3A_193 : memref<1000x32xf32, #tpu.memory_space<vmem>>)
      %scan3A_197 = arith.constant 0 : i32
      %scan3A_198 = arith.constant 5 : i32
      %scan3A_199 = arith.addi %scan3A_197, %scan3A_198 : i32
      %scan3A_200 = arith.constant 1 : i32
      scf.for %scan3A_253 = %scan3A_197 to %scan3A_199 step %scan3A_200  : i32 {
        %mul3A_254 = arith.constant 4 : i32
        %mul3A_255 = arith.muli %scan3A_253, %mul3A_254 : i32
        %add3A_256 = arith.constant 0 : i32
        %add3A_257 = arith.addi %add3A_256, %mul3A_255 : i32
        %add3A_258 = arith.constant 0 : i32
        %add3A_259 = arith.addi %add3A_257, %add3A_258 : i32
        %eq3A = arith.constant 0 : i32
        %eq3A_260 = arith.cmpi eq, %add3A_184, %eq3A : i32
        %eq3A_261 = arith.constant 0 : i32
        %eq3A_262 = arith.cmpi eq, %add3A_257, %eq3A_261 : i32
        %and3A_263 = arith.andi %eq3A_260, %eq3A_262 : i1
        %eq3A_264 = arith.constant 31 : i32
        %eq3A_265 = arith.cmpi eq, %add3A_184, %eq3A_264 : i32
        %gt3A = arith.constant 0 : i32
        %gt3A_266 = arith.cmpi sgt, %add3A_257, %gt3A : i32
        %and3A_267 = arith.andi %eq3A_265, %gt3A_266 : i1
        %not3A = arith.constant true
        %not3A_268 = arith.xori %and3A_263, %not3A : i1
        %not3A_269 = arith.constant true
        %not3A_270 = arith.xori %and3A_267, %not3A_269 : i1
        %and3A_271 = arith.andi %not3A_268, %not3A_270 : i1
        %convert_element_type3A = arith.extui %and3A_271 : i1 to i32
        %cond3A = arith.constant 0 : i32
        %cond3A_272 = arith.cmpi ne, %convert_element_type3A, %cond3A : i32
        scf.if %cond3A_272 {
          %dma_wait3A_395 = arith.constant 0 : i32
          %dma_wait3A_396 = arith.constant 0 : i32
          %dma_wait3A_397 = arith.constant 0 : i32
          %dma_wait3A_398 = arith.constant 0 : i32
          %dma_wait3A_399 = arith.constant 0 : i32
          %dma_wait3A_400 = tpu.memref_slice %arg9[%dma_wait3A_397, %dma_wait3A_398, %dma_wait3A_399] : memref<4x8x129xf32, #tpu.memory_space<vmem>> -> memref<4x8x128xf32, #tpu.memory_space<vmem>>
          %dma_wait3A_401 = arith.constant 0 : i32
          %dma_wait3A_402 = arith.constant 0 : i32
          %dma_wait3A_403 = arith.constant 0 : i32
          %dma_wait3A_404 = tpu.memref_slice %arg4[%dma_wait3A_395, %dma_wait3A_401, %dma_wait3A_396, %dma_wait3A_402, %dma_wait3A_403] : memref<20x125x32x8x128xf32, #tpu.memory_space<hbm>> -> memref<1x4x1x8x128xf32, #tpu.memory_space<hbm>>
          %dma_wait3A_405 = tpu.memref_squeeze %dma_wait3A_404 : memref<1x4x1x8x128xf32, #tpu.memory_space<hbm>> -> memref<4x8x128xf32, #tpu.memory_space<hbm>>
          %dma_wait3A_406 = arith.constant 0 : i32
          %dma_wait3A_407 = arith.constant 0 : i32
          %dma_wait3A_408 = arith.constant 0 : i32
          %dma_wait3A_409 = tpu.memref_slice %arg4[%dma_wait3A_395, %dma_wait3A_406, %dma_wait3A_396, %dma_wait3A_407, %dma_wait3A_408] : memref<20x125x32x8x128xf32, #tpu.memory_space<hbm>> -> memref<1x4x1x8x128xf32, #tpu.memory_space<hbm>>
          %dma_wait3A_410 = tpu.memref_squeeze %dma_wait3A_409 : memref<1x4x1x8x128xf32, #tpu.memory_space<hbm>> -> memref<4x8x128xf32, #tpu.memory_space<hbm>>
          %dma_wait3A_411 = arith.constant 0 : i32
          %dma_wait3A_412 = arith.constant 0 : i32
          %dma_wait3A_413 = arith.constant 0 : i32
          %dma_wait3A_414 = tpu.memref_slice %arg9[%dma_wait3A_411, %dma_wait3A_412, %dma_wait3A_413] : memref<4x8x129xf32, #tpu.memory_space<vmem>> -> memref<4x8x128xf32, #tpu.memory_space<vmem>>
          tpu.wait_dma2 semaphore(%arg15 : memref<!tpu.dma_semaphore, #tpu.memory_space<semaphore_mem>>) src(%dma_wait3A_414 : memref<4x8x128xf32, #tpu.memory_space<vmem>>) dst(%dma_wait3A_410 : memref<4x8x128xf32, #tpu.memory_space<hbm>>)
        } else {
        }
        %convert_element_type3A_273 = arith.extui %and3A_267 : i1 to i32
        %cond3A_274 = arith.constant 0 : i32
        %cond3A_275 = arith.cmpi ne, %convert_element_type3A_273, %cond3A_274 : i32
        scf.if %cond3A_275 {
          %dma_wait3A_395 = arith.constant 0 : i32
          %dma_wait3A_396 = arith.constant 0 : i32
          %dma_wait3A_397 = arith.constant 0 : i32
          %dma_wait3A_398 = arith.constant 0 : i32
          %dma_wait3A_399 = arith.constant 0 : i32
          %dma_wait3A_400 = tpu.memref_slice %arg9[%dma_wait3A_397, %dma_wait3A_398, %dma_wait3A_399] : memref<4x8x129xf32, #tpu.memory_space<vmem>> -> memref<1x8x128xf32, #tpu.memory_space<vmem>>
          %dma_wait3A_401 = arith.constant 0 : i32
          %dma_wait3A_402 = arith.constant 0 : i32
          %dma_wait3A_403 = arith.constant 0 : i32
          %dma_wait3A_404 = tpu.memref_slice %arg4[%dma_wait3A_395, %dma_wait3A_401, %dma_wait3A_396, %dma_wait3A_402, %dma_wait3A_403] : memref<20x125x32x8x128xf32, #tpu.memory_space<hbm>> -> memref<1x1x1x8x128xf32, #tpu.memory_space<hbm>>
          %dma_wait3A_405 = tpu.memref_squeeze %dma_wait3A_404 : memref<1x1x1x8x128xf32, #tpu.memory_space<hbm>> -> memref<1x8x128xf32, #tpu.memory_space<hbm>>
          %dma_wait3A_406 = arith.constant 0 : i32
          %dma_wait3A_407 = arith.constant 0 : i32
          %dma_wait3A_408 = arith.constant 0 : i32
          %dma_wait3A_409 = tpu.memref_slice %arg4[%dma_wait3A_395, %dma_wait3A_406, %dma_wait3A_396, %dma_wait3A_407, %dma_wait3A_408] : memref<20x125x32x8x128xf32, #tpu.memory_space<hbm>> -> memref<1x1x1x8x128xf32, #tpu.memory_space<hbm>>
          %dma_wait3A_410 = tpu.memref_squeeze %dma_wait3A_409 : memref<1x1x1x8x128xf32, #tpu.memory_space<hbm>> -> memref<1x8x128xf32, #tpu.memory_space<hbm>>
          %dma_wait3A_411 = arith.constant 0 : i32
          %dma_wait3A_412 = arith.constant 0 : i32
          %dma_wait3A_413 = arith.constant 0 : i32
          %dma_wait3A_414 = tpu.memref_slice %arg9[%dma_wait3A_411, %dma_wait3A_412, %dma_wait3A_413] : memref<4x8x129xf32, #tpu.memory_space<vmem>> -> memref<1x8x128xf32, #tpu.memory_space<vmem>>
          tpu.wait_dma2 semaphore(%arg15 : memref<!tpu.dma_semaphore, #tpu.memory_space<semaphore_mem>>) src(%dma_wait3A_414 : memref<1x8x128xf32, #tpu.memory_space<vmem>>) dst(%dma_wait3A_410 : memref<1x8x128xf32, #tpu.memory_space<hbm>>)
        } else {
        }
        %parallel_loop3A = arith.constant 0 : i32
        %parallel_loop3A_276 = arith.constant 64 : i32
        %parallel_loop3A_277 = arith.constant 1 : i32
        scf.for %parallel_loop3A_395 = %parallel_loop3A to %parallel_loop3A_276 step %parallel_loop3A_277  : i32 {
          %parallel_loop3A_396 = arith.constant 8 : i32
          %parallel_loop3A_397 = arith.divsi %parallel_loop3A_395, %parallel_loop3A_396 : i32
          %parallel_loop3A_398 = arith.constant 0 : i32
          %parallel_loop3A_399 = arith.cmpi sgt, %parallel_loop3A_395, %parallel_loop3A_398 : i32
          %parallel_loop3A_400 = arith.extui %parallel_loop3A_399 : i1 to i32
          %parallel_loop3A_401 = arith.constant 0 : i32
          %parallel_loop3A_402 = arith.cmpi slt, %parallel_loop3A_395, %parallel_loop3A_401 : i32
          %parallel_loop3A_403 = arith.extui %parallel_loop3A_402 : i1 to i32
          %parallel_loop3A_404 = arith.subi %parallel_loop3A_400, %parallel_loop3A_403 : i32
          %parallel_loop3A_405 = arith.constant 0 : i32
          %parallel_loop3A_406 = arith.cmpi sgt, %parallel_loop3A_396, %parallel_loop3A_405 : i32
          %parallel_loop3A_407 = arith.extui %parallel_loop3A_406 : i1 to i32
          %parallel_loop3A_408 = arith.constant 0 : i32
          %parallel_loop3A_409 = arith.cmpi slt, %parallel_loop3A_396, %parallel_loop3A_408 : i32
          %parallel_loop3A_410 = arith.extui %parallel_loop3A_409 : i1 to i32
          %parallel_loop3A_411 = arith.subi %parallel_loop3A_407, %parallel_loop3A_410 : i32
          %parallel_loop3A_412 = arith.cmpi ne, %parallel_loop3A_404, %parallel_loop3A_411 : i32
          %parallel_loop3A_413 = arith.remsi %parallel_loop3A_395, %parallel_loop3A_396 : i32
          %parallel_loop3A_414 = arith.constant 0 : i32
          %parallel_loop3A_415 = arith.cmpi ne, %parallel_loop3A_413, %parallel_loop3A_414 : i32
          %parallel_loop3A_416 = arith.andi %parallel_loop3A_412, %parallel_loop3A_415 : i1
          %parallel_loop3A_417 = arith.constant 1 : i32
          %parallel_loop3A_418 = arith.subi %parallel_loop3A_397, %parallel_loop3A_417 : i32
          %parallel_loop3A_419 = arith.select %parallel_loop3A_416, %parallel_loop3A_418, %parallel_loop3A_397 : i32
          %parallel_loop3A_420 = arith.constant 16 : i32
          %parallel_loop3A_421 = arith.muli %parallel_loop3A_419, %parallel_loop3A_420 : i32
          %parallel_loop3A_422 = arith.constant 8 : i32
          %parallel_loop3A_423 = arith.remsi %parallel_loop3A_395, %parallel_loop3A_422 : i32
          %parallel_loop3A_424 = arith.addi %parallel_loop3A_421, %parallel_loop3A_423 : i32
          %parallel_loop3A_425 = vector.broadcast %parallel_loop3A_424 : i32 to vector<16xi32>
          %parallel_loop3A_426 = arith.addi %parallel_loop3A_425, %mul3A_29 : vector<16xi32>
          %parallel_loop3A_427 = arith.index_cast %add3A_259 : i32 to index
          %parallel_loop3A_428 = arith.index_cast %parallel_loop3A_395 : i32 to index
          %parallel_loop3A_429 = arith.constant 0 : index
          %parallel_loop3A_430 = tpu.vector_load %arg6[%parallel_loop3A_427, %parallel_loop3A_428, %parallel_loop3A_429] {strides = array<i32>} : memref<20x64x16xi32, #tpu.memory_space<vmem>>, vector<16xi32>,
          %parallel_loop3A_431 = arith.constant 0 : i32
          %parallel_loop3A_432 = vector.broadcast %parallel_loop3A_431 : i32 to vector<16xi32>
          %parallel_loop3A_433 = arith.addi %rem3A_2, %parallel_loop3A_432 : vector<16xi32>
          %parallel_loop3A_434 = tpu.vector_load_idx %arg7[%parallel_loop3A_430, %parallel_loop3A_433] : memref<1000x33xf32, #tpu.memory_space<vmem>>[vector<16xi32>, vector<16xi32>], vector<16xf32>,
          %parallel_loop3A_435 = arith.constant 0 : i32
          %parallel_loop3A_436 = vector.broadcast %parallel_loop3A_435 : i32 to vector<16xi32>
          tpu.vector_store_idx %arg9[%parallel_loop3A_436, %rem3A_2, %parallel_loop3A_426], %parallel_loop3A_434 : memref<4x8x129xf32, #tpu.memory_space<vmem>>[vector<16xi32>, vector<16xi32>, vector<16xi32>], vector<16xf32>,
          %parallel_loop3A_437 = arith.constant 8 : i32
          %parallel_loop3A_438 = vector.broadcast %parallel_loop3A_437 : i32 to vector<16xi32>
          %parallel_loop3A_439 = arith.addi %rem3A_2, %parallel_loop3A_438 : vector<16xi32>
          %parallel_loop3A_440 = tpu.vector_load_idx %arg7[%parallel_loop3A_430, %parallel_loop3A_439] : memref<1000x33xf32, #tpu.memory_space<vmem>>[vector<16xi32>, vector<16xi32>], vector<16xf32>,
          %parallel_loop3A_441 = arith.constant 1 : i32
          %parallel_loop3A_442 = vector.broadcast %parallel_loop3A_441 : i32 to vector<16xi32>
          tpu.vector_store_idx %arg9[%parallel_loop3A_442, %rem3A_2, %parallel_loop3A_426], %parallel_loop3A_440 : memref<4x8x129xf32, #tpu.memory_space<vmem>>[vector<16xi32>, vector<16xi32>, vector<16xi32>], vector<16xf32>,
          %parallel_loop3A_443 = arith.constant 16 : i32
          %parallel_loop3A_444 = vector.broadcast %parallel_loop3A_443 : i32 to vector<16xi32>
          %parallel_loop3A_445 = arith.addi %rem3A_2, %parallel_loop3A_444 : vector<16xi32>
          %parallel_loop3A_446 = tpu.vector_load_idx %arg7[%parallel_loop3A_430, %parallel_loop3A_445] : memref<1000x33xf32, #tpu.memory_space<vmem>>[vector<16xi32>, vector<16xi32>], vector<16xf32>,
          %parallel_loop3A_447 = arith.constant 2 : i32
          %parallel_loop3A_448 = vector.broadcast %parallel_loop3A_447 : i32 to vector<16xi32>
          tpu.vector_store_idx %arg9[%parallel_loop3A_448, %rem3A_2, %parallel_loop3A_426], %parallel_loop3A_446 : memref<4x8x129xf32, #tpu.memory_space<vmem>>[vector<16xi32>, vector<16xi32>, vector<16xi32>], vector<16xf32>,
          %parallel_loop3A_449 = arith.constant 24 : i32
          %parallel_loop3A_450 = vector.broadcast %parallel_loop3A_449 : i32 to vector<16xi32>
          %parallel_loop3A_451 = arith.addi %rem3A_2, %parallel_loop3A_450 : vector<16xi32>
          %parallel_loop3A_452 = tpu.vector_load_idx %arg7[%parallel_loop3A_430, %parallel_loop3A_451] : memref<1000x33xf32, #tpu.memory_space<vmem>>[vector<16xi32>, vector<16xi32>], vector<16xf32>,
          %parallel_loop3A_453 = arith.constant 3 : i32
          %parallel_loop3A_454 = vector.broadcast %parallel_loop3A_453 : i32 to vector<16xi32>
          tpu.vector_store_idx %arg9[%parallel_loop3A_454, %rem3A_2, %parallel_loop3A_426], %parallel_loop3A_452 : memref<4x8x129xf32, #tpu.memory_space<vmem>>[vector<16xi32>, vector<16xi32>, vector<16xi32>], vector<16xf32>,
        } {sc.loop_unroll_factor = 4 : i64, sc.parallel_access}
        %lt3A = arith.constant 31 : i32
        %lt3A_278 = arith.cmpi slt, %add3A_184, %lt3A : i32
        %convert_element_type3A_279 = arith.extui %lt3A_278 : i1 to i32
        %cond3A_280 = arith.constant 0 : i32
        %cond3A_281 = arith.cmpi ne, %convert_element_type3A_279, %cond3A_280 : i32
        scf.if %cond3A_281 {
          %mul3A_395 = arith.constant 4 : i32
          %mul3A_396 = arith.muli %add3A_184, %mul3A_395 : i32
          %dma_start3A_397 = arith.constant 0 : i32
          %dma_start3A_398 = arith.constant 0 : i32
          %dma_start3A_399 = arith.constant 0 : i32
          %dma_start3A_400 = tpu.memref_slice %arg9[%dma_start3A_397, %dma_start3A_398, %dma_start3A_399] : memref<4x8x129xf32, #tpu.memory_space<vmem>> -> memref<4x8x128xf32, #tpu.memory_space<vmem>>
          %dma_start3A_401 = arith.constant 0 : i32
          %dma_start3A_402 = arith.constant 0 : i32
          %dma_start3A_403 = tpu.memref_slice %arg4[%add3A_259, %mul3A_396, %add3A, %dma_start3A_401, %dma_start3A_402] : memref<20x125x32x8x128xf32, #tpu.memory_space<hbm>> -> memref<1x4x1x8x128xf32, #tpu.memory_space<hbm>>
          %dma_start3A_404 = tpu.memref_squeeze %dma_start3A_403 : memref<1x4x1x8x128xf32, #tpu.memory_space<hbm>> -> memref<4x8x128xf32, #tpu.memory_space<hbm>>
          %dma_start3A_405 = arith.constant 0 : i32
          %dma_start3A_406 = arith.constant 0 : i32
          %dma_start3A_407 = tpu.memref_slice %arg4[%add3A_259, %mul3A_396, %add3A, %dma_start3A_405, %dma_start3A_406] : memref<20x125x32x8x128xf32, #tpu.memory_space<hbm>> -> memref<1x4x1x8x128xf32, #tpu.memory_space<hbm>>
          %dma_start3A_408 = tpu.memref_squeeze %dma_start3A_407 : memref<1x4x1x8x128xf32, #tpu.memory_space<hbm>> -> memref<4x8x128xf32, #tpu.memory_space<hbm>>
          %dma_start3A_409 = arith.constant 0 : i32
          %dma_start3A_410 = arith.constant 0 : i32
          %dma_start3A_411 = arith.constant 0 : i32
          %dma_start3A_412 = tpu.memref_slice %arg9[%dma_start3A_409, %dma_start3A_410, %dma_start3A_411] : memref<4x8x129xf32, #tpu.memory_space<vmem>> -> memref<4x8x128xf32, #tpu.memory_space<vmem>>
          tpu.enqueue_dma source(%dma_start3A_412 : memref<4x8x128xf32, #tpu.memory_space<vmem>>) target(%dma_start3A_408 : memref<4x8x128xf32, #tpu.memory_space<hbm>>) target_semaphore(%arg15 : memref<!tpu.dma_semaphore, #tpu.memory_space<semaphore_mem>>)
        } else {
        }
        %eq3A_282 = arith.constant 31 : i32
        %eq3A_283 = arith.cmpi eq, %add3A_184, %eq3A_282 : i32
        %convert_element_type3A_284 = arith.extui %eq3A_283 : i1 to i32
        %cond3A_285 = arith.constant 0 : i32
        %cond3A_286 = arith.cmpi ne, %convert_element_type3A_284, %cond3A_285 : i32
        scf.if %cond3A_286 {
          %dma_start3A_395 = arith.constant 0 : i32
          %dma_start3A_396 = arith.constant 0 : i32
          %dma_start3A_397 = arith.constant 0 : i32
          %dma_start3A_398 = tpu.memref_slice %arg9[%dma_start3A_395, %dma_start3A_396, %dma_start3A_397] : memref<4x8x129xf32, #tpu.memory_space<vmem>> -> memref<1x8x128xf32, #tpu.memory_space<vmem>>
          %dma_start3A_399 = arith.constant 124 : i32
          %dma_start3A_400 = arith.constant 0 : i32
          %dma_start3A_401 = arith.constant 0 : i32
          %dma_start3A_402 = tpu.memref_slice %arg4[%add3A_259, %dma_start3A_399, %add3A, %dma_start3A_400, %dma_start3A_401] : memref<20x125x32x8x128xf32, #tpu.memory_space<hbm>> -> memref<1x1x1x8x128xf32, #tpu.memory_space<hbm>>
          %dma_start3A_403 = tpu.memref_squeeze %dma_start3A_402 : memref<1x1x1x8x128xf32, #tpu.memory_space<hbm>> -> memref<1x8x128xf32, #tpu.memory_space<hbm>>
          %dma_start3A_404 = arith.constant 124 : i32
          %dma_start3A_405 = arith.constant 0 : i32
          %dma_start3A_406 = arith.constant 0 : i32
          %dma_start3A_407 = tpu.memref_slice %arg4[%add3A_259, %dma_start3A_404, %add3A, %dma_start3A_405, %dma_start3A_406] : memref<20x125x32x8x128xf32, #tpu.memory_space<hbm>> -> memref<1x1x1x8x128xf32, #tpu.memory_space<hbm>>
          %dma_start3A_408 = tpu.memref_squeeze %dma_start3A_407 : memref<1x1x1x8x128xf32, #tpu.memory_space<hbm>> -> memref<1x8x128xf32, #tpu.memory_space<hbm>>
          %dma_start3A_409 = arith.constant 0 : i32
          %dma_start3A_410 = arith.constant 0 : i32
          %dma_start3A_411 = arith.constant 0 : i32
          %dma_start3A_412 = tpu.memref_slice %arg9[%dma_start3A_409, %dma_start3A_410, %dma_start3A_411] : memref<4x8x129xf32, #tpu.memory_space<vmem>> -> memref<1x8x128xf32, #tpu.memory_space<vmem>>
          tpu.enqueue_dma source(%dma_start3A_412 : memref<1x8x128xf32, #tpu.memory_space<vmem>>) target(%dma_start3A_408 : memref<1x8x128xf32, #tpu.memory_space<hbm>>) target_semaphore(%arg15 : memref<!tpu.dma_semaphore, #tpu.memory_space<semaphore_mem>>)
        } else {
        }
        %add3A_287 = arith.constant 1 : i32
        %add3A_288 = arith.addi %add3A_257, %add3A_287 : i32
        %eq3A_289 = arith.constant 0 : i32
        %eq3A_290 = arith.cmpi eq, %add3A_184, %eq3A_289 : i32
        %eq3A_291 = arith.constant 0 : i32
        %eq3A_292 = arith.cmpi eq, %add3A_257, %eq3A_291 : i32
        %and3A_293 = arith.andi %eq3A_290, %eq3A_292 : i1
        %eq3A_294 = arith.constant 31 : i32
        %eq3A_295 = arith.cmpi eq, %add3A_184, %eq3A_294 : i32
        %gt3A_296 = arith.constant 0 : i32
        %gt3A_297 = arith.cmpi sgt, %add3A_257, %gt3A_296 : i32
        %and3A_298 = arith.andi %eq3A_295, %gt3A_297 : i1
        %not3A_299 = arith.constant true
        %not3A_300 = arith.xori %and3A_293, %not3A_299 : i1
        %not3A_301 = arith.constant true
        %not3A_302 = arith.xori %and3A_298, %not3A_301 : i1
        %and3A_303 = arith.andi %not3A_300, %not3A_302 : i1
        %convert_element_type3A_304 = arith.extui %and3A_303 : i1 to i32
        %cond3A_305 = arith.constant 0 : i32
        %cond3A_306 = arith.cmpi ne, %convert_element_type3A_304, %cond3A_305 : i32
        scf.if %cond3A_306 {
          %dma_wait3A_395 = arith.constant 0 : i32
          %dma_wait3A_396 = arith.constant 0 : i32
          %dma_wait3A_397 = arith.constant 0 : i32
          %dma_wait3A_398 = arith.constant 0 : i32
          %dma_wait3A_399 = arith.constant 0 : i32
          %dma_wait3A_400 = tpu.memref_slice %arg10[%dma_wait3A_397, %dma_wait3A_398, %dma_wait3A_399] : memref<4x8x129xf32, #tpu.memory_space<vmem>> -> memref<4x8x128xf32, #tpu.memory_space<vmem>>
          %dma_wait3A_401 = arith.constant 0 : i32
          %dma_wait3A_402 = arith.constant 0 : i32
          %dma_wait3A_403 = arith.constant 0 : i32
          %dma_wait3A_404 = tpu.memref_slice %arg4[%dma_wait3A_395, %dma_wait3A_401, %dma_wait3A_396, %dma_wait3A_402, %dma_wait3A_403] : memref<20x125x32x8x128xf32, #tpu.memory_space<hbm>> -> memref<1x4x1x8x128xf32, #tpu.memory_space<hbm>>
          %dma_wait3A_405 = tpu.memref_squeeze %dma_wait3A_404 : memref<1x4x1x8x128xf32, #tpu.memory_space<hbm>> -> memref<4x8x128xf32, #tpu.memory_space<hbm>>
          %dma_wait3A_406 = arith.constant 0 : i32
          %dma_wait3A_407 = arith.constant 0 : i32
          %dma_wait3A_408 = arith.constant 0 : i32
          %dma_wait3A_409 = tpu.memref_slice %arg4[%dma_wait3A_395, %dma_wait3A_406, %dma_wait3A_396, %dma_wait3A_407, %dma_wait3A_408] : memref<20x125x32x8x128xf32, #tpu.memory_space<hbm>> -> memref<1x4x1x8x128xf32, #tpu.memory_space<hbm>>
          %dma_wait3A_410 = tpu.memref_squeeze %dma_wait3A_409 : memref<1x4x1x8x128xf32, #tpu.memory_space<hbm>> -> memref<4x8x128xf32, #tpu.memory_space<hbm>>
          %dma_wait3A_411 = arith.constant 0 : i32
          %dma_wait3A_412 = arith.constant 0 : i32
          %dma_wait3A_413 = arith.constant 0 : i32
          %dma_wait3A_414 = tpu.memref_slice %arg10[%dma_wait3A_411, %dma_wait3A_412, %dma_wait3A_413] : memref<4x8x129xf32, #tpu.memory_space<vmem>> -> memref<4x8x128xf32, #tpu.memory_space<vmem>>
          tpu.wait_dma2 semaphore(%arg16 : memref<!tpu.dma_semaphore, #tpu.memory_space<semaphore_mem>>) src(%dma_wait3A_414 : memref<4x8x128xf32, #tpu.memory_space<vmem>>) dst(%dma_wait3A_410 : memref<4x8x128xf32, #tpu.memory_space<hbm>>)
        } else {
        }
        %convert_element_type3A_307 = arith.extui %and3A_298 : i1 to i32
        %cond3A_308 = arith.constant 0 : i32
        %cond3A_309 = arith.cmpi ne, %convert_element_type3A_307, %cond3A_308 : i32
        scf.if %cond3A_309 {
          %dma_wait3A_395 = arith.constant 0 : i32
          %dma_wait3A_396 = arith.constant 0 : i32
          %dma_wait3A_397 = arith.constant 0 : i32
          %dma_wait3A_398 = arith.constant 0 : i32
          %dma_wait3A_399 = arith.constant 0 : i32
          %dma_wait3A_400 = tpu.memref_slice %arg10[%dma_wait3A_397, %dma_wait3A_398, %dma_wait3A_399] : memref<4x8x129xf32, #tpu.memory_space<vmem>> -> memref<1x8x128xf32, #tpu.memory_space<vmem>>
          %dma_wait3A_401 = arith.constant 0 : i32
          %dma_wait3A_402 = arith.constant 0 : i32
          %dma_wait3A_403 = arith.constant 0 : i32
          %dma_wait3A_404 = tpu.memref_slice %arg4[%dma_wait3A_395, %dma_wait3A_401, %dma_wait3A_396, %dma_wait3A_402, %dma_wait3A_403] : memref<20x125x32x8x128xf32, #tpu.memory_space<hbm>> -> memref<1x1x1x8x128xf32, #tpu.memory_space<hbm>>
          %dma_wait3A_405 = tpu.memref_squeeze %dma_wait3A_404 : memref<1x1x1x8x128xf32, #tpu.memory_space<hbm>> -> memref<1x8x128xf32, #tpu.memory_space<hbm>>
          %dma_wait3A_406 = arith.constant 0 : i32
          %dma_wait3A_407 = arith.constant 0 : i32
          %dma_wait3A_408 = arith.constant 0 : i32
          %dma_wait3A_409 = tpu.memref_slice %arg4[%dma_wait3A_395, %dma_wait3A_406, %dma_wait3A_396, %dma_wait3A_407, %dma_wait3A_408] : memref<20x125x32x8x128xf32, #tpu.memory_space<hbm>> -> memref<1x1x1x8x128xf32, #tpu.memory_space<hbm>>
          %dma_wait3A_410 = tpu.memref_squeeze %dma_wait3A_409 : memref<1x1x1x8x128xf32, #tpu.memory_space<hbm>> -> memref<1x8x128xf32, #tpu.memory_space<hbm>>
          %dma_wait3A_411 = arith.constant 0 : i32
          %dma_wait3A_412 = arith.constant 0 : i32
          %dma_wait3A_413 = arith.constant 0 : i32
          %dma_wait3A_414 = tpu.memref_slice %arg10[%dma_wait3A_411, %dma_wait3A_412, %dma_wait3A_413] : memref<4x8x129xf32, #tpu.memory_space<vmem>> -> memref<1x8x128xf32, #tpu.memory_space<vmem>>
          tpu.wait_dma2 semaphore(%arg16 : memref<!tpu.dma_semaphore, #tpu.memory_space<semaphore_mem>>) src(%dma_wait3A_414 : memref<1x8x128xf32, #tpu.memory_space<vmem>>) dst(%dma_wait3A_410 : memref<1x8x128xf32, #tpu.memory_space<hbm>>)
        } else {
        }
        %parallel_loop3A_310 = arith.constant 0 : i32
        %parallel_loop3A_311 = arith.constant 64 : i32
        %parallel_loop3A_312 = arith.constant 1 : i32
        scf.for %parallel_loop3A_395 = %parallel_loop3A_310 to %parallel_loop3A_311 step %parallel_loop3A_312  : i32 {
          %parallel_loop3A_396 = arith.constant 8 : i32
          %parallel_loop3A_397 = arith.divsi %parallel_loop3A_395, %parallel_loop3A_396 : i32
          %parallel_loop3A_398 = arith.constant 0 : i32
          %parallel_loop3A_399 = arith.cmpi sgt, %parallel_loop3A_395, %parallel_loop3A_398 : i32
          %parallel_loop3A_400 = arith.extui %parallel_loop3A_399 : i1 to i32
          %parallel_loop3A_401 = arith.constant 0 : i32
          %parallel_loop3A_402 = arith.cmpi slt, %parallel_loop3A_395, %parallel_loop3A_401 : i32
          %parallel_loop3A_403 = arith.extui %parallel_loop3A_402 : i1 to i32
          %parallel_loop3A_404 = arith.subi %parallel_loop3A_400, %parallel_loop3A_403 : i32
          %parallel_loop3A_405 = arith.constant 0 : i32
          %parallel_loop3A_406 = arith.cmpi sgt, %parallel_loop3A_396, %parallel_loop3A_405 : i32
          %parallel_loop3A_407 = arith.extui %parallel_loop3A_406 : i1 to i32
          %parallel_loop3A_408 = arith.constant 0 : i32
          %parallel_loop3A_409 = arith.cmpi slt, %parallel_loop3A_396, %parallel_loop3A_408 : i32
          %parallel_loop3A_410 = arith.extui %parallel_loop3A_409 : i1 to i32
          %parallel_loop3A_411 = arith.subi %parallel_loop3A_407, %parallel_loop3A_410 : i32
          %parallel_loop3A_412 = arith.cmpi ne, %parallel_loop3A_404, %parallel_loop3A_411 : i32
          %parallel_loop3A_413 = arith.remsi %parallel_loop3A_395, %parallel_loop3A_396 : i32
          %parallel_loop3A_414 = arith.constant 0 : i32
          %parallel_loop3A_415 = arith.cmpi ne, %parallel_loop3A_413, %parallel_loop3A_414 : i32
          %parallel_loop3A_416 = arith.andi %parallel_loop3A_412, %parallel_loop3A_415 : i1
          %parallel_loop3A_417 = arith.constant 1 : i32
          %parallel_loop3A_418 = arith.subi %parallel_loop3A_397, %parallel_loop3A_417 : i32
          %parallel_loop3A_419 = arith.select %parallel_loop3A_416, %parallel_loop3A_418, %parallel_loop3A_397 : i32
          %parallel_loop3A_420 = arith.constant 16 : i32
          %parallel_loop3A_421 = arith.muli %parallel_loop3A_419, %parallel_loop3A_420 : i32
          %parallel_loop3A_422 = arith.constant 8 : i32
          %parallel_loop3A_423 = arith.remsi %parallel_loop3A_395, %parallel_loop3A_422 : i32
          %parallel_loop3A_424 = arith.addi %parallel_loop3A_421, %parallel_loop3A_423 : i32
          %parallel_loop3A_425 = vector.broadcast %parallel_loop3A_424 : i32 to vector<16xi32>
          %parallel_loop3A_426 = arith.addi %parallel_loop3A_425, %mul3A_29 : vector<16xi32>
          %parallel_loop3A_427 = arith.index_cast %add3A_288 : i32 to index
          %parallel_loop3A_428 = arith.index_cast %parallel_loop3A_395 : i32 to index
          %parallel_loop3A_429 = arith.constant 0 : index
          %parallel_loop3A_430 = tpu.vector_load %arg6[%parallel_loop3A_427, %parallel_loop3A_428, %parallel_loop3A_429] {strides = array<i32>} : memref<20x64x16xi32, #tpu.memory_space<vmem>>, vector<16xi32>,
          %parallel_loop3A_431 = arith.constant 0 : i32
          %parallel_loop3A_432 = vector.broadcast %parallel_loop3A_431 : i32 to vector<16xi32>
          %parallel_loop3A_433 = arith.addi %rem3A_2, %parallel_loop3A_432 : vector<16xi32>
          %parallel_loop3A_434 = tpu.vector_load_idx %arg7[%parallel_loop3A_430, %parallel_loop3A_433] : memref<1000x33xf32, #tpu.memory_space<vmem>>[vector<16xi32>, vector<16xi32>], vector<16xf32>,
          %parallel_loop3A_435 = arith.constant 0 : i32
          %parallel_loop3A_436 = vector.broadcast %parallel_loop3A_435 : i32 to vector<16xi32>
          tpu.vector_store_idx %arg10[%parallel_loop3A_436, %rem3A_2, %parallel_loop3A_426], %parallel_loop3A_434 : memref<4x8x129xf32, #tpu.memory_space<vmem>>[vector<16xi32>, vector<16xi32>, vector<16xi32>], vector<16xf32>,
          %parallel_loop3A_437 = arith.constant 8 : i32
          %parallel_loop3A_438 = vector.broadcast %parallel_loop3A_437 : i32 to vector<16xi32>
          %parallel_loop3A_439 = arith.addi %rem3A_2, %parallel_loop3A_438 : vector<16xi32>
          %parallel_loop3A_440 = tpu.vector_load_idx %arg7[%parallel_loop3A_430, %parallel_loop3A_439] : memref<1000x33xf32, #tpu.memory_space<vmem>>[vector<16xi32>, vector<16xi32>], vector<16xf32>,
          %parallel_loop3A_441 = arith.constant 1 : i32
          %parallel_loop3A_442 = vector.broadcast %parallel_loop3A_441 : i32 to vector<16xi32>
          tpu.vector_store_idx %arg10[%parallel_loop3A_442, %rem3A_2, %parallel_loop3A_426], %parallel_loop3A_440 : memref<4x8x129xf32, #tpu.memory_space<vmem>>[vector<16xi32>, vector<16xi32>, vector<16xi32>], vector<16xf32>,
          %parallel_loop3A_443 = arith.constant 16 : i32
          %parallel_loop3A_444 = vector.broadcast %parallel_loop3A_443 : i32 to vector<16xi32>
          %parallel_loop3A_445 = arith.addi %rem3A_2, %parallel_loop3A_444 : vector<16xi32>
          %parallel_loop3A_446 = tpu.vector_load_idx %arg7[%parallel_loop3A_430, %parallel_loop3A_445] : memref<1000x33xf32, #tpu.memory_space<vmem>>[vector<16xi32>, vector<16xi32>], vector<16xf32>,
          %parallel_loop3A_447 = arith.constant 2 : i32
          %parallel_loop3A_448 = vector.broadcast %parallel_loop3A_447 : i32 to vector<16xi32>
          tpu.vector_store_idx %arg10[%parallel_loop3A_448, %rem3A_2, %parallel_loop3A_426], %parallel_loop3A_446 : memref<4x8x129xf32, #tpu.memory_space<vmem>>[vector<16xi32>, vector<16xi32>, vector<16xi32>], vector<16xf32>,
          %parallel_loop3A_449 = arith.constant 24 : i32
          %parallel_loop3A_450 = vector.broadcast %parallel_loop3A_449 : i32 to vector<16xi32>
          %parallel_loop3A_451 = arith.addi %rem3A_2, %parallel_loop3A_450 : vector<16xi32>
          %parallel_loop3A_452 = tpu.vector_load_idx %arg7[%parallel_loop3A_430, %parallel_loop3A_451] : memref<1000x33xf32, #tpu.memory_space<vmem>>[vector<16xi32>, vector<16xi32>], vector<16xf32>,
          %parallel_loop3A_453 = arith.constant 3 : i32
          %parallel_loop3A_454 = vector.broadcast %parallel_loop3A_453 : i32 to vector<16xi32>
          tpu.vector_store_idx %arg10[%parallel_loop3A_454, %rem3A_2, %parallel_loop3A_426], %parallel_loop3A_452 : memref<4x8x129xf32, #tpu.memory_space<vmem>>[vector<16xi32>, vector<16xi32>, vector<16xi32>], vector<16xf32>,
        } {sc.loop_unroll_factor = 4 : i64, sc.parallel_access}
        %lt3A_313 = arith.constant 31 : i32
        %lt3A_314 = arith.cmpi slt, %add3A_184, %lt3A_313 : i32
        %convert_element_type3A_315 = arith.extui %lt3A_314 : i1 to i32
        %cond3A_316 = arith.constant 0 : i32
        %cond3A_317 = arith.cmpi ne, %convert_element_type3A_315, %cond3A_316 : i32
        scf.if %cond3A_317 {
          %mul3A_395 = arith.constant 4 : i32
          %mul3A_396 = arith.muli %add3A_184, %mul3A_395 : i32
          %dma_start3A_397 = arith.constant 0 : i32
          %dma_start3A_398 = arith.constant 0 : i32
          %dma_start3A_399 = arith.constant 0 : i32
          %dma_start3A_400 = tpu.memref_slice %arg10[%dma_start3A_397, %dma_start3A_398, %dma_start3A_399] : memref<4x8x129xf32, #tpu.memory_space<vmem>> -> memref<4x8x128xf32, #tpu.memory_space<vmem>>
          %dma_start3A_401 = arith.constant 0 : i32
          %dma_start3A_402 = arith.constant 0 : i32
          %dma_start3A_403 = tpu.memref_slice %arg4[%add3A_288, %mul3A_396, %add3A, %dma_start3A_401, %dma_start3A_402] : memref<20x125x32x8x128xf32, #tpu.memory_space<hbm>> -> memref<1x4x1x8x128xf32, #tpu.memory_space<hbm>>
          %dma_start3A_404 = tpu.memref_squeeze %dma_start3A_403 : memref<1x4x1x8x128xf32, #tpu.memory_space<hbm>> -> memref<4x8x128xf32, #tpu.memory_space<hbm>>
          %dma_start3A_405 = arith.constant 0 : i32
          %dma_start3A_406 = arith.constant 0 : i32
          %dma_start3A_407 = tpu.memref_slice %arg4[%add3A_288, %mul3A_396, %add3A, %dma_start3A_405, %dma_start3A_406] : memref<20x125x32x8x128xf32, #tpu.memory_space<hbm>> -> memref<1x4x1x8x128xf32, #tpu.memory_space<hbm>>
          %dma_start3A_408 = tpu.memref_squeeze %dma_start3A_407 : memref<1x4x1x8x128xf32, #tpu.memory_space<hbm>> -> memref<4x8x128xf32, #tpu.memory_space<hbm>>
          %dma_start3A_409 = arith.constant 0 : i32
          %dma_start3A_410 = arith.constant 0 : i32
          %dma_start3A_411 = arith.constant 0 : i32
          %dma_start3A_412 = tpu.memref_slice %arg10[%dma_start3A_409, %dma_start3A_410, %dma_start3A_411] : memref<4x8x129xf32, #tpu.memory_space<vmem>> -> memref<4x8x128xf32, #tpu.memory_space<vmem>>
          tpu.enqueue_dma source(%dma_start3A_412 : memref<4x8x128xf32, #tpu.memory_space<vmem>>) target(%dma_start3A_408 : memref<4x8x128xf32, #tpu.memory_space<hbm>>) target_semaphore(%arg16 : memref<!tpu.dma_semaphore, #tpu.memory_space<semaphore_mem>>)
        } else {
        }
        %eq3A_318 = arith.constant 31 : i32
        %eq3A_319 = arith.cmpi eq, %add3A_184, %eq3A_318 : i32
        %convert_element_type3A_320 = arith.extui %eq3A_319 : i1 to i32
        %cond3A_321 = arith.constant 0 : i32
        %cond3A_322 = arith.cmpi ne, %convert_element_type3A_320, %cond3A_321 : i32
        scf.if %cond3A_322 {
          %dma_start3A_395 = arith.constant 0 : i32
          %dma_start3A_396 = arith.constant 0 : i32
          %dma_start3A_397 = arith.constant 0 : i32
          %dma_start3A_398 = tpu.memref_slice %arg10[%dma_start3A_395, %dma_start3A_396, %dma_start3A_397] : memref<4x8x129xf32, #tpu.memory_space<vmem>> -> memref<1x8x128xf32, #tpu.memory_space<vmem>>
          %dma_start3A_399 = arith.constant 124 : i32
          %dma_start3A_400 = arith.constant 0 : i32
          %dma_start3A_401 = arith.constant 0 : i32
          %dma_start3A_402 = tpu.memref_slice %arg4[%add3A_288, %dma_start3A_399, %add3A, %dma_start3A_400, %dma_start3A_401] : memref<20x125x32x8x128xf32, #tpu.memory_space<hbm>> -> memref<1x1x1x8x128xf32, #tpu.memory_space<hbm>>
          %dma_start3A_403 = tpu.memref_squeeze %dma_start3A_402 : memref<1x1x1x8x128xf32, #tpu.memory_space<hbm>> -> memref<1x8x128xf32, #tpu.memory_space<hbm>>
          %dma_start3A_404 = arith.constant 124 : i32
          %dma_start3A_405 = arith.constant 0 : i32
          %dma_start3A_406 = arith.constant 0 : i32
          %dma_start3A_407 = tpu.memref_slice %arg4[%add3A_288, %dma_start3A_404, %add3A, %dma_start3A_405, %dma_start3A_406] : memref<20x125x32x8x128xf32, #tpu.memory_space<hbm>> -> memref<1x1x1x8x128xf32, #tpu.memory_space<hbm>>
          %dma_start3A_408 = tpu.memref_squeeze %dma_start3A_407 : memref<1x1x1x8x128xf32, #tpu.memory_space<hbm>> -> memref<1x8x128xf32, #tpu.memory_space<hbm>>
          %dma_start3A_409 = arith.constant 0 : i32
          %dma_start3A_410 = arith.constant 0 : i32
          %dma_start3A_411 = arith.constant 0 : i32
          %dma_start3A_412 = tpu.memref_slice %arg10[%dma_start3A_409, %dma_start3A_410, %dma_start3A_411] : memref<4x8x129xf32, #tpu.memory_space<vmem>> -> memref<1x8x128xf32, #tpu.memory_space<vmem>>
          tpu.enqueue_dma source(%dma_start3A_412 : memref<1x8x128xf32, #tpu.memory_space<vmem>>) target(%dma_start3A_408 : memref<1x8x128xf32, #tpu.memory_space<hbm>>) target_semaphore(%arg16 : memref<!tpu.dma_semaphore, #tpu.memory_space<semaphore_mem>>)
        } else {
        }
        %add3A_323 = arith.constant 2 : i32
        %add3A_324 = arith.addi %add3A_257, %add3A_323 : i32
        %eq3A_325 = arith.constant 0 : i32
        %eq3A_326 = arith.cmpi eq, %add3A_184, %eq3A_325 : i32
        %eq3A_327 = arith.constant 0 : i32
        %eq3A_328 = arith.cmpi eq, %add3A_257, %eq3A_327 : i32
        %and3A_329 = arith.andi %eq3A_326, %eq3A_328 : i1
        %eq3A_330 = arith.constant 31 : i32
        %eq3A_331 = arith.cmpi eq, %add3A_184, %eq3A_330 : i32
        %gt3A_332 = arith.constant 0 : i32
        %gt3A_333 = arith.cmpi sgt, %add3A_257, %gt3A_332 : i32
        %and3A_334 = arith.andi %eq3A_331, %gt3A_333 : i1
        %not3A_335 = arith.constant true
        %not3A_336 = arith.xori %and3A_329, %not3A_335 : i1
        %not3A_337 = arith.constant true
        %not3A_338 = arith.xori %and3A_334, %not3A_337 : i1
        %and3A_339 = arith.andi %not3A_336, %not3A_338 : i1
        %convert_element_type3A_340 = arith.extui %and3A_339 : i1 to i32
        %cond3A_341 = arith.constant 0 : i32
        %cond3A_342 = arith.cmpi ne, %convert_element_type3A_340, %cond3A_341 : i32
        scf.if %cond3A_342 {
          %dma_wait3A_395 = arith.constant 0 : i32
          %dma_wait3A_396 = arith.constant 0 : i32
          %dma_wait3A_397 = arith.constant 0 : i32
          %dma_wait3A_398 = arith.constant 0 : i32
          %dma_wait3A_399 = arith.constant 0 : i32
          %dma_wait3A_400 = tpu.memref_slice %arg11[%dma_wait3A_397, %dma_wait3A_398, %dma_wait3A_399] : memref<4x8x129xf32, #tpu.memory_space<vmem>> -> memref<4x8x128xf32, #tpu.memory_space<vmem>>
          %dma_wait3A_401 = arith.constant 0 : i32
          %dma_wait3A_402 = arith.constant 0 : i32
          %dma_wait3A_403 = arith.constant 0 : i32
          %dma_wait3A_404 = tpu.memref_slice %arg4[%dma_wait3A_395, %dma_wait3A_401, %dma_wait3A_396, %dma_wait3A_402, %dma_wait3A_403] : memref<20x125x32x8x128xf32, #tpu.memory_space<hbm>> -> memref<1x4x1x8x128xf32, #tpu.memory_space<hbm>>
          %dma_wait3A_405 = tpu.memref_squeeze %dma_wait3A_404 : memref<1x4x1x8x128xf32, #tpu.memory_space<hbm>> -> memref<4x8x128xf32, #tpu.memory_space<hbm>>
          %dma_wait3A_406 = arith.constant 0 : i32
          %dma_wait3A_407 = arith.constant 0 : i32
          %dma_wait3A_408 = arith.constant 0 : i32
          %dma_wait3A_409 = tpu.memref_slice %arg4[%dma_wait3A_395, %dma_wait3A_406, %dma_wait3A_396, %dma_wait3A_407, %dma_wait3A_408] : memref<20x125x32x8x128xf32, #tpu.memory_space<hbm>> -> memref<1x4x1x8x128xf32, #tpu.memory_space<hbm>>
          %dma_wait3A_410 = tpu.memref_squeeze %dma_wait3A_409 : memref<1x4x1x8x128xf32, #tpu.memory_space<hbm>> -> memref<4x8x128xf32, #tpu.memory_space<hbm>>
          %dma_wait3A_411 = arith.constant 0 : i32
          %dma_wait3A_412 = arith.constant 0 : i32
          %dma_wait3A_413 = arith.constant 0 : i32
          %dma_wait3A_414 = tpu.memref_slice %arg11[%dma_wait3A_411, %dma_wait3A_412, %dma_wait3A_413] : memref<4x8x129xf32, #tpu.memory_space<vmem>> -> memref<4x8x128xf32, #tpu.memory_space<vmem>>
          tpu.wait_dma2 semaphore(%arg17 : memref<!tpu.dma_semaphore, #tpu.memory_space<semaphore_mem>>) src(%dma_wait3A_414 : memref<4x8x128xf32, #tpu.memory_space<vmem>>) dst(%dma_wait3A_410 : memref<4x8x128xf32, #tpu.memory_space<hbm>>)
        } else {
        }
        %convert_element_type3A_343 = arith.extui %and3A_334 : i1 to i32
        %cond3A_344 = arith.constant 0 : i32
        %cond3A_345 = arith.cmpi ne, %convert_element_type3A_343, %cond3A_344 : i32
        scf.if %cond3A_345 {
          %dma_wait3A_395 = arith.constant 0 : i32
          %dma_wait3A_396 = arith.constant 0 : i32
          %dma_wait3A_397 = arith.constant 0 : i32
          %dma_wait3A_398 = arith.constant 0 : i32
          %dma_wait3A_399 = arith.constant 0 : i32
          %dma_wait3A_400 = tpu.memref_slice %arg11[%dma_wait3A_397, %dma_wait3A_398, %dma_wait3A_399] : memref<4x8x129xf32, #tpu.memory_space<vmem>> -> memref<1x8x128xf32, #tpu.memory_space<vmem>>
          %dma_wait3A_401 = arith.constant 0 : i32
          %dma_wait3A_402 = arith.constant 0 : i32
          %dma_wait3A_403 = arith.constant 0 : i32
          %dma_wait3A_404 = tpu.memref_slice %arg4[%dma_wait3A_395, %dma_wait3A_401, %dma_wait3A_396, %dma_wait3A_402, %dma_wait3A_403] : memref<20x125x32x8x128xf32, #tpu.memory_space<hbm>> -> memref<1x1x1x8x128xf32, #tpu.memory_space<hbm>>
          %dma_wait3A_405 = tpu.memref_squeeze %dma_wait3A_404 : memref<1x1x1x8x128xf32, #tpu.memory_space<hbm>> -> memref<1x8x128xf32, #tpu.memory_space<hbm>>
          %dma_wait3A_406 = arith.constant 0 : i32
          %dma_wait3A_407 = arith.constant 0 : i32
          %dma_wait3A_408 = arith.constant 0 : i32
          %dma_wait3A_409 = tpu.memref_slice %arg4[%dma_wait3A_395, %dma_wait3A_406, %dma_wait3A_396, %dma_wait3A_407, %dma_wait3A_408] : memref<20x125x32x8x128xf32, #tpu.memory_space<hbm>> -> memref<1x1x1x8x128xf32, #tpu.memory_space<hbm>>
          %dma_wait3A_410 = tpu.memref_squeeze %dma_wait3A_409 : memref<1x1x1x8x128xf32, #tpu.memory_space<hbm>> -> memref<1x8x128xf32, #tpu.memory_space<hbm>>
          %dma_wait3A_411 = arith.constant 0 : i32
          %dma_wait3A_412 = arith.constant 0 : i32
          %dma_wait3A_413 = arith.constant 0 : i32
          %dma_wait3A_414 = tpu.memref_slice %arg11[%dma_wait3A_411, %dma_wait3A_412, %dma_wait3A_413] : memref<4x8x129xf32, #tpu.memory_space<vmem>> -> memref<1x8x128xf32, #tpu.memory_space<vmem>>
          tpu.wait_dma2 semaphore(%arg17 : memref<!tpu.dma_semaphore, #tpu.memory_space<semaphore_mem>>) src(%dma_wait3A_414 : memref<1x8x128xf32, #tpu.memory_space<vmem>>) dst(%dma_wait3A_410 : memref<1x8x128xf32, #tpu.memory_space<hbm>>)
        } else {
        }
        %parallel_loop3A_346 = arith.constant 0 : i32
        %parallel_loop3A_347 = arith.constant 64 : i32
        %parallel_loop3A_348 = arith.constant 1 : i32
        scf.for %parallel_loop3A_395 = %parallel_loop3A_346 to %parallel_loop3A_347 step %parallel_loop3A_348  : i32 {
          %parallel_loop3A_396 = arith.constant 8 : i32
          %parallel_loop3A_397 = arith.divsi %parallel_loop3A_395, %parallel_loop3A_396 : i32
          %parallel_loop3A_398 = arith.constant 0 : i32
          %parallel_loop3A_399 = arith.cmpi sgt, %parallel_loop3A_395, %parallel_loop3A_398 : i32
          %parallel_loop3A_400 = arith.extui %parallel_loop3A_399 : i1 to i32
          %parallel_loop3A_401 = arith.constant 0 : i32
          %parallel_loop3A_402 = arith.cmpi slt, %parallel_loop3A_395, %parallel_loop3A_401 : i32
          %parallel_loop3A_403 = arith.extui %parallel_loop3A_402 : i1 to i32
          %parallel_loop3A_404 = arith.subi %parallel_loop3A_400, %parallel_loop3A_403 : i32
          %parallel_loop3A_405 = arith.constant 0 : i32
          %parallel_loop3A_406 = arith.cmpi sgt, %parallel_loop3A_396, %parallel_loop3A_405 : i32
          %parallel_loop3A_407 = arith.extui %parallel_loop3A_406 : i1 to i32
          %parallel_loop3A_408 = arith.constant 0 : i32
          %parallel_loop3A_409 = arith.cmpi slt, %parallel_loop3A_396, %parallel_loop3A_408 : i32
          %parallel_loop3A_410 = arith.extui %parallel_loop3A_409 : i1 to i32
          %parallel_loop3A_411 = arith.subi %parallel_loop3A_407, %parallel_loop3A_410 : i32
          %parallel_loop3A_412 = arith.cmpi ne, %parallel_loop3A_404, %parallel_loop3A_411 : i32
          %parallel_loop3A_413 = arith.remsi %parallel_loop3A_395, %parallel_loop3A_396 : i32
          %parallel_loop3A_414 = arith.constant 0 : i32
          %parallel_loop3A_415 = arith.cmpi ne, %parallel_loop3A_413, %parallel_loop3A_414 : i32
          %parallel_loop3A_416 = arith.andi %parallel_loop3A_412, %parallel_loop3A_415 : i1
          %parallel_loop3A_417 = arith.constant 1 : i32
          %parallel_loop3A_418 = arith.subi %parallel_loop3A_397, %parallel_loop3A_417 : i32
          %parallel_loop3A_419 = arith.select %parallel_loop3A_416, %parallel_loop3A_418, %parallel_loop3A_397 : i32
          %parallel_loop3A_420 = arith.constant 16 : i32
          %parallel_loop3A_421 = arith.muli %parallel_loop3A_419, %parallel_loop3A_420 : i32
          %parallel_loop3A_422 = arith.constant 8 : i32
          %parallel_loop3A_423 = arith.remsi %parallel_loop3A_395, %parallel_loop3A_422 : i32
          %parallel_loop3A_424 = arith.addi %parallel_loop3A_421, %parallel_loop3A_423 : i32
          %parallel_loop3A_425 = vector.broadcast %parallel_loop3A_424 : i32 to vector<16xi32>
          %parallel_loop3A_426 = arith.addi %parallel_loop3A_425, %mul3A_29 : vector<16xi32>
          %parallel_loop3A_427 = arith.index_cast %add3A_324 : i32 to index
          %parallel_loop3A_428 = arith.index_cast %parallel_loop3A_395 : i32 to index
          %parallel_loop3A_429 = arith.constant 0 : index
          %parallel_loop3A_430 = tpu.vector_load %arg6[%parallel_loop3A_427, %parallel_loop3A_428, %parallel_loop3A_429] {strides = array<i32>} : memref<20x64x16xi32, #tpu.memory_space<vmem>>, vector<16xi32>,
          %parallel_loop3A_431 = arith.constant 0 : i32
          %parallel_loop3A_432 = vector.broadcast %parallel_loop3A_431 : i32 to vector<16xi32>
          %parallel_loop3A_433 = arith.addi %rem3A_2, %parallel_loop3A_432 : vector<16xi32>
          %parallel_loop3A_434 = tpu.vector_load_idx %arg7[%parallel_loop3A_430, %parallel_loop3A_433] : memref<1000x33xf32, #tpu.memory_space<vmem>>[vector<16xi32>, vector<16xi32>], vector<16xf32>,
          %parallel_loop3A_435 = arith.constant 0 : i32
          %parallel_loop3A_436 = vector.broadcast %parallel_loop3A_435 : i32 to vector<16xi32>
          tpu.vector_store_idx %arg11[%parallel_loop3A_436, %rem3A_2, %parallel_loop3A_426], %parallel_loop3A_434 : memref<4x8x129xf32, #tpu.memory_space<vmem>>[vector<16xi32>, vector<16xi32>, vector<16xi32>], vector<16xf32>,
          %parallel_loop3A_437 = arith.constant 8 : i32
          %parallel_loop3A_438 = vector.broadcast %parallel_loop3A_437 : i32 to vector<16xi32>
          %parallel_loop3A_439 = arith.addi %rem3A_2, %parallel_loop3A_438 : vector<16xi32>
          %parallel_loop3A_440 = tpu.vector_load_idx %arg7[%parallel_loop3A_430, %parallel_loop3A_439] : memref<1000x33xf32, #tpu.memory_space<vmem>>[vector<16xi32>, vector<16xi32>], vector<16xf32>,
          %parallel_loop3A_441 = arith.constant 1 : i32
          %parallel_loop3A_442 = vector.broadcast %parallel_loop3A_441 : i32 to vector<16xi32>
          tpu.vector_store_idx %arg11[%parallel_loop3A_442, %rem3A_2, %parallel_loop3A_426], %parallel_loop3A_440 : memref<4x8x129xf32, #tpu.memory_space<vmem>>[vector<16xi32>, vector<16xi32>, vector<16xi32>], vector<16xf32>,
          %parallel_loop3A_443 = arith.constant 16 : i32
          %parallel_loop3A_444 = vector.broadcast %parallel_loop3A_443 : i32 to vector<16xi32>
          %parallel_loop3A_445 = arith.addi %rem3A_2, %parallel_loop3A_444 : vector<16xi32>
          %parallel_loop3A_446 = tpu.vector_load_idx %arg7[%parallel_loop3A_430, %parallel_loop3A_445] : memref<1000x33xf32, #tpu.memory_space<vmem>>[vector<16xi32>, vector<16xi32>], vector<16xf32>,
          %parallel_loop3A_447 = arith.constant 2 : i32
          %parallel_loop3A_448 = vector.broadcast %parallel_loop3A_447 : i32 to vector<16xi32>
          tpu.vector_store_idx %arg11[%parallel_loop3A_448, %rem3A_2, %parallel_loop3A_426], %parallel_loop3A_446 : memref<4x8x129xf32, #tpu.memory_space<vmem>>[vector<16xi32>, vector<16xi32>, vector<16xi32>], vector<16xf32>,
          %parallel_loop3A_449 = arith.constant 24 : i32
          %parallel_loop3A_450 = vector.broadcast %parallel_loop3A_449 : i32 to vector<16xi32>
          %parallel_loop3A_451 = arith.addi %rem3A_2, %parallel_loop3A_450 : vector<16xi32>
          %parallel_loop3A_452 = tpu.vector_load_idx %arg7[%parallel_loop3A_430, %parallel_loop3A_451] : memref<1000x33xf32, #tpu.memory_space<vmem>>[vector<16xi32>, vector<16xi32>], vector<16xf32>,
          %parallel_loop3A_453 = arith.constant 3 : i32
          %parallel_loop3A_454 = vector.broadcast %parallel_loop3A_453 : i32 to vector<16xi32>
          tpu.vector_store_idx %arg11[%parallel_loop3A_454, %rem3A_2, %parallel_loop3A_426], %parallel_loop3A_452 : memref<4x8x129xf32, #tpu.memory_space<vmem>>[vector<16xi32>, vector<16xi32>, vector<16xi32>], vector<16xf32>,
        } {sc.loop_unroll_factor = 4 : i64, sc.parallel_access}
        %lt3A_349 = arith.constant 31 : i32
        %lt3A_350 = arith.cmpi slt, %add3A_184, %lt3A_349 : i32
        %convert_element_type3A_351 = arith.extui %lt3A_350 : i1 to i32
        %cond3A_352 = arith.constant 0 : i32
        %cond3A_353 = arith.cmpi ne, %convert_element_type3A_351, %cond3A_352 : i32
        scf.if %cond3A_353 {
          %mul3A_395 = arith.constant 4 : i32
          %mul3A_396 = arith.muli %add3A_184, %mul3A_395 : i32
          %dma_start3A_397 = arith.constant 0 : i32
          %dma_start3A_398 = arith.constant 0 : i32
          %dma_start3A_399 = arith.constant 0 : i32
          %dma_start3A_400 = tpu.memref_slice %arg11[%dma_start3A_397, %dma_start3A_398, %dma_start3A_399] : memref<4x8x129xf32, #tpu.memory_space<vmem>> -> memref<4x8x128xf32, #tpu.memory_space<vmem>>
          %dma_start3A_401 = arith.constant 0 : i32
          %dma_start3A_402 = arith.constant 0 : i32
          %dma_start3A_403 = tpu.memref_slice %arg4[%add3A_324, %mul3A_396, %add3A, %dma_start3A_401, %dma_start3A_402] : memref<20x125x32x8x128xf32, #tpu.memory_space<hbm>> -> memref<1x4x1x8x128xf32, #tpu.memory_space<hbm>>
          %dma_start3A_404 = tpu.memref_squeeze %dma_start3A_403 : memref<1x4x1x8x128xf32, #tpu.memory_space<hbm>> -> memref<4x8x128xf32, #tpu.memory_space<hbm>>
          %dma_start3A_405 = arith.constant 0 : i32
          %dma_start3A_406 = arith.constant 0 : i32
          %dma_start3A_407 = tpu.memref_slice %arg4[%add3A_324, %mul3A_396, %add3A, %dma_start3A_405, %dma_start3A_406] : memref<20x125x32x8x128xf32, #tpu.memory_space<hbm>> -> memref<1x4x1x8x128xf32, #tpu.memory_space<hbm>>
          %dma_start3A_408 = tpu.memref_squeeze %dma_start3A_407 : memref<1x4x1x8x128xf32, #tpu.memory_space<hbm>> -> memref<4x8x128xf32, #tpu.memory_space<hbm>>
          %dma_start3A_409 = arith.constant 0 : i32
          %dma_start3A_410 = arith.constant 0 : i32
          %dma_start3A_411 = arith.constant 0 : i32
          %dma_start3A_412 = tpu.memref_slice %arg11[%dma_start3A_409, %dma_start3A_410, %dma_start3A_411] : memref<4x8x129xf32, #tpu.memory_space<vmem>> -> memref<4x8x128xf32, #tpu.memory_space<vmem>>
          tpu.enqueue_dma source(%dma_start3A_412 : memref<4x8x128xf32, #tpu.memory_space<vmem>>) target(%dma_start3A_408 : memref<4x8x128xf32, #tpu.memory_space<hbm>>) target_semaphore(%arg17 : memref<!tpu.dma_semaphore, #tpu.memory_space<semaphore_mem>>)
        } else {
        }
        %eq3A_354 = arith.constant 31 : i32
        %eq3A_355 = arith.cmpi eq, %add3A_184, %eq3A_354 : i32
        %convert_element_type3A_356 = arith.extui %eq3A_355 : i1 to i32
        %cond3A_357 = arith.constant 0 : i32
        %cond3A_358 = arith.cmpi ne, %convert_element_type3A_356, %cond3A_357 : i32
        scf.if %cond3A_358 {
          %dma_start3A_395 = arith.constant 0 : i32
          %dma_start3A_396 = arith.constant 0 : i32
          %dma_start3A_397 = arith.constant 0 : i32
          %dma_start3A_398 = tpu.memref_slice %arg11[%dma_start3A_395, %dma_start3A_396, %dma_start3A_397] : memref<4x8x129xf32, #tpu.memory_space<vmem>> -> memref<1x8x128xf32, #tpu.memory_space<vmem>>
          %dma_start3A_399 = arith.constant 124 : i32
          %dma_start3A_400 = arith.constant 0 : i32
          %dma_start3A_401 = arith.constant 0 : i32
          %dma_start3A_402 = tpu.memref_slice %arg4[%add3A_324, %dma_start3A_399, %add3A, %dma_start3A_400, %dma_start3A_401] : memref<20x125x32x8x128xf32, #tpu.memory_space<hbm>> -> memref<1x1x1x8x128xf32, #tpu.memory_space<hbm>>
          %dma_start3A_403 = tpu.memref_squeeze %dma_start3A_402 : memref<1x1x1x8x128xf32, #tpu.memory_space<hbm>> -> memref<1x8x128xf32, #tpu.memory_space<hbm>>
          %dma_start3A_404 = arith.constant 124 : i32
          %dma_start3A_405 = arith.constant 0 : i32
          %dma_start3A_406 = arith.constant 0 : i32
          %dma_start3A_407 = tpu.memref_slice %arg4[%add3A_324, %dma_start3A_404, %add3A, %dma_start3A_405, %dma_start3A_406] : memref<20x125x32x8x128xf32, #tpu.memory_space<hbm>> -> memref<1x1x1x8x128xf32, #tpu.memory_space<hbm>>
          %dma_start3A_408 = tpu.memref_squeeze %dma_start3A_407 : memref<1x1x1x8x128xf32, #tpu.memory_space<hbm>> -> memref<1x8x128xf32, #tpu.memory_space<hbm>>
          %dma_start3A_409 = arith.constant 0 : i32
          %dma_start3A_410 = arith.constant 0 : i32
          %dma_start3A_411 = arith.constant 0 : i32
          %dma_start3A_412 = tpu.memref_slice %arg11[%dma_start3A_409, %dma_start3A_410, %dma_start3A_411] : memref<4x8x129xf32, #tpu.memory_space<vmem>> -> memref<1x8x128xf32, #tpu.memory_space<vmem>>
          tpu.enqueue_dma source(%dma_start3A_412 : memref<1x8x128xf32, #tpu.memory_space<vmem>>) target(%dma_start3A_408 : memref<1x8x128xf32, #tpu.memory_space<hbm>>) target_semaphore(%arg17 : memref<!tpu.dma_semaphore, #tpu.memory_space<semaphore_mem>>)
        } else {
        }
        %add3A_359 = arith.constant 3 : i32
        %add3A_360 = arith.addi %add3A_257, %add3A_359 : i32
        %eq3A_361 = arith.constant 0 : i32
        %eq3A_362 = arith.cmpi eq, %add3A_184, %eq3A_361 : i32
        %eq3A_363 = arith.constant 0 : i32
        %eq3A_364 = arith.cmpi eq, %add3A_257, %eq3A_363 : i32
        %and3A_365 = arith.andi %eq3A_362, %eq3A_364 : i1
        %eq3A_366 = arith.constant 31 : i32
        %eq3A_367 = arith.cmpi eq, %add3A_184, %eq3A_366 : i32
        %gt3A_368 = arith.constant 0 : i32
        %gt3A_369 = arith.cmpi sgt, %add3A_257, %gt3A_368 : i32
        %and3A_370 = arith.andi %eq3A_367, %gt3A_369 : i1
        %not3A_371 = arith.constant true
        %not3A_372 = arith.xori %and3A_365, %not3A_371 : i1
        %not3A_373 = arith.constant true
        %not3A_374 = arith.xori %and3A_370, %not3A_373 : i1
        %and3A_375 = arith.andi %not3A_372, %not3A_374 : i1
        %convert_element_type3A_376 = arith.extui %and3A_375 : i1 to i32
        %cond3A_377 = arith.constant 0 : i32
        %cond3A_378 = arith.cmpi ne, %convert_element_type3A_376, %cond3A_377 : i32
        scf.if %cond3A_378 {
          %dma_wait3A_395 = arith.constant 0 : i32
          %dma_wait3A_396 = arith.constant 0 : i32
          %dma_wait3A_397 = arith.constant 0 : i32
          %dma_wait3A_398 = arith.constant 0 : i32
          %dma_wait3A_399 = arith.constant 0 : i32
          %dma_wait3A_400 = tpu.memref_slice %arg12[%dma_wait3A_397, %dma_wait3A_398, %dma_wait3A_399] : memref<4x8x129xf32, #tpu.memory_space<vmem>> -> memref<4x8x128xf32, #tpu.memory_space<vmem>>
          %dma_wait3A_401 = arith.constant 0 : i32
          %dma_wait3A_402 = arith.constant 0 : i32
          %dma_wait3A_403 = arith.constant 0 : i32
          %dma_wait3A_404 = tpu.memref_slice %arg4[%dma_wait3A_395, %dma_wait3A_401, %dma_wait3A_396, %dma_wait3A_402, %dma_wait3A_403] : memref<20x125x32x8x128xf32, #tpu.memory_space<hbm>> -> memref<1x4x1x8x128xf32, #tpu.memory_space<hbm>>
          %dma_wait3A_405 = tpu.memref_squeeze %dma_wait3A_404 : memref<1x4x1x8x128xf32, #tpu.memory_space<hbm>> -> memref<4x8x128xf32, #tpu.memory_space<hbm>>
          %dma_wait3A_406 = arith.constant 0 : i32
          %dma_wait3A_407 = arith.constant 0 : i32
          %dma_wait3A_408 = arith.constant 0 : i32
          %dma_wait3A_409 = tpu.memref_slice %arg4[%dma_wait3A_395, %dma_wait3A_406, %dma_wait3A_396, %dma_wait3A_407, %dma_wait3A_408] : memref<20x125x32x8x128xf32, #tpu.memory_space<hbm>> -> memref<1x4x1x8x128xf32, #tpu.memory_space<hbm>>
          %dma_wait3A_410 = tpu.memref_squeeze %dma_wait3A_409 : memref<1x4x1x8x128xf32, #tpu.memory_space<hbm>> -> memref<4x8x128xf32, #tpu.memory_space<hbm>>
          %dma_wait3A_411 = arith.constant 0 : i32
          %dma_wait3A_412 = arith.constant 0 : i32
          %dma_wait3A_413 = arith.constant 0 : i32
          %dma_wait3A_414 = tpu.memref_slice %arg12[%dma_wait3A_411, %dma_wait3A_412, %dma_wait3A_413] : memref<4x8x129xf32, #tpu.memory_space<vmem>> -> memref<4x8x128xf32, #tpu.memory_space<vmem>>
          tpu.wait_dma2 semaphore(%arg18 : memref<!tpu.dma_semaphore, #tpu.memory_space<semaphore_mem>>) src(%dma_wait3A_414 : memref<4x8x128xf32, #tpu.memory_space<vmem>>) dst(%dma_wait3A_410 : memref<4x8x128xf32, #tpu.memory_space<hbm>>)
        } else {
        }
        %convert_element_type3A_379 = arith.extui %and3A_370 : i1 to i32
        %cond3A_380 = arith.constant 0 : i32
        %cond3A_381 = arith.cmpi ne, %convert_element_type3A_379, %cond3A_380 : i32
        scf.if %cond3A_381 {
          %dma_wait3A_395 = arith.constant 0 : i32
          %dma_wait3A_396 = arith.constant 0 : i32
          %dma_wait3A_397 = arith.constant 0 : i32
          %dma_wait3A_398 = arith.constant 0 : i32
          %dma_wait3A_399 = arith.constant 0 : i32
          %dma_wait3A_400 = tpu.memref_slice %arg12[%dma_wait3A_397, %dma_wait3A_398, %dma_wait3A_399] : memref<4x8x129xf32, #tpu.memory_space<vmem>> -> memref<1x8x128xf32, #tpu.memory_space<vmem>>
          %dma_wait3A_401 = arith.constant 0 : i32
          %dma_wait3A_402 = arith.constant 0 : i32
          %dma_wait3A_403 = arith.constant 0 : i32
          %dma_wait3A_404 = tpu.memref_slice %arg4[%dma_wait3A_395, %dma_wait3A_401, %dma_wait3A_396, %dma_wait3A_402, %dma_wait3A_403] : memref<20x125x32x8x128xf32, #tpu.memory_space<hbm>> -> memref<1x1x1x8x128xf32, #tpu.memory_space<hbm>>
          %dma_wait3A_405 = tpu.memref_squeeze %dma_wait3A_404 : memref<1x1x1x8x128xf32, #tpu.memory_space<hbm>> -> memref<1x8x128xf32, #tpu.memory_space<hbm>>
          %dma_wait3A_406 = arith.constant 0 : i32
          %dma_wait3A_407 = arith.constant 0 : i32
          %dma_wait3A_408 = arith.constant 0 : i32
          %dma_wait3A_409 = tpu.memref_slice %arg4[%dma_wait3A_395, %dma_wait3A_406, %dma_wait3A_396, %dma_wait3A_407, %dma_wait3A_408] : memref<20x125x32x8x128xf32, #tpu.memory_space<hbm>> -> memref<1x1x1x8x128xf32, #tpu.memory_space<hbm>>
          %dma_wait3A_410 = tpu.memref_squeeze %dma_wait3A_409 : memref<1x1x1x8x128xf32, #tpu.memory_space<hbm>> -> memref<1x8x128xf32, #tpu.memory_space<hbm>>
          %dma_wait3A_411 = arith.constant 0 : i32
          %dma_wait3A_412 = arith.constant 0 : i32
          %dma_wait3A_413 = arith.constant 0 : i32
          %dma_wait3A_414 = tpu.memref_slice %arg12[%dma_wait3A_411, %dma_wait3A_412, %dma_wait3A_413] : memref<4x8x129xf32, #tpu.memory_space<vmem>> -> memref<1x8x128xf32, #tpu.memory_space<vmem>>
          tpu.wait_dma2 semaphore(%arg18 : memref<!tpu.dma_semaphore, #tpu.memory_space<semaphore_mem>>) src(%dma_wait3A_414 : memref<1x8x128xf32, #tpu.memory_space<vmem>>) dst(%dma_wait3A_410 : memref<1x8x128xf32, #tpu.memory_space<hbm>>)
        } else {
        }
        %parallel_loop3A_382 = arith.constant 0 : i32
        %parallel_loop3A_383 = arith.constant 64 : i32
        %parallel_loop3A_384 = arith.constant 1 : i32
        scf.for %parallel_loop3A_395 = %parallel_loop3A_382 to %parallel_loop3A_383 step %parallel_loop3A_384  : i32 {
          %parallel_loop3A_396 = arith.constant 8 : i32
          %parallel_loop3A_397 = arith.divsi %parallel_loop3A_395, %parallel_loop3A_396 : i32
          %parallel_loop3A_398 = arith.constant 0 : i32
          %parallel_loop3A_399 = arith.cmpi sgt, %parallel_loop3A_395, %parallel_loop3A_398 : i32
          %parallel_loop3A_400 = arith.extui %parallel_loop3A_399 : i1 to i32
          %parallel_loop3A_401 = arith.constant 0 : i32
          %parallel_loop3A_402 = arith.cmpi slt, %parallel_loop3A_395, %parallel_loop3A_401 : i32
          %parallel_loop3A_403 = arith.extui %parallel_loop3A_402 : i1 to i32
          %parallel_loop3A_404 = arith.subi %parallel_loop3A_400, %parallel_loop3A_403 : i32
          %parallel_loop3A_405 = arith.constant 0 : i32
          %parallel_loop3A_406 = arith.cmpi sgt, %parallel_loop3A_396, %parallel_loop3A_405 : i32
          %parallel_loop3A_407 = arith.extui %parallel_loop3A_406 : i1 to i32
          %parallel_loop3A_408 = arith.constant 0 : i32
          %parallel_loop3A_409 = arith.cmpi slt, %parallel_loop3A_396, %parallel_loop3A_408 : i32
          %parallel_loop3A_410 = arith.extui %parallel_loop3A_409 : i1 to i32
          %parallel_loop3A_411 = arith.subi %parallel_loop3A_407, %parallel_loop3A_410 : i32
          %parallel_loop3A_412 = arith.cmpi ne, %parallel_loop3A_404, %parallel_loop3A_411 : i32
          %parallel_loop3A_413 = arith.remsi %parallel_loop3A_395, %parallel_loop3A_396 : i32
          %parallel_loop3A_414 = arith.constant 0 : i32
          %parallel_loop3A_415 = arith.cmpi ne, %parallel_loop3A_413, %parallel_loop3A_414 : i32
          %parallel_loop3A_416 = arith.andi %parallel_loop3A_412, %parallel_loop3A_415 : i1
          %parallel_loop3A_417 = arith.constant 1 : i32
          %parallel_loop3A_418 = arith.subi %parallel_loop3A_397, %parallel_loop3A_417 : i32
          %parallel_loop3A_419 = arith.select %parallel_loop3A_416, %parallel_loop3A_418, %parallel_loop3A_397 : i32
          %parallel_loop3A_420 = arith.constant 16 : i32
          %parallel_loop3A_421 = arith.muli %parallel_loop3A_419, %parallel_loop3A_420 : i32
          %parallel_loop3A_422 = arith.constant 8 : i32
          %parallel_loop3A_423 = arith.remsi %parallel_loop3A_395, %parallel_loop3A_422 : i32
          %parallel_loop3A_424 = arith.addi %parallel_loop3A_421, %parallel_loop3A_423 : i32
          %parallel_loop3A_425 = vector.broadcast %parallel_loop3A_424 : i32 to vector<16xi32>
          %parallel_loop3A_426 = arith.addi %parallel_loop3A_425, %mul3A_29 : vector<16xi32>
          %parallel_loop3A_427 = arith.index_cast %add3A_360 : i32 to index
          %parallel_loop3A_428 = arith.index_cast %parallel_loop3A_395 : i32 to index
          %parallel_loop3A_429 = arith.constant 0 : index
          %parallel_loop3A_430 = tpu.vector_load %arg6[%parallel_loop3A_427, %parallel_loop3A_428, %parallel_loop3A_429] {strides = array<i32>} : memref<20x64x16xi32, #tpu.memory_space<vmem>>, vector<16xi32>,
          %parallel_loop3A_431 = arith.constant 0 : i32
          %parallel_loop3A_432 = vector.broadcast %parallel_loop3A_431 : i32 to vector<16xi32>
          %parallel_loop3A_433 = arith.addi %rem3A_2, %parallel_loop3A_432 : vector<16xi32>
          %parallel_loop3A_434 = tpu.vector_load_idx %arg7[%parallel_loop3A_430, %parallel_loop3A_433] : memref<1000x33xf32, #tpu.memory_space<vmem>>[vector<16xi32>, vector<16xi32>], vector<16xf32>,
          %parallel_loop3A_435 = arith.constant 0 : i32
          %parallel_loop3A_436 = vector.broadcast %parallel_loop3A_435 : i32 to vector<16xi32>
          tpu.vector_store_idx %arg12[%parallel_loop3A_436, %rem3A_2, %parallel_loop3A_426], %parallel_loop3A_434 : memref<4x8x129xf32, #tpu.memory_space<vmem>>[vector<16xi32>, vector<16xi32>, vector<16xi32>], vector<16xf32>,
          %parallel_loop3A_437 = arith.constant 8 : i32
          %parallel_loop3A_438 = vector.broadcast %parallel_loop3A_437 : i32 to vector<16xi32>
          %parallel_loop3A_439 = arith.addi %rem3A_2, %parallel_loop3A_438 : vector<16xi32>
          %parallel_loop3A_440 = tpu.vector_load_idx %arg7[%parallel_loop3A_430, %parallel_loop3A_439] : memref<1000x33xf32, #tpu.memory_space<vmem>>[vector<16xi32>, vector<16xi32>], vector<16xf32>,
          %parallel_loop3A_441 = arith.constant 1 : i32
          %parallel_loop3A_442 = vector.broadcast %parallel_loop3A_441 : i32 to vector<16xi32>
          tpu.vector_store_idx %arg12[%parallel_loop3A_442, %rem3A_2, %parallel_loop3A_426], %parallel_loop3A_440 : memref<4x8x129xf32, #tpu.memory_space<vmem>>[vector<16xi32>, vector<16xi32>, vector<16xi32>], vector<16xf32>,
          %parallel_loop3A_443 = arith.constant 16 : i32
          %parallel_loop3A_444 = vector.broadcast %parallel_loop3A_443 : i32 to vector<16xi32>
          %parallel_loop3A_445 = arith.addi %rem3A_2, %parallel_loop3A_444 : vector<16xi32>
          %parallel_loop3A_446 = tpu.vector_load_idx %arg7[%parallel_loop3A_430, %parallel_loop3A_445] : memref<1000x33xf32, #tpu.memory_space<vmem>>[vector<16xi32>, vector<16xi32>], vector<16xf32>,
          %parallel_loop3A_447 = arith.constant 2 : i32
          %parallel_loop3A_448 = vector.broadcast %parallel_loop3A_447 : i32 to vector<16xi32>
          tpu.vector_store_idx %arg12[%parallel_loop3A_448, %rem3A_2, %parallel_loop3A_426], %parallel_loop3A_446 : memref<4x8x129xf32, #tpu.memory_space<vmem>>[vector<16xi32>, vector<16xi32>, vector<16xi32>], vector<16xf32>,
          %parallel_loop3A_449 = arith.constant 24 : i32
          %parallel_loop3A_450 = vector.broadcast %parallel_loop3A_449 : i32 to vector<16xi32>
          %parallel_loop3A_451 = arith.addi %rem3A_2, %parallel_loop3A_450 : vector<16xi32>
          %parallel_loop3A_452 = tpu.vector_load_idx %arg7[%parallel_loop3A_430, %parallel_loop3A_451] : memref<1000x33xf32, #tpu.memory_space<vmem>>[vector<16xi32>, vector<16xi32>], vector<16xf32>,
          %parallel_loop3A_453 = arith.constant 3 : i32
          %parallel_loop3A_454 = vector.broadcast %parallel_loop3A_453 : i32 to vector<16xi32>
          tpu.vector_store_idx %arg12[%parallel_loop3A_454, %rem3A_2, %parallel_loop3A_426], %parallel_loop3A_452 : memref<4x8x129xf32, #tpu.memory_space<vmem>>[vector<16xi32>, vector<16xi32>, vector<16xi32>], vector<16xf32>,
        } {sc.loop_unroll_factor = 4 : i64, sc.parallel_access}
        %lt3A_385 = arith.constant 31 : i32
        %lt3A_386 = arith.cmpi slt, %add3A_184, %lt3A_385 : i32
        %convert_element_type3A_387 = arith.extui %lt3A_386 : i1 to i32
        %cond3A_388 = arith.constant 0 : i32
        %cond3A_389 = arith.cmpi ne, %convert_element_type3A_387, %cond3A_388 : i32
        scf.if %cond3A_389 {
          %mul3A_395 = arith.constant 4 : i32
          %mul3A_396 = arith.muli %add3A_184, %mul3A_395 : i32
          %dma_start3A_397 = arith.constant 0 : i32
          %dma_start3A_398 = arith.constant 0 : i32
          %dma_start3A_399 = arith.constant 0 : i32
          %dma_start3A_400 = tpu.memref_slice %arg12[%dma_start3A_397, %dma_start3A_398, %dma_start3A_399] : memref<4x8x129xf32, #tpu.memory_space<vmem>> -> memref<4x8x128xf32, #tpu.memory_space<vmem>>
          %dma_start3A_401 = arith.constant 0 : i32
          %dma_start3A_402 = arith.constant 0 : i32
          %dma_start3A_403 = tpu.memref_slice %arg4[%add3A_360, %mul3A_396, %add3A, %dma_start3A_401, %dma_start3A_402] : memref<20x125x32x8x128xf32, #tpu.memory_space<hbm>> -> memref<1x4x1x8x128xf32, #tpu.memory_space<hbm>>
          %dma_start3A_404 = tpu.memref_squeeze %dma_start3A_403 : memref<1x4x1x8x128xf32, #tpu.memory_space<hbm>> -> memref<4x8x128xf32, #tpu.memory_space<hbm>>
          %dma_start3A_405 = arith.constant 0 : i32
          %dma_start3A_406 = arith.constant 0 : i32
          %dma_start3A_407 = tpu.memref_slice %arg4[%add3A_360, %mul3A_396, %add3A, %dma_start3A_405, %dma_start3A_406] : memref<20x125x32x8x128xf32, #tpu.memory_space<hbm>> -> memref<1x4x1x8x128xf32, #tpu.memory_space<hbm>>
          %dma_start3A_408 = tpu.memref_squeeze %dma_start3A_407 : memref<1x4x1x8x128xf32, #tpu.memory_space<hbm>> -> memref<4x8x128xf32, #tpu.memory_space<hbm>>
          %dma_start3A_409 = arith.constant 0 : i32
          %dma_start3A_410 = arith.constant 0 : i32
          %dma_start3A_411 = arith.constant 0 : i32
          %dma_start3A_412 = tpu.memref_slice %arg12[%dma_start3A_409, %dma_start3A_410, %dma_start3A_411] : memref<4x8x129xf32, #tpu.memory_space<vmem>> -> memref<4x8x128xf32, #tpu.memory_space<vmem>>
          tpu.enqueue_dma source(%dma_start3A_412 : memref<4x8x128xf32, #tpu.memory_space<vmem>>) target(%dma_start3A_408 : memref<4x8x128xf32, #tpu.memory_space<hbm>>) target_semaphore(%arg18 : memref<!tpu.dma_semaphore, #tpu.memory_space<semaphore_mem>>)
        } else {
        }
        %eq3A_390 = arith.constant 31 : i32
        %eq3A_391 = arith.cmpi eq, %add3A_184, %eq3A_390 : i32
        %convert_element_type3A_392 = arith.extui %eq3A_391 : i1 to i32
        %cond3A_393 = arith.constant 0 : i32
        %cond3A_394 = arith.cmpi ne, %convert_element_type3A_392, %cond3A_393 : i32
        scf.if %cond3A_394 {
          %dma_start3A_395 = arith.constant 0 : i32
          %dma_start3A_396 = arith.constant 0 : i32
          %dma_start3A_397 = arith.constant 0 : i32
          %dma_start3A_398 = tpu.memref_slice %arg12[%dma_start3A_395, %dma_start3A_396, %dma_start3A_397] : memref<4x8x129xf32, #tpu.memory_space<vmem>> -> memref<1x8x128xf32, #tpu.memory_space<vmem>>
          %dma_start3A_399 = arith.constant 124 : i32
          %dma_start3A_400 = arith.constant 0 : i32
          %dma_start3A_401 = arith.constant 0 : i32
          %dma_start3A_402 = tpu.memref_slice %arg4[%add3A_360, %dma_start3A_399, %add3A, %dma_start3A_400, %dma_start3A_401] : memref<20x125x32x8x128xf32, #tpu.memory_space<hbm>> -> memref<1x1x1x8x128xf32, #tpu.memory_space<hbm>>
          %dma_start3A_403 = tpu.memref_squeeze %dma_start3A_402 : memref<1x1x1x8x128xf32, #tpu.memory_space<hbm>> -> memref<1x8x128xf32, #tpu.memory_space<hbm>>
          %dma_start3A_404 = arith.constant 124 : i32
          %dma_start3A_405 = arith.constant 0 : i32
          %dma_start3A_406 = arith.constant 0 : i32
          %dma_start3A_407 = tpu.memref_slice %arg4[%add3A_360, %dma_start3A_404, %add3A, %dma_start3A_405, %dma_start3A_406] : memref<20x125x32x8x128xf32, #tpu.memory_space<hbm>> -> memref<1x1x1x8x128xf32, #tpu.memory_space<hbm>>
          %dma_start3A_408 = tpu.memref_squeeze %dma_start3A_407 : memref<1x1x1x8x128xf32, #tpu.memory_space<hbm>> -> memref<1x8x128xf32, #tpu.memory_space<hbm>>
          %dma_start3A_409 = arith.constant 0 : i32
          %dma_start3A_410 = arith.constant 0 : i32
          %dma_start3A_411 = arith.constant 0 : i32
          %dma_start3A_412 = tpu.memref_slice %arg12[%dma_start3A_409, %dma_start3A_410, %dma_start3A_411] : memref<4x8x129xf32, #tpu.memory_space<vmem>> -> memref<1x8x128xf32, #tpu.memory_space<vmem>>
          tpu.enqueue_dma source(%dma_start3A_412 : memref<1x8x128xf32, #tpu.memory_space<vmem>>) target(%dma_start3A_408 : memref<1x8x128xf32, #tpu.memory_space<hbm>>) target_semaphore(%arg18 : memref<!tpu.dma_semaphore, #tpu.memory_space<semaphore_mem>>)
        } else {
        }
      }
      %scan3A_201 = arith.constant 5 : i32
      %add3A_202 = arith.constant 2 : i32
      %add3A_203 = arith.addi %add3A_184, %add3A_202 : i32
      %min3A_204 = arith.constant 31 : i32
      %min3A_205 = arith.minsi %add3A_203, %min3A_204 : i32
      %mul3A_206 = arith.constant 32 : i32
      %mul3A_207 = arith.muli %min3A_205, %mul3A_206 : i32
      %dma_start3A_208 = arith.constant 0 : i32
      %dma_start3A_209 = arith.constant 0 : i32
      %dma_start3A_210 = tpu.memref_slice %arg7[%dma_start3A_208, %dma_start3A_209] : memref<1000x33xf32, #tpu.memory_space<vmem>> -> memref<1000x32xf32, #tpu.memory_space<vmem>>
      %dma_start3A_211 = arith.constant 0 : i32
      %dma_start3A_212 = tpu.memref_slice %arg3[%dma_start3A_211, %mul3A_207] : memref<1000x1024xf32, #tpu.memory_space<hbm>> -> memref<1000x32xf32, #tpu.memory_space<hbm>>
      %dma_start3A_213 = arith.constant 0 : i32
      %dma_start3A_214 = arith.constant 0 : i32
      %dma_start3A_215 = tpu.memref_slice %arg7[%dma_start3A_213, %dma_start3A_214] : memref<1000x33xf32, #tpu.memory_space<vmem>> -> memref<1000x32xf32, #tpu.memory_space<vmem>>
      %dma_start3A_216 = arith.constant 0 : i32
      %dma_start3A_217 = tpu.memref_slice %arg3[%dma_start3A_216, %mul3A_207] : memref<1000x1024xf32, #tpu.memory_space<hbm>> -> memref<1000x32xf32, #tpu.memory_space<hbm>>
      tpu.enqueue_dma source(%dma_start3A_217 : memref<1000x32xf32, #tpu.memory_space<hbm>>) target(%dma_start3A_215 : memref<1000x32xf32, #tpu.memory_space<vmem>>) target_semaphore(%arg13 : memref<!tpu.dma_semaphore, #tpu.memory_space<semaphore_mem>>)
      %dma_wait3A_218 = arith.constant 0 : i32
      %dma_wait3A_219 = arith.constant 0 : i32
      %dma_wait3A_220 = tpu.memref_slice %arg8[%dma_wait3A_218, %dma_wait3A_219] : memref<1000x33xf32, #tpu.memory_space<vmem>> -> memref<1000x32xf32, #tpu.memory_space<vmem>>
      %dma_wait3A_221 = arith.constant 0 : i32
      %dma_wait3A_222 = arith.constant 0 : i32
      %dma_wait3A_223 = tpu.memref_slice %arg3[%dma_wait3A_221, %dma_wait3A_222] : memref<1000x1024xf32, #tpu.memory_space<hbm>> -> memref<1000x32xf32, #tpu.memory_space<hbm>>
      %dma_wait3A_224 = arith.constant 0 : i32
      %dma_wait3A_225 = arith.constant 0 : i32
      %dma_wait3A_226 = tpu.memref_slice %arg8[%dma_wait3A_224, %dma_wait3A_225] : memref<1000x33xf32, #tpu.memory_space<vmem>> -> memref<1000x32xf32, #tpu.memory_space<vmem>>
      %dma_wait3A_227 = arith.constant 0 : i32
      %dma_wait3A_228 = arith.constant 0 : i32
      %dma_wait3A_229 = tpu.memref_slice %arg3[%dma_wait3A_227, %dma_wait3A_228] : memref<1000x1024xf32, #tpu.memory_space<hbm>> -> memref<1000x32xf32, #tpu.memory_space<hbm>>
      tpu.wait_dma2 semaphore(%arg14 : memref<!tpu.dma_semaphore, #tpu.memory_space<semaphore_mem>>) src(%dma_wait3A_229 : memref<1000x32xf32, #tpu.memory_space<hbm>>) dst(%dma_wait3A_226 : memref<1000x32xf32, #tpu.memory_space<vmem>>)
      %add3A_230 = arith.constant 1 : i32
      %add3A_231 = arith.addi %add3A_184, %add3A_230 : i32
      %scan3A_232 = arith.constant 0 : i32
      %scan3A_233 = arith.constant 5 : i32
      %scan3A_234 = arith.addi %scan3A_232, %scan3A_233 : i32
      %scan3A_235 = arith.constant 1 : i32
      scf.for %scan3A_253 = %scan3A_232 to %scan3A_234 step %scan3A_235  : i32 {
        %mul3A_254 = arith.constant 4 : i32
        %mul3A_255 = arith.muli %scan3A_253, %mul3A_254 : i32
        %add3A_256 = arith.constant 0 : i32
        %add3A_257 = arith.addi %add3A_256, %mul3A_255 : i32
        %add3A_258 = arith.constant 0 : i32
        %add3A_259 = arith.addi %add3A_257, %add3A_258 : i32
        %eq3A = arith.constant 0 : i32
        %eq3A_260 = arith.cmpi eq, %add3A_231, %eq3A : i32
        %eq3A_261 = arith.constant 0 : i32
        %eq3A_262 = arith.cmpi eq, %add3A_257, %eq3A_261 : i32
        %and3A_263 = arith.andi %eq3A_260, %eq3A_262 : i1
        %eq3A_264 = arith.constant 31 : i32
        %eq3A_265 = arith.cmpi eq, %add3A_231, %eq3A_264 : i32
        %gt3A = arith.constant 0 : i32
        %gt3A_266 = arith.cmpi sgt, %add3A_257, %gt3A : i32
        %and3A_267 = arith.andi %eq3A_265, %gt3A_266 : i1
        %not3A = arith.constant true
        %not3A_268 = arith.xori %and3A_263, %not3A : i1
        %not3A_269 = arith.constant true
        %not3A_270 = arith.xori %and3A_267, %not3A_269 : i1
        %and3A_271 = arith.andi %not3A_268, %not3A_270 : i1
        %convert_element_type3A = arith.extui %and3A_271 : i1 to i32
        %cond3A = arith.constant 0 : i32
        %cond3A_272 = arith.cmpi ne, %convert_element_type3A, %cond3A : i32
        scf.if %cond3A_272 {
          %dma_wait3A_395 = arith.constant 0 : i32
          %dma_wait3A_396 = arith.constant 0 : i32
          %dma_wait3A_397 = arith.constant 0 : i32
          %dma_wait3A_398 = arith.constant 0 : i32
          %dma_wait3A_399 = arith.constant 0 : i32
          %dma_wait3A_400 = tpu.memref_slice %arg9[%dma_wait3A_397, %dma_wait3A_398, %dma_wait3A_399] : memref<4x8x129xf32, #tpu.memory_space<vmem>> -> memref<4x8x128xf32, #tpu.memory_space<vmem>>
          %dma_wait3A_401 = arith.constant 0 : i32
          %dma_wait3A_402 = arith.constant 0 : i32
          %dma_wait3A_403 = arith.constant 0 : i32
          %dma_wait3A_404 = tpu.memref_slice %arg4[%dma_wait3A_395, %dma_wait3A_401, %dma_wait3A_396, %dma_wait3A_402, %dma_wait3A_403] : memref<20x125x32x8x128xf32, #tpu.memory_space<hbm>> -> memref<1x4x1x8x128xf32, #tpu.memory_space<hbm>>
          %dma_wait3A_405 = tpu.memref_squeeze %dma_wait3A_404 : memref<1x4x1x8x128xf32, #tpu.memory_space<hbm>> -> memref<4x8x128xf32, #tpu.memory_space<hbm>>
          %dma_wait3A_406 = arith.constant 0 : i32
          %dma_wait3A_407 = arith.constant 0 : i32
          %dma_wait3A_408 = arith.constant 0 : i32
          %dma_wait3A_409 = tpu.memref_slice %arg4[%dma_wait3A_395, %dma_wait3A_406, %dma_wait3A_396, %dma_wait3A_407, %dma_wait3A_408] : memref<20x125x32x8x128xf32, #tpu.memory_space<hbm>> -> memref<1x4x1x8x128xf32, #tpu.memory_space<hbm>>
          %dma_wait3A_410 = tpu.memref_squeeze %dma_wait3A_409 : memref<1x4x1x8x128xf32, #tpu.memory_space<hbm>> -> memref<4x8x128xf32, #tpu.memory_space<hbm>>
          %dma_wait3A_411 = arith.constant 0 : i32
          %dma_wait3A_412 = arith.constant 0 : i32
          %dma_wait3A_413 = arith.constant 0 : i32
          %dma_wait3A_414 = tpu.memref_slice %arg9[%dma_wait3A_411, %dma_wait3A_412, %dma_wait3A_413] : memref<4x8x129xf32, #tpu.memory_space<vmem>> -> memref<4x8x128xf32, #tpu.memory_space<vmem>>
          tpu.wait_dma2 semaphore(%arg15 : memref<!tpu.dma_semaphore, #tpu.memory_space<semaphore_mem>>) src(%dma_wait3A_414 : memref<4x8x128xf32, #tpu.memory_space<vmem>>) dst(%dma_wait3A_410 : memref<4x8x128xf32, #tpu.memory_space<hbm>>)
        } else {
        }
        %convert_element_type3A_273 = arith.extui %and3A_267 : i1 to i32
        %cond3A_274 = arith.constant 0 : i32
        %cond3A_275 = arith.cmpi ne, %convert_element_type3A_273, %cond3A_274 : i32
        scf.if %cond3A_275 {
          %dma_wait3A_395 = arith.constant 0 : i32
          %dma_wait3A_396 = arith.constant 0 : i32
          %dma_wait3A_397 = arith.constant 0 : i32
          %dma_wait3A_398 = arith.constant 0 : i32
          %dma_wait3A_399 = arith.constant 0 : i32
          %dma_wait3A_400 = tpu.memref_slice %arg9[%dma_wait3A_397, %dma_wait3A_398, %dma_wait3A_399] : memref<4x8x129xf32, #tpu.memory_space<vmem>> -> memref<1x8x128xf32, #tpu.memory_space<vmem>>
          %dma_wait3A_401 = arith.constant 0 : i32
          %dma_wait3A_402 = arith.constant 0 : i32
          %dma_wait3A_403 = arith.constant 0 : i32
          %dma_wait3A_404 = tpu.memref_slice %arg4[%dma_wait3A_395, %dma_wait3A_401, %dma_wait3A_396, %dma_wait3A_402, %dma_wait3A_403] : memref<20x125x32x8x128xf32, #tpu.memory_space<hbm>> -> memref<1x1x1x8x128xf32, #tpu.memory_space<hbm>>
          %dma_wait3A_405 = tpu.memref_squeeze %dma_wait3A_404 : memref<1x1x1x8x128xf32, #tpu.memory_space<hbm>> -> memref<1x8x128xf32, #tpu.memory_space<hbm>>
          %dma_wait3A_406 = arith.constant 0 : i32
          %dma_wait3A_407 = arith.constant 0 : i32
          %dma_wait3A_408 = arith.constant 0 : i32
          %dma_wait3A_409 = tpu.memref_slice %arg4[%dma_wait3A_395, %dma_wait3A_406, %dma_wait3A_396, %dma_wait3A_407, %dma_wait3A_408] : memref<20x125x32x8x128xf32, #tpu.memory_space<hbm>> -> memref<1x1x1x8x128xf32, #tpu.memory_space<hbm>>
          %dma_wait3A_410 = tpu.memref_squeeze %dma_wait3A_409 : memref<1x1x1x8x128xf32, #tpu.memory_space<hbm>> -> memref<1x8x128xf32, #tpu.memory_space<hbm>>
          %dma_wait3A_411 = arith.constant 0 : i32
          %dma_wait3A_412 = arith.constant 0 : i32
          %dma_wait3A_413 = arith.constant 0 : i32
          %dma_wait3A_414 = tpu.memref_slice %arg9[%dma_wait3A_411, %dma_wait3A_412, %dma_wait3A_413] : memref<4x8x129xf32, #tpu.memory_space<vmem>> -> memref<1x8x128xf32, #tpu.memory_space<vmem>>
          tpu.wait_dma2 semaphore(%arg15 : memref<!tpu.dma_semaphore, #tpu.memory_space<semaphore_mem>>) src(%dma_wait3A_414 : memref<1x8x128xf32, #tpu.memory_space<vmem>>) dst(%dma_wait3A_410 : memref<1x8x128xf32, #tpu.memory_space<hbm>>)
        } else {
        }
        %parallel_loop3A = arith.constant 0 : i32
        %parallel_loop3A_276 = arith.constant 64 : i32
        %parallel_loop3A_277 = arith.constant 1 : i32
        scf.for %parallel_loop3A_395 = %parallel_loop3A to %parallel_loop3A_276 step %parallel_loop3A_277  : i32 {
          %parallel_loop3A_396 = arith.constant 8 : i32
          %parallel_loop3A_397 = arith.divsi %parallel_loop3A_395, %parallel_loop3A_396 : i32
          %parallel_loop3A_398 = arith.constant 0 : i32
          %parallel_loop3A_399 = arith.cmpi sgt, %parallel_loop3A_395, %parallel_loop3A_398 : i32
          %parallel_loop3A_400 = arith.extui %parallel_loop3A_399 : i1 to i32
          %parallel_loop3A_401 = arith.constant 0 : i32
          %parallel_loop3A_402 = arith.cmpi slt, %parallel_loop3A_395, %parallel_loop3A_401 : i32
          %parallel_loop3A_403 = arith.extui %parallel_loop3A_402 : i1 to i32
          %parallel_loop3A_404 = arith.subi %parallel_loop3A_400, %parallel_loop3A_403 : i32
          %parallel_loop3A_405 = arith.constant 0 : i32
          %parallel_loop3A_406 = arith.cmpi sgt, %parallel_loop3A_396, %parallel_loop3A_405 : i32
          %parallel_loop3A_407 = arith.extui %parallel_loop3A_406 : i1 to i32
          %parallel_loop3A_408 = arith.constant 0 : i32
          %parallel_loop3A_409 = arith.cmpi slt, %parallel_loop3A_396, %parallel_loop3A_408 : i32
          %parallel_loop3A_410 = arith.extui %parallel_loop3A_409 : i1 to i32
          %parallel_loop3A_411 = arith.subi %parallel_loop3A_407, %parallel_loop3A_410 : i32
          %parallel_loop3A_412 = arith.cmpi ne, %parallel_loop3A_404, %parallel_loop3A_411 : i32
          %parallel_loop3A_413 = arith.remsi %parallel_loop3A_395, %parallel_loop3A_396 : i32
          %parallel_loop3A_414 = arith.constant 0 : i32
          %parallel_loop3A_415 = arith.cmpi ne, %parallel_loop3A_413, %parallel_loop3A_414 : i32
          %parallel_loop3A_416 = arith.andi %parallel_loop3A_412, %parallel_loop3A_415 : i1
          %parallel_loop3A_417 = arith.constant 1 : i32
          %parallel_loop3A_418 = arith.subi %parallel_loop3A_397, %parallel_loop3A_417 : i32
          %parallel_loop3A_419 = arith.select %parallel_loop3A_416, %parallel_loop3A_418, %parallel_loop3A_397 : i32
          %parallel_loop3A_420 = arith.constant 16 : i32
          %parallel_loop3A_421 = arith.muli %parallel_loop3A_419, %parallel_loop3A_420 : i32
          %parallel_loop3A_422 = arith.constant 8 : i32
          %parallel_loop3A_423 = arith.remsi %parallel_loop3A_395, %parallel_loop3A_422 : i32
          %parallel_loop3A_424 = arith.addi %parallel_loop3A_421, %parallel_loop3A_423 : i32
          %parallel_loop3A_425 = vector.broadcast %parallel_loop3A_424 : i32 to vector<16xi32>
          %parallel_loop3A_426 = arith.addi %parallel_loop3A_425, %mul3A_29 : vector<16xi32>
          %parallel_loop3A_427 = arith.index_cast %add3A_259 : i32 to index
          %parallel_loop3A_428 = arith.index_cast %parallel_loop3A_395 : i32 to index
          %parallel_loop3A_429 = arith.constant 0 : index
          %parallel_loop3A_430 = tpu.vector_load %arg6[%parallel_loop3A_427, %parallel_loop3A_428, %parallel_loop3A_429] {strides = array<i32>} : memref<20x64x16xi32, #tpu.memory_space<vmem>>, vector<16xi32>,
          %parallel_loop3A_431 = arith.constant 0 : i32
          %parallel_loop3A_432 = vector.broadcast %parallel_loop3A_431 : i32 to vector<16xi32>
          %parallel_loop3A_433 = arith.addi %rem3A_2, %parallel_loop3A_432 : vector<16xi32>
          %parallel_loop3A_434 = tpu.vector_load_idx %arg8[%parallel_loop3A_430, %parallel_loop3A_433] : memref<1000x33xf32, #tpu.memory_space<vmem>>[vector<16xi32>, vector<16xi32>], vector<16xf32>,
          %parallel_loop3A_435 = arith.constant 0 : i32
          %parallel_loop3A_436 = vector.broadcast %parallel_loop3A_435 : i32 to vector<16xi32>
          tpu.vector_store_idx %arg9[%parallel_loop3A_436, %rem3A_2, %parallel_loop3A_426], %parallel_loop3A_434 : memref<4x8x129xf32, #tpu.memory_space<vmem>>[vector<16xi32>, vector<16xi32>, vector<16xi32>], vector<16xf32>,
          %parallel_loop3A_437 = arith.constant 8 : i32
          %parallel_loop3A_438 = vector.broadcast %parallel_loop3A_437 : i32 to vector<16xi32>
          %parallel_loop3A_439 = arith.addi %rem3A_2, %parallel_loop3A_438 : vector<16xi32>
          %parallel_loop3A_440 = tpu.vector_load_idx %arg8[%parallel_loop3A_430, %parallel_loop3A_439] : memref<1000x33xf32, #tpu.memory_space<vmem>>[vector<16xi32>, vector<16xi32>], vector<16xf32>,
          %parallel_loop3A_441 = arith.constant 1 : i32
          %parallel_loop3A_442 = vector.broadcast %parallel_loop3A_441 : i32 to vector<16xi32>
          tpu.vector_store_idx %arg9[%parallel_loop3A_442, %rem3A_2, %parallel_loop3A_426], %parallel_loop3A_440 : memref<4x8x129xf32, #tpu.memory_space<vmem>>[vector<16xi32>, vector<16xi32>, vector<16xi32>], vector<16xf32>,
          %parallel_loop3A_443 = arith.constant 16 : i32
          %parallel_loop3A_444 = vector.broadcast %parallel_loop3A_443 : i32 to vector<16xi32>
          %parallel_loop3A_445 = arith.addi %rem3A_2, %parallel_loop3A_444 : vector<16xi32>
          %parallel_loop3A_446 = tpu.vector_load_idx %arg8[%parallel_loop3A_430, %parallel_loop3A_445] : memref<1000x33xf32, #tpu.memory_space<vmem>>[vector<16xi32>, vector<16xi32>], vector<16xf32>,
          %parallel_loop3A_447 = arith.constant 2 : i32
          %parallel_loop3A_448 = vector.broadcast %parallel_loop3A_447 : i32 to vector<16xi32>
          tpu.vector_store_idx %arg9[%parallel_loop3A_448, %rem3A_2, %parallel_loop3A_426], %parallel_loop3A_446 : memref<4x8x129xf32, #tpu.memory_space<vmem>>[vector<16xi32>, vector<16xi32>, vector<16xi32>], vector<16xf32>,
          %parallel_loop3A_449 = arith.constant 24 : i32
          %parallel_loop3A_450 = vector.broadcast %parallel_loop3A_449 : i32 to vector<16xi32>
          %parallel_loop3A_451 = arith.addi %rem3A_2, %parallel_loop3A_450 : vector<16xi32>
          %parallel_loop3A_452 = tpu.vector_load_idx %arg8[%parallel_loop3A_430, %parallel_loop3A_451] : memref<1000x33xf32, #tpu.memory_space<vmem>>[vector<16xi32>, vector<16xi32>], vector<16xf32>,
          %parallel_loop3A_453 = arith.constant 3 : i32
          %parallel_loop3A_454 = vector.broadcast %parallel_loop3A_453 : i32 to vector<16xi32>
          tpu.vector_store_idx %arg9[%parallel_loop3A_454, %rem3A_2, %parallel_loop3A_426], %parallel_loop3A_452 : memref<4x8x129xf32, #tpu.memory_space<vmem>>[vector<16xi32>, vector<16xi32>, vector<16xi32>], vector<16xf32>,
        } {sc.loop_unroll_factor = 4 : i64, sc.parallel_access}
        %lt3A = arith.constant 31 : i32
        %lt3A_278 = arith.cmpi slt, %add3A_231, %lt3A : i32
        %convert_element_type3A_279 = arith.extui %lt3A_278 : i1 to i32
        %cond3A_280 = arith.constant 0 : i32
        %cond3A_281 = arith.cmpi ne, %convert_element_type3A_279, %cond3A_280 : i32
        scf.if %cond3A_281 {
          %mul3A_395 = arith.constant 4 : i32
          %mul3A_396 = arith.muli %add3A_231, %mul3A_395 : i32
          %dma_start3A_397 = arith.constant 0 : i32
          %dma_start3A_398 = arith.constant 0 : i32
          %dma_start3A_399 = arith.constant 0 : i32
          %dma_start3A_400 = tpu.memref_slice %arg9[%dma_start3A_397, %dma_start3A_398, %dma_start3A_399] : memref<4x8x129xf32, #tpu.memory_space<vmem>> -> memref<4x8x128xf32, #tpu.memory_space<vmem>>
          %dma_start3A_401 = arith.constant 0 : i32
          %dma_start3A_402 = arith.constant 0 : i32
          %dma_start3A_403 = tpu.memref_slice %arg4[%add3A_259, %mul3A_396, %add3A, %dma_start3A_401, %dma_start3A_402] : memref<20x125x32x8x128xf32, #tpu.memory_space<hbm>> -> memref<1x4x1x8x128xf32, #tpu.memory_space<hbm>>
          %dma_start3A_404 = tpu.memref_squeeze %dma_start3A_403 : memref<1x4x1x8x128xf32, #tpu.memory_space<hbm>> -> memref<4x8x128xf32, #tpu.memory_space<hbm>>
          %dma_start3A_405 = arith.constant 0 : i32
          %dma_start3A_406 = arith.constant 0 : i32
          %dma_start3A_407 = tpu.memref_slice %arg4[%add3A_259, %mul3A_396, %add3A, %dma_start3A_405, %dma_start3A_406] : memref<20x125x32x8x128xf32, #tpu.memory_space<hbm>> -> memref<1x4x1x8x128xf32, #tpu.memory_space<hbm>>
          %dma_start3A_408 = tpu.memref_squeeze %dma_start3A_407 : memref<1x4x1x8x128xf32, #tpu.memory_space<hbm>> -> memref<4x8x128xf32, #tpu.memory_space<hbm>>
          %dma_start3A_409 = arith.constant 0 : i32
          %dma_start3A_410 = arith.constant 0 : i32
          %dma_start3A_411 = arith.constant 0 : i32
          %dma_start3A_412 = tpu.memref_slice %arg9[%dma_start3A_409, %dma_start3A_410, %dma_start3A_411] : memref<4x8x129xf32, #tpu.memory_space<vmem>> -> memref<4x8x128xf32, #tpu.memory_space<vmem>>
          tpu.enqueue_dma source(%dma_start3A_412 : memref<4x8x128xf32, #tpu.memory_space<vmem>>) target(%dma_start3A_408 : memref<4x8x128xf32, #tpu.memory_space<hbm>>) target_semaphore(%arg15 : memref<!tpu.dma_semaphore, #tpu.memory_space<semaphore_mem>>)
        } else {
        }
        %eq3A_282 = arith.constant 31 : i32
        %eq3A_283 = arith.cmpi eq, %add3A_231, %eq3A_282 : i32
        %convert_element_type3A_284 = arith.extui %eq3A_283 : i1 to i32
        %cond3A_285 = arith.constant 0 : i32
        %cond3A_286 = arith.cmpi ne, %convert_element_type3A_284, %cond3A_285 : i32
        scf.if %cond3A_286 {
          %dma_start3A_395 = arith.constant 0 : i32
          %dma_start3A_396 = arith.constant 0 : i32
          %dma_start3A_397 = arith.constant 0 : i32
          %dma_start3A_398 = tpu.memref_slice %arg9[%dma_start3A_395, %dma_start3A_396, %dma_start3A_397] : memref<4x8x129xf32, #tpu.memory_space<vmem>> -> memref<1x8x128xf32, #tpu.memory_space<vmem>>
          %dma_start3A_399 = arith.constant 124 : i32
          %dma_start3A_400 = arith.constant 0 : i32
          %dma_start3A_401 = arith.constant 0 : i32
          %dma_start3A_402 = tpu.memref_slice %arg4[%add3A_259, %dma_start3A_399, %add3A, %dma_start3A_400, %dma_start3A_401] : memref<20x125x32x8x128xf32, #tpu.memory_space<hbm>> -> memref<1x1x1x8x128xf32, #tpu.memory_space<hbm>>
          %dma_start3A_403 = tpu.memref_squeeze %dma_start3A_402 : memref<1x1x1x8x128xf32, #tpu.memory_space<hbm>> -> memref<1x8x128xf32, #tpu.memory_space<hbm>>
          %dma_start3A_404 = arith.constant 124 : i32
          %dma_start3A_405 = arith.constant 0 : i32
          %dma_start3A_406 = arith.constant 0 : i32
          %dma_start3A_407 = tpu.memref_slice %arg4[%add3A_259, %dma_start3A_404, %add3A, %dma_start3A_405, %dma_start3A_406] : memref<20x125x32x8x128xf32, #tpu.memory_space<hbm>> -> memref<1x1x1x8x128xf32, #tpu.memory_space<hbm>>
          %dma_start3A_408 = tpu.memref_squeeze %dma_start3A_407 : memref<1x1x1x8x128xf32, #tpu.memory_space<hbm>> -> memref<1x8x128xf32, #tpu.memory_space<hbm>>
          %dma_start3A_409 = arith.constant 0 : i32
          %dma_start3A_410 = arith.constant 0 : i32
          %dma_start3A_411 = arith.constant 0 : i32
          %dma_start3A_412 = tpu.memref_slice %arg9[%dma_start3A_409, %dma_start3A_410, %dma_start3A_411] : memref<4x8x129xf32, #tpu.memory_space<vmem>> -> memref<1x8x128xf32, #tpu.memory_space<vmem>>
          tpu.enqueue_dma source(%dma_start3A_412 : memref<1x8x128xf32, #tpu.memory_space<vmem>>) target(%dma_start3A_408 : memref<1x8x128xf32, #tpu.memory_space<hbm>>) target_semaphore(%arg15 : memref<!tpu.dma_semaphore, #tpu.memory_space<semaphore_mem>>)
        } else {
        }
        %add3A_287 = arith.constant 1 : i32
        %add3A_288 = arith.addi %add3A_257, %add3A_287 : i32
        %eq3A_289 = arith.constant 0 : i32
        %eq3A_290 = arith.cmpi eq, %add3A_231, %eq3A_289 : i32
        %eq3A_291 = arith.constant 0 : i32
        %eq3A_292 = arith.cmpi eq, %add3A_257, %eq3A_291 : i32
        %and3A_293 = arith.andi %eq3A_290, %eq3A_292 : i1
        %eq3A_294 = arith.constant 31 : i32
        %eq3A_295 = arith.cmpi eq, %add3A_231, %eq3A_294 : i32
        %gt3A_296 = arith.constant 0 : i32
        %gt3A_297 = arith.cmpi sgt, %add3A_257, %gt3A_296 : i32
        %and3A_298 = arith.andi %eq3A_295, %gt3A_297 : i1
        %not3A_299 = arith.constant true
        %not3A_300 = arith.xori %and3A_293, %not3A_299 : i1
        %not3A_301 = arith.constant true
        %not3A_302 = arith.xori %and3A_298, %not3A_301 : i1
        %and3A_303 = arith.andi %not3A_300, %not3A_302 : i1
        %convert_element_type3A_304 = arith.extui %and3A_303 : i1 to i32
        %cond3A_305 = arith.constant 0 : i32
        %cond3A_306 = arith.cmpi ne, %convert_element_type3A_304, %cond3A_305 : i32
        scf.if %cond3A_306 {
          %dma_wait3A_395 = arith.constant 0 : i32
          %dma_wait3A_396 = arith.constant 0 : i32
          %dma_wait3A_397 = arith.constant 0 : i32
          %dma_wait3A_398 = arith.constant 0 : i32
          %dma_wait3A_399 = arith.constant 0 : i32
          %dma_wait3A_400 = tpu.memref_slice %arg10[%dma_wait3A_397, %dma_wait3A_398, %dma_wait3A_399] : memref<4x8x129xf32, #tpu.memory_space<vmem>> -> memref<4x8x128xf32, #tpu.memory_space<vmem>>
          %dma_wait3A_401 = arith.constant 0 : i32
          %dma_wait3A_402 = arith.constant 0 : i32
          %dma_wait3A_403 = arith.constant 0 : i32
          %dma_wait3A_404 = tpu.memref_slice %arg4[%dma_wait3A_395, %dma_wait3A_401, %dma_wait3A_396, %dma_wait3A_402, %dma_wait3A_403] : memref<20x125x32x8x128xf32, #tpu.memory_space<hbm>> -> memref<1x4x1x8x128xf32, #tpu.memory_space<hbm>>
          %dma_wait3A_405 = tpu.memref_squeeze %dma_wait3A_404 : memref<1x4x1x8x128xf32, #tpu.memory_space<hbm>> -> memref<4x8x128xf32, #tpu.memory_space<hbm>>
          %dma_wait3A_406 = arith.constant 0 : i32
          %dma_wait3A_407 = arith.constant 0 : i32
          %dma_wait3A_408 = arith.constant 0 : i32
          %dma_wait3A_409 = tpu.memref_slice %arg4[%dma_wait3A_395, %dma_wait3A_406, %dma_wait3A_396, %dma_wait3A_407, %dma_wait3A_408] : memref<20x125x32x8x128xf32, #tpu.memory_space<hbm>> -> memref<1x4x1x8x128xf32, #tpu.memory_space<hbm>>
          %dma_wait3A_410 = tpu.memref_squeeze %dma_wait3A_409 : memref<1x4x1x8x128xf32, #tpu.memory_space<hbm>> -> memref<4x8x128xf32, #tpu.memory_space<hbm>>
          %dma_wait3A_411 = arith.constant 0 : i32
          %dma_wait3A_412 = arith.constant 0 : i32
          %dma_wait3A_413 = arith.constant 0 : i32
          %dma_wait3A_414 = tpu.memref_slice %arg10[%dma_wait3A_411, %dma_wait3A_412, %dma_wait3A_413] : memref<4x8x129xf32, #tpu.memory_space<vmem>> -> memref<4x8x128xf32, #tpu.memory_space<vmem>>
          tpu.wait_dma2 semaphore(%arg16 : memref<!tpu.dma_semaphore, #tpu.memory_space<semaphore_mem>>) src(%dma_wait3A_414 : memref<4x8x128xf32, #tpu.memory_space<vmem>>) dst(%dma_wait3A_410 : memref<4x8x128xf32, #tpu.memory_space<hbm>>)
        } else {
        }
        %convert_element_type3A_307 = arith.extui %and3A_298 : i1 to i32
        %cond3A_308 = arith.constant 0 : i32
        %cond3A_309 = arith.cmpi ne, %convert_element_type3A_307, %cond3A_308 : i32
        scf.if %cond3A_309 {
          %dma_wait3A_395 = arith.constant 0 : i32
          %dma_wait3A_396 = arith.constant 0 : i32
          %dma_wait3A_397 = arith.constant 0 : i32
          %dma_wait3A_398 = arith.constant 0 : i32
          %dma_wait3A_399 = arith.constant 0 : i32
          %dma_wait3A_400 = tpu.memref_slice %arg10[%dma_wait3A_397, %dma_wait3A_398, %dma_wait3A_399] : memref<4x8x129xf32, #tpu.memory_space<vmem>> -> memref<1x8x128xf32, #tpu.memory_space<vmem>>
          %dma_wait3A_401 = arith.constant 0 : i32
          %dma_wait3A_402 = arith.constant 0 : i32
          %dma_wait3A_403 = arith.constant 0 : i32
          %dma_wait3A_404 = tpu.memref_slice %arg4[%dma_wait3A_395, %dma_wait3A_401, %dma_wait3A_396, %dma_wait3A_402, %dma_wait3A_403] : memref<20x125x32x8x128xf32, #tpu.memory_space<hbm>> -> memref<1x1x1x8x128xf32, #tpu.memory_space<hbm>>
          %dma_wait3A_405 = tpu.memref_squeeze %dma_wait3A_404 : memref<1x1x1x8x128xf32, #tpu.memory_space<hbm>> -> memref<1x8x128xf32, #tpu.memory_space<hbm>>
          %dma_wait3A_406 = arith.constant 0 : i32
          %dma_wait3A_407 = arith.constant 0 : i32
          %dma_wait3A_408 = arith.constant 0 : i32
          %dma_wait3A_409 = tpu.memref_slice %arg4[%dma_wait3A_395, %dma_wait3A_406, %dma_wait3A_396, %dma_wait3A_407, %dma_wait3A_408] : memref<20x125x32x8x128xf32, #tpu.memory_space<hbm>> -> memref<1x1x1x8x128xf32, #tpu.memory_space<hbm>>
          %dma_wait3A_410 = tpu.memref_squeeze %dma_wait3A_409 : memref<1x1x1x8x128xf32, #tpu.memory_space<hbm>> -> memref<1x8x128xf32, #tpu.memory_space<hbm>>
          %dma_wait3A_411 = arith.constant 0 : i32
          %dma_wait3A_412 = arith.constant 0 : i32
          %dma_wait3A_413 = arith.constant 0 : i32
          %dma_wait3A_414 = tpu.memref_slice %arg10[%dma_wait3A_411, %dma_wait3A_412, %dma_wait3A_413] : memref<4x8x129xf32, #tpu.memory_space<vmem>> -> memref<1x8x128xf32, #tpu.memory_space<vmem>>
          tpu.wait_dma2 semaphore(%arg16 : memref<!tpu.dma_semaphore, #tpu.memory_space<semaphore_mem>>) src(%dma_wait3A_414 : memref<1x8x128xf32, #tpu.memory_space<vmem>>) dst(%dma_wait3A_410 : memref<1x8x128xf32, #tpu.memory_space<hbm>>)
        } else {
        }
        %parallel_loop3A_310 = arith.constant 0 : i32
        %parallel_loop3A_311 = arith.constant 64 : i32
        %parallel_loop3A_312 = arith.constant 1 : i32
        scf.for %parallel_loop3A_395 = %parallel_loop3A_310 to %parallel_loop3A_311 step %parallel_loop3A_312  : i32 {
          %parallel_loop3A_396 = arith.constant 8 : i32
          %parallel_loop3A_397 = arith.divsi %parallel_loop3A_395, %parallel_loop3A_396 : i32
          %parallel_loop3A_398 = arith.constant 0 : i32
          %parallel_loop3A_399 = arith.cmpi sgt, %parallel_loop3A_395, %parallel_loop3A_398 : i32
          %parallel_loop3A_400 = arith.extui %parallel_loop3A_399 : i1 to i32
          %parallel_loop3A_401 = arith.constant 0 : i32
          %parallel_loop3A_402 = arith.cmpi slt, %parallel_loop3A_395, %parallel_loop3A_401 : i32
          %parallel_loop3A_403 = arith.extui %parallel_loop3A_402 : i1 to i32
          %parallel_loop3A_404 = arith.subi %parallel_loop3A_400, %parallel_loop3A_403 : i32
          %parallel_loop3A_405 = arith.constant 0 : i32
          %parallel_loop3A_406 = arith.cmpi sgt, %parallel_loop3A_396, %parallel_loop3A_405 : i32
          %parallel_loop3A_407 = arith.extui %parallel_loop3A_406 : i1 to i32
          %parallel_loop3A_408 = arith.constant 0 : i32
          %parallel_loop3A_409 = arith.cmpi slt, %parallel_loop3A_396, %parallel_loop3A_408 : i32
          %parallel_loop3A_410 = arith.extui %parallel_loop3A_409 : i1 to i32
          %parallel_loop3A_411 = arith.subi %parallel_loop3A_407, %parallel_loop3A_410 : i32
          %parallel_loop3A_412 = arith.cmpi ne, %parallel_loop3A_404, %parallel_loop3A_411 : i32
          %parallel_loop3A_413 = arith.remsi %parallel_loop3A_395, %parallel_loop3A_396 : i32
          %parallel_loop3A_414 = arith.constant 0 : i32
          %parallel_loop3A_415 = arith.cmpi ne, %parallel_loop3A_413, %parallel_loop3A_414 : i32
          %parallel_loop3A_416 = arith.andi %parallel_loop3A_412, %parallel_loop3A_415 : i1
          %parallel_loop3A_417 = arith.constant 1 : i32
          %parallel_loop3A_418 = arith.subi %parallel_loop3A_397, %parallel_loop3A_417 : i32
          %parallel_loop3A_419 = arith.select %parallel_loop3A_416, %parallel_loop3A_418, %parallel_loop3A_397 : i32
          %parallel_loop3A_420 = arith.constant 16 : i32
          %parallel_loop3A_421 = arith.muli %parallel_loop3A_419, %parallel_loop3A_420 : i32
          %parallel_loop3A_422 = arith.constant 8 : i32
          %parallel_loop3A_423 = arith.remsi %parallel_loop3A_395, %parallel_loop3A_422 : i32
          %parallel_loop3A_424 = arith.addi %parallel_loop3A_421, %parallel_loop3A_423 : i32
          %parallel_loop3A_425 = vector.broadcast %parallel_loop3A_424 : i32 to vector<16xi32>
          %parallel_loop3A_426 = arith.addi %parallel_loop3A_425, %mul3A_29 : vector<16xi32>
          %parallel_loop3A_427 = arith.index_cast %add3A_288 : i32 to index
          %parallel_loop3A_428 = arith.index_cast %parallel_loop3A_395 : i32 to index
          %parallel_loop3A_429 = arith.constant 0 : index
          %parallel_loop3A_430 = tpu.vector_load %arg6[%parallel_loop3A_427, %parallel_loop3A_428, %parallel_loop3A_429] {strides = array<i32>} : memref<20x64x16xi32, #tpu.memory_space<vmem>>, vector<16xi32>,
          %parallel_loop3A_431 = arith.constant 0 : i32
          %parallel_loop3A_432 = vector.broadcast %parallel_loop3A_431 : i32 to vector<16xi32>
          %parallel_loop3A_433 = arith.addi %rem3A_2, %parallel_loop3A_432 : vector<16xi32>
          %parallel_loop3A_434 = tpu.vector_load_idx %arg8[%parallel_loop3A_430, %parallel_loop3A_433] : memref<1000x33xf32, #tpu.memory_space<vmem>>[vector<16xi32>, vector<16xi32>], vector<16xf32>,
          %parallel_loop3A_435 = arith.constant 0 : i32
          %parallel_loop3A_436 = vector.broadcast %parallel_loop3A_435 : i32 to vector<16xi32>
          tpu.vector_store_idx %arg10[%parallel_loop3A_436, %rem3A_2, %parallel_loop3A_426], %parallel_loop3A_434 : memref<4x8x129xf32, #tpu.memory_space<vmem>>[vector<16xi32>, vector<16xi32>, vector<16xi32>], vector<16xf32>,
          %parallel_loop3A_437 = arith.constant 8 : i32
          %parallel_loop3A_438 = vector.broadcast %parallel_loop3A_437 : i32 to vector<16xi32>
          %parallel_loop3A_439 = arith.addi %rem3A_2, %parallel_loop3A_438 : vector<16xi32>
          %parallel_loop3A_440 = tpu.vector_load_idx %arg8[%parallel_loop3A_430, %parallel_loop3A_439] : memref<1000x33xf32, #tpu.memory_space<vmem>>[vector<16xi32>, vector<16xi32>], vector<16xf32>,
          %parallel_loop3A_441 = arith.constant 1 : i32
          %parallel_loop3A_442 = vector.broadcast %parallel_loop3A_441 : i32 to vector<16xi32>
          tpu.vector_store_idx %arg10[%parallel_loop3A_442, %rem3A_2, %parallel_loop3A_426], %parallel_loop3A_440 : memref<4x8x129xf32, #tpu.memory_space<vmem>>[vector<16xi32>, vector<16xi32>, vector<16xi32>], vector<16xf32>,
          %parallel_loop3A_443 = arith.constant 16 : i32
          %parallel_loop3A_444 = vector.broadcast %parallel_loop3A_443 : i32 to vector<16xi32>
          %parallel_loop3A_445 = arith.addi %rem3A_2, %parallel_loop3A_444 : vector<16xi32>
          %parallel_loop3A_446 = tpu.vector_load_idx %arg8[%parallel_loop3A_430, %parallel_loop3A_445] : memref<1000x33xf32, #tpu.memory_space<vmem>>[vector<16xi32>, vector<16xi32>], vector<16xf32>,
          %parallel_loop3A_447 = arith.constant 2 : i32
          %parallel_loop3A_448 = vector.broadcast %parallel_loop3A_447 : i32 to vector<16xi32>
          tpu.vector_store_idx %arg10[%parallel_loop3A_448, %rem3A_2, %parallel_loop3A_426], %parallel_loop3A_446 : memref<4x8x129xf32, #tpu.memory_space<vmem>>[vector<16xi32>, vector<16xi32>, vector<16xi32>], vector<16xf32>,
          %parallel_loop3A_449 = arith.constant 24 : i32
          %parallel_loop3A_450 = vector.broadcast %parallel_loop3A_449 : i32 to vector<16xi32>
          %parallel_loop3A_451 = arith.addi %rem3A_2, %parallel_loop3A_450 : vector<16xi32>
          %parallel_loop3A_452 = tpu.vector_load_idx %arg8[%parallel_loop3A_430, %parallel_loop3A_451] : memref<1000x33xf32, #tpu.memory_space<vmem>>[vector<16xi32>, vector<16xi32>], vector<16xf32>,
          %parallel_loop3A_453 = arith.constant 3 : i32
          %parallel_loop3A_454 = vector.broadcast %parallel_loop3A_453 : i32 to vector<16xi32>
          tpu.vector_store_idx %arg10[%parallel_loop3A_454, %rem3A_2, %parallel_loop3A_426], %parallel_loop3A_452 : memref<4x8x129xf32, #tpu.memory_space<vmem>>[vector<16xi32>, vector<16xi32>, vector<16xi32>], vector<16xf32>,
        } {sc.loop_unroll_factor = 4 : i64, sc.parallel_access}
        %lt3A_313 = arith.constant 31 : i32
        %lt3A_314 = arith.cmpi slt, %add3A_231, %lt3A_313 : i32
        %convert_element_type3A_315 = arith.extui %lt3A_314 : i1 to i32
        %cond3A_316 = arith.constant 0 : i32
        %cond3A_317 = arith.cmpi ne, %convert_element_type3A_315, %cond3A_316 : i32
        scf.if %cond3A_317 {
          %mul3A_395 = arith.constant 4 : i32
          %mul3A_396 = arith.muli %add3A_231, %mul3A_395 : i32
          %dma_start3A_397 = arith.constant 0 : i32
          %dma_start3A_398 = arith.constant 0 : i32
          %dma_start3A_399 = arith.constant 0 : i32
          %dma_start3A_400 = tpu.memref_slice %arg10[%dma_start3A_397, %dma_start3A_398, %dma_start3A_399] : memref<4x8x129xf32, #tpu.memory_space<vmem>> -> memref<4x8x128xf32, #tpu.memory_space<vmem>>
          %dma_start3A_401 = arith.constant 0 : i32
          %dma_start3A_402 = arith.constant 0 : i32
          %dma_start3A_403 = tpu.memref_slice %arg4[%add3A_288, %mul3A_396, %add3A, %dma_start3A_401, %dma_start3A_402] : memref<20x125x32x8x128xf32, #tpu.memory_space<hbm>> -> memref<1x4x1x8x128xf32, #tpu.memory_space<hbm>>
          %dma_start3A_404 = tpu.memref_squeeze %dma_start3A_403 : memref<1x4x1x8x128xf32, #tpu.memory_space<hbm>> -> memref<4x8x128xf32, #tpu.memory_space<hbm>>
          %dma_start3A_405 = arith.constant 0 : i32
          %dma_start3A_406 = arith.constant 0 : i32
          %dma_start3A_407 = tpu.memref_slice %arg4[%add3A_288, %mul3A_396, %add3A, %dma_start3A_405, %dma_start3A_406] : memref<20x125x32x8x128xf32, #tpu.memory_space<hbm>> -> memref<1x4x1x8x128xf32, #tpu.memory_space<hbm>>
          %dma_start3A_408 = tpu.memref_squeeze %dma_start3A_407 : memref<1x4x1x8x128xf32, #tpu.memory_space<hbm>> -> memref<4x8x128xf32, #tpu.memory_space<hbm>>
          %dma_start3A_409 = arith.constant 0 : i32
          %dma_start3A_410 = arith.constant 0 : i32
          %dma_start3A_411 = arith.constant 0 : i32
          %dma_start3A_412 = tpu.memref_slice %arg10[%dma_start3A_409, %dma_start3A_410, %dma_start3A_411] : memref<4x8x129xf32, #tpu.memory_space<vmem>> -> memref<4x8x128xf32, #tpu.memory_space<vmem>>
          tpu.enqueue_dma source(%dma_start3A_412 : memref<4x8x128xf32, #tpu.memory_space<vmem>>) target(%dma_start3A_408 : memref<4x8x128xf32, #tpu.memory_space<hbm>>) target_semaphore(%arg16 : memref<!tpu.dma_semaphore, #tpu.memory_space<semaphore_mem>>)
        } else {
        }
        %eq3A_318 = arith.constant 31 : i32
        %eq3A_319 = arith.cmpi eq, %add3A_231, %eq3A_318 : i32
        %convert_element_type3A_320 = arith.extui %eq3A_319 : i1 to i32
        %cond3A_321 = arith.constant 0 : i32
        %cond3A_322 = arith.cmpi ne, %convert_element_type3A_320, %cond3A_321 : i32
        scf.if %cond3A_322 {
          %dma_start3A_395 = arith.constant 0 : i32
          %dma_start3A_396 = arith.constant 0 : i32
          %dma_start3A_397 = arith.constant 0 : i32
          %dma_start3A_398 = tpu.memref_slice %arg10[%dma_start3A_395, %dma_start3A_396, %dma_start3A_397] : memref<4x8x129xf32, #tpu.memory_space<vmem>> -> memref<1x8x128xf32, #tpu.memory_space<vmem>>
          %dma_start3A_399 = arith.constant 124 : i32
          %dma_start3A_400 = arith.constant 0 : i32
          %dma_start3A_401 = arith.constant 0 : i32
          %dma_start3A_402 = tpu.memref_slice %arg4[%add3A_288, %dma_start3A_399, %add3A, %dma_start3A_400, %dma_start3A_401] : memref<20x125x32x8x128xf32, #tpu.memory_space<hbm>> -> memref<1x1x1x8x128xf32, #tpu.memory_space<hbm>>
          %dma_start3A_403 = tpu.memref_squeeze %dma_start3A_402 : memref<1x1x1x8x128xf32, #tpu.memory_space<hbm>> -> memref<1x8x128xf32, #tpu.memory_space<hbm>>
          %dma_start3A_404 = arith.constant 124 : i32
          %dma_start3A_405 = arith.constant 0 : i32
          %dma_start3A_406 = arith.constant 0 : i32
          %dma_start3A_407 = tpu.memref_slice %arg4[%add3A_288, %dma_start3A_404, %add3A, %dma_start3A_405, %dma_start3A_406] : memref<20x125x32x8x128xf32, #tpu.memory_space<hbm>> -> memref<1x1x1x8x128xf32, #tpu.memory_space<hbm>>
          %dma_start3A_408 = tpu.memref_squeeze %dma_start3A_407 : memref<1x1x1x8x128xf32, #tpu.memory_space<hbm>> -> memref<1x8x128xf32, #tpu.memory_space<hbm>>
          %dma_start3A_409 = arith.constant 0 : i32
          %dma_start3A_410 = arith.constant 0 : i32
          %dma_start3A_411 = arith.constant 0 : i32
          %dma_start3A_412 = tpu.memref_slice %arg10[%dma_start3A_409, %dma_start3A_410, %dma_start3A_411] : memref<4x8x129xf32, #tpu.memory_space<vmem>> -> memref<1x8x128xf32, #tpu.memory_space<vmem>>
          tpu.enqueue_dma source(%dma_start3A_412 : memref<1x8x128xf32, #tpu.memory_space<vmem>>) target(%dma_start3A_408 : memref<1x8x128xf32, #tpu.memory_space<hbm>>) target_semaphore(%arg16 : memref<!tpu.dma_semaphore, #tpu.memory_space<semaphore_mem>>)
        } else {
        }
        %add3A_323 = arith.constant 2 : i32
        %add3A_324 = arith.addi %add3A_257, %add3A_323 : i32
        %eq3A_325 = arith.constant 0 : i32
        %eq3A_326 = arith.cmpi eq, %add3A_231, %eq3A_325 : i32
        %eq3A_327 = arith.constant 0 : i32
        %eq3A_328 = arith.cmpi eq, %add3A_257, %eq3A_327 : i32
        %and3A_329 = arith.andi %eq3A_326, %eq3A_328 : i1
        %eq3A_330 = arith.constant 31 : i32
        %eq3A_331 = arith.cmpi eq, %add3A_231, %eq3A_330 : i32
        %gt3A_332 = arith.constant 0 : i32
        %gt3A_333 = arith.cmpi sgt, %add3A_257, %gt3A_332 : i32
        %and3A_334 = arith.andi %eq3A_331, %gt3A_333 : i1
        %not3A_335 = arith.constant true
        %not3A_336 = arith.xori %and3A_329, %not3A_335 : i1
        %not3A_337 = arith.constant true
        %not3A_338 = arith.xori %and3A_334, %not3A_337 : i1
        %and3A_339 = arith.andi %not3A_336, %not3A_338 : i1
        %convert_element_type3A_340 = arith.extui %and3A_339 : i1 to i32
        %cond3A_341 = arith.constant 0 : i32
        %cond3A_342 = arith.cmpi ne, %convert_element_type3A_340, %cond3A_341 : i32
        scf.if %cond3A_342 {
          %dma_wait3A_395 = arith.constant 0 : i32
          %dma_wait3A_396 = arith.constant 0 : i32
          %dma_wait3A_397 = arith.constant 0 : i32
          %dma_wait3A_398 = arith.constant 0 : i32
          %dma_wait3A_399 = arith.constant 0 : i32
          %dma_wait3A_400 = tpu.memref_slice %arg11[%dma_wait3A_397, %dma_wait3A_398, %dma_wait3A_399] : memref<4x8x129xf32, #tpu.memory_space<vmem>> -> memref<4x8x128xf32, #tpu.memory_space<vmem>>
          %dma_wait3A_401 = arith.constant 0 : i32
          %dma_wait3A_402 = arith.constant 0 : i32
          %dma_wait3A_403 = arith.constant 0 : i32
          %dma_wait3A_404 = tpu.memref_slice %arg4[%dma_wait3A_395, %dma_wait3A_401, %dma_wait3A_396, %dma_wait3A_402, %dma_wait3A_403] : memref<20x125x32x8x128xf32, #tpu.memory_space<hbm>> -> memref<1x4x1x8x128xf32, #tpu.memory_space<hbm>>
          %dma_wait3A_405 = tpu.memref_squeeze %dma_wait3A_404 : memref<1x4x1x8x128xf32, #tpu.memory_space<hbm>> -> memref<4x8x128xf32, #tpu.memory_space<hbm>>
          %dma_wait3A_406 = arith.constant 0 : i32
          %dma_wait3A_407 = arith.constant 0 : i32
          %dma_wait3A_408 = arith.constant 0 : i32
          %dma_wait3A_409 = tpu.memref_slice %arg4[%dma_wait3A_395, %dma_wait3A_406, %dma_wait3A_396, %dma_wait3A_407, %dma_wait3A_408] : memref<20x125x32x8x128xf32, #tpu.memory_space<hbm>> -> memref<1x4x1x8x128xf32, #tpu.memory_space<hbm>>
          %dma_wait3A_410 = tpu.memref_squeeze %dma_wait3A_409 : memref<1x4x1x8x128xf32, #tpu.memory_space<hbm>> -> memref<4x8x128xf32, #tpu.memory_space<hbm>>
          %dma_wait3A_411 = arith.constant 0 : i32
          %dma_wait3A_412 = arith.constant 0 : i32
          %dma_wait3A_413 = arith.constant 0 : i32
          %dma_wait3A_414 = tpu.memref_slice %arg11[%dma_wait3A_411, %dma_wait3A_412, %dma_wait3A_413] : memref<4x8x129xf32, #tpu.memory_space<vmem>> -> memref<4x8x128xf32, #tpu.memory_space<vmem>>
          tpu.wait_dma2 semaphore(%arg17 : memref<!tpu.dma_semaphore, #tpu.memory_space<semaphore_mem>>) src(%dma_wait3A_414 : memref<4x8x128xf32, #tpu.memory_space<vmem>>) dst(%dma_wait3A_410 : memref<4x8x128xf32, #tpu.memory_space<hbm>>)
        } else {
        }
        %convert_element_type3A_343 = arith.extui %and3A_334 : i1 to i32
        %cond3A_344 = arith.constant 0 : i32
        %cond3A_345 = arith.cmpi ne, %convert_element_type3A_343, %cond3A_344 : i32
        scf.if %cond3A_345 {
          %dma_wait3A_395 = arith.constant 0 : i32
          %dma_wait3A_396 = arith.constant 0 : i32
          %dma_wait3A_397 = arith.constant 0 : i32
          %dma_wait3A_398 = arith.constant 0 : i32
          %dma_wait3A_399 = arith.constant 0 : i32
          %dma_wait3A_400 = tpu.memref_slice %arg11[%dma_wait3A_397, %dma_wait3A_398, %dma_wait3A_399] : memref<4x8x129xf32, #tpu.memory_space<vmem>> -> memref<1x8x128xf32, #tpu.memory_space<vmem>>
          %dma_wait3A_401 = arith.constant 0 : i32
          %dma_wait3A_402 = arith.constant 0 : i32
          %dma_wait3A_403 = arith.constant 0 : i32
          %dma_wait3A_404 = tpu.memref_slice %arg4[%dma_wait3A_395, %dma_wait3A_401, %dma_wait3A_396, %dma_wait3A_402, %dma_wait3A_403] : memref<20x125x32x8x128xf32, #tpu.memory_space<hbm>> -> memref<1x1x1x8x128xf32, #tpu.memory_space<hbm>>
          %dma_wait3A_405 = tpu.memref_squeeze %dma_wait3A_404 : memref<1x1x1x8x128xf32, #tpu.memory_space<hbm>> -> memref<1x8x128xf32, #tpu.memory_space<hbm>>
          %dma_wait3A_406 = arith.constant 0 : i32
          %dma_wait3A_407 = arith.constant 0 : i32
          %dma_wait3A_408 = arith.constant 0 : i32
          %dma_wait3A_409 = tpu.memref_slice %arg4[%dma_wait3A_395, %dma_wait3A_406, %dma_wait3A_396, %dma_wait3A_407, %dma_wait3A_408] : memref<20x125x32x8x128xf32, #tpu.memory_space<hbm>> -> memref<1x1x1x8x128xf32, #tpu.memory_space<hbm>>
          %dma_wait3A_410 = tpu.memref_squeeze %dma_wait3A_409 : memref<1x1x1x8x128xf32, #tpu.memory_space<hbm>> -> memref<1x8x128xf32, #tpu.memory_space<hbm>>
          %dma_wait3A_411 = arith.constant 0 : i32
          %dma_wait3A_412 = arith.constant 0 : i32
          %dma_wait3A_413 = arith.constant 0 : i32
          %dma_wait3A_414 = tpu.memref_slice %arg11[%dma_wait3A_411, %dma_wait3A_412, %dma_wait3A_413] : memref<4x8x129xf32, #tpu.memory_space<vmem>> -> memref<1x8x128xf32, #tpu.memory_space<vmem>>
          tpu.wait_dma2 semaphore(%arg17 : memref<!tpu.dma_semaphore, #tpu.memory_space<semaphore_mem>>) src(%dma_wait3A_414 : memref<1x8x128xf32, #tpu.memory_space<vmem>>) dst(%dma_wait3A_410 : memref<1x8x128xf32, #tpu.memory_space<hbm>>)
        } else {
        }
        %parallel_loop3A_346 = arith.constant 0 : i32
        %parallel_loop3A_347 = arith.constant 64 : i32
        %parallel_loop3A_348 = arith.constant 1 : i32
        scf.for %parallel_loop3A_395 = %parallel_loop3A_346 to %parallel_loop3A_347 step %parallel_loop3A_348  : i32 {
          %parallel_loop3A_396 = arith.constant 8 : i32
          %parallel_loop3A_397 = arith.divsi %parallel_loop3A_395, %parallel_loop3A_396 : i32
          %parallel_loop3A_398 = arith.constant 0 : i32
          %parallel_loop3A_399 = arith.cmpi sgt, %parallel_loop3A_395, %parallel_loop3A_398 : i32
          %parallel_loop3A_400 = arith.extui %parallel_loop3A_399 : i1 to i32
          %parallel_loop3A_401 = arith.constant 0 : i32
          %parallel_loop3A_402 = arith.cmpi slt, %parallel_loop3A_395, %parallel_loop3A_401 : i32
          %parallel_loop3A_403 = arith.extui %parallel_loop3A_402 : i1 to i32
          %parallel_loop3A_404 = arith.subi %parallel_loop3A_400, %parallel_loop3A_403 : i32
          %parallel_loop3A_405 = arith.constant 0 : i32
          %parallel_loop3A_406 = arith.cmpi sgt, %parallel_loop3A_396, %parallel_loop3A_405 : i32
          %parallel_loop3A_407 = arith.extui %parallel_loop3A_406 : i1 to i32
          %parallel_loop3A_408 = arith.constant 0 : i32
          %parallel_loop3A_409 = arith.cmpi slt, %parallel_loop3A_396, %parallel_loop3A_408 : i32
          %parallel_loop3A_410 = arith.extui %parallel_loop3A_409 : i1 to i32
          %parallel_loop3A_411 = arith.subi %parallel_loop3A_407, %parallel_loop3A_410 : i32
          %parallel_loop3A_412 = arith.cmpi ne, %parallel_loop3A_404, %parallel_loop3A_411 : i32
          %parallel_loop3A_413 = arith.remsi %parallel_loop3A_395, %parallel_loop3A_396 : i32
          %parallel_loop3A_414 = arith.constant 0 : i32
          %parallel_loop3A_415 = arith.cmpi ne, %parallel_loop3A_413, %parallel_loop3A_414 : i32
          %parallel_loop3A_416 = arith.andi %parallel_loop3A_412, %parallel_loop3A_415 : i1
          %parallel_loop3A_417 = arith.constant 1 : i32
          %parallel_loop3A_418 = arith.subi %parallel_loop3A_397, %parallel_loop3A_417 : i32
          %parallel_loop3A_419 = arith.select %parallel_loop3A_416, %parallel_loop3A_418, %parallel_loop3A_397 : i32
          %parallel_loop3A_420 = arith.constant 16 : i32
          %parallel_loop3A_421 = arith.muli %parallel_loop3A_419, %parallel_loop3A_420 : i32
          %parallel_loop3A_422 = arith.constant 8 : i32
          %parallel_loop3A_423 = arith.remsi %parallel_loop3A_395, %parallel_loop3A_422 : i32
          %parallel_loop3A_424 = arith.addi %parallel_loop3A_421, %parallel_loop3A_423 : i32
          %parallel_loop3A_425 = vector.broadcast %parallel_loop3A_424 : i32 to vector<16xi32>
          %parallel_loop3A_426 = arith.addi %parallel_loop3A_425, %mul3A_29 : vector<16xi32>
          %parallel_loop3A_427 = arith.index_cast %add3A_324 : i32 to index
          %parallel_loop3A_428 = arith.index_cast %parallel_loop3A_395 : i32 to index
          %parallel_loop3A_429 = arith.constant 0 : index
          %parallel_loop3A_430 = tpu.vector_load %arg6[%parallel_loop3A_427, %parallel_loop3A_428, %parallel_loop3A_429] {strides = array<i32>} : memref<20x64x16xi32, #tpu.memory_space<vmem>>, vector<16xi32>,
          %parallel_loop3A_431 = arith.constant 0 : i32
          %parallel_loop3A_432 = vector.broadcast %parallel_loop3A_431 : i32 to vector<16xi32>
          %parallel_loop3A_433 = arith.addi %rem3A_2, %parallel_loop3A_432 : vector<16xi32>
          %parallel_loop3A_434 = tpu.vector_load_idx %arg8[%parallel_loop3A_430, %parallel_loop3A_433] : memref<1000x33xf32, #tpu.memory_space<vmem>>[vector<16xi32>, vector<16xi32>], vector<16xf32>,
          %parallel_loop3A_435 = arith.constant 0 : i32
          %parallel_loop3A_436 = vector.broadcast %parallel_loop3A_435 : i32 to vector<16xi32>
          tpu.vector_store_idx %arg11[%parallel_loop3A_436, %rem3A_2, %parallel_loop3A_426], %parallel_loop3A_434 : memref<4x8x129xf32, #tpu.memory_space<vmem>>[vector<16xi32>, vector<16xi32>, vector<16xi32>], vector<16xf32>,
          %parallel_loop3A_437 = arith.constant 8 : i32
          %parallel_loop3A_438 = vector.broadcast %parallel_loop3A_437 : i32 to vector<16xi32>
          %parallel_loop3A_439 = arith.addi %rem3A_2, %parallel_loop3A_438 : vector<16xi32>
          %parallel_loop3A_440 = tpu.vector_load_idx %arg8[%parallel_loop3A_430, %parallel_loop3A_439] : memref<1000x33xf32, #tpu.memory_space<vmem>>[vector<16xi32>, vector<16xi32>], vector<16xf32>,
          %parallel_loop3A_441 = arith.constant 1 : i32
          %parallel_loop3A_442 = vector.broadcast %parallel_loop3A_441 : i32 to vector<16xi32>
          tpu.vector_store_idx %arg11[%parallel_loop3A_442, %rem3A_2, %parallel_loop3A_426], %parallel_loop3A_440 : memref<4x8x129xf32, #tpu.memory_space<vmem>>[vector<16xi32>, vector<16xi32>, vector<16xi32>], vector<16xf32>,
          %parallel_loop3A_443 = arith.constant 16 : i32
          %parallel_loop3A_444 = vector.broadcast %parallel_loop3A_443 : i32 to vector<16xi32>
          %parallel_loop3A_445 = arith.addi %rem3A_2, %parallel_loop3A_444 : vector<16xi32>
          %parallel_loop3A_446 = tpu.vector_load_idx %arg8[%parallel_loop3A_430, %parallel_loop3A_445] : memref<1000x33xf32, #tpu.memory_space<vmem>>[vector<16xi32>, vector<16xi32>], vector<16xf32>,
          %parallel_loop3A_447 = arith.constant 2 : i32
          %parallel_loop3A_448 = vector.broadcast %parallel_loop3A_447 : i32 to vector<16xi32>
          tpu.vector_store_idx %arg11[%parallel_loop3A_448, %rem3A_2, %parallel_loop3A_426], %parallel_loop3A_446 : memref<4x8x129xf32, #tpu.memory_space<vmem>>[vector<16xi32>, vector<16xi32>, vector<16xi32>], vector<16xf32>,
          %parallel_loop3A_449 = arith.constant 24 : i32
          %parallel_loop3A_450 = vector.broadcast %parallel_loop3A_449 : i32 to vector<16xi32>
          %parallel_loop3A_451 = arith.addi %rem3A_2, %parallel_loop3A_450 : vector<16xi32>
          %parallel_loop3A_452 = tpu.vector_load_idx %arg8[%parallel_loop3A_430, %parallel_loop3A_451] : memref<1000x33xf32, #tpu.memory_space<vmem>>[vector<16xi32>, vector<16xi32>], vector<16xf32>,
          %parallel_loop3A_453 = arith.constant 3 : i32
          %parallel_loop3A_454 = vector.broadcast %parallel_loop3A_453 : i32 to vector<16xi32>
          tpu.vector_store_idx %arg11[%parallel_loop3A_454, %rem3A_2, %parallel_loop3A_426], %parallel_loop3A_452 : memref<4x8x129xf32, #tpu.memory_space<vmem>>[vector<16xi32>, vector<16xi32>, vector<16xi32>], vector<16xf32>,
        } {sc.loop_unroll_factor = 4 : i64, sc.parallel_access}
        %lt3A_349 = arith.constant 31 : i32
        %lt3A_350 = arith.cmpi slt, %add3A_231, %lt3A_349 : i32
        %convert_element_type3A_351 = arith.extui %lt3A_350 : i1 to i32
        %cond3A_352 = arith.constant 0 : i32
        %cond3A_353 = arith.cmpi ne, %convert_element_type3A_351, %cond3A_352 : i32
        scf.if %cond3A_353 {
          %mul3A_395 = arith.constant 4 : i32
          %mul3A_396 = arith.muli %add3A_231, %mul3A_395 : i32
          %dma_start3A_397 = arith.constant 0 : i32
          %dma_start3A_398 = arith.constant 0 : i32
          %dma_start3A_399 = arith.constant 0 : i32
          %dma_start3A_400 = tpu.memref_slice %arg11[%dma_start3A_397, %dma_start3A_398, %dma_start3A_399] : memref<4x8x129xf32, #tpu.memory_space<vmem>> -> memref<4x8x128xf32, #tpu.memory_space<vmem>>
          %dma_start3A_401 = arith.constant 0 : i32
          %dma_start3A_402 = arith.constant 0 : i32
          %dma_start3A_403 = tpu.memref_slice %arg4[%add3A_324, %mul3A_396, %add3A, %dma_start3A_401, %dma_start3A_402] : memref<20x125x32x8x128xf32, #tpu.memory_space<hbm>> -> memref<1x4x1x8x128xf32, #tpu.memory_space<hbm>>
          %dma_start3A_404 = tpu.memref_squeeze %dma_start3A_403 : memref<1x4x1x8x128xf32, #tpu.memory_space<hbm>> -> memref<4x8x128xf32, #tpu.memory_space<hbm>>
          %dma_start3A_405 = arith.constant 0 : i32
          %dma_start3A_406 = arith.constant 0 : i32
          %dma_start3A_407 = tpu.memref_slice %arg4[%add3A_324, %mul3A_396, %add3A, %dma_start3A_405, %dma_start3A_406] : memref<20x125x32x8x128xf32, #tpu.memory_space<hbm>> -> memref<1x4x1x8x128xf32, #tpu.memory_space<hbm>>
          %dma_start3A_408 = tpu.memref_squeeze %dma_start3A_407 : memref<1x4x1x8x128xf32, #tpu.memory_space<hbm>> -> memref<4x8x128xf32, #tpu.memory_space<hbm>>
          %dma_start3A_409 = arith.constant 0 : i32
          %dma_start3A_410 = arith.constant 0 : i32
          %dma_start3A_411 = arith.constant 0 : i32
          %dma_start3A_412 = tpu.memref_slice %arg11[%dma_start3A_409, %dma_start3A_410, %dma_start3A_411] : memref<4x8x129xf32, #tpu.memory_space<vmem>> -> memref<4x8x128xf32, #tpu.memory_space<vmem>>
          tpu.enqueue_dma source(%dma_start3A_412 : memref<4x8x128xf32, #tpu.memory_space<vmem>>) target(%dma_start3A_408 : memref<4x8x128xf32, #tpu.memory_space<hbm>>) target_semaphore(%arg17 : memref<!tpu.dma_semaphore, #tpu.memory_space<semaphore_mem>>)
        } else {
        }
        %eq3A_354 = arith.constant 31 : i32
        %eq3A_355 = arith.cmpi eq, %add3A_231, %eq3A_354 : i32
        %convert_element_type3A_356 = arith.extui %eq3A_355 : i1 to i32
        %cond3A_357 = arith.constant 0 : i32
        %cond3A_358 = arith.cmpi ne, %convert_element_type3A_356, %cond3A_357 : i32
        scf.if %cond3A_358 {
          %dma_start3A_395 = arith.constant 0 : i32
          %dma_start3A_396 = arith.constant 0 : i32
          %dma_start3A_397 = arith.constant 0 : i32
          %dma_start3A_398 = tpu.memref_slice %arg11[%dma_start3A_395, %dma_start3A_396, %dma_start3A_397] : memref<4x8x129xf32, #tpu.memory_space<vmem>> -> memref<1x8x128xf32, #tpu.memory_space<vmem>>
          %dma_start3A_399 = arith.constant 124 : i32
          %dma_start3A_400 = arith.constant 0 : i32
          %dma_start3A_401 = arith.constant 0 : i32
          %dma_start3A_402 = tpu.memref_slice %arg4[%add3A_324, %dma_start3A_399, %add3A, %dma_start3A_400, %dma_start3A_401] : memref<20x125x32x8x128xf32, #tpu.memory_space<hbm>> -> memref<1x1x1x8x128xf32, #tpu.memory_space<hbm>>
          %dma_start3A_403 = tpu.memref_squeeze %dma_start3A_402 : memref<1x1x1x8x128xf32, #tpu.memory_space<hbm>> -> memref<1x8x128xf32, #tpu.memory_space<hbm>>
          %dma_start3A_404 = arith.constant 124 : i32
          %dma_start3A_405 = arith.constant 0 : i32
          %dma_start3A_406 = arith.constant 0 : i32
          %dma_start3A_407 = tpu.memref_slice %arg4[%add3A_324, %dma_start3A_404, %add3A, %dma_start3A_405, %dma_start3A_406] : memref<20x125x32x8x128xf32, #tpu.memory_space<hbm>> -> memref<1x1x1x8x128xf32, #tpu.memory_space<hbm>>
          %dma_start3A_408 = tpu.memref_squeeze %dma_start3A_407 : memref<1x1x1x8x128xf32, #tpu.memory_space<hbm>> -> memref<1x8x128xf32, #tpu.memory_space<hbm>>
          %dma_start3A_409 = arith.constant 0 : i32
          %dma_start3A_410 = arith.constant 0 : i32
          %dma_start3A_411 = arith.constant 0 : i32
          %dma_start3A_412 = tpu.memref_slice %arg11[%dma_start3A_409, %dma_start3A_410, %dma_start3A_411] : memref<4x8x129xf32, #tpu.memory_space<vmem>> -> memref<1x8x128xf32, #tpu.memory_space<vmem>>
          tpu.enqueue_dma source(%dma_start3A_412 : memref<1x8x128xf32, #tpu.memory_space<vmem>>) target(%dma_start3A_408 : memref<1x8x128xf32, #tpu.memory_space<hbm>>) target_semaphore(%arg17 : memref<!tpu.dma_semaphore, #tpu.memory_space<semaphore_mem>>)
        } else {
        }
        %add3A_359 = arith.constant 3 : i32
        %add3A_360 = arith.addi %add3A_257, %add3A_359 : i32
        %eq3A_361 = arith.constant 0 : i32
        %eq3A_362 = arith.cmpi eq, %add3A_231, %eq3A_361 : i32
        %eq3A_363 = arith.constant 0 : i32
        %eq3A_364 = arith.cmpi eq, %add3A_257, %eq3A_363 : i32
        %and3A_365 = arith.andi %eq3A_362, %eq3A_364 : i1
        %eq3A_366 = arith.constant 31 : i32
        %eq3A_367 = arith.cmpi eq, %add3A_231, %eq3A_366 : i32
        %gt3A_368 = arith.constant 0 : i32
        %gt3A_369 = arith.cmpi sgt, %add3A_257, %gt3A_368 : i32
        %and3A_370 = arith.andi %eq3A_367, %gt3A_369 : i1
        %not3A_371 = arith.constant true
        %not3A_372 = arith.xori %and3A_365, %not3A_371 : i1
        %not3A_373 = arith.constant true
        %not3A_374 = arith.xori %and3A_370, %not3A_373 : i1
        %and3A_375 = arith.andi %not3A_372, %not3A_374 : i1
        %convert_element_type3A_376 = arith.extui %and3A_375 : i1 to i32
        %cond3A_377 = arith.constant 0 : i32
        %cond3A_378 = arith.cmpi ne, %convert_element_type3A_376, %cond3A_377 : i32
        scf.if %cond3A_378 {
          %dma_wait3A_395 = arith.constant 0 : i32
          %dma_wait3A_396 = arith.constant 0 : i32
          %dma_wait3A_397 = arith.constant 0 : i32
          %dma_wait3A_398 = arith.constant 0 : i32
          %dma_wait3A_399 = arith.constant 0 : i32
          %dma_wait3A_400 = tpu.memref_slice %arg12[%dma_wait3A_397, %dma_wait3A_398, %dma_wait3A_399] : memref<4x8x129xf32, #tpu.memory_space<vmem>> -> memref<4x8x128xf32, #tpu.memory_space<vmem>>
          %dma_wait3A_401 = arith.constant 0 : i32
          %dma_wait3A_402 = arith.constant 0 : i32
          %dma_wait3A_403 = arith.constant 0 : i32
          %dma_wait3A_404 = tpu.memref_slice %arg4[%dma_wait3A_395, %dma_wait3A_401, %dma_wait3A_396, %dma_wait3A_402, %dma_wait3A_403] : memref<20x125x32x8x128xf32, #tpu.memory_space<hbm>> -> memref<1x4x1x8x128xf32, #tpu.memory_space<hbm>>
          %dma_wait3A_405 = tpu.memref_squeeze %dma_wait3A_404 : memref<1x4x1x8x128xf32, #tpu.memory_space<hbm>> -> memref<4x8x128xf32, #tpu.memory_space<hbm>>
          %dma_wait3A_406 = arith.constant 0 : i32
          %dma_wait3A_407 = arith.constant 0 : i32
          %dma_wait3A_408 = arith.constant 0 : i32
          %dma_wait3A_409 = tpu.memref_slice %arg4[%dma_wait3A_395, %dma_wait3A_406, %dma_wait3A_396, %dma_wait3A_407, %dma_wait3A_408] : memref<20x125x32x8x128xf32, #tpu.memory_space<hbm>> -> memref<1x4x1x8x128xf32, #tpu.memory_space<hbm>>
          %dma_wait3A_410 = tpu.memref_squeeze %dma_wait3A_409 : memref<1x4x1x8x128xf32, #tpu.memory_space<hbm>> -> memref<4x8x128xf32, #tpu.memory_space<hbm>>
          %dma_wait3A_411 = arith.constant 0 : i32
          %dma_wait3A_412 = arith.constant 0 : i32
          %dma_wait3A_413 = arith.constant 0 : i32
          %dma_wait3A_414 = tpu.memref_slice %arg12[%dma_wait3A_411, %dma_wait3A_412, %dma_wait3A_413] : memref<4x8x129xf32, #tpu.memory_space<vmem>> -> memref<4x8x128xf32, #tpu.memory_space<vmem>>
          tpu.wait_dma2 semaphore(%arg18 : memref<!tpu.dma_semaphore, #tpu.memory_space<semaphore_mem>>) src(%dma_wait3A_414 : memref<4x8x128xf32, #tpu.memory_space<vmem>>) dst(%dma_wait3A_410 : memref<4x8x128xf32, #tpu.memory_space<hbm>>)
        } else {
        }
        %convert_element_type3A_379 = arith.extui %and3A_370 : i1 to i32
        %cond3A_380 = arith.constant 0 : i32
        %cond3A_381 = arith.cmpi ne, %convert_element_type3A_379, %cond3A_380 : i32
        scf.if %cond3A_381 {
          %dma_wait3A_395 = arith.constant 0 : i32
          %dma_wait3A_396 = arith.constant 0 : i32
          %dma_wait3A_397 = arith.constant 0 : i32
          %dma_wait3A_398 = arith.constant 0 : i32
          %dma_wait3A_399 = arith.constant 0 : i32
          %dma_wait3A_400 = tpu.memref_slice %arg12[%dma_wait3A_397, %dma_wait3A_398, %dma_wait3A_399] : memref<4x8x129xf32, #tpu.memory_space<vmem>> -> memref<1x8x128xf32, #tpu.memory_space<vmem>>
          %dma_wait3A_401 = arith.constant 0 : i32
          %dma_wait3A_402 = arith.constant 0 : i32
          %dma_wait3A_403 = arith.constant 0 : i32
          %dma_wait3A_404 = tpu.memref_slice %arg4[%dma_wait3A_395, %dma_wait3A_401, %dma_wait3A_396, %dma_wait3A_402, %dma_wait3A_403] : memref<20x125x32x8x128xf32, #tpu.memory_space<hbm>> -> memref<1x1x1x8x128xf32, #tpu.memory_space<hbm>>
          %dma_wait3A_405 = tpu.memref_squeeze %dma_wait3A_404 : memref<1x1x1x8x128xf32, #tpu.memory_space<hbm>> -> memref<1x8x128xf32, #tpu.memory_space<hbm>>
          %dma_wait3A_406 = arith.constant 0 : i32
          %dma_wait3A_407 = arith.constant 0 : i32
          %dma_wait3A_408 = arith.constant 0 : i32
          %dma_wait3A_409 = tpu.memref_slice %arg4[%dma_wait3A_395, %dma_wait3A_406, %dma_wait3A_396, %dma_wait3A_407, %dma_wait3A_408] : memref<20x125x32x8x128xf32, #tpu.memory_space<hbm>> -> memref<1x1x1x8x128xf32, #tpu.memory_space<hbm>>
          %dma_wait3A_410 = tpu.memref_squeeze %dma_wait3A_409 : memref<1x1x1x8x128xf32, #tpu.memory_space<hbm>> -> memref<1x8x128xf32, #tpu.memory_space<hbm>>
          %dma_wait3A_411 = arith.constant 0 : i32
          %dma_wait3A_412 = arith.constant 0 : i32
          %dma_wait3A_413 = arith.constant 0 : i32
          %dma_wait3A_414 = tpu.memref_slice %arg12[%dma_wait3A_411, %dma_wait3A_412, %dma_wait3A_413] : memref<4x8x129xf32, #tpu.memory_space<vmem>> -> memref<1x8x128xf32, #tpu.memory_space<vmem>>
          tpu.wait_dma2 semaphore(%arg18 : memref<!tpu.dma_semaphore, #tpu.memory_space<semaphore_mem>>) src(%dma_wait3A_414 : memref<1x8x128xf32, #tpu.memory_space<vmem>>) dst(%dma_wait3A_410 : memref<1x8x128xf32, #tpu.memory_space<hbm>>)
        } else {
        }
        %parallel_loop3A_382 = arith.constant 0 : i32
        %parallel_loop3A_383 = arith.constant 64 : i32
        %parallel_loop3A_384 = arith.constant 1 : i32
        scf.for %parallel_loop3A_395 = %parallel_loop3A_382 to %parallel_loop3A_383 step %parallel_loop3A_384  : i32 {
          %parallel_loop3A_396 = arith.constant 8 : i32
          %parallel_loop3A_397 = arith.divsi %parallel_loop3A_395, %parallel_loop3A_396 : i32
          %parallel_loop3A_398 = arith.constant 0 : i32
          %parallel_loop3A_399 = arith.cmpi sgt, %parallel_loop3A_395, %parallel_loop3A_398 : i32
          %parallel_loop3A_400 = arith.extui %parallel_loop3A_399 : i1 to i32
          %parallel_loop3A_401 = arith.constant 0 : i32
          %parallel_loop3A_402 = arith.cmpi slt, %parallel_loop3A_395, %parallel_loop3A_401 : i32
          %parallel_loop3A_403 = arith.extui %parallel_loop3A_402 : i1 to i32
          %parallel_loop3A_404 = arith.subi %parallel_loop3A_400, %parallel_loop3A_403 : i32
          %parallel_loop3A_405 = arith.constant 0 : i32
          %parallel_loop3A_406 = arith.cmpi sgt, %parallel_loop3A_396, %parallel_loop3A_405 : i32
          %parallel_loop3A_407 = arith.extui %parallel_loop3A_406 : i1 to i32
          %parallel_loop3A_408 = arith.constant 0 : i32
          %parallel_loop3A_409 = arith.cmpi slt, %parallel_loop3A_396, %parallel_loop3A_408 : i32
          %parallel_loop3A_410 = arith.extui %parallel_loop3A_409 : i1 to i32
          %parallel_loop3A_411 = arith.subi %parallel_loop3A_407, %parallel_loop3A_410 : i32
          %parallel_loop3A_412 = arith.cmpi ne, %parallel_loop3A_404, %parallel_loop3A_411 : i32
          %parallel_loop3A_413 = arith.remsi %parallel_loop3A_395, %parallel_loop3A_396 : i32
          %parallel_loop3A_414 = arith.constant 0 : i32
          %parallel_loop3A_415 = arith.cmpi ne, %parallel_loop3A_413, %parallel_loop3A_414 : i32
          %parallel_loop3A_416 = arith.andi %parallel_loop3A_412, %parallel_loop3A_415 : i1
          %parallel_loop3A_417 = arith.constant 1 : i32
          %parallel_loop3A_418 = arith.subi %parallel_loop3A_397, %parallel_loop3A_417 : i32
          %parallel_loop3A_419 = arith.select %parallel_loop3A_416, %parallel_loop3A_418, %parallel_loop3A_397 : i32
          %parallel_loop3A_420 = arith.constant 16 : i32
          %parallel_loop3A_421 = arith.muli %parallel_loop3A_419, %parallel_loop3A_420 : i32
          %parallel_loop3A_422 = arith.constant 8 : i32
          %parallel_loop3A_423 = arith.remsi %parallel_loop3A_395, %parallel_loop3A_422 : i32
          %parallel_loop3A_424 = arith.addi %parallel_loop3A_421, %parallel_loop3A_423 : i32
          %parallel_loop3A_425 = vector.broadcast %parallel_loop3A_424 : i32 to vector<16xi32>
          %parallel_loop3A_426 = arith.addi %parallel_loop3A_425, %mul3A_29 : vector<16xi32>
          %parallel_loop3A_427 = arith.index_cast %add3A_360 : i32 to index
          %parallel_loop3A_428 = arith.index_cast %parallel_loop3A_395 : i32 to index
          %parallel_loop3A_429 = arith.constant 0 : index
          %parallel_loop3A_430 = tpu.vector_load %arg6[%parallel_loop3A_427, %parallel_loop3A_428, %parallel_loop3A_429] {strides = array<i32>} : memref<20x64x16xi32, #tpu.memory_space<vmem>>, vector<16xi32>,
          %parallel_loop3A_431 = arith.constant 0 : i32
          %parallel_loop3A_432 = vector.broadcast %parallel_loop3A_431 : i32 to vector<16xi32>
          %parallel_loop3A_433 = arith.addi %rem3A_2, %parallel_loop3A_432 : vector<16xi32>
          %parallel_loop3A_434 = tpu.vector_load_idx %arg8[%parallel_loop3A_430, %parallel_loop3A_433] : memref<1000x33xf32, #tpu.memory_space<vmem>>[vector<16xi32>, vector<16xi32>], vector<16xf32>,
          %parallel_loop3A_435 = arith.constant 0 : i32
          %parallel_loop3A_436 = vector.broadcast %parallel_loop3A_435 : i32 to vector<16xi32>
          tpu.vector_store_idx %arg12[%parallel_loop3A_436, %rem3A_2, %parallel_loop3A_426], %parallel_loop3A_434 : memref<4x8x129xf32, #tpu.memory_space<vmem>>[vector<16xi32>, vector<16xi32>, vector<16xi32>], vector<16xf32>,
          %parallel_loop3A_437 = arith.constant 8 : i32
          %parallel_loop3A_438 = vector.broadcast %parallel_loop3A_437 : i32 to vector<16xi32>
          %parallel_loop3A_439 = arith.addi %rem3A_2, %parallel_loop3A_438 : vector<16xi32>
          %parallel_loop3A_440 = tpu.vector_load_idx %arg8[%parallel_loop3A_430, %parallel_loop3A_439] : memref<1000x33xf32, #tpu.memory_space<vmem>>[vector<16xi32>, vector<16xi32>], vector<16xf32>,
          %parallel_loop3A_441 = arith.constant 1 : i32
          %parallel_loop3A_442 = vector.broadcast %parallel_loop3A_441 : i32 to vector<16xi32>
          tpu.vector_store_idx %arg12[%parallel_loop3A_442, %rem3A_2, %parallel_loop3A_426], %parallel_loop3A_440 : memref<4x8x129xf32, #tpu.memory_space<vmem>>[vector<16xi32>, vector<16xi32>, vector<16xi32>], vector<16xf32>,
          %parallel_loop3A_443 = arith.constant 16 : i32
          %parallel_loop3A_444 = vector.broadcast %parallel_loop3A_443 : i32 to vector<16xi32>
          %parallel_loop3A_445 = arith.addi %rem3A_2, %parallel_loop3A_444 : vector<16xi32>
          %parallel_loop3A_446 = tpu.vector_load_idx %arg8[%parallel_loop3A_430, %parallel_loop3A_445] : memref<1000x33xf32, #tpu.memory_space<vmem>>[vector<16xi32>, vector<16xi32>], vector<16xf32>,
          %parallel_loop3A_447 = arith.constant 2 : i32
          %parallel_loop3A_448 = vector.broadcast %parallel_loop3A_447 : i32 to vector<16xi32>
          tpu.vector_store_idx %arg12[%parallel_loop3A_448, %rem3A_2, %parallel_loop3A_426], %parallel_loop3A_446 : memref<4x8x129xf32, #tpu.memory_space<vmem>>[vector<16xi32>, vector<16xi32>, vector<16xi32>], vector<16xf32>,
          %parallel_loop3A_449 = arith.constant 24 : i32
          %parallel_loop3A_450 = vector.broadcast %parallel_loop3A_449 : i32 to vector<16xi32>
          %parallel_loop3A_451 = arith.addi %rem3A_2, %parallel_loop3A_450 : vector<16xi32>
          %parallel_loop3A_452 = tpu.vector_load_idx %arg8[%parallel_loop3A_430, %parallel_loop3A_451] : memref<1000x33xf32, #tpu.memory_space<vmem>>[vector<16xi32>, vector<16xi32>], vector<16xf32>,
          %parallel_loop3A_453 = arith.constant 3 : i32
          %parallel_loop3A_454 = vector.broadcast %parallel_loop3A_453 : i32 to vector<16xi32>
          tpu.vector_store_idx %arg12[%parallel_loop3A_454, %rem3A_2, %parallel_loop3A_426], %parallel_loop3A_452 : memref<4x8x129xf32, #tpu.memory_space<vmem>>[vector<16xi32>, vector<16xi32>, vector<16xi32>], vector<16xf32>,
        } {sc.loop_unroll_factor = 4 : i64, sc.parallel_access}
        %lt3A_385 = arith.constant 31 : i32
        %lt3A_386 = arith.cmpi slt, %add3A_231, %lt3A_385 : i32
        %convert_element_type3A_387 = arith.extui %lt3A_386 : i1 to i32
        %cond3A_388 = arith.constant 0 : i32
        %cond3A_389 = arith.cmpi ne, %convert_element_type3A_387, %cond3A_388 : i32
        scf.if %cond3A_389 {
          %mul3A_395 = arith.constant 4 : i32
          %mul3A_396 = arith.muli %add3A_231, %mul3A_395 : i32
          %dma_start3A_397 = arith.constant 0 : i32
          %dma_start3A_398 = arith.constant 0 : i32
          %dma_start3A_399 = arith.constant 0 : i32
          %dma_start3A_400 = tpu.memref_slice %arg12[%dma_start3A_397, %dma_start3A_398, %dma_start3A_399] : memref<4x8x129xf32, #tpu.memory_space<vmem>> -> memref<4x8x128xf32, #tpu.memory_space<vmem>>
          %dma_start3A_401 = arith.constant 0 : i32
          %dma_start3A_402 = arith.constant 0 : i32
          %dma_start3A_403 = tpu.memref_slice %arg4[%add3A_360, %mul3A_396, %add3A, %dma_start3A_401, %dma_start3A_402] : memref<20x125x32x8x128xf32, #tpu.memory_space<hbm>> -> memref<1x4x1x8x128xf32, #tpu.memory_space<hbm>>
          %dma_start3A_404 = tpu.memref_squeeze %dma_start3A_403 : memref<1x4x1x8x128xf32, #tpu.memory_space<hbm>> -> memref<4x8x128xf32, #tpu.memory_space<hbm>>
          %dma_start3A_405 = arith.constant 0 : i32
          %dma_start3A_406 = arith.constant 0 : i32
          %dma_start3A_407 = tpu.memref_slice %arg4[%add3A_360, %mul3A_396, %add3A, %dma_start3A_405, %dma_start3A_406] : memref<20x125x32x8x128xf32, #tpu.memory_space<hbm>> -> memref<1x4x1x8x128xf32, #tpu.memory_space<hbm>>
          %dma_start3A_408 = tpu.memref_squeeze %dma_start3A_407 : memref<1x4x1x8x128xf32, #tpu.memory_space<hbm>> -> memref<4x8x128xf32, #tpu.memory_space<hbm>>
          %dma_start3A_409 = arith.constant 0 : i32
          %dma_start3A_410 = arith.constant 0 : i32
          %dma_start3A_411 = arith.constant 0 : i32
          %dma_start3A_412 = tpu.memref_slice %arg12[%dma_start3A_409, %dma_start3A_410, %dma_start3A_411] : memref<4x8x129xf32, #tpu.memory_space<vmem>> -> memref<4x8x128xf32, #tpu.memory_space<vmem>>
          tpu.enqueue_dma source(%dma_start3A_412 : memref<4x8x128xf32, #tpu.memory_space<vmem>>) target(%dma_start3A_408 : memref<4x8x128xf32, #tpu.memory_space<hbm>>) target_semaphore(%arg18 : memref<!tpu.dma_semaphore, #tpu.memory_space<semaphore_mem>>)
        } else {
        }
        %eq3A_390 = arith.constant 31 : i32
        %eq3A_391 = arith.cmpi eq, %add3A_231, %eq3A_390 : i32
        %convert_element_type3A_392 = arith.extui %eq3A_391 : i1 to i32
        %cond3A_393 = arith.constant 0 : i32
        %cond3A_394 = arith.cmpi ne, %convert_element_type3A_392, %cond3A_393 : i32
        scf.if %cond3A_394 {
          %dma_start3A_395 = arith.constant 0 : i32
          %dma_start3A_396 = arith.constant 0 : i32
          %dma_start3A_397 = arith.constant 0 : i32
          %dma_start3A_398 = tpu.memref_slice %arg12[%dma_start3A_395, %dma_start3A_396, %dma_start3A_397] : memref<4x8x129xf32, #tpu.memory_space<vmem>> -> memref<1x8x128xf32, #tpu.memory_space<vmem>>
          %dma_start3A_399 = arith.constant 124 : i32
          %dma_start3A_400 = arith.constant 0 : i32
          %dma_start3A_401 = arith.constant 0 : i32
          %dma_start3A_402 = tpu.memref_slice %arg4[%add3A_360, %dma_start3A_399, %add3A, %dma_start3A_400, %dma_start3A_401] : memref<20x125x32x8x128xf32, #tpu.memory_space<hbm>> -> memref<1x1x1x8x128xf32, #tpu.memory_space<hbm>>
          %dma_start3A_403 = tpu.memref_squeeze %dma_start3A_402 : memref<1x1x1x8x128xf32, #tpu.memory_space<hbm>> -> memref<1x8x128xf32, #tpu.memory_space<hbm>>
          %dma_start3A_404 = arith.constant 124 : i32
          %dma_start3A_405 = arith.constant 0 : i32
          %dma_start3A_406 = arith.constant 0 : i32
          %dma_start3A_407 = tpu.memref_slice %arg4[%add3A_360, %dma_start3A_404, %add3A, %dma_start3A_405, %dma_start3A_406] : memref<20x125x32x8x128xf32, #tpu.memory_space<hbm>> -> memref<1x1x1x8x128xf32, #tpu.memory_space<hbm>>
          %dma_start3A_408 = tpu.memref_squeeze %dma_start3A_407 : memref<1x1x1x8x128xf32, #tpu.memory_space<hbm>> -> memref<1x8x128xf32, #tpu.memory_space<hbm>>
          %dma_start3A_409 = arith.constant 0 : i32
          %dma_start3A_410 = arith.constant 0 : i32
          %dma_start3A_411 = arith.constant 0 : i32
          %dma_start3A_412 = tpu.memref_slice %arg12[%dma_start3A_409, %dma_start3A_410, %dma_start3A_411] : memref<4x8x129xf32, #tpu.memory_space<vmem>> -> memref<1x8x128xf32, #tpu.memory_space<vmem>>
          tpu.enqueue_dma source(%dma_start3A_412 : memref<1x8x128xf32, #tpu.memory_space<vmem>>) target(%dma_start3A_408 : memref<1x8x128xf32, #tpu.memory_space<hbm>>) target_semaphore(%arg18 : memref<!tpu.dma_semaphore, #tpu.memory_space<semaphore_mem>>)
        } else {
        }
      }
      %scan3A_236 = arith.constant 5 : i32
      %add3A_237 = arith.constant 3 : i32
      %add3A_238 = arith.addi %add3A_184, %add3A_237 : i32
      %min3A_239 = arith.constant 31 : i32
      %min3A_240 = arith.minsi %add3A_238, %min3A_239 : i32
      %mul3A_241 = arith.constant 32 : i32
      %mul3A_242 = arith.muli %min3A_240, %mul3A_241 : i32
      %dma_start3A_243 = arith.constant 0 : i32
      %dma_start3A_244 = arith.constant 0 : i32
      %dma_start3A_245 = tpu.memref_slice %arg8[%dma_start3A_243, %dma_start3A_244] : memref<1000x33xf32, #tpu.memory_space<vmem>> -> memref<1000x32xf32, #tpu.memory_space<vmem>>
      %dma_start3A_246 = arith.constant 0 : i32
      %dma_start3A_247 = tpu.memref_slice %arg3[%dma_start3A_246, %mul3A_242] : memref<1000x1024xf32, #tpu.memory_space<hbm>> -> memref<1000x32xf32, #tpu.memory_space<hbm>>
      %dma_start3A_248 = arith.constant 0 : i32
      %dma_start3A_249 = arith.constant 0 : i32
      %dma_start3A_250 = tpu.memref_slice %arg8[%dma_start3A_248, %dma_start3A_249] : memref<1000x33xf32, #tpu.memory_space<vmem>> -> memref<1000x32xf32, #tpu.memory_space<vmem>>
      %dma_start3A_251 = arith.constant 0 : i32
      %dma_start3A_252 = tpu.memref_slice %arg3[%dma_start3A_251, %mul3A_242] : memref<1000x1024xf32, #tpu.memory_space<hbm>> -> memref<1000x32xf32, #tpu.memory_space<hbm>>
      tpu.enqueue_dma source(%dma_start3A_252 : memref<1000x32xf32, #tpu.memory_space<hbm>>) target(%dma_start3A_250 : memref<1000x32xf32, #tpu.memory_space<vmem>>) target_semaphore(%arg14 : memref<!tpu.dma_semaphore, #tpu.memory_space<semaphore_mem>>)
    }
    %scan3A_75 = arith.constant 16 : i32
    %dma_wait3A_76 = arith.constant 0 : i32
    %dma_wait3A_77 = arith.constant 0 : i32
    %dma_wait3A_78 = arith.constant 0 : i32
    %dma_wait3A_79 = arith.constant 0 : i32
    %dma_wait3A_80 = arith.constant 0 : i32
    %dma_wait3A_81 = tpu.memref_slice %arg9[%dma_wait3A_78, %dma_wait3A_79, %dma_wait3A_80] : memref<4x8x129xf32, #tpu.memory_space<vmem>> -> memref<1x8x128xf32, #tpu.memory_space<vmem>>
    %dma_wait3A_82 = arith.constant 0 : i32
    %dma_wait3A_83 = arith.constant 0 : i32
    %dma_wait3A_84 = arith.constant 0 : i32
    %dma_wait3A_85 = tpu.memref_slice %arg4[%dma_wait3A_76, %dma_wait3A_82, %dma_wait3A_77, %dma_wait3A_83, %dma_wait3A_84] : memref<20x125x32x8x128xf32, #tpu.memory_space<hbm>> -> memref<1x1x1x8x128xf32, #tpu.memory_space<hbm>>
    %dma_wait3A_86 = tpu.memref_squeeze %dma_wait3A_85 : memref<1x1x1x8x128xf32, #tpu.memory_space<hbm>> -> memref<1x8x128xf32, #tpu.memory_space<hbm>>
    %dma_wait3A_87 = arith.constant 0 : i32
    %dma_wait3A_88 = arith.constant 0 : i32
    %dma_wait3A_89 = arith.constant 0 : i32
    %dma_wait3A_90 = tpu.memref_slice %arg4[%dma_wait3A_76, %dma_wait3A_87, %dma_wait3A_77, %dma_wait3A_88, %dma_wait3A_89] : memref<20x125x32x8x128xf32, #tpu.memory_space<hbm>> -> memref<1x1x1x8x128xf32, #tpu.memory_space<hbm>>
    %dma_wait3A_91 = tpu.memref_squeeze %dma_wait3A_90 : memref<1x1x1x8x128xf32, #tpu.memory_space<hbm>> -> memref<1x8x128xf32, #tpu.memory_space<hbm>>
    %dma_wait3A_92 = arith.constant 0 : i32
    %dma_wait3A_93 = arith.constant 0 : i32
    %dma_wait3A_94 = arith.constant 0 : i32
    %dma_wait3A_95 = tpu.memref_slice %arg9[%dma_wait3A_92, %dma_wait3A_93, %dma_wait3A_94] : memref<4x8x129xf32, #tpu.memory_space<vmem>> -> memref<1x8x128xf32, #tpu.memory_space<vmem>>
    tpu.wait_dma2 semaphore(%arg15 : memref<!tpu.dma_semaphore, #tpu.memory_space<semaphore_mem>>) src(%dma_wait3A_95 : memref<1x8x128xf32, #tpu.memory_space<vmem>>) dst(%dma_wait3A_91 : memref<1x8x128xf32, #tpu.memory_space<hbm>>)
    %dma_wait3A_96 = arith.constant 0 : i32
    %dma_wait3A_97 = arith.constant 0 : i32
    %dma_wait3A_98 = arith.constant 0 : i32
    %dma_wait3A_99 = arith.constant 0 : i32
    %dma_wait3A_100 = arith.constant 0 : i32
    %dma_wait3A_101 = tpu.memref_slice %arg10[%dma_wait3A_98, %dma_wait3A_99, %dma_wait3A_100] : memref<4x8x129xf32, #tpu.memory_space<vmem>> -> memref<1x8x128xf32, #tpu.memory_space<vmem>>
    %dma_wait3A_102 = arith.constant 0 : i32
    %dma_wait3A_103 = arith.constant 0 : i32
    %dma_wait3A_104 = arith.constant 0 : i32
    %dma_wait3A_105 = tpu.memref_slice %arg4[%dma_wait3A_96, %dma_wait3A_102, %dma_wait3A_97, %dma_wait3A_103, %dma_wait3A_104] : memref<20x125x32x8x128xf32, #tpu.memory_space<hbm>> -> memref<1x1x1x8x128xf32, #tpu.memory_space<hbm>>
    %dma_wait3A_106 = tpu.memref_squeeze %dma_wait3A_105 : memref<1x1x1x8x128xf32, #tpu.memory_space<hbm>> -> memref<1x8x128xf32, #tpu.memory_space<hbm>>
    %dma_wait3A_107 = arith.constant 0 : i32
    %dma_wait3A_108 = arith.constant 0 : i32
    %dma_wait3A_109 = arith.constant 0 : i32
    %dma_wait3A_110 = tpu.memref_slice %arg4[%dma_wait3A_96, %dma_wait3A_107, %dma_wait3A_97, %dma_wait3A_108, %dma_wait3A_109] : memref<20x125x32x8x128xf32, #tpu.memory_space<hbm>> -> memref<1x1x1x8x128xf32, #tpu.memory_space<hbm>>
    %dma_wait3A_111 = tpu.memref_squeeze %dma_wait3A_110 : memref<1x1x1x8x128xf32, #tpu.memory_space<hbm>> -> memref<1x8x128xf32, #tpu.memory_space<hbm>>
    %dma_wait3A_112 = arith.constant 0 : i32
    %dma_wait3A_113 = arith.constant 0 : i32
    %dma_wait3A_114 = arith.constant 0 : i32
    %dma_wait3A_115 = tpu.memref_slice %arg10[%dma_wait3A_112, %dma_wait3A_113, %dma_wait3A_114] : memref<4x8x129xf32, #tpu.memory_space<vmem>> -> memref<1x8x128xf32, #tpu.memory_space<vmem>>
    tpu.wait_dma2 semaphore(%arg16 : memref<!tpu.dma_semaphore, #tpu.memory_space<semaphore_mem>>) src(%dma_wait3A_115 : memref<1x8x128xf32, #tpu.memory_space<vmem>>) dst(%dma_wait3A_111 : memref<1x8x128xf32, #tpu.memory_space<hbm>>)
    %dma_wait3A_116 = arith.constant 0 : i32
    %dma_wait3A_117 = arith.constant 0 : i32
    %dma_wait3A_118 = arith.constant 0 : i32
    %dma_wait3A_119 = arith.constant 0 : i32
    %dma_wait3A_120 = arith.constant 0 : i32
    %dma_wait3A_121 = tpu.memref_slice %arg11[%dma_wait3A_118, %dma_wait3A_119, %dma_wait3A_120] : memref<4x8x129xf32, #tpu.memory_space<vmem>> -> memref<1x8x128xf32, #tpu.memory_space<vmem>>
    %dma_wait3A_122 = arith.constant 0 : i32
    %dma_wait3A_123 = arith.constant 0 : i32
    %dma_wait3A_124 = arith.constant 0 : i32
    %dma_wait3A_125 = tpu.memref_slice %arg4[%dma_wait3A_116, %dma_wait3A_122, %dma_wait3A_117, %dma_wait3A_123, %dma_wait3A_124] : memref<20x125x32x8x128xf32, #tpu.memory_space<hbm>> -> memref<1x1x1x8x128xf32, #tpu.memory_space<hbm>>
    %dma_wait3A_126 = tpu.memref_squeeze %dma_wait3A_125 : memref<1x1x1x8x128xf32, #tpu.memory_space<hbm>> -> memref<1x8x128xf32, #tpu.memory_space<hbm>>
    %dma_wait3A_127 = arith.constant 0 : i32
    %dma_wait3A_128 = arith.constant 0 : i32
    %dma_wait3A_129 = arith.constant 0 : i32
    %dma_wait3A_130 = tpu.memref_slice %arg4[%dma_wait3A_116, %dma_wait3A_127, %dma_wait3A_117, %dma_wait3A_128, %dma_wait3A_129] : memref<20x125x32x8x128xf32, #tpu.memory_space<hbm>> -> memref<1x1x1x8x128xf32, #tpu.memory_space<hbm>>
    %dma_wait3A_131 = tpu.memref_squeeze %dma_wait3A_130 : memref<1x1x1x8x128xf32, #tpu.memory_space<hbm>> -> memref<1x8x128xf32, #tpu.memory_space<hbm>>
    %dma_wait3A_132 = arith.constant 0 : i32
    %dma_wait3A_133 = arith.constant 0 : i32
    %dma_wait3A_134 = arith.constant 0 : i32
    %dma_wait3A_135 = tpu.memref_slice %arg11[%dma_wait3A_132, %dma_wait3A_133, %dma_wait3A_134] : memref<4x8x129xf32, #tpu.memory_space<vmem>> -> memref<1x8x128xf32, #tpu.memory_space<vmem>>
    tpu.wait_dma2 semaphore(%arg17 : memref<!tpu.dma_semaphore, #tpu.memory_space<semaphore_mem>>) src(%dma_wait3A_135 : memref<1x8x128xf32, #tpu.memory_space<vmem>>) dst(%dma_wait3A_131 : memref<1x8x128xf32, #tpu.memory_space<hbm>>)
    %dma_wait3A_136 = arith.constant 0 : i32
    %dma_wait3A_137 = arith.constant 0 : i32
    %dma_wait3A_138 = arith.constant 0 : i32
    %dma_wait3A_139 = arith.constant 0 : i32
    %dma_wait3A_140 = arith.constant 0 : i32
    %dma_wait3A_141 = tpu.memref_slice %arg12[%dma_wait3A_138, %dma_wait3A_139, %dma_wait3A_140] : memref<4x8x129xf32, #tpu.memory_space<vmem>> -> memref<1x8x128xf32, #tpu.memory_space<vmem>>
    %dma_wait3A_142 = arith.constant 0 : i32
    %dma_wait3A_143 = arith.constant 0 : i32
    %dma_wait3A_144 = arith.constant 0 : i32
    %dma_wait3A_145 = tpu.memref_slice %arg4[%dma_wait3A_136, %dma_wait3A_142, %dma_wait3A_137, %dma_wait3A_143, %dma_wait3A_144] : memref<20x125x32x8x128xf32, #tpu.memory_space<hbm>> -> memref<1x1x1x8x128xf32, #tpu.memory_space<hbm>>
    %dma_wait3A_146 = tpu.memref_squeeze %dma_wait3A_145 : memref<1x1x1x8x128xf32, #tpu.memory_space<hbm>> -> memref<1x8x128xf32, #tpu.memory_space<hbm>>
    %dma_wait3A_147 = arith.constant 0 : i32
    %dma_wait3A_148 = arith.constant 0 : i32
    %dma_wait3A_149 = arith.constant 0 : i32
    %dma_wait3A_150 = tpu.memref_slice %arg4[%dma_wait3A_136, %dma_wait3A_147, %dma_wait3A_137, %dma_wait3A_148, %dma_wait3A_149] : memref<20x125x32x8x128xf32, #tpu.memory_space<hbm>> -> memref<1x1x1x8x128xf32, #tpu.memory_space<hbm>>
    %dma_wait3A_151 = tpu.memref_squeeze %dma_wait3A_150 : memref<1x1x1x8x128xf32, #tpu.memory_space<hbm>> -> memref<1x8x128xf32, #tpu.memory_space<hbm>>
    %dma_wait3A_152 = arith.constant 0 : i32
    %dma_wait3A_153 = arith.constant 0 : i32
    %dma_wait3A_154 = arith.constant 0 : i32
    %dma_wait3A_155 = tpu.memref_slice %arg12[%dma_wait3A_152, %dma_wait3A_153, %dma_wait3A_154] : memref<4x8x129xf32, #tpu.memory_space<vmem>> -> memref<1x8x128xf32, #tpu.memory_space<vmem>>
    tpu.wait_dma2 semaphore(%arg18 : memref<!tpu.dma_semaphore, #tpu.memory_space<semaphore_mem>>) src(%dma_wait3A_155 : memref<1x8x128xf32, #tpu.memory_space<vmem>>) dst(%dma_wait3A_151 : memref<1x8x128xf32, #tpu.memory_space<hbm>>)
    %dma_wait3A_156 = arith.constant 0 : i32
    %dma_wait3A_157 = arith.constant 0 : i32
    %dma_wait3A_158 = tpu.memref_slice %arg7[%dma_wait3A_156, %dma_wait3A_157] : memref<1000x33xf32, #tpu.memory_space<vmem>> -> memref<1000x32xf32, #tpu.memory_space<vmem>>
    %dma_wait3A_159 = arith.constant 0 : i32
    %dma_wait3A_160 = arith.constant 0 : i32
    %dma_wait3A_161 = tpu.memref_slice %arg3[%dma_wait3A_159, %dma_wait3A_160] : memref<1000x1024xf32, #tpu.memory_space<hbm>> -> memref<1000x32xf32, #tpu.memory_space<hbm>>
    %dma_wait3A_162 = arith.constant 0 : i32
    %dma_wait3A_163 = arith.constant 0 : i32
    %dma_wait3A_164 = tpu.memref_slice %arg7[%dma_wait3A_162, %dma_wait3A_163] : memref<1000x33xf32, #tpu.memory_space<vmem>> -> memref<1000x32xf32, #tpu.memory_space<vmem>>
    %dma_wait3A_165 = arith.constant 0 : i32
    %dma_wait3A_166 = arith.constant 0 : i32
    %dma_wait3A_167 = tpu.memref_slice %arg3[%dma_wait3A_165, %dma_wait3A_166] : memref<1000x1024xf32, #tpu.memory_space<hbm>> -> memref<1000x32xf32, #tpu.memory_space<hbm>>
    tpu.wait_dma2 semaphore(%arg13 : memref<!tpu.dma_semaphore, #tpu.memory_space<semaphore_mem>>) src(%dma_wait3A_167 : memref<1000x32xf32, #tpu.memory_space<hbm>>) dst(%dma_wait3A_164 : memref<1000x32xf32, #tpu.memory_space<vmem>>)
    %dma_wait3A_168 = arith.constant 0 : i32
    %dma_wait3A_169 = arith.constant 0 : i32
    %dma_wait3A_170 = tpu.memref_slice %arg8[%dma_wait3A_168, %dma_wait3A_169] : memref<1000x33xf32, #tpu.memory_space<vmem>> -> memref<1000x32xf32, #tpu.memory_space<vmem>>
    %dma_wait3A_171 = arith.constant 0 : i32
    %dma_wait3A_172 = arith.constant 0 : i32
    %dma_wait3A_173 = tpu.memref_slice %arg3[%dma_wait3A_171, %dma_wait3A_172] : memref<1000x1024xf32, #tpu.memory_space<hbm>> -> memref<1000x32xf32, #tpu.memory_space<hbm>>
    %dma_wait3A_174 = arith.constant 0 : i32
    %dma_wait3A_175 = arith.constant 0 : i32
    %dma_wait3A_176 = tpu.memref_slice %arg8[%dma_wait3A_174, %dma_wait3A_175] : memref<1000x33xf32, #tpu.memory_space<vmem>> -> memref<1000x32xf32, #tpu.memory_space<vmem>>
    %dma_wait3A_177 = arith.constant 0 : i32
    %dma_wait3A_178 = arith.constant 0 : i32
    %dma_wait3A_179 = tpu.memref_slice %arg3[%dma_wait3A_177, %dma_wait3A_178] : memref<1000x1024xf32, #tpu.memory_space<hbm>> -> memref<1000x32xf32, #tpu.memory_space<hbm>>
    tpu.wait_dma2 semaphore(%arg14 : memref<!tpu.dma_semaphore, #tpu.memory_space<semaphore_mem>>) src(%dma_wait3A_179 : memref<1000x32xf32, #tpu.memory_space<hbm>>) dst(%dma_wait3A_176 : memref<1000x32xf32, #tpu.memory_space<vmem>>)
    return
  }
}

</mosaic_0001>

<sc_bundles>
// kernel: kernel.3.cloned.1.call-start
scs
__scs_entry_jumppad:
0x0: {  	(pc) =	sbr.rel $0x88, $3  }
0x1: {  	(tag) =	ssettag $0x0;
	lr =	simm.s32 $0x1  }
0x2: {  	[smem:$0x3F9F] =	sst lr;
	_ =	strace $0xD0000000  }
0x3: {  	_ = 	snop  }
0x4: {  	_ = 	snop  }
0x5: {  	_ = 	snop  }
0x6: {  	_ = 	snop  }
0x7: {  	_ = 	snop  }
__scs_overlays_trampoline_lowered:
0x8: {  	[smem:$0x3FAE] =	sst s0  }
0x9: {  	[smem:$0x3FAF] =	sst s1  }
0xa: {  	[smem:$0x3FB0] =	sst s2  }
0xb: {  	[smem:$0x3FB1] =	sst s3  }
0xc: {  	[smem:$0x3FB2] =	sst s4  }
0xd: {  	[smem:$0x3FB3] =	sst s5  }
0xe: {  	[smem:$0x3FB4] =	sst s6  }
0xf: {  	[smem:$0x3FB5] =	sst s7  }
0x10: {  	[smem:$0x3FB6] =	sst s8  }
0x11: {  	[smem:$0x3FB7] =	sst s9;
	s0 =	simm.s32 @!p0 $0x0  }
0x12: {  	s1 =	sld [smem:$0x3F9D];
	s0 =	simm.s32 @p0 $0x1  }
0x13: {  	[smem:$0x3FB8] =	sst s0;
	s0 =	simm.s32 @!p1 $0x0  }
0x14: {  	s2 =	sld [smem:$0x3F9C];
	s0 =	simm.s32 @p1 $0x1  }
0x15: {  	[smem:$0x3FB9] =	sst s0;
	s0 =	simm.s32 @!p2 $0x0  }
0x16: {  	s3 =	sld [smem:$0x3FDB];
	s0 =	simm.s32 @p2 $0x1  }
0x17: {  	s4 =	simm.s32 $0x1BF5;
	[smem:$0x3FBB] =	sst s0  }
0x18: {  	s0 =	sld [smem:$0x3F9E];
	_ =	swait.ge [sflag:s4], $0x0  }
0x19: {  	s7 =	sld [smem:$0x3F9F]  }
0x1a: {  	s8 =	sadd.s32 $0xFFFFE003, lr  }
0x1b: {  	s9 =	sadd.s32 $0xFFFFFEF7, lr;
	s5 =	simm.s32 $0xFFFFFFFF;
	p2 =	slt.u32 s8, $0xFFFFF086  }
0x1c: {  	p1 =	slt.u32 s9, $0xF7A;
	s5 =	simm.s32 @!p2 $0x0  }
0x1d: {  	s5 =	simm.s32 @p1 $0x1;
	p0 =	seq.s32 s7, s2  }
0x1e: {  	s7 =	smul.u32 @!p0 $0xF7A, s2;
	p2 =	seq.s32 @!p0 s5, $0x0  }
0x1f: {  	s9 =	smul.u32 $0xF7A, s1;
	s8 =	simm.s32 @!p0 $0x1BF5;
	p2 =	por !p2, p0  }
0x20: {  	[sflag:s8] =	ssyncset.s32 @!p0 $0xFFFFF086;
	s6 =	sadd.s32 @!p0 s3, s7;
	s7 =	simm.s32 @!p0 $0x108  }
0x21: {  	s3 =	sadd.s32 s3, s9;
	s6 =	sadd.s32 @!p0 $0x88, s6;
	s7 =	simm.s32 @p2 $0x1082  }
0x22: {  	[simem:s7], [sflag:s8] =	dma.local @!p0 [hbm:s6], $0xF7A  }
0x23: {  	s9 =	sor.u32 $0xD0000000, s2;
	s6 =	simm.s32 $0x108;
	_ =	swait.ge @!p0 [sflag:s8], $0x0  }
0x24: {  	s3 =	sadd.s32 $0x88, s3;
	s6 =	simm.s32 @!p1 $0x1082;
	[sflag:s4] =	ssyncset.s32 $0xFFFFF086  }
0x25: {  	[simem:s6], [sflag:s4] =	dma.local [hbm:s3], $0xF7A  }
0x26: {  	[smem:$0x3F9F] =	sst s1;
	(tag) =	ssettag s2;
	_ =	strace s9  }
0x27: {  	s1 =	sld [smem:$0x3FAF]  }
0x28: {  	s2 =	sld [smem:$0x3FB0]  }
0x29: {  	s4 =	sld [smem:$0x3FB2]  }
0x2a: {  	p0 =	seq.s32 s5, $0x0;
	s5 =	sld [smem:$0x3FB3]  }
0x2b: {  	s6 =	sld [smem:$0x3FB4]  }
0x2c: {  	s7 =	sld [smem:$0x3FB5]  }
0x2d: {  	s3 =	simm.s32 $0x108;
	s8 =	sld [smem:$0x3FB6]  }
0x2e: {  	s3 =	simm.s32 @!p0 $0x1082;
	s9 =	sld [smem:$0x3FB7]  }
0x2f: {  	lr =	sadd.s32 s0, s3;
	s0 =	sld [smem:$0x3FAE]  }
0x30: {  	s3 =	sld [smem:$0x3FB1]  }
0x31: {  	[smem:$0x3FBA] =	sst s10  }
0x32: {  	s10 =	sld [smem:$0x3FB8];
	_ =	sdelay $0x3  }
0x33: {  	p0 =	seq.s32 s10, $0x1;
	s10 =	sld [smem:$0x3FBA];
	_ =	sdelay $0x3  }
0x34: {  	[smem:$0x3FBA] =	sst s10  }
0x35: {  	s10 =	sld [smem:$0x3FB9];
	_ =	sdelay $0x3  }
0x36: {  	p1 =	seq.s32 s10, $0x1;
	s10 =	sld [smem:$0x3FBA];
	_ =	sdelay $0x3  }
0x37: {  	[smem:$0x3FBA] =	sst s10  }
0x38: {  	s10 =	sld [smem:$0x3FBB]  }
0x39: {  	_ = 	snop;
	(pc) =	sbr.ind lr, $3  }
0x3a: {  	_ = 	snop  }
0x3b: {  	_ = 	snop  }
0x3c: {  	p2 =	seq.s32 s10, $0x1;
	s10 =	sld [smem:$0x3FBA]  }
0x3d: {  	_ =	shalt  }
0x3e: {  	_ =	shalt  }
0x3f: {  	_ =	shalt  }
0x40: {  	_ =	shalt  }
0x41: {  	_ =	shalt  }
0x42: {  	_ =	shalt  }
0x43: {  	_ =	shalt  }
0x44: {  	_ =	shalt  }
0x45: {  	_ =	shalt  }
0x46: {  	_ =	shalt  }
0x47: {  	_ =	shalt  }
0x48: {  	_ =	shalt  }
0x49: {  	_ =	shalt  }
0x4a: {  	_ =	shalt  }
0x4b: {  	_ =	shalt  }
0x4c: {  	_ =	shalt  }
0x4d: {  	_ =	shalt  }
0x4e: {  	_ =	shalt  }
0x4f: {  	_ =	shalt  }
0x50: {  	_ =	shalt  }
0x51: {  	_ =	shalt  }
0x52: {  	_ =	shalt  }
0x53: {  	_ =	shalt  }
0x54: {  	_ =	shalt  }
0x55: {  	_ =	shalt  }
0x56: {  	_ =	shalt  }
0x57: {  	_ =	shalt  }
0x58: {  	_ =	shalt  }
0x59: {  	_ =	shalt  }
0x5a: {  	_ =	shalt  }
0x5b: {  	_ =	shalt  }
0x5c: {  	_ =	shalt  }
0x5d: {  	_ =	shalt  }
0x5e: {  	_ =	shalt  }
0x5f: {  	_ =	shalt  }
0x60: {  	_ =	shalt  }
0x61: {  	_ =	shalt  }
0x62: {  	_ =	shalt  }
0x63: {  	_ =	shalt  }
0x64: {  	_ =	shalt  }
0x65: {  	_ =	shalt  }
0x66: {  	_ =	shalt  }
0x67: {  	_ =	shalt  }
0x68: {  	_ =	shalt  }
0x69: {  	_ =	shalt  }
0x6a: {  	_ =	shalt  }
0x6b: {  	_ =	shalt  }
0x6c: {  	_ =	shalt  }
0x6d: {  	_ =	shalt  }
0x6e: {  	_ =	shalt  }
0x6f: {  	_ =	shalt  }
0x70: {  	_ =	shalt  }
0x71: {  	_ =	shalt  }
0x72: {  	_ =	shalt  }
0x73: {  	_ =	shalt  }
0x74: {  	_ =	shalt  }
0x75: {  	_ =	shalt  }
0x76: {  	_ =	shalt  }
0x77: {  	_ =	shalt  }
0x78: {  	_ =	shalt  }
0x79: {  	_ =	shalt  }
0x7a: {  	_ =	shalt  }
0x7b: {  	_ =	shalt  }
0x7c: {  	_ =	shalt  }
0x7d: {  	_ =	shalt  }
0x7e: {  	_ =	shalt  }
0x7f: {  	_ =	shalt  }
0x80: {  	_ =	shalt  }
0x81: {  	_ =	shalt  }
0x82: {  	_ =	shalt  }
0x83: {  	_ =	shalt  }
0x84: {  	_ =	shalt  }
0x85: {  	_ =	shalt  }
0x86: {  	_ =	shalt  }
0x87: {  	_ =	shalt  }
.Lfunc_end0:
.L_simem_size_0:
called_computation_lowered:
.L_overlay_start_0:
0x88: {  	s2 =	sld [smem:$0x3FD9]  }
0x89: {  	s3 =	sld [smem:$0x3FFE];
	_ =	sdelay $0x1  }
0x8a: {  	s1 =	srdreg.scid  }
0x8b: {  	s0 =	sand.u32 $0x1, s1  }
0x8c: {  	s17 =	sshll.u32 s0, $0xA;
	s2 =	sadd.s32 s3, s2  }
0x8d: {  	s2 =	sadd.s32 s2, s17  }
0x8e: {  	[smem:$0x3FC6] =	sst s2  }
0x8f: {  	_ = 	snop  }
0x90: {  	s2 =	sld [smem:$0x3FD0];
	(tm) =	ssettm $0x1  }
0x91: {  	s18 =	sld [smem:$0x3FFB];
	_ =	sdelay $0x3  }
0x92: {  	_ =	strace s18  }
0x93: {  	s3 =	sld [smem:$0x3FFC];
	_ =	sdelay $0x3  }
0x94: {  	_ =	strace s3  }
0x95: {  	s3 =	sld [smem:$0x3FFD];
	_ =	sdelay $0x3  }
0x96: {  	_ =	strace s3  }
0x97: {  	_ =	strace $0x8FFFFFFF  }
0x98: {  	s19 =	sld [smem:$0x3FDB];
	_ =	sdelay $0x1  }
0x99: {  	s4 =	simm.s32 $_scs_section_size  }
0x9a: {  	s5 =	simm.s32 $_size__tile_overlayer_lowered;
	s6 =	simm.s32 $_tile_overlayer_lowered  }
0x9b: {  	s22 =	simm.s32 $0x1BFF;
	s21 =	sshll.u32 s6, $0x1;
	s3 =	sadd.s32 s4, s19  }
0x9c: {  	s7 =	simm.s32 $0x0;
	s20 =	sshll.u32 s5, $0x1;
	s5 =	sadd.s32 s21, s3  }
0x9d: {  	[timem:s7], [sflag:s22] =	dma.local [hbm:s5], s20  }
0x9e: {  	_ =	swait.ge [sflag:s22], s20  }
0x9f: {  	s4 =	ssub.s32 $0x0, s20;
	[sflag:s22] =	ssyncset.done $0x0  }
0xa0: {  	[sflag:s22] =	ssyncadd.s32 s4;
	_ =	sdelay $0x1  }
0xa1: {  	s23 =	simm.s32 $0x1B8B  }
0xa2: {  	_ =	swait.ge [sflag:s23], $0x1  }
0xa3: {  	[sflag:s23] =	ssyncset.done $0x0  }
0xa4: {  	s25 =	simm.s32 $0x1B8E;
	s24 =	sld [smem:$0x3FFE];
	[sflag:s23] =	ssyncadd.s32 $0xFFFFFFFF  }
0xa5: {  	s26 =	simm.s32 $execute0_lowered;
	[smem:$0x3FD2] =	sst s25  }
0xa6: {  	s5 =	sshll.u32 s26, $0x1;
	_ =	strace $0x80000046;
	[dreg:$0x1] =	wrdreg $0xFFFFFFFF  }
0xa7: {  	s28 =	simm.s32 $_size_execute0_lowered;
	s3 =	sadd.s32 s3, s5;
	[dreg:$0x0] =	wrdreg $0x0  }
0xa8: {  	s5 =	sshll.u32 s28, $0x1;
	[dreg:$0x2] =	wrdreg s3  }
0xa9: {  	[dreg:$0x3] =	wrdreg s5  }
0xaa: {  	[dreg:$0x4] =	wrdreg $0xC0  }
0xab: {  	_ =	task [dreg:s7], $0x5FFFF  }
0xac: {  	[dreg:$0x1] =	wrdreg $0xFFFFFFFF  }
0xad: {  	[dreg:$0x0] =	wrdreg $0x60  }
0xae: {  	[dreg:$0x2] =	wrdreg s24  }
0xaf: {  	[dreg:$0x3] =	wrdreg s2  }
0xb0: {  	[dreg:$0x4] =	wrdreg $0x9  }
0xb1: {  	_ =	task.clear_ibuf [dreg:s7], $0x5FFFF;
	_ =	strace $0x90000046  }
0xb2: {  	s29 =	simm.s32 $0x9;
	_ =	strace $0x80000048  }
0xb3: {  	_ =	swait.ge [sflag:s29], $0x1  }
0xb4: {  	[sflag:s29] =	ssyncadd.s32 $0xFFFFFFFF  }
0xb5: {  	_ =	strace $0x90000048  }
0xb6: {  	_ =	sfence  }
0xb7: {  	s30 =	sld [smem:$0x0];
	_ =	sdelay $0x2  }
0xb8: {  	s31 =	sshll.u32 s1, $0xD;
	s1 =	sshrl.u32 s1, $0x2  }
0xb9: {  	s3 =	sand.u32 $0x4000, s31;
	s1 =	sadd.s32 s1, s30  }
0xba: {  	s0 =	sor.u32 s3, s0;
	s1 =	sshll.u32 s1, $0x11  }
0xbb: {  	s0 =	sor.u32 s1, s0  }
0xbc: {  	s0 =	sadd.s32 $0x8F2B, s0  }
0xbd: {  	[sflag:s0] =	ssyncadd.remote.s32 $0x1  }
0xbe: {  	_ =	sfence.sel $0xFFFF  }
0xbf: {  	[dreg:$0x0] =	wrdreg $0xFFFFFFFF;
	(pc) =	sbr.abs _section_cstart, $3  }
0xc0: {  	[dreg:$0x1] =	wrdreg $0xFFFFFFFF  }
0xc1: {  	_ =	task.clear_ibuf [dreg:s7], $0x2FFFF;
	_ =	strace $0x9FFFFFFF  }
0xc2: {  	(tm) =	ssettm $0x7FFFFFFF  }
0xc3: {  	_ =	shalt  }
tec
execute0_lowered:
.L_overlay_start_1:
0x0: {  	(tag) =	ssettag $0x1  }
0x1: {  	v0 =	vlaneseq.u32  }
0x2: {  	v0 =	vshrl.u32 v0, $0x3  }
0x3: {  	v1 =	vmul.u32 $0x8, v0  }
0x4: {  	s0 =	rddreg [dreg:$0x0];
	s3 =	simm.s32 $0x0  }
0x5: {  	[smem:$0x7FF] =	sst s3;
	v2 =	vor.u32 $0x63, v1  }
0x6: {  	s2 =	rddreg [dreg:$0x1];
	_ =	strace $0x80000047;
	v14 =	vor.u32 $0x1, v1;
	[tilespmem:$0x1FC30] =	vst v2  }
0x7: {  	v15 =	vor.u32 $0x2, v1;
	[tilespmem:$0x1FCC0] =	vst v14  }
0x8: {  	v16 =	vor.u32 $0x3, v1;
	[tilespmem:$0x1FCD0] =	vst v15  }
0x9: {  	v17 =	vor.u32 $0x4, v1;
	[tilespmem:$0x1FCE0] =	vst v16  }
0xa: {  	v18 =	vor.u32 $0x5, v1;
	[tilespmem:$0x1FCF0] =	vst v17  }
0xb: {  	v19 =	vor.u32 $0x6, v1;
	[tilespmem:$0x1FD00] =	vst v18  }
0xc: {  	v20 =	vor.u32 $0x7, v1;
	[tilespmem:$0x1FD10] =	vst v19  }
0xd: {  	v21 =	vor.u32 $0x10, v1;
	[tilespmem:$0x1FD20] =	vst v20  }
0xe: {  	v22 =	vor.u32 $0x11, v1;
	[tilespmem:$0x1FD30] =	vst v21  }
0xf: {  	v23 =	vor.u32 $0x12, v1;
	[tilespmem:$0x1FD40] =	vst v22  }
0x10: {  	v24 =	vor.u32 $0x13, v1;
	[tilespmem:$0x1FD50] =	vst v23  }
0x11: {  	v25 =	vor.u32 $0x14, v1;
	[tilespmem:$0x1FD60] =	vst v24  }
0x12: {  	v26 =	vor.u32 $0x15, v1;
	[tilespmem:$0x1FD70] =	vst v25  }
0x13: {  	v27 =	vor.u32 $0x16, v1;
	[tilespmem:$0x1FD80] =	vst v26  }
0x14: {  	v28 =	vor.u32 $0x17, v1;
	[tilespmem:$0x1FD90] =	vst v27  }
0x15: {  	v29 =	vor.u32 $0x20, v1;
	[tilespmem:$0x1FDA0] =	vst v28  }
0x16: {  	v30 =	vor.u32 $0x21, v1;
	[tilespmem:$0x1FDB0] =	vst v29  }
0x17: {  	v31 =	vor.u32 $0x22, v1;
	[tilespmem:$0x1FDC0] =	vst v30  }
0x18: {  	vm13 =	vcmask $0x300;
	vm12 =	vcmask $0x704;
	v32 =	vor.u32 $0x23, v1;
	[tilespmem:$0x1FDD0] =	vst v31  }
0x19: {  	vm11 =	vcmask $0xB08;
	vm10 =	vcmask $0xF0C;
	v33 =	vor.u32 $0x24, v1;
	[tilespmem:$0x1FDE0] =	vst v32  }
0x1a: {  	vm9 =	vcmask $0x1310;
	vm8 =	vcmask $0x1714;
	v34 =	vor.u32 $0x25, v1;
	[tilespmem:$0x1FDF0] =	vst v33  }
0x1b: {  	vm7 =	vcmask $0x1B18;
	vm6 =	vcmask $0x1F1C;
	v35 =	vor.u32 $0x26, v1;
	[tilespmem:$0x1FE00] =	vst v34  }
0x1c: {  	vm5 =	vcmask $0x2320;
	vm4 =	vcmask $0x2724;
	v36 =	vor.u32 $0x27, v1;
	[tilespmem:$0x1FE10] =	vst v35  }
0x1d: {  	vm3 =	vcmask $0x2B28;
	vm2 =	vcmask $0x2F2C;
	v37 =	vor.u32 $0x30, v1;
	[tilespmem:$0x1FE20] =	vst v36  }
0x1e: {  	vm1 =	vcmask $0x3330;
	v0 =	vimm.s32 $0x3C0;
	v38 =	vor.u32 $0x31, v1;
	[tilespmem:$0x1FE30] =	vst v37  }
0x1f: {  	vm0 =	vcmask $0x3734;
	v0 =	vsel vm13, $0x0, v0;
	v39 =	vor.u32 $0x32, v1;
	[tilespmem:$0x1FE40] =	vst v38  }
0x20: {  	vm14 =	vcmask $0x3B38;
	v40 =	vor.u32 $0x33, v1;
	v0 =	vsel vm12, $0x88, v0;
	[tilespmem:$0x1FE50] =	vst v39  }
0x21: {  	v3 =	vimm.s32 $0x1080;
	v41 =	vor.u32 $0x34, v1;
	v0 =	vsel vm11, $0x110, v0;
	[tilespmem:$0x1FE60] =	vst v40  }
0x22: {  	v3 =	vsel vm13, $0xCC0, v3;
	v42 =	vor.u32 $0x35, v1;
	[tilespmem:$0x1FE70] =	vst v41;
	v0 =	vsel vm10, $0x198, v0  }
0x23: {  	v3 =	vsel vm12, $0xD48, v3;
	v43 =	vor.u32 $0x36, v1;
	[tilespmem:$0x1FE80] =	vst v42;
	v0 =	vsel vm9, $0x220, v0  }
0x24: {  	v3 =	vsel vm11, $0xDD0, v3;
	v44 =	vor.u32 $0x37, v1;
	[tilespmem:$0x1FE90] =	vst v43;
	v0 =	vsel vm8, $0x2A8, v0  }
0x25: {  	v52 =	vor.u32 $0x40, v1;
	v11 =	vor.u32 $0x41, v1;
	[tilespmem:$0x1FEA0] =	vst v44;
	v0 =	vsel vm7, $0x330, v0  }
0x26: {  	v10 =	vor.u32 $0x42, v1;
	v8 =	vor.u32 $0x43, v1;
	[tilespmem:$0x1FEB0] =	vst v52;
	v0 =	vsel vm6, $0x3B8, v0  }
0x27: {  	v6 =	vor.u32 $0x44, v1;
	v7 =	vor.u32 $0x45, v1;
	[tilespmem:$0x1FEC0] =	vst v11;
	v0 =	vsel vm5, $0x8, v0  }
0x28: {  	v54 =	vor.u32 $0x46, v1;
	v55 =	vor.u32 $0x47, v1;
	[tilespmem:$0x1FED0] =	vst v10;
	v0 =	vsel vm4, $0x90, v0  }
0x29: {  	v56 =	vor.u32 $0x50, v1;
	v57 =	vor.u32 $0x51, v1;
	[tilespmem:$0x1FEE0] =	vst v8;
	v0 =	vsel vm3, $0x118, v0  }
0x2a: {  	v58 =	vor.u32 $0x52, v1;
	v5 =	vor.u32 $0x54, v1;
	[tilespmem:$0x1FEF0] =	vst v6;
	v0 =	vsel vm2, $0x1A0, v0  }
0x2b: {  	v53 =	vor.u32 $0x55, v1;
	v47 =	vor.u32 $0x56, v1;
	[tilespmem:$0x1FF00] =	vst v7;
	v0 =	vsel vm1, $0x228, v0  }
0x2c: {  	v48 =	vor.u32 $0x57, v1;
	v2 =	vor.u32 $0x64, v1;
	[tilespmem:$0x1FF10] =	vst v5;
	v0 =	vsel vm0, $0x2B0, v0  }
0x2d: {  	[tilespmem:$0x1FC40] =	vst v2;
	v2 =	vor.u32 $0x66, v1;
	v60 =	vsel vm14, $0x338, v0;
	v0 =	vimm.s32 $0x800  }
0x2e: {  	v49 =	vor.u32 $0x60, v1;
	[tilespmem:$0x1FC50] =	vst v2;
	v2 =	vor.u32 $0x67, v1;
	v0 =	vsel vm13, $0x440, v0  }
0x2f: {  	v50 =	vor.u32 $0x61, v1;
	[tilespmem:$0x1FC60] =	vst v2;
	v2 =	vor.u32 $0x70, v1;
	v0 =	vsel vm12, $0x4C8, v0  }
0x30: {  	v51 =	vor.u32 $0x62, v1;
	[tilespmem:$0x1FC70] =	vst v2;
	v2 =	vor.u32 $0x72, v1;
	v0 =	vsel vm11, $0x550, v0  }
0x31: {  	v3 =	vsel vm10, $0xE58, v3;
	[tilespmem:$0x1FC80] =	vst v2;
	v2 =	vimm.s32 $0xC40;
	v0 =	vsel vm10, $0x5D8, v0  }
0x32: {  	v4 =	vor.u32 $0x74, v1;
	[tilespmem:$0x1FF20] =	vst v53;
	v2 =	vsel vm13, $0x880, v2;
	v0 =	vsel vm9, $0x660, v0  }
0x33: {  	v3 =	vsel vm9, $0xEE0, v3;
	[tilespmem:$0x1FF30] =	vst v47;
	v2 =	vsel vm12, $0x908, v2;
	v0 =	vsel vm8, $0x6E8, v0  }
0x34: {  	[tilespmem:$0x1FF40] =	vst v48;
	v3 =	vsel vm8, $0xF68, v3;
	v2 =	vsel vm11, $0x990, v2;
	v0 =	vsel vm7, $0x770, v0  }
0x35: {  	[tilespmem:$0x1FF50] =	vst v49;
	v3 =	vsel vm7, $0xFF0, v3;
	v2 =	vsel vm10, $0xA18, v2;
	v0 =	vsel vm6, $0x7F8, v0  }
0x36: {  	[tilespmem:$0x1FF60] =	vst v50;
	v3 =	vsel vm6, $0x1078, v3;
	v2 =	vsel vm9, $0xAA0, v2;
	v0 =	vsel vm5, $0x448, v0  }
0x37: {  	[tilespmem:$0x1FF70] =	vst v51;
	v3 =	vsel vm5, $0xCC8, v3;
	v2 =	vsel vm8, $0xB28, v2;
	v0 =	vsel vm4, $0x4D0, v0  }
0x38: {  	s1 =	srdreg.scid;
	s16 =	simm.s32 $0x5A00;
	s17 =	simm.s32 $0x19280;
	[tilespmem:$0x1FF80] =	vst v54;
	v3 =	vsel vm4, $0xD50, v3;
	v2 =	vsel vm7, $0xBB0, v2;
	v0 =	vsel vm3, $0x558, v0  }
0x39: {  	s4 =	stileid.u32;
	s31 =	simm.s32 $0x19308;
	s30 =	simm.s32 $0x1B480;
	[tilespmem:$0x1FF90] =	vst v55;
	v3 =	vsel vm3, $0xDD8, v3;
	v2 =	vsel vm6, $0xC38, v2;
	v0 =	vsel vm2, $0x5E0, v0  }
0x3a: {  	s29 =	simm.s32 $0x1C580;
	s1 =	sand.u32 $0x1, s1;
	s25 =	sadd.s32 $0x2C08, s0;
	[tilespmem:$0x1FFA0] =	vst v56;
	v3 =	vsel vm2, $0xE60, v3;
	v2 =	vsel vm5, $0x888, v2;
	v0 =	vsel vm1, $0x668, v0  }
0x3b: {  	s4 =	sshll.u32 s4, $0x1;
	s8 =	sadd.s32 $0x2C00, s0;
	[dreg:$0x7] =	wrdreg s25;
	[tilespmem:$0x1FFB0] =	vst v57;
	v3 =	vsel vm1, $0xEE8, v3;
	v2 =	vsel vm4, $0x910, v2;
	v0 =	vsel vm0, $0x6F0, v0  }
0x3c: {  	s10 =	sadd.s32 $0x2C04, s0;
	s4 =	sor.u32 s1, s4;
	[dreg:$0x3] =	wrdreg s8;
	[tilespmem:$0x1FFC0] =	vst v58;
	v2 =	vsel vm3, $0x998, v2;
	v61 =	vsel vm14, $0x778, v0;
	v0 =	vsel vm0, $0xF70, v3  }
0x3d: {  	s1 =	ssub.s32 $0x2, s1;
	[dreg:$0x5] =	wrdreg s10;
	s5 =	sshll.u32 s4, $0x4;
	[tilespmem:$0x1FFE0] =	vst v4;
	v2 =	vsel vm2, $0xA20, v2;
	v63 =	vsel vm14, $0xFF8, v0;
	v0 =	vor.u32 $0x75, v1  }
0x3e: {  	s6 =	sshrl.u32 s1, $0x1;
	s28 =	sshll.u32 s4, $0xA;
	s4 =	simm.s32 $0xF640;
	v2 =	vsel vm1, $0xAA8, v2;
	[tilespmem:$0x1FC90] =	vst v0;
	v0 =	vor.u32 $0x76, v1  }
0x3f: {  	s5 =	sadd.s32 s5, s0;
	s0 =	sadd.s32 $0x2C0C, s0;
	v9 =	vor.u32 $0x71, v1;
	[dreg:$0x6] =	wrdreg s28;
	v2 =	vsel vm0, $0xB30, v2;
	[tilespmem:$0x1FCA0] =	vst v0;
	v0 =	vor.u32 $0x77, v1  }
0x40: {  	s1 =	ssub.s32 s1, s6;
	s5 =	sadd.s32 $0x400, s5;
	[dreg:$0x8] =	wrdreg s0;
	[tilespmem:$0x1FFF0] =	vst v9;
	v3 =	vor.u32 $0x73, v1  }
0x41: {  	s9 =	sor.u32 $0x3E0000, s28;
	s26 =	smax.u32 s1, $0x1;
	[dreg:$0x4] =	wrdreg s5;
	[tilespmem:$0x1FFD0] =	vst v3  }
0x42: {  	v59 =	vor.u32 $0x53, v1;
	v45 =	vor.u32 $0x65, v1;
	s6 =	simm.s32 $0x0;
	s1 =	simm.s32 $0x1A380;
	[dreg:$0x9] =	wrdreg s26;
	v62 =	vsel vm14, $0xBB8, v2;
	v2 =	vmovc v6;
	[tilespmem:$0x1FCB0] =	vst v0;
	v0 =	vmovc v7  }
.LBB2_1:
0x43: {  	[dreg:$0xa] =	wrdreg s6  }
0x44: {  	s0 =	simm.s32 $0x0;
	s5 =	rddreg [dreg:$0x4]  }
0x45: {  	s25 =	simm.s32 $0x80;
	s7 =	simm.s32 $0x1000;
	s26 =	simm.s32 $0x7;
	v6 =	vor.u32 s0, v1  }
0x46: {  	[tilespmem:s3], [sflag:$0x7] =	stream.strided.gather [hbm4b:s5+s25], $0xA00, s7, s25, $0x38;
	[tilespmem:$0x1D680] =	vst v63  }
0x47: {  	_ =	swait.ge [sflag:s26], $0xA00  }
0x48: {  	[sflag:s26] =	ssyncset.done $0x0  }
0x49: {  	[sflag:s26] =	ssyncadd.s32 $0xFFFFF600  }
0x4a: {  	v6 =	vld.idx.msk [tilespmem:v6+s3+$0x0], $0xffff  }
0x4b: {  	v7 =	vor.u32 s0, v14;
	_ =	sdelay $0x2  }
0x4c: {  	s5 =	simm.s32 $0xC00  }
0x4d: {  	[tilespmem:s5+$0xFFFFFE00] =	vst v6  }
0x4e: {  	v6 =	vld.idx.msk [tilespmem:v7+s3+$0x0], $0xffff  }
0x4f: {  	v7 =	vor.u32 s0, v15;
	_ =	sdelay $0x3  }
0x50: {  	[tilespmem:s5+$0xFFFFFE10] =	vst v6  }
0x51: {  	v6 =	vld.idx.msk [tilespmem:v7+s3+$0x0], $0xffff  }
0x52: {  	v7 =	vor.u32 s0, v16;
	_ =	sdelay $0x3  }
0x53: {  	[tilespmem:s5+$0xFFFFFE20] =	vst v6  }
0x54: {  	v6 =	vld.idx.msk [tilespmem:v7+s3+$0x0], $0xffff  }
0x55: {  	v7 =	vor.u32 s0, v17;
	_ =	sdelay $0x3  }
0x56: {  	[tilespmem:s5+$0xFFFFFE30] =	vst v6  }
0x57: {  	v6 =	vld.idx.msk [tilespmem:v7+s3+$0x0], $0xffff  }
0x58: {  	v7 =	vor.u32 s0, v18;
	_ =	sdelay $0x3  }
0x59: {  	[tilespmem:s5+$0xFFFFFE40] =	vst v6  }
0x5a: {  	v6 =	vld.idx.msk [tilespmem:v7+s3+$0x0], $0xffff  }
0x5b: {  	v7 =	vor.u32 s0, v19;
	_ =	sdelay $0x3  }
0x5c: {  	[tilespmem:s5+$0xFFFFFE50] =	vst v6  }
0x5d: {  	v6 =	vld.idx.msk [tilespmem:v7+s3+$0x0], $0xffff  }
0x5e: {  	v7 =	vor.u32 s0, v20;
	_ =	sdelay $0x3  }
0x5f: {  	[tilespmem:s5+$0xFFFFFE60] =	vst v6  }
0x60: {  	v6 =	vld.idx.msk [tilespmem:v7+s3+$0x0], $0xffff  }
0x61: {  	v7 =	vor.u32 s0, v21;
	_ =	sdelay $0x3  }
0x62: {  	[tilespmem:s5+$0xFFFFFE70] =	vst v6  }
0x63: {  	v6 =	vld.idx.msk [tilespmem:v7+s3+$0x0], $0xffff  }
0x64: {  	v7 =	vor.u32 s0, v22;
	_ =	sdelay $0x3  }
0x65: {  	[tilespmem:s5+$0xFFFFFE80] =	vst v6  }
0x66: {  	v6 =	vld.idx.msk [tilespmem:v7+s3+$0x0], $0xffff  }
0x67: {  	v7 =	vor.u32 s0, v23;
	_ =	sdelay $0x3  }
0x68: {  	[tilespmem:s5+$0xFFFFFE90] =	vst v6  }
0x69: {  	v6 =	vld.idx.msk [tilespmem:v7+s3+$0x0], $0xffff  }
0x6a: {  	v7 =	vor.u32 s0, v24;
	_ =	sdelay $0x3  }
0x6b: {  	[tilespmem:s5+$0xFFFFFEA0] =	vst v6  }
0x6c: {  	v6 =	vld.idx.msk [tilespmem:v7+s3+$0x0], $0xffff  }
0x6d: {  	v7 =	vor.u32 s0, v25;
	_ =	sdelay $0x3  }
0x6e: {  	[tilespmem:s5+$0xFFFFFEB0] =	vst v6  }
0x6f: {  	v6 =	vld.idx.msk [tilespmem:v7+s3+$0x0], $0xffff  }
0x70: {  	v7 =	vor.u32 s0, v26;
	_ =	sdelay $0x3  }
0x71: {  	[tilespmem:s5+$0xFFFFFEC0] =	vst v6  }
0x72: {  	v6 =	vld.idx.msk [tilespmem:v7+s3+$0x0], $0xffff  }
0x73: {  	v7 =	vor.u32 s0, v27;
	_ =	sdelay $0x3  }
0x74: {  	[tilespmem:s5+$0xFFFFFED0] =	vst v6  }
0x75: {  	v6 =	vld.idx.msk [tilespmem:v7+s3+$0x0], $0xffff  }
0x76: {  	v7 =	vor.u32 s0, v28;
	_ =	sdelay $0x3  }
0x77: {  	[tilespmem:s5+$0xFFFFFEE0] =	vst v6  }
0x78: {  	v6 =	vld.idx.msk [tilespmem:v7+s3+$0x0], $0xffff  }
0x79: {  	v7 =	vor.u32 s0, v29;
	_ =	sdelay $0x3  }
0x7a: {  	[tilespmem:s5+$0xFFFFFEF0] =	vst v6  }
0x7b: {  	v6 =	vld.idx.msk [tilespmem:v7+s3+$0x0], $0xffff  }
0x7c: {  	v7 =	vor.u32 s0, v30;
	_ =	sdelay $0x3  }
0x7d: {  	[tilespmem:s5+$0xFFFFFF00] =	vst v6  }
0x7e: {  	v6 =	vld.idx.msk [tilespmem:v7+s3+$0x0], $0xffff  }
0x7f: {  	v7 =	vor.u32 s0, v31;
	_ =	sdelay $0x3  }
0x80: {  	[tilespmem:s5+$0xFFFFFF10] =	vst v6  }
0x81: {  	v6 =	vld.idx.msk [tilespmem:v7+s3+$0x0], $0xffff  }
0x82: {  	v7 =	vor.u32 s0, v32;
	_ =	sdelay $0x3  }
0x83: {  	[tilespmem:s5+$0xFFFFFF20] =	vst v6  }
0x84: {  	v6 =	vld.idx.msk [tilespmem:v7+s3+$0x0], $0xffff  }
0x85: {  	v7 =	vor.u32 s0, v33;
	_ =	sdelay $0x3  }
0x86: {  	[tilespmem:s5+$0xFFFFFF30] =	vst v6  }
0x87: {  	v6 =	vld.idx.msk [tilespmem:v7+s3+$0x0], $0xffff  }
0x88: {  	v7 =	vor.u32 s0, v34;
	_ =	sdelay $0x3  }
0x89: {  	[tilespmem:s5+$0xFFFFFF40] =	vst v6  }
0x8a: {  	v6 =	vld.idx.msk [tilespmem:v7+s3+$0x0], $0xffff  }
0x8b: {  	v7 =	vor.u32 s0, v35;
	_ =	sdelay $0x3  }
0x8c: {  	[tilespmem:s5+$0xFFFFFF50] =	vst v6  }
0x8d: {  	v6 =	vld.idx.msk [tilespmem:v7+s3+$0x0], $0xffff  }
0x8e: {  	v7 =	vor.u32 s0, v36;
	_ =	sdelay $0x3  }
0x8f: {  	[tilespmem:s5+$0xFFFFFF60] =	vst v6  }
0x90: {  	v6 =	vld.idx.msk [tilespmem:v7+s3+$0x0], $0xffff  }
0x91: {  	v7 =	vor.u32 s0, v37;
	_ =	sdelay $0x3  }
0x92: {  	[tilespmem:s5+$0xFFFFFF70] =	vst v6  }
0x93: {  	v6 =	vld.idx.msk [tilespmem:v7+s3+$0x0], $0xffff  }
0x94: {  	v7 =	vor.u32 s0, v38;
	_ =	sdelay $0x3  }
0x95: {  	[tilespmem:s5+$0xFFFFFF80] =	vst v6  }
0x96: {  	v6 =	vld.idx.msk [tilespmem:v7+s3+$0x0], $0xffff  }
0x97: {  	v7 =	vor.u32 s0, v39;
	_ =	sdelay $0x3  }
0x98: {  	[tilespmem:s5+$0xFFFFFF90] =	vst v6  }
0x99: {  	v6 =	vld.idx.msk [tilespmem:v7+s3+$0x0], $0xffff  }
0x9a: {  	v7 =	vor.u32 s0, v40;
	_ =	sdelay $0x3  }
0x9b: {  	[tilespmem:s5+$0xFFFFFFA0] =	vst v6  }
0x9c: {  	v6 =	vld.idx.msk [tilespmem:v7+s3+$0x0], $0xffff  }
0x9d: {  	v7 =	vor.u32 s0, v41;
	_ =	sdelay $0x3  }
0x9e: {  	[tilespmem:s5+$0xFFFFFFB0] =	vst v6  }
0x9f: {  	v6 =	vld.idx.msk [tilespmem:v7+s3+$0x0], $0xffff  }
0xa0: {  	v7 =	vor.u32 s0, v42;
	_ =	sdelay $0x3  }
0xa1: {  	[tilespmem:s5+$0xFFFFFFC0] =	vst v6  }
0xa2: {  	v6 =	vld.idx.msk [tilespmem:v7+s3+$0x0], $0xffff  }
0xa3: {  	v7 =	vor.u32 s0, v43;
	_ =	sdelay $0x3  }
0xa4: {  	[tilespmem:s5+$0xFFFFFFD0] =	vst v6  }
0xa5: {  	v6 =	vld.idx.msk [tilespmem:v7+s3+$0x0], $0xffff  }
0xa6: {  	v7 =	vor.u32 s0, v44;
	_ =	sdelay $0x3  }
0xa7: {  	[tilespmem:s5+$0xFFFFFFE0] =	vst v6  }
0xa8: {  	v6 =	vld.idx.msk [tilespmem:v7+s3+$0x0], $0xffff  }
0xa9: {  	v7 =	vor.u32 s0, v52;
	_ =	sdelay $0x3  }
0xaa: {  	[tilespmem:s5+$0xFFFFFFF0] =	vst v6  }
0xab: {  	v6 =	vld.idx.msk [tilespmem:v7+s3+$0x0], $0xffff  }
0xac: {  	v7 =	vor.u32 s0, v11;
	_ =	sdelay $0x3  }
0xad: {  	[tilespmem:s5+$0x0] =	vst v6  }
0xae: {  	v6 =	vld.idx.msk [tilespmem:v7+s3+$0x0], $0xffff  }
0xaf: {  	v7 =	vor.u32 s0, v10;
	_ =	sdelay $0x3  }
0xb0: {  	[tilespmem:s5+$0x10] =	vst v6  }
0xb1: {  	v6 =	vld.idx.msk [tilespmem:v7+s3+$0x0], $0xffff  }
0xb2: {  	v7 =	vor.u32 s0, v8;
	_ =	sdelay $0x3  }
0xb3: {  	[tilespmem:s5+$0x20] =	vst v6  }
0xb4: {  	v6 =	vld.idx.msk [tilespmem:v7+s3+$0x0], $0xffff  }
0xb5: {  	v7 =	vor.u32 s0, v2;
	_ =	sdelay $0x3  }
0xb6: {  	[tilespmem:s5+$0x30] =	vst v6  }
0xb7: {  	v6 =	vld.idx.msk [tilespmem:v7+s3+$0x0], $0xffff  }
0xb8: {  	v7 =	vor.u32 s0, v0;
	_ =	sdelay $0x3  }
0xb9: {  	[tilespmem:s5+$0x40] =	vst v6  }
0xba: {  	v6 =	vld.idx.msk [tilespmem:v7+s3+$0x0], $0xffff  }
0xbb: {  	v7 =	vor.u32 s0, v54;
	_ =	sdelay $0x3  }
0xbc: {  	[tilespmem:s5+$0x50] =	vst v6  }
0xbd: {  	v6 =	vld.idx.msk [tilespmem:v7+s3+$0x0], $0xffff  }
0xbe: {  	v7 =	vor.u32 s0, v55;
	_ =	sdelay $0x3  }
0xbf: {  	[tilespmem:s5+$0x60] =	vst v6  }
0xc0: {  	v6 =	vld.idx.msk [tilespmem:v7+s3+$0x0], $0xffff  }
0xc1: {  	v7 =	vor.u32 s0, v56;
	_ =	sdelay $0x3  }
0xc2: {  	[tilespmem:s5+$0x70] =	vst v6  }
0xc3: {  	v6 =	vld.idx.msk [tilespmem:v7+s3+$0x0], $0xffff  }
0xc4: {  	v7 =	vor.u32 s0, v57;
	_ =	sdelay $0x3  }
0xc5: {  	[tilespmem:s5+$0x80] =	vst v6  }
0xc6: {  	v6 =	vld.idx.msk [tilespmem:v7+s3+$0x0], $0xffff  }
0xc7: {  	v7 =	vor.u32 s0, v58;
	_ =	sdelay $0x3  }
0xc8: {  	[tilespmem:s5+$0x90] =	vst v6  }
0xc9: {  	v6 =	vld.idx.msk [tilespmem:v7+s3+$0x0], $0xffff  }
0xca: {  	v7 =	vor.u32 s0, v59;
	_ =	sdelay $0x3  }
0xcb: {  	[tilespmem:s5+$0xA0] =	vst v6  }
0xcc: {  	v6 =	vld.idx.msk [tilespmem:v7+s3+$0x0], $0xffff  }
0xcd: {  	v7 =	vor.u32 s0, v5;
	_ =	sdelay $0x3  }
0xce: {  	[tilespmem:s5+$0xB0] =	vst v6  }
0xcf: {  	v6 =	vld.idx.msk [tilespmem:v7+s3+$0x0], $0xffff  }
0xd0: {  	v7 =	vor.u32 s0, v53;
	_ =	sdelay $0x3  }
0xd1: {  	[tilespmem:s5+$0xC0] =	vst v6  }
0xd2: {  	v6 =	vld.idx.msk [tilespmem:v7+s3+$0x0], $0xffff  }
0xd3: {  	v7 =	vor.u32 s0, v47;
	_ =	sdelay $0x3  }
0xd4: {  	[tilespmem:s5+$0xD0] =	vst v6  }
0xd5: {  	v6 =	vld.idx.msk [tilespmem:v7+s3+$0x0], $0xffff  }
0xd6: {  	v7 =	vor.u32 s0, v48;
	_ =	sdelay $0x3  }
0xd7: {  	[tilespmem:s5+$0xE0] =	vst v6  }
0xd8: {  	v6 =	vld.idx.msk [tilespmem:v7+s3+$0x0], $0xffff  }
0xd9: {  	v7 =	vor.u32 s0, v49;
	_ =	sdelay $0x3  }
0xda: {  	[tilespmem:s5+$0xF0] =	vst v6  }
0xdb: {  	v6 =	vld.idx.msk [tilespmem:v7+s3+$0x0], $0xffff  }
0xdc: {  	v7 =	vor.u32 s0, v50;
	_ =	sdelay $0x3  }
0xdd: {  	[tilespmem:s5+$0x100] =	vst v6  }
0xde: {  	v6 =	vld.idx.msk [tilespmem:v7+s3+$0x0], $0xffff  }
0xdf: {  	v7 =	vor.u32 s0, v51;
	_ =	sdelay $0x3  }
0xe0: {  	[tilespmem:s5+$0x110] =	vst v6  }
0xe1: {  	v6 =	vld.idx.msk [tilespmem:v7+s3+$0x0], $0xffff  }
0xe2: {  	v7 =	vld [tilespmem:$0x1FC30];
	_ =	sdelay $0x4  }
0xe3: {  	v7 =	vor.u32 s0, v7  }
0xe4: {  	v0 =	vmov v3;
	v3 =	vld [tilespmem:$0x1FC40];
	_ =	sdelay $0x2  }
0xe5: {  	[tilespmem:s5+$0x120] =	vst v6  }
0xe6: {  	v6 =	vld.idx.msk [tilespmem:v7+s3+$0x0], $0xffff  }
0xe7: {  	v7 =	vor.u32 s0, v3;
	_ =	sdelay $0x3  }
0xe8: {  	[tilespmem:s5+$0x130] =	vst v6  }
0xe9: {  	v6 =	vld.idx.msk [tilespmem:v7+s3+$0x0], $0xffff  }
0xea: {  	v7 =	vor.u32 s0, v45  }
0xeb: {  	v8 =	vmov v3;
	v3 =	vld [tilespmem:$0x1FC50];
	_ =	sdelay $0x2  }
0xec: {  	[tilespmem:s5+$0x140] =	vst v6  }
0xed: {  	v6 =	vld.idx.msk [tilespmem:v7+s3+$0x0], $0xffff  }
0xee: {  	v7 =	vor.u32 s0, v3  }
0xef: {  	v3 =	vld [tilespmem:$0x1FC60];
	_ =	sdelay $0x2  }
0xf0: {  	[tilespmem:s5+$0x150] =	vst v6  }
0xf1: {  	v6 =	vld.idx.msk [tilespmem:v7+s3+$0x0], $0xffff  }
0xf2: {  	v7 =	vor.u32 s0, v3  }
0xf3: {  	v46 =	vmov v50;
	v50 =	vmov v4;
	v4 =	vmov v3;
	v3 =	vld [tilespmem:$0x1FC70];
	_ =	sdelay $0x2  }
0xf4: {  	[tilespmem:s5+$0x160] =	vst v6  }
0xf5: {  	v6 =	vld.idx.msk [tilespmem:v7+s3+$0x0], $0xffff  }
0xf6: {  	v7 =	vor.u32 s0, v3;
	_ =	sdelay $0x3  }
0xf7: {  	[tilespmem:s5+$0x170] =	vst v6  }
0xf8: {  	v6 =	vld.idx.msk [tilespmem:v7+s3+$0x0], $0xffff  }
0xf9: {  	v7 =	vor.u32 s0, v9  }
0xfa: {  	v12 =	vmov v3;
	v3 =	vld [tilespmem:$0x1FC80];
	_ =	sdelay $0x2  }
0xfb: {  	[tilespmem:s5+$0x180] =	vst v6  }
0xfc: {  	v6 =	vld.idx.msk [tilespmem:v7+s3+$0x0], $0xffff  }
0xfd: {  	v7 =	vor.u32 s0, v3;
	_ =	sdelay $0x3  }
0xfe: {  	[tilespmem:s5+$0x190] =	vst v6  }
0xff: {  	v6 =	vld.idx.msk [tilespmem:v7+s3+$0x0], $0xffff  }
0x100: {  	v7 =	vor.u32 s0, v0;
	_ =	sdelay $0x3  }
0x101: {  	[tilespmem:s5+$0x1A0] =	vst v6  }
0x102: {  	v6 =	vld.idx.msk [tilespmem:v7+s3+$0x0], $0xffff  }
0x103: {  	v7 =	vor.u32 s0, v50  }
0x104: {  	v0 =	vld [tilespmem:$0x1FC90];
	_ =	sdelay $0x2  }
0x105: {  	[tilespmem:s5+$0x1B0] =	vst v6  }
0x106: {  	v6 =	vld.idx.msk [tilespmem:v7+s3+$0x0], $0xffff  }
0x107: {  	v7 =	vor.u32 s0, v0  }
0x108: {  	v0 =	vld [tilespmem:$0x1FCA0];
	_ =	sdelay $0x2  }
0x109: {  	[tilespmem:s5+$0x1C0] =	vst v6  }
0x10a: {  	v6 =	vld.idx.msk [tilespmem:v7+s3+$0x0], $0xffff  }
0x10b: {  	v7 =	vor.u32 s0, v0;
	_ =	sdelay $0x3  }
0x10c: {  	[tilespmem:s5+$0x1D0] =	vst v6  }
0x10d: {  	v6 =	vld.idx.msk [tilespmem:v7+s3+$0x0], $0xffff  }
0x10e: {  	v7 =	vld [tilespmem:$0x1FCB0];
	_ =	sdelay $0x4  }
0x10f: {  	v9 =	vmov v7;
	v7 =	vor.u32 s0, v7;
	_ =	sdelay $0x2  }
0x110: {  	v13 =	vmov v3;
	v3 =	vld [tilespmem:$0x1FF00]  }
0x111: {  	v50 =	vmov v46;
	v46 =	vmov v0;
	v0 =	vld [tilespmem:$0x1FEE0];
	[tilespmem:s5+$0x1E0] =	vst v6  }
0x112: {  	s12 =	simm.s32 $0x80;
	s13 =	simm.s32 $0x2;
	v6 =	vld.idx.msk [tilespmem:v7+s3+$0x0], $0xffff  }
.LBB2_2:
0x113: {  	v7 =	vor.u32 s12, v1;
	_ =	sdelay $0x3  }
0x114: {  	s11 =	simm.s32 $0x0;
	[tilespmem:s5+$0x1F0] =	vst v6  }
0x115: {  	v6 =	vld.idx.msk [tilespmem:v7+s11+$0x0], $0xffff  }
0x116: {  	v7 =	vor.u32 s12, v14;
	_ =	sdelay $0x2  }
0x117: {  	s5 =	sadd.s32 $0x400, s5  }
0x118: {  	[tilespmem:s5+$0xFFFFFE00] =	vst v6  }
0x119: {  	v6 =	vld.idx.msk [tilespmem:v7+s11+$0x0], $0xffff  }
0x11a: {  	v7 =	vor.u32 s12, v15;
	_ =	sdelay $0x3  }
0x11b: {  	[tilespmem:s5+$0xFFFFFE10] =	vst v6  }
0x11c: {  	v6 =	vld.idx.msk [tilespmem:v7+s11+$0x0], $0xffff  }
0x11d: {  	v7 =	vor.u32 s12, v16;
	_ =	sdelay $0x3  }
0x11e: {  	[tilespmem:s5+$0xFFFFFE20] =	vst v6  }
0x11f: {  	v6 =	vld.idx.msk [tilespmem:v7+s11+$0x0], $0xffff  }
0x120: {  	v7 =	vor.u32 s12, v17;
	_ =	sdelay $0x3  }
0x121: {  	[tilespmem:s5+$0xFFFFFE30] =	vst v6  }
0x122: {  	v6 =	vld.idx.msk [tilespmem:v7+s11+$0x0], $0xffff  }
0x123: {  	v7 =	vor.u32 s12, v18;
	_ =	sdelay $0x3  }
0x124: {  	[tilespmem:s5+$0xFFFFFE40] =	vst v6  }
0x125: {  	v6 =	vld.idx.msk [tilespmem:v7+s11+$0x0], $0xffff  }
0x126: {  	v7 =	vor.u32 s12, v19;
	_ =	sdelay $0x3  }
0x127: {  	[tilespmem:s5+$0xFFFFFE50] =	vst v6  }
0x128: {  	v6 =	vld.idx.msk [tilespmem:v7+s11+$0x0], $0xffff  }
0x129: {  	v7 =	vor.u32 s12, v20;
	_ =	sdelay $0x3  }
0x12a: {  	[tilespmem:s5+$0xFFFFFE60] =	vst v6  }
0x12b: {  	v6 =	vld.idx.msk [tilespmem:v7+s11+$0x0], $0xffff  }
0x12c: {  	v7 =	vor.u32 s12, v21;
	_ =	sdelay $0x3  }
0x12d: {  	[tilespmem:s5+$0xFFFFFE70] =	vst v6  }
0x12e: {  	v6 =	vld.idx.msk [tilespmem:v7+s11+$0x0], $0xffff  }
0x12f: {  	v7 =	vor.u32 s12, v22;
	_ =	sdelay $0x3  }
0x130: {  	[tilespmem:s5+$0xFFFFFE80] =	vst v6  }
0x131: {  	v6 =	vld.idx.msk [tilespmem:v7+s11+$0x0], $0xffff  }
0x132: {  	v7 =	vor.u32 s12, v23;
	_ =	sdelay $0x3  }
0x133: {  	[tilespmem:s5+$0xFFFFFE90] =	vst v6  }
0x134: {  	v6 =	vld.idx.msk [tilespmem:v7+s11+$0x0], $0xffff  }
0x135: {  	v7 =	vor.u32 s12, v24;
	_ =	sdelay $0x3  }
0x136: {  	[tilespmem:s5+$0xFFFFFEA0] =	vst v6  }
0x137: {  	v6 =	vld.idx.msk [tilespmem:v7+s11+$0x0], $0xffff  }
0x138: {  	v7 =	vor.u32 s12, v25;
	_ =	sdelay $0x3  }
0x139: {  	[tilespmem:s5+$0xFFFFFEB0] =	vst v6  }
0x13a: {  	v6 =	vld.idx.msk [tilespmem:v7+s11+$0x0], $0xffff  }
0x13b: {  	v7 =	vor.u32 s12, v26;
	_ =	sdelay $0x3  }
0x13c: {  	[tilespmem:s5+$0xFFFFFEC0] =	vst v6  }
0x13d: {  	v6 =	vld.idx.msk [tilespmem:v7+s11+$0x0], $0xffff  }
0x13e: {  	v7 =	vor.u32 s12, v27;
	_ =	sdelay $0x3  }
0x13f: {  	[tilespmem:s5+$0xFFFFFED0] =	vst v6  }
0x140: {  	v6 =	vld.idx.msk [tilespmem:v7+s11+$0x0], $0xffff  }
0x141: {  	v7 =	vor.u32 s12, v28;
	_ =	sdelay $0x3  }
0x142: {  	[tilespmem:s5+$0xFFFFFEE0] =	vst v6  }
0x143: {  	v6 =	vld.idx.msk [tilespmem:v7+s11+$0x0], $0xffff  }
0x144: {  	v7 =	vor.u32 s12, v29;
	_ =	sdelay $0x3  }
0x145: {  	[tilespmem:s5+$0xFFFFFEF0] =	vst v6  }
0x146: {  	v6 =	vld.idx.msk [tilespmem:v7+s11+$0x0], $0xffff  }
0x147: {  	v7 =	vor.u32 s12, v30;
	_ =	sdelay $0x3  }
0x148: {  	[tilespmem:s5+$0xFFFFFF00] =	vst v6  }
0x149: {  	v6 =	vld.idx.msk [tilespmem:v7+s11+$0x0], $0xffff  }
0x14a: {  	v7 =	vor.u32 s12, v31;
	_ =	sdelay $0x3  }
0x14b: {  	[tilespmem:s5+$0xFFFFFF10] =	vst v6  }
0x14c: {  	v6 =	vld.idx.msk [tilespmem:v7+s11+$0x0], $0xffff  }
0x14d: {  	v7 =	vor.u32 s12, v32;
	_ =	sdelay $0x3  }
0x14e: {  	[tilespmem:s5+$0xFFFFFF20] =	vst v6  }
0x14f: {  	v6 =	vld.idx.msk [tilespmem:v7+s11+$0x0], $0xffff  }
0x150: {  	v7 =	vor.u32 s12, v33;
	_ =	sdelay $0x3  }
0x151: {  	[tilespmem:s5+$0xFFFFFF30] =	vst v6  }
0x152: {  	v6 =	vld.idx.msk [tilespmem:v7+s11+$0x0], $0xffff  }
0x153: {  	v7 =	vor.u32 s12, v34;
	_ =	sdelay $0x3  }
0x154: {  	[tilespmem:s5+$0xFFFFFF40] =	vst v6  }
0x155: {  	v6 =	vld.idx.msk [tilespmem:v7+s11+$0x0], $0xffff  }
0x156: {  	v7 =	vor.u32 s12, v35;
	_ =	sdelay $0x3  }
0x157: {  	[tilespmem:s5+$0xFFFFFF50] =	vst v6  }
0x158: {  	v6 =	vld.idx.msk [tilespmem:v7+s11+$0x0], $0xffff  }
0x159: {  	v7 =	vor.u32 s12, v36;
	_ =	sdelay $0x3  }
0x15a: {  	[tilespmem:s5+$0xFFFFFF60] =	vst v6  }
0x15b: {  	v6 =	vld.idx.msk [tilespmem:v7+s11+$0x0], $0xffff  }
0x15c: {  	v7 =	vor.u32 s12, v37;
	_ =	sdelay $0x3  }
0x15d: {  	[tilespmem:s5+$0xFFFFFF70] =	vst v6  }
0x15e: {  	v6 =	vld.idx.msk [tilespmem:v7+s11+$0x0], $0xffff  }
0x15f: {  	v7 =	vor.u32 s12, v38;
	_ =	sdelay $0x3  }
0x160: {  	[tilespmem:s5+$0xFFFFFF80] =	vst v6  }
0x161: {  	v6 =	vld.idx.msk [tilespmem:v7+s11+$0x0], $0xffff  }
0x162: {  	v7 =	vor.u32 s12, v39;
	_ =	sdelay $0x3  }
0x163: {  	[tilespmem:s5+$0xFFFFFF90] =	vst v6  }
0x164: {  	v6 =	vld.idx.msk [tilespmem:v7+s11+$0x0], $0xffff  }
0x165: {  	v7 =	vor.u32 s12, v40;
	_ =	sdelay $0x3  }
0x166: {  	[tilespmem:s5+$0xFFFFFFA0] =	vst v6  }
0x167: {  	v6 =	vld.idx.msk [tilespmem:v7+s11+$0x0], $0xffff  }
0x168: {  	v7 =	vor.u32 s12, v41;
	_ =	sdelay $0x3  }
0x169: {  	[tilespmem:s5+$0xFFFFFFB0] =	vst v6  }
0x16a: {  	v6 =	vld.idx.msk [tilespmem:v7+s11+$0x0], $0xffff  }
0x16b: {  	v7 =	vor.u32 s12, v42;
	_ =	sdelay $0x3  }
0x16c: {  	[tilespmem:s5+$0xFFFFFFC0] =	vst v6  }
0x16d: {  	v6 =	vld.idx.msk [tilespmem:v7+s11+$0x0], $0xffff  }
0x16e: {  	v7 =	vor.u32 s12, v43;
	_ =	sdelay $0x3  }
0x16f: {  	[tilespmem:s5+$0xFFFFFFD0] =	vst v6  }
0x170: {  	v6 =	vld.idx.msk [tilespmem:v7+s11+$0x0], $0xffff  }
0x171: {  	v7 =	vor.u32 s12, v44;
	_ =	sdelay $0x3  }
0x172: {  	[tilespmem:s5+$0xFFFFFFE0] =	vst v6  }
0x173: {  	v6 =	vld.idx.msk [tilespmem:v7+s11+$0x0], $0xffff  }
0x174: {  	v7 =	vor.u32 s12, v52;
	_ =	sdelay $0x3  }
0x175: {  	[tilespmem:s5+$0xFFFFFFF0] =	vst v6  }
0x176: {  	v6 =	vld.idx.msk [tilespmem:v7+s11+$0x0], $0xffff  }
0x177: {  	v7 =	vor.u32 s12, v11;
	_ =	sdelay $0x3  }
0x178: {  	[tilespmem:s5+$0x0] =	vst v6  }
0x179: {  	v6 =	vld.idx.msk [tilespmem:v7+s11+$0x0], $0xffff  }
0x17a: {  	v7 =	vor.u32 s12, v10;
	_ =	sdelay $0x3  }
0x17b: {  	[tilespmem:s5+$0x10] =	vst v6  }
0x17c: {  	v6 =	vld.idx.msk [tilespmem:v7+s11+$0x0], $0xffff  }
0x17d: {  	v7 =	vor.u32 s12, v0;
	_ =	sdelay $0x3  }
0x17e: {  	[tilespmem:s5+$0x20] =	vst v6  }
0x17f: {  	v6 =	vld.idx.msk [tilespmem:v7+s11+$0x0], $0xffff  }
0x180: {  	v7 =	vor.u32 s12, v2;
	_ =	sdelay $0x3  }
0x181: {  	[tilespmem:s5+$0x30] =	vst v6  }
0x182: {  	v6 =	vld.idx.msk [tilespmem:v7+s11+$0x0], $0xffff  }
0x183: {  	v7 =	vor.u32 s12, v3;
	_ =	sdelay $0x3  }
0x184: {  	[tilespmem:s5+$0x40] =	vst v6  }
0x185: {  	v6 =	vld.idx.msk [tilespmem:v7+s11+$0x0], $0xffff  }
0x186: {  	v7 =	vor.u32 s12, v54;
	_ =	sdelay $0x3  }
0x187: {  	[tilespmem:s5+$0x50] =	vst v6  }
0x188: {  	v6 =	vld.idx.msk [tilespmem:v7+s11+$0x0], $0xffff  }
0x189: {  	v7 =	vor.u32 s12, v55;
	_ =	sdelay $0x3  }
0x18a: {  	[tilespmem:s5+$0x60] =	vst v6  }
0x18b: {  	v6 =	vld.idx.msk [tilespmem:v7+s11+$0x0], $0xffff  }
0x18c: {  	v7 =	vor.u32 s12, v56;
	_ =	sdelay $0x3  }
0x18d: {  	[tilespmem:s5+$0x70] =	vst v6  }
0x18e: {  	v6 =	vld.idx.msk [tilespmem:v7+s11+$0x0], $0xffff  }
0x18f: {  	v7 =	vor.u32 s12, v57;
	_ =	sdelay $0x3  }
0x190: {  	[tilespmem:s5+$0x80] =	vst v6  }
0x191: {  	v6 =	vld.idx.msk [tilespmem:v7+s11+$0x0], $0xffff  }
0x192: {  	v7 =	vor.u32 s12, v58;
	_ =	sdelay $0x3  }
0x193: {  	[tilespmem:s5+$0x90] =	vst v6  }
0x194: {  	v6 =	vld.idx.msk [tilespmem:v7+s11+$0x0], $0xffff  }
0x195: {  	v7 =	vor.u32 s12, v59;
	_ =	sdelay $0x3  }
0x196: {  	[tilespmem:s5+$0xA0] =	vst v6  }
0x197: {  	v6 =	vld.idx.msk [tilespmem:v7+s11+$0x0], $0xffff  }
0x198: {  	v7 =	vor.u32 s12, v5;
	_ =	sdelay $0x3  }
0x199: {  	[tilespmem:s5+$0xB0] =	vst v6  }
0x19a: {  	v6 =	vld.idx.msk [tilespmem:v7+s11+$0x0], $0xffff  }
0x19b: {  	v7 =	vor.u32 s12, v53;
	_ =	sdelay $0x3  }
0x19c: {  	[tilespmem:s5+$0xC0] =	vst v6  }
0x19d: {  	v6 =	vld.idx.msk [tilespmem:v7+s11+$0x0], $0xffff  }
0x19e: {  	v7 =	vor.u32 s12, v47;
	_ =	sdelay $0x3  }
0x19f: {  	[tilespmem:s5+$0xD0] =	vst v6  }
0x1a0: {  	v6 =	vld.idx.msk [tilespmem:v7+s11+$0x0], $0xffff  }
0x1a1: {  	v7 =	vor.u32 s12, v48;
	_ =	sdelay $0x3  }
0x1a2: {  	[tilespmem:s5+$0xE0] =	vst v6  }
0x1a3: {  	v6 =	vld.idx.msk [tilespmem:v7+s11+$0x0], $0xffff  }
0x1a4: {  	v7 =	vor.u32 s12, v49;
	_ =	sdelay $0x3  }
0x1a5: {  	[tilespmem:s5+$0xF0] =	vst v6  }
0x1a6: {  	v6 =	vld.idx.msk [tilespmem:v7+s11+$0x0], $0xffff  }
0x1a7: {  	v7 =	vor.u32 s12, v50;
	_ =	sdelay $0x3  }
0x1a8: {  	[tilespmem:s5+$0x100] =	vst v6  }
0x1a9: {  	v6 =	vld.idx.msk [tilespmem:v7+s11+$0x0], $0xffff  }
0x1aa: {  	v7 =	vor.u32 s12, v51;
	_ =	sdelay $0x3  }
0x1ab: {  	[tilespmem:s5+$0x110] =	vst v6  }
0x1ac: {  	v6 =	vld.idx.msk [tilespmem:v7+s11+$0x0], $0xffff  }
0x1ad: {  	v7 =	vld [tilespmem:$0x1FC30];
	_ =	sdelay $0x4  }
0x1ae: {  	v7 =	vor.u32 s12, v7;
	_ =	sdelay $0x3  }
0x1af: {  	[tilespmem:s5+$0x120] =	vst v6  }
0x1b0: {  	v6 =	vld.idx.msk [tilespmem:v7+s11+$0x0], $0xffff  }
0x1b1: {  	v7 =	vor.u32 s12, v8;
	_ =	sdelay $0x3  }
0x1b2: {  	[tilespmem:s5+$0x130] =	vst v6  }
0x1b3: {  	v6 =	vld.idx.msk [tilespmem:v7+s11+$0x0], $0xffff  }
0x1b4: {  	v7 =	vor.u32 s12, v45;
	_ =	sdelay $0x3  }
0x1b5: {  	[tilespmem:s5+$0x140] =	vst v6  }
0x1b6: {  	v6 =	vld.idx.msk [tilespmem:v7+s11+$0x0], $0xffff  }
0x1b7: {  	v7 =	vld [tilespmem:$0x1FC50];
	_ =	sdelay $0x4  }
0x1b8: {  	v7 =	vor.u32 s12, v7;
	_ =	sdelay $0x3  }
0x1b9: {  	[tilespmem:s5+$0x150] =	vst v6  }
0x1ba: {  	v6 =	vld.idx.msk [tilespmem:v7+s11+$0x0], $0xffff  }
0x1bb: {  	v7 =	vor.u32 s12, v4;
	_ =	sdelay $0x3  }
0x1bc: {  	[tilespmem:s5+$0x160] =	vst v6  }
0x1bd: {  	v6 =	vld.idx.msk [tilespmem:v7+s11+$0x0], $0xffff  }
0x1be: {  	v7 =	vor.u32 s12, v12;
	_ =	sdelay $0x3  }
0x1bf: {  	[tilespmem:s5+$0x170] =	vst v6  }
0x1c0: {  	v6 =	vld.idx.msk [tilespmem:v7+s11+$0x0], $0xffff  }
0x1c1: {  	v7 =	vld [tilespmem:$0x1FFF0];
	_ =	sdelay $0x4  }
0x1c2: {  	v7 =	vor.u32 s12, v7;
	_ =	sdelay $0x3  }
0x1c3: {  	[tilespmem:s5+$0x180] =	vst v6  }
0x1c4: {  	v6 =	vld.idx.msk [tilespmem:v7+s11+$0x0], $0xffff  }
0x1c5: {  	v7 =	vor.u32 s12, v13;
	_ =	sdelay $0x3  }
0x1c6: {  	[tilespmem:s5+$0x190] =	vst v6  }
0x1c7: {  	v6 =	vld.idx.msk [tilespmem:v7+s11+$0x0], $0xffff  }
0x1c8: {  	v7 =	vld [tilespmem:$0x1FFD0];
	_ =	sdelay $0x4  }
0x1c9: {  	v7 =	vor.u32 s12, v7;
	_ =	sdelay $0x3  }
0x1ca: {  	[tilespmem:s5+$0x1A0] =	vst v6  }
0x1cb: {  	v6 =	vld.idx.msk [tilespmem:v7+s11+$0x0], $0xffff  }
0x1cc: {  	v7 =	vld [tilespmem:$0x1FFE0];
	_ =	sdelay $0x4  }
0x1cd: {  	v7 =	vor.u32 s12, v7;
	_ =	sdelay $0x3  }
0x1ce: {  	[tilespmem:s5+$0x1B0] =	vst v6  }
0x1cf: {  	v6 =	vld.idx.msk [tilespmem:v7+s11+$0x0], $0xffff  }
0x1d0: {  	v7 =	vld [tilespmem:$0x1FC90];
	_ =	sdelay $0x4  }
0x1d1: {  	v7 =	vor.u32 s12, v7;
	_ =	sdelay $0x3  }
0x1d2: {  	[tilespmem:s5+$0x1C0] =	vst v6  }
0x1d3: {  	v6 =	vld.idx.msk [tilespmem:v7+s11+$0x0], $0xffff  }
0x1d4: {  	v7 =	vor.u32 s12, v46;
	_ =	sdelay $0x3  }
0x1d5: {  	[tilespmem:s5+$0x1D0] =	vst v6  }
0x1d6: {  	v6 =	vld.idx.msk [tilespmem:v7+s11+$0x0], $0xffff  }
0x1d7: {  	p0 =	sne.s32 s13, $0x13;
	v7 =	vor.u32 s12, v9  }
.Ltmp0:
0x1d8: {  	_ = 	snop;
	(pc) =	sbr.rel @p0 .LBB2_2-.Ltmp0, $3  }
0x1d9: {  	_ =	sdelay $0x1  }
0x1da: {  	[tilespmem:s5+$0x1E0] =	vst v6  }
0x1db: {  	s12 =	sshll.u32 s13, $0x7;
	s13 =	sadd.s32 $0x1, s13;
	v6 =	vld.idx.msk [tilespmem:v7+s11+$0x0], $0xffff  }
0x1dc: {  	v7 =	vor.u32 s12, v1;
	_ =	sdelay $0x3  }
0x1dd: {  	[tilespmem:s5+$0x1F0] =	vst v6  }
0x1de: {  	v6 =	vld.idx.msk [tilespmem:v7+s11+$0x0], $0xffff  }
0x1df: {  	v7 =	vor.u32 s12, v14;
	_ =	sdelay $0x2  }
0x1e0: {  	s0 =	sadd.s32 $0x400, s5  }
0x1e1: {  	[tilespmem:s0+$0xFFFFFE00] =	vst v6  }
0x1e2: {  	v6 =	vld.idx.msk [tilespmem:v7+s11+$0x0], $0xffff  }
0x1e3: {  	v7 =	vor.u32 s12, v15;
	_ =	sdelay $0x3  }
0x1e4: {  	[tilespmem:s0+$0xFFFFFE10] =	vst v6  }
0x1e5: {  	v6 =	vld.idx.msk [tilespmem:v7+s11+$0x0], $0xffff  }
0x1e6: {  	v7 =	vor.u32 s12, v16;
	_ =	sdelay $0x3  }
0x1e7: {  	[tilespmem:s0+$0xFFFFFE20] =	vst v6  }
0x1e8: {  	v6 =	vld.idx.msk [tilespmem:v7+s11+$0x0], $0xffff  }
0x1e9: {  	v7 =	vor.u32 s12, v17;
	_ =	sdelay $0x3  }
0x1ea: {  	[tilespmem:s0+$0xFFFFFE30] =	vst v6  }
0x1eb: {  	v6 =	vld.idx.msk [tilespmem:v7+s11+$0x0], $0xffff  }
0x1ec: {  	v7 =	vor.u32 s12, v18;
	_ =	sdelay $0x3  }
0x1ed: {  	[tilespmem:s0+$0xFFFFFE40] =	vst v6  }
0x1ee: {  	v6 =	vld.idx.msk [tilespmem:v7+s11+$0x0], $0xffff  }
0x1ef: {  	v7 =	vor.u32 s12, v19;
	_ =	sdelay $0x3  }
0x1f0: {  	[tilespmem:s0+$0xFFFFFE50] =	vst v6  }
0x1f1: {  	v6 =	vld.idx.msk [tilespmem:v7+s11+$0x0], $0xffff  }
0x1f2: {  	v7 =	vor.u32 s12, v20;
	_ =	sdelay $0x3  }
0x1f3: {  	[tilespmem:s0+$0xFFFFFE60] =	vst v6  }
0x1f4: {  	v6 =	vld.idx.msk [tilespmem:v7+s11+$0x0], $0xffff  }
0x1f5: {  	v7 =	vor.u32 s12, v21;
	_ =	sdelay $0x3  }
0x1f6: {  	[tilespmem:s0+$0xFFFFFE70] =	vst v6  }
0x1f7: {  	v6 =	vld.idx.msk [tilespmem:v7+s11+$0x0], $0xffff  }
0x1f8: {  	v7 =	vor.u32 s12, v22;
	_ =	sdelay $0x3  }
0x1f9: {  	[tilespmem:s0+$0xFFFFFE80] =	vst v6  }
0x1fa: {  	v6 =	vld.idx.msk [tilespmem:v7+s11+$0x0], $0xffff  }
0x1fb: {  	v7 =	vor.u32 s12, v23;
	_ =	sdelay $0x3  }
0x1fc: {  	[tilespmem:s0+$0xFFFFFE90] =	vst v6  }
0x1fd: {  	v6 =	vld.idx.msk [tilespmem:v7+s11+$0x0], $0xffff  }
0x1fe: {  	v7 =	vor.u32 s12, v24;
	_ =	sdelay $0x3  }
0x1ff: {  	[tilespmem:s0+$0xFFFFFEA0] =	vst v6  }
0x200: {  	v6 =	vld.idx.msk [tilespmem:v7+s11+$0x0], $0xffff  }
0x201: {  	v7 =	vor.u32 s12, v25;
	_ =	sdelay $0x3  }
0x202: {  	[tilespmem:s0+$0xFFFFFEB0] =	vst v6  }
0x203: {  	v6 =	vld.idx.msk [tilespmem:v7+s11+$0x0], $0xffff  }
0x204: {  	v7 =	vor.u32 s12, v26;
	_ =	sdelay $0x3  }
0x205: {  	[tilespmem:s0+$0xFFFFFEC0] =	vst v6  }
0x206: {  	v6 =	vld.idx.msk [tilespmem:v7+s11+$0x0], $0xffff  }
0x207: {  	v7 =	vor.u32 s12, v27;
	_ =	sdelay $0x3  }
0x208: {  	[tilespmem:s0+$0xFFFFFED0] =	vst v6  }
0x209: {  	v6 =	vld.idx.msk [tilespmem:v7+s11+$0x0], $0xffff  }
0x20a: {  	v7 =	vor.u32 s12, v28;
	_ =	sdelay $0x3  }
0x20b: {  	[tilespmem:s0+$0xFFFFFEE0] =	vst v6  }
0x20c: {  	v6 =	vld.idx.msk [tilespmem:v7+s11+$0x0], $0xffff  }
0x20d: {  	v7 =	vor.u32 s12, v29;
	_ =	sdelay $0x3  }
0x20e: {  	[tilespmem:s0+$0xFFFFFEF0] =	vst v6  }
0x20f: {  	v6 =	vld.idx.msk [tilespmem:v7+s11+$0x0], $0xffff  }
0x210: {  	v7 =	vor.u32 s12, v30;
	_ =	sdelay $0x3  }
0x211: {  	[tilespmem:s0+$0xFFFFFF00] =	vst v6  }
0x212: {  	v6 =	vld.idx.msk [tilespmem:v7+s11+$0x0], $0xffff  }
0x213: {  	v7 =	vor.u32 s12, v31;
	_ =	sdelay $0x3  }
0x214: {  	[tilespmem:s0+$0xFFFFFF10] =	vst v6  }
0x215: {  	v6 =	vld.idx.msk [tilespmem:v7+s11+$0x0], $0xffff  }
0x216: {  	v7 =	vor.u32 s12, v32;
	_ =	sdelay $0x3  }
0x217: {  	[tilespmem:s0+$0xFFFFFF20] =	vst v6  }
0x218: {  	v6 =	vld.idx.msk [tilespmem:v7+s11+$0x0], $0xffff  }
0x219: {  	v7 =	vor.u32 s12, v33;
	_ =	sdelay $0x3  }
0x21a: {  	[tilespmem:s0+$0xFFFFFF30] =	vst v6  }
0x21b: {  	v6 =	vld.idx.msk [tilespmem:v7+s11+$0x0], $0xffff  }
0x21c: {  	v7 =	vor.u32 s12, v34;
	_ =	sdelay $0x3  }
0x21d: {  	[tilespmem:s0+$0xFFFFFF40] =	vst v6  }
0x21e: {  	v6 =	vld.idx.msk [tilespmem:v7+s11+$0x0], $0xffff  }
0x21f: {  	v7 =	vor.u32 s12, v35;
	_ =	sdelay $0x3  }
0x220: {  	[tilespmem:s0+$0xFFFFFF50] =	vst v6  }
0x221: {  	v6 =	vld.idx.msk [tilespmem:v7+s11+$0x0], $0xffff  }
0x222: {  	v7 =	vor.u32 s12, v36;
	_ =	sdelay $0x3  }
0x223: {  	[tilespmem:s0+$0xFFFFFF60] =	vst v6  }
0x224: {  	v6 =	vld.idx.msk [tilespmem:v7+s11+$0x0], $0xffff  }
0x225: {  	v7 =	vor.u32 s12, v37;
	_ =	sdelay $0x3  }
0x226: {  	[tilespmem:s0+$0xFFFFFF70] =	vst v6  }
0x227: {  	v6 =	vld.idx.msk [tilespmem:v7+s11+$0x0], $0xffff  }
0x228: {  	v7 =	vor.u32 s12, v38;
	_ =	sdelay $0x3  }
0x229: {  	[tilespmem:s0+$0xFFFFFF80] =	vst v6  }
0x22a: {  	v6 =	vld.idx.msk [tilespmem:v7+s11+$0x0], $0xffff  }
0x22b: {  	v7 =	vor.u32 s12, v39;
	_ =	sdelay $0x3  }
0x22c: {  	[tilespmem:s0+$0xFFFFFF90] =	vst v6  }
0x22d: {  	v6 =	vld.idx.msk [tilespmem:v7+s11+$0x0], $0xffff  }
0x22e: {  	v7 =	vor.u32 s12, v40;
	_ =	sdelay $0x3  }
0x22f: {  	[tilespmem:s0+$0xFFFFFFA0] =	vst v6  }
0x230: {  	v6 =	vld.idx.msk [tilespmem:v7+s11+$0x0], $0xffff  }
0x231: {  	v7 =	vor.u32 s12, v41;
	_ =	sdelay $0x3  }
0x232: {  	[tilespmem:s0+$0xFFFFFFB0] =	vst v6  }
0x233: {  	v6 =	vld.idx.msk [tilespmem:v7+s11+$0x0], $0xffff  }
0x234: {  	v7 =	vor.u32 s12, v42;
	_ =	sdelay $0x3  }
0x235: {  	[tilespmem:s0+$0xFFFFFFC0] =	vst v6  }
0x236: {  	v6 =	vld.idx.msk [tilespmem:v7+s11+$0x0], $0xffff  }
0x237: {  	v7 =	vor.u32 s12, v43;
	_ =	sdelay $0x3  }
0x238: {  	[tilespmem:s0+$0xFFFFFFD0] =	vst v6  }
0x239: {  	v6 =	vld.idx.msk [tilespmem:v7+s11+$0x0], $0xffff  }
0x23a: {  	v7 =	vor.u32 s12, v44;
	_ =	sdelay $0x3  }
0x23b: {  	[tilespmem:s0+$0xFFFFFFE0] =	vst v6  }
0x23c: {  	v6 =	vld.idx.msk [tilespmem:v7+s11+$0x0], $0xffff  }
0x23d: {  	v7 =	vor.u32 s12, v52;
	_ =	sdelay $0x3  }
0x23e: {  	[tilespmem:s0+$0xFFFFFFF0] =	vst v6  }
0x23f: {  	v6 =	vld.idx.msk [tilespmem:v7+s11+$0x0], $0xffff  }
0x240: {  	v7 =	vor.u32 s12, v11;
	_ =	sdelay $0x3  }
0x241: {  	[tilespmem:s0+$0x0] =	vst v6  }
0x242: {  	v6 =	vld.idx.msk [tilespmem:v7+s11+$0x0], $0xffff  }
0x243: {  	v7 =	vor.u32 s12, v10;
	_ =	sdelay $0x3  }
0x244: {  	[tilespmem:s0+$0x10] =	vst v6  }
0x245: {  	v6 =	vld.idx.msk [tilespmem:v7+s11+$0x0], $0xffff  }
0x246: {  	v7 =	vor.u32 s12, v0;
	_ =	sdelay $0x3  }
0x247: {  	[tilespmem:s0+$0x20] =	vst v6  }
0x248: {  	v6 =	vld.idx.msk [tilespmem:v7+s11+$0x0], $0xffff  }
0x249: {  	v7 =	vor.u32 s12, v2;
	_ =	sdelay $0x3  }
0x24a: {  	[tilespmem:s0+$0x30] =	vst v6  }
0x24b: {  	v6 =	vld.idx.msk [tilespmem:v7+s11+$0x0], $0xffff  }
0x24c: {  	v7 =	vor.u32 s12, v3;
	_ =	sdelay $0x3  }
0x24d: {  	[tilespmem:s0+$0x40] =	vst v6  }
0x24e: {  	v6 =	vld.idx.msk [tilespmem:v7+s11+$0x0], $0xffff  }
0x24f: {  	v7 =	vor.u32 s12, v54;
	_ =	sdelay $0x3  }
0x250: {  	[tilespmem:s0+$0x50] =	vst v6  }
0x251: {  	v6 =	vld.idx.msk [tilespmem:v7+s11+$0x0], $0xffff  }
0x252: {  	v7 =	vor.u32 s12, v55;
	_ =	sdelay $0x3  }
0x253: {  	[tilespmem:s0+$0x60] =	vst v6  }
0x254: {  	v6 =	vld.idx.msk [tilespmem:v7+s11+$0x0], $0xffff  }
0x255: {  	v7 =	vor.u32 s12, v56;
	_ =	sdelay $0x3  }
0x256: {  	[tilespmem:s0+$0x70] =	vst v6  }
0x257: {  	v6 =	vld.idx.msk [tilespmem:v7+s11+$0x0], $0xffff  }
0x258: {  	v7 =	vor.u32 s12, v57;
	_ =	sdelay $0x3  }
0x259: {  	[tilespmem:s0+$0x80] =	vst v6  }
0x25a: {  	v6 =	vld.idx.msk [tilespmem:v7+s11+$0x0], $0xffff  }
0x25b: {  	v7 =	vor.u32 s12, v58;
	_ =	sdelay $0x3  }
0x25c: {  	[tilespmem:s0+$0x90] =	vst v6  }
0x25d: {  	v6 =	vld.idx.msk [tilespmem:v7+s11+$0x0], $0xffff  }
0x25e: {  	v7 =	vor.u32 s12, v59;
	_ =	sdelay $0x3  }
0x25f: {  	[tilespmem:s0+$0xA0] =	vst v6  }
0x260: {  	v6 =	vld.idx.msk [tilespmem:v7+s11+$0x0], $0xffff  }
0x261: {  	v7 =	vor.u32 s12, v5;
	_ =	sdelay $0x3  }
0x262: {  	[tilespmem:s0+$0xB0] =	vst v6  }
0x263: {  	v6 =	vld.idx.msk [tilespmem:v7+s11+$0x0], $0xffff  }
0x264: {  	v7 =	vor.u32 s12, v53;
	_ =	sdelay $0x3  }
0x265: {  	[tilespmem:s0+$0xC0] =	vst v6  }
0x266: {  	v6 =	vld.idx.msk [tilespmem:v7+s11+$0x0], $0xffff  }
0x267: {  	v7 =	vor.u32 s12, v47;
	_ =	sdelay $0x3  }
0x268: {  	[tilespmem:s0+$0xD0] =	vst v6  }
0x269: {  	v6 =	vld.idx.msk [tilespmem:v7+s11+$0x0], $0xffff  }
0x26a: {  	v7 =	vor.u32 s12, v48;
	_ =	sdelay $0x3  }
0x26b: {  	[tilespmem:s0+$0xE0] =	vst v6  }
0x26c: {  	v6 =	vld.idx.msk [tilespmem:v7+s11+$0x0], $0xffff  }
0x26d: {  	v7 =	vor.u32 s12, v49;
	_ =	sdelay $0x3  }
0x26e: {  	[tilespmem:s0+$0xF0] =	vst v6  }
0x26f: {  	v6 =	vld.idx.msk [tilespmem:v7+s11+$0x0], $0xffff  }
0x270: {  	v7 =	vor.u32 s12, v50;
	_ =	sdelay $0x3  }
0x271: {  	[tilespmem:s0+$0x100] =	vst v6  }
0x272: {  	v6 =	vld.idx.msk [tilespmem:v7+s11+$0x0], $0xffff  }
0x273: {  	v7 =	vor.u32 s12, v51  }
0x274: {  	v0 =	vld [tilespmem:$0x1FC30];
	_ =	sdelay $0x2  }
0x275: {  	[tilespmem:s0+$0x110] =	vst v6  }
0x276: {  	v6 =	vld.idx.msk [tilespmem:v7+s11+$0x0], $0xffff  }
0x277: {  	v7 =	vor.u32 s12, v0;
	_ =	sdelay $0x3  }
0x278: {  	[tilespmem:s0+$0x120] =	vst v6  }
0x279: {  	v6 =	vld.idx.msk [tilespmem:v7+s11+$0x0], $0xffff  }
0x27a: {  	v7 =	vor.u32 s12, v8;
	_ =	sdelay $0x3  }
0x27b: {  	[tilespmem:s0+$0x130] =	vst v6  }
0x27c: {  	v6 =	vld.idx.msk [tilespmem:v7+s11+$0x0], $0xffff  }
0x27d: {  	v7 =	vor.u32 s12, v45  }
0x27e: {  	v0 =	vld [tilespmem:$0x1FC50];
	_ =	sdelay $0x2  }
0x27f: {  	[tilespmem:s0+$0x140] =	vst v6  }
0x280: {  	v6 =	vld.idx.msk [tilespmem:v7+s11+$0x0], $0xffff  }
0x281: {  	v7 =	vor.u32 s12, v0;
	_ =	sdelay $0x3  }
0x282: {  	[tilespmem:s0+$0x150] =	vst v6  }
0x283: {  	v6 =	vld.idx.msk [tilespmem:v7+s11+$0x0], $0xffff  }
0x284: {  	v7 =	vor.u32 s12, v4;
	_ =	sdelay $0x3  }
0x285: {  	[tilespmem:s0+$0x160] =	vst v6  }
0x286: {  	v6 =	vld.idx.msk [tilespmem:v7+s11+$0x0], $0xffff  }
0x287: {  	v7 =	vor.u32 s12, v12  }
0x288: {  	v3 =	vld [tilespmem:$0x1FFF0];
	_ =	sdelay $0x2  }
0x289: {  	[tilespmem:s0+$0x170] =	vst v6  }
0x28a: {  	v6 =	vld.idx.msk [tilespmem:v7+s11+$0x0], $0xffff  }
0x28b: {  	v7 =	vor.u32 s12, v3;
	_ =	sdelay $0x3  }
0x28c: {  	[tilespmem:s0+$0x180] =	vst v6  }
0x28d: {  	v6 =	vld.idx.msk [tilespmem:v7+s11+$0x0], $0xffff  }
0x28e: {  	v7 =	vor.u32 s12, v13  }
0x28f: {  	v0 =	vld [tilespmem:$0x1FFD0];
	_ =	sdelay $0x2  }
0x290: {  	[tilespmem:s0+$0x190] =	vst v6  }
0x291: {  	v6 =	vld.idx.msk [tilespmem:v7+s11+$0x0], $0xffff  }
0x292: {  	v7 =	vor.u32 s12, v0  }
0x293: {  	v4 =	vld [tilespmem:$0x1FFE0];
	_ =	sdelay $0x2  }
0x294: {  	[tilespmem:s0+$0x1A0] =	vst v6  }
0x295: {  	v6 =	vld.idx.msk [tilespmem:v7+s11+$0x0], $0xffff  }
0x296: {  	v7 =	vor.u32 s12, v4  }
0x297: {  	v5 =	vld [tilespmem:$0x1FC90];
	_ =	sdelay $0x2  }
0x298: {  	[tilespmem:s0+$0x1B0] =	vst v6  }
0x299: {  	v6 =	vld.idx.msk [tilespmem:v7+s11+$0x0], $0xffff  }
0x29a: {  	v7 =	vor.u32 s12, v5;
	_ =	sdelay $0x3  }
0x29b: {  	[tilespmem:s0+$0x1C0] =	vst v6  }
0x29c: {  	v6 =	vld.idx.msk [tilespmem:v7+s11+$0x0], $0xffff  }
0x29d: {  	v7 =	vor.u32 s12, v46;
	_ =	sdelay $0x3  }
0x29e: {  	[tilespmem:s0+$0x1D0] =	vst v6  }
0x29f: {  	v6 =	vld.idx.msk [tilespmem:v7+s11+$0x0], $0xffff  }
0x2a0: {  	v7 =	vor.u32 s12, v9;
	_ =	sdelay $0x3  }
0x2a1: {  	[tilespmem:s0+$0x1E0] =	vst v6  }
0x2a2: {  	p0 =	por $0x1, $0x1;
	v6 =	vld.idx.msk [tilespmem:v7+s11+$0x0], $0xffff  }
.Ltmp1:
0x2a3: {  	_ = 	snop;
	(pc) =	sbr.rel @!p0 .LBB2_5-.Ltmp1, $3  }
0x2a4: {  	_ =	sdelay $0x1  }
0x2a5: {  	s7 =	sadd.s32 $0x0, s8  }
0x2a6: {  	s6 =	simm.s32 $0x5A28;
	s5 =	simm.s32 $0x5A00;
	v16 =	vmov v59;
	[tilespmem:s0+$0x1F0] =	vst v6;
	s0 =	simm.s32 $0x80  }
.LBB2_4:
0x2a7: {  	[tilespmem:s5], [sflag:$0x1] =	stream.linear.gather [hbm4b:s7+s3], $0x20, $0x38;
	[tilespmem:$0x1D680] =	vst v63  }
0x2a8: {  	s7 =	smov.u32 s0;
	s5 =	smov.u32 s6;
	p0 =	sne.s32 s0, $0x1F380  }
.Ltmp2:
0x2a9: {  	s0 =	sadd.s32 $0x80, s0;
	(pc) =	sbr.rel @p0 .LBB2_4-.Ltmp2, $2  }
0x2aa: {  	_ =	sdelay $0x2  }
0x2ab: {  	s6 =	sadd.s32 $0x28, s6;
	s7 =	sadd.s32 s7, s8  }
.LBB2_5:
0x2ac: {  	[tilespmem:s5], [sflag:$0x1] =	stream.linear.gather [hbm4b:s7+s3], $0x20, $0x38;
	[tilespmem:$0x1D680] =	vst v63  }
0x2ad: {  	s20 =	simm.s32 $0x0;
	s0 =	simm.s32 $0xF640  }
0x2ae: {  	s5 =	simm.s32 $0x80;
	s7 =	sadd.s32 $0x0, s10;
	s6 =	simm.s32 $0xF668  }
.LBB2_6:
0x2af: {  	[tilespmem:s0], [sflag:$0x2] =	stream.linear.gather [hbm4b:s7+s20], $0x20, $0x38;
	[tilespmem:$0x1D680] =	vst v63  }
0x2b0: {  	s7 =	smov.u32 s5;
	s0 =	smov.u32 s6;
	p0 =	sne.s32 s5, $0x1F380  }
.Ltmp3:
0x2b1: {  	s5 =	sadd.s32 $0x80, s5;
	(pc) =	sbr.rel @p0 .LBB2_6-.Ltmp3, $2  }
0x2b2: {  	_ =	sdelay $0x2  }
0x2b3: {  	s6 =	sadd.s32 $0x28, s6;
	s7 =	sadd.s32 s7, s10  }
0x2b4: {  	v54 =	vld [tilespmem:$0x1FF80]  }
0x2b5: {  	v55 =	vld [tilespmem:$0x1FF90]  }
0x2b6: {  	v56 =	vld [tilespmem:$0x1FFA0]  }
0x2b7: {  	v57 =	vld [tilespmem:$0x1FFB0]  }
0x2b8: {  	[tilespmem:s0], [sflag:$0x2] =	stream.linear.gather [hbm4b:s7+s20], $0x20, $0x38;
	v58 =	vld [tilespmem:$0x1FFC0];
	v59 =	vmov v16  }
.LBB2_8:
0x2b9: {  	s5 =	simm.s32 $0x1;
	s0 =	sshll.u32 s20, $0x12  }
0x2ba: {  	s23 =	simm.s32 $0xA20;
	s24 =	simm.s32 $0xE30;
	_ =	swait.ge [sflag:s5], $0x7D00  }
0x2bb: {  	s12 =	simm.s32 $0x1230;
	s13 =	simm.s32 $0x1630;
	[sflag:s5] =	ssyncset.done $0x0  }
0x2bc: {  	v0 =	vmov v45;
	s21 =	sor.u32 s28, s0;
	[sflag:s5] =	ssyncadd.s32 $0xFFFF8300;
	s5 =	simm.s32 $0x0  }
.LBB2_9:
0x2bd: {  	s0 =	sor.u32 s20, s5  }
0x2be: {  	p0 =	seq.s32 s0, $0x0  }
0x2bf: {  	s0 =	simm.s32 @!p0 $0x3  }
0x2c0: {  	_ =	swait.ge @!p0 [sflag:s0], $0x1000  }
0x2c1: {  	[sflag:s0] =	ssyncset.done @!p0 $0x0  }
0x2c2: {  	[sflag:s0] =	ssyncadd.s32 @!p0 $0xFFFFF000  }
0x2c3: {  	v6 =	vld [tilespmem:s23+$0x10];
	_ =	sdelay $0x4  }
0x2c4: {  	v7 =	vld [tilespmem:s23+$0xFFFFFFE0];
	v10 =	vmul.u32 $0x28, v6;
	v6 =	vlaneseq.u32  }
0x2c5: {  	v8 =	vld [tilespmem:s23+$0xFFFFFFF0];
	v32 =	vand.u32 $0x7, v6  }
0x2c6: {  	v6 =	vor.u32 v32, v10  }
0x2c7: {  	v9 =	vld [tilespmem:s23+$0x0]  }
0x2c8: {  	s11 =	simm.s32 $0xFFFFFFFB;
	s6 =	simm.s32 $0x0  }
0x2c9: {  	s6 =	sand.u32 $0x70, s6;
	s0 =	sand.u32 $0x7, s11;
	v11 =	vmul.u32 $0x28, v7  }
0x2ca: {  	s8 =	sor.u32 s0, s6;
	v12 =	vmul.u32 $0x28, v8  }
0x2cb: {  	v14 =	vadd.s32 s8, v60;
	v8 =	vor.u32 v32, v11;
	v6 =	vld.idx.msk [tilespmem:v6+s16+$0x0], $0xffff  }
0x2cc: {  	v16 =	vmul.u32 $0x28, v9;
	v13 =	vor.u32 v32, v12;
	v7 =	vor.u32 $0x8, v32  }
0x2cd: {  	s14 =	simm.s32 $0x0;
	s10 =	sadd.s32 $0x40, s23;
	v15 =	vadd.s32 v7, v10  }
0x2ce: {  	s15 =	simm.s32 $0x1;
	s0 =	sand.u32 $0x4, s14;
	v19 =	vld [tilespmem:s10+$0x10];
	v9 =	vor.u32 v32, v16  }
0x2cf: {  	s11 =	simm.s32 $0x2;
	v25 =	vld [tilespmem:s10+$0xFFFFFFF0];
	s7 =	sor.u32 s0, s6;
	s0 =	sand.u32 $0x5, s15  }
0x2d0: {  	s14 =	sand.u32 $0x6, s11;
	s11 =	sor.u32 s0, s6;
	v17 =	vld.idx.msk [tilespmem:v8+s16+$0x0], $0xffff;
	[tilespmem:v14+s17+$0x0] =	vst.idx.msk $0xffff, v6;
	v14 =	vadd.s32 s7, v60  }
0x2d1: {  	v24 =	vadd.s32 s11, v60;
	v18 =	vadd.s32 v7, v11;
	v13 =	vld.idx.msk [tilespmem:v13+s16+$0x0], $0xffff  }
0x2d2: {  	v21 =	vadd.s32 s8, v61;
	s0 =	sor.u32 s14, s6;
	v20 =	vmul.u32 $0x88, v32;
	v6 =	vor.u32 $0x10, v32;
	v15 =	vld.idx.msk [tilespmem:v15+s16+$0x0], $0xffff  }
0x2d3: {  	v27 =	vadd.s32 s0, v60;
	v23 =	vld.idx.msk [tilespmem:v9+s16+$0x0], $0xffff;
	v9 =	vadd.s32 v6, v10  }
0x2d4: {  	v22 =	vld [tilespmem:s10+$0xFFFFFFE0];
	v28 =	vor.u32 s7, v1;
	v8 =	vadd.s32 $0x440, v20  }
0x2d5: {  	v26 =	vadd.s32 v7, v12;
	v29 =	vadd.s32 v8, v28;
	[tilespmem:v14+s17+$0x0] =	vst.idx.msk $0xffff, v17;
	v14 =	vld [tilespmem:s10+$0x0]  }
0x2d6: {  	s19 =	simm.s32 $0x8;
	s25 =	simm.s32 $0x5;
	[tilespmem:v24+s17+$0x0] =	vst.idx.msk $0xffff, v13;
	v24 =	vmul.u32 $0x28, v25;
	v17 =	vadd.s32 v7, v16;
	v18 =	vld.idx.msk [tilespmem:v18+s16+$0x0], $0xffff  }
0x2d7: {  	s18 =	simm.s32 $0xFFFFFFFF;
	s15 =	sand.u32 $0x70, s19;
	s14 =	sand.u32 $0x5, s25;
	v19 =	vmul.u32 $0x28, v19;
	v30 =	vadd.s32 v6, v11;
	[tilespmem:v21+s17+$0x0] =	vst.idx.msk $0xffff, v15  }
0x2d8: {  	v31 =	vadd.s32 s8, v62;
	s6 =	sand.u32 $0x7, s18;
	s18 =	sor.u32 s14, s15;
	s14 =	sadd.s32 $0x40, s10;
	[tilespmem:v27+s17+$0x0] =	vst.idx.msk $0xffff, v23;
	v23 =	vor.u32 v32, v24;
	v15 =	vld.idx.msk [tilespmem:v9+s16+$0x0], $0xffff  }
0x2d9: {  	v36 =	vld [tilespmem:s14+$0x10];
	v22 =	vmul.u32 $0x28, v22;
	v21 =	vor.u32 v32, v19;
	v9 =	vor.u32 $0x18, v32  }
0x2da: {  	v13 =	vld.idx.msk [tilespmem:v26+s16+$0x0], $0xffff;
	v10 =	vadd.s32 v9, v10  }
0x2db: {  	v25 =	vmul.u32 $0x28, v14;
	v14 =	vor.u32 v32, v22;
	v17 =	vld.idx.msk [tilespmem:v17+s16+$0x0], $0xffff;
	[tilespmem:v29+s17+$0x0] =	vst.idx.msk $0xffff, v18;
	v18 =	vadd.s32 s11, v61  }
0x2dc: {  	v29 =	vadd.s32 s0, v61;
	v27 =	vld.idx.msk [tilespmem:v30+s16+$0x0], $0xffff;
	v30 =	vadd.s32 v6, v12  }
0x2dd: {  	s7 =	sor.u32 s6, s15;
	v23 =	vld.idx.msk [tilespmem:v23+s16+$0x0], $0xffff;
	[tilespmem:v31+s17+$0x0] =	vst.idx.msk $0xffff, v15;
	v15 =	vadd.s32 v6, v16  }
0x2de: {  	s22 =	simm.s32 $0x4;
	v21 =	vld.idx.msk [tilespmem:v21+s16+$0x0], $0xffff;
	v31 =	vadd.s32 s7, v60  }
0x2df: {  	v33 =	vadd.s32 v7, v19;
	s6 =	sand.u32 $0x4, s22;
	v10 =	vld.idx.msk [tilespmem:v10+s16+$0x0], $0xffff  }
0x2e0: {  	s6 =	sor.u32 s6, s15;
	v26 =	vor.u32 v32, v25;
	v14 =	vld.idx.msk [tilespmem:v14+s16+$0x0], $0xffff;
	[tilespmem:v18+s17+$0x0] =	vst.idx.msk $0xffff, v13;
	v13 =	vadd.s32 s8, v63  }
0x2e1: {  	v38 =	vadd.s32 s0, v62;
	[tilespmem:v29+s17+$0x0] =	vst.idx.msk $0xffff, v17;
	v29 =	vadd.s32 s6, v60;
	v17 =	vld.idx.msk [tilespmem:v30+s16+$0x0], $0xffff  }
0x2e2: {  	s26 =	simm.s32 $0x6;
	v45 =	vadd.s32 s11, v63;
	v46 =	vadd.s32 s18, v61;
	v30 =	vld.idx.msk [tilespmem:v15+s16+$0x0], $0xffff;
	v15 =	vadd.s32 s18, v60  }
0x2e3: {  	v40 =	vld [tilespmem:s14+$0xFFFFFFE0];
	v35 =	vadd.s32 $0xCC0, v20;
	v37 =	vadd.s32 s7, v61;
	s8 =	sand.u32 $0x6, s26;
	[tilespmem:v31+s17+$0x0] =	vst.idx.msk $0xffff, v21;
	v21 =	vadd.s32 v7, v22  }
0x2e4: {  	v41 =	vadd.s32 v6, v19;
	v34 =	vadd.s32 v7, v24;
	v50 =	vadd.s32 v6, v24;
	s28 =	sor.u32 s8, s15;
	v31 =	vld.idx.msk [tilespmem:v33+s16+$0x0], $0xffff  }
0x2e5: {  	v11 =	vadd.s32 v9, v11;
	v18 =	vld.idx.msk [tilespmem:v26+s16+$0x0], $0xffff;
	v26 =	vadd.s32 $0x880, v20;
	v39 =	vadd.s32 s28, v60;
	[tilespmem:v13+s17+$0x0] =	vst.idx.msk $0xffff, v10  }
0x2e6: {  	v53 =	vadd.s32 s7, v62;
	v42 =	vadd.s32 v7, v25;
	v20 =	vadd.s32 v26, v28;
	v10 =	vld [tilespmem:s14+$0xFFFFFFF0];
	[tilespmem:v29+s17+$0x0] =	vst.idx.msk $0xffff, v14  }
0x2e7: {  	v43 =	vadd.s32 v9, v12;
	v44 =	vadd.s32 v9, v16;
	v33 =	vadd.s32 s11, v62;
	v14 =	vld [tilespmem:s14+$0x0];
	[tilespmem:v15+s17+$0x0] =	vst.idx.msk $0xffff, v23  }
0x2e8: {  	v24 =	vadd.s32 v9, v24;
	v16 =	vmul.u32 $0x28, v40;
	v13 =	vor.u32 s6, v1;
	v23 =	vld.idx.msk [tilespmem:v21+s16+$0x0], $0xffff;
	[tilespmem:v38+s17+$0x0] =	vst.idx.msk $0xffff, v30  }
0x2e9: {  	v28 =	vadd.s32 v35, v28;
	v47 =	vadd.s32 v8, v13;
	v34 =	vld.idx.msk [tilespmem:v34+s16+$0x0], $0xffff;
	[tilespmem:v37+s17+$0x0] =	vst.idx.msk $0xffff, v31  }
0x2ea: {  	v51 =	vadd.s32 s7, v63;
	v15 =	vmul.u32 $0x28, v36;
	v30 =	vor.u32 v32, v16;
	[tilespmem:v39+s17+$0x0] =	vst.idx.msk $0xffff, v18;
	v36 =	vld.idx.msk [tilespmem:v41+s16+$0x0], $0xffff  }
0x2eb: {  	v48 =	vadd.s32 s28, v61;
	v29 =	vadd.s32 s0, v63;
	v31 =	vadd.s32 v6, v22;
	[tilespmem:v20+s17+$0x0] =	vst.idx.msk $0xffff, v27;
	v52 =	vld.idx.msk [tilespmem:v42+s16+$0x0], $0xffff  }
0x2ec: {  	v12 =	vadd.s32 v26, v13;
	[tilespmem:v33+s17+$0x0] =	vst.idx.msk $0xffff, v17;
	v27 =	vor.u32 v32, v15;
	v40 =	vld.idx.msk [tilespmem:v11+s16+$0x0], $0xffff  }
0x2ed: {  	v13 =	vadd.s32 v35, v13;
	v49 =	vld.idx.msk [tilespmem:v43+s16+$0x0], $0xffff;
	v18 =	vmul.u32 $0x28, v10;
	v10 =	vadd.s32 v9, v19  }
0x2ee: {  	s22 =	simm.s32 $0x3;
	s10 =	simm.s32 $0x10;
	v21 =	vadd.s32 s28, v62;
	v20 =	vadd.s32 s18, v62;
	v19 =	vmul.u32 $0x28, v14;
	[tilespmem:v47+s17+$0x0] =	vst.idx.msk $0xffff, v23;
	v23 =	vld.idx.msk [tilespmem:v44+s16+$0x0], $0xffff  }
0x2ef: {  	s26 =	sand.u32 $0x70, s10;
	s8 =	simm.s32 $0x8;
	s11 =	sand.u32 $0x7, s22;
	v6 =	vadd.s32 v6, v25;
	v22 =	vadd.s32 v9, v22;
	v42 =	vld.idx.msk [tilespmem:v30+s16+$0x0], $0xffff;
	v38 =	vor.u32 v32, v18  }
0x2f0: {  	s19 =	simm.s32 $0x9;
	s15 =	sand.u32 $0x4, s8;
	s0 =	sor.u32 s11, s26;
	v25 =	vadd.s32 v9, v25;
	v47 =	vor.u32 v32, v19;
	v33 =	vld.idx.msk [tilespmem:v31+s16+$0x0], $0xffff;
	[tilespmem:v46+s17+$0x0] =	vst.idx.msk $0xffff, v34  }
0x2f1: {  	s25 =	simm.s32 $0xA;
	s22 =	sor.u32 s15, s26;
	s6 =	sand.u32 $0x5, s19;
	v17 =	vadd.s32 s18, v63;
	v39 =	vadd.s32 v7, v16;
	v9 =	vadd.s32 s0, v60;
	v27 =	vld.idx.msk [tilespmem:v27+s16+$0x0], $0xffff;
	[tilespmem:v53+s17+$0x0] =	vst.idx.msk $0xffff, v36  }
0x2f2: {  	s6 =	sor.u32 s6, s26;
	v11 =	vadd.s32 s22, v60;
	v14 =	vadd.s32 s28, v63;
	s28 =	sand.u32 $0x6, s25;
	[tilespmem:v48+s17+$0x0] =	vst.idx.msk $0xffff, v52;
	v48 =	vadd.s32 v7, v15;
	v10 =	vld.idx.msk [tilespmem:v10+s16+$0x0], $0xffff  }
0x2f3: {  	v41 =	vadd.s32 s6, v60;
	s15 =	sor.u32 s28, s26;
	v37 =	vadd.s32 v7, v18;
	v31 =	vadd.s32 s6, v61;
	[tilespmem:v28+s17+$0x0] =	vst.idx.msk $0xffff, v40;
	v46 =	vld.idx.msk [tilespmem:v50+s16+$0x0], $0xffff  }
0x2f4: {  	v43 =	vadd.s32 s15, v60;
	v30 =	vadd.s32 s15, v61;
	v28 =	vor.u32 s22, v1;
	[tilespmem:v45+s17+$0x0] =	vst.idx.msk $0xffff, v49;
	v44 =	vld.idx.msk [tilespmem:v38+s16+$0x0], $0xffff  }
0x2f5: {  	v40 =	vadd.s32 s6, v62;
	v34 =	vadd.s32 v8, v28;
	v36 =	vadd.s32 v26, v28;
	v47 =	vld.idx.msk [tilespmem:v47+s16+$0x0], $0xffff  }
0x2f6: {  	v28 =	vadd.s32 v35, v28;
	v45 =	vld.idx.msk [tilespmem:v6+s16+$0x0], $0xffff;
	v35 =	vadd.s32 s15, v62;
	v26 =	vadd.s32 s15, v63;
	[tilespmem:v9+s17+$0x0] =	vst.idx.msk $0xffff, v27  }
0x2f7: {  	s7 =	sadd.s32 $0x40, s14;
	s11 =	sshll.u32 s5, $0x2;
	v6 =	vmov v32;
	v38 =	vadd.s32 v7, v19;
	v27 =	vadd.s32 s6, v63;
	v48 =	vld.idx.msk [tilespmem:v48+s16+$0x0], $0xffff;
	[tilespmem:v51+s17+$0x0] =	vst.idx.msk $0xffff, v10  }
.LBB2_10:
0x2f8: {  	v7 =	vld [tilespmem:s7+$0x10];
	[tilespmem:v11+s17+$0x0] =	vst.idx.msk $0xffff, v42;
	v8 =	vor.u32 $0x10, v6;
	v9 =	vadd.s32 s0, v61;
	s6 =	smov.u32 s8  }
0x2f9: {  	v10 =	vld [tilespmem:s7+$0xFFFFFFE0];
	v11 =	vadd.s32 v8, v16;
	[tilespmem:v41+s17+$0x0] =	vst.idx.msk $0xffff, v44;
	v41 =	vadd.s32 v8, v15  }
0x2fa: {  	v49 =	vadd.s32 v8, v18;
	v50 =	vadd.s32 v8, v19;
	v42 =	vld [tilespmem:s7+$0xFFFFFFF0];
	[tilespmem:v43+s17+$0x0] =	vst.idx.msk $0xffff, v47  }
0x2fb: {  	v8 =	vld [tilespmem:s7+$0x0];
	[tilespmem:v12+s17+$0x0] =	vst.idx.msk $0xffff, v33;
	v12 =	vmov v36  }
0x2fc: {  	v33 =	vld.idx.msk [tilespmem:v39+s16+$0x0], $0xffff;
	[tilespmem:v20+s17+$0x0] =	vst.idx.msk $0xffff, v46;
	v20 =	vmov v40  }
0x2fd: {  	v7 =	vmul.u32 $0x28, v7;
	v36 =	vld.idx.msk [tilespmem:v37+s16+$0x0], $0xffff;
	[tilespmem:v9+s17+$0x0] =	vst.idx.msk $0xffff, v48  }
0x2fe: {  	v9 =	vmul.u32 $0x28, v10;
	v10 =	vld.idx.msk [tilespmem:v41+s16+$0x0], $0xffff;
	[tilespmem:v21+s17+$0x0] =	vst.idx.msk $0xffff, v45;
	v21 =	vmov v35  }
0x2ff: {  	v39 =	vadd.s32 s0, v62;
	v37 =	vor.u32 $0x18, v6;
	v35 =	vor.u32 v32, v7;
	v38 =	vld.idx.msk [tilespmem:v38+s16+$0x0], $0xffff;
	[tilespmem:v29+s17+$0x0] =	vst.idx.msk $0xffff, v23  }
0x300: {  	s8 =	sadd.s32 $0x4, s8;
	v6 =	vmovc v32;
	v41 =	vadd.s32 v37, v15;
	v29 =	vmul.u32 $0x28, v42;
	v15 =	vmovc v7;
	v40 =	vmul.u32 $0x28, v8;
	v43 =	vld.idx.msk [tilespmem:v22+s16+$0x0], $0xffff  }
0x301: {  	s14 =	sand.u32 $0x4, s8;
	s15 =	sadd.s32 $0x5, s6;
	s18 =	sadd.s32 $0x6, s6;
	v44 =	vmul.u32 $0x88, v6;
	v42 =	vor.u32 v6, v9;
	v22 =	vadd.s32 v37, v16;
	v16 =	vmovc v9;
	v45 =	vld.idx.msk [tilespmem:v24+s16+$0x0], $0xffff  }
0x302: {  	s10 =	sadd.s32 $0x8, s10;
	s6 =	sadd.s32 $0xFFFFFFFF, s6;
	s15 =	sand.u32 $0x5, s15;
	v46 =	vor.u32 v6, v29;
	v47 =	vor.u32 v6, v40;
	[tilespmem:v34+s17+$0x0] =	vst.idx.msk $0xffff, v33;
	v23 =	vld.idx.msk [tilespmem:v25+s16+$0x0], $0xffff  }
0x303: {  	s22 =	sand.u32 $0x70, s10;
	s18 =	sand.u32 $0x6, s18;
	s6 =	sand.u32 $0x7, s6;
	v7 =	vadd.s32 $0x440, v44;
	v8 =	vadd.s32 $0x880, v44;
	v24 =	vadd.s32 v37, v18;
	v33 =	vld.idx.msk [tilespmem:v11+s16+$0x0], $0xffff;
	[tilespmem:v31+s17+$0x0] =	vst.idx.msk $0xffff, v36  }
0x304: {  	s14 =	sor.u32 s14, s22;
	s15 =	sor.u32 s15, s22;
	s6 =	sor.u32 s6, s22;
	v9 =	vadd.s32 $0xCC0, v44;
	v18 =	vmov v29;
	v25 =	vadd.s32 v37, v19;
	v48 =	vld.idx.msk [tilespmem:v35+s16+$0x0], $0xffff;
	[tilespmem:v39+s17+$0x0] =	vst.idx.msk $0xffff, v10  }
0x305: {  	p1 =	slt.u32 s8, $0x3C;
	s18 =	sor.u32 s18, s22;
	v29 =	vadd.s32 s6, v60;
	v19 =	vmovc v40;
	v11 =	vadd.s32 s14, v60;
	v10 =	vor.u32 $0x8, v6;
	[tilespmem:v30+s17+$0x0] =	vst.idx.msk $0xffff, v38;
	v51 =	vld.idx.msk [tilespmem:v41+s16+$0x0], $0xffff  }
0x306: {  	v53 =	vadd.s32 s0, v63;
	s0 =	smov.u32 s6;
	v41 =	vadd.s32 s15, v60;
	v52 =	vadd.s32 v10, v15;
	v42 =	vld.idx.msk [tilespmem:v42+s16+$0x0], $0xffff;
	[tilespmem:v13+s17+$0x0] =	vst.idx.msk $0xffff, v43  }
.Ltmp4:
0x307: {  	v39 =	vadd.s32 v10, v16;
	v37 =	vadd.s32 v10, v18;
	v43 =	vadd.s32 s18, v60;
	v13 =	vmovc v28;
	v44 =	vld.idx.msk [tilespmem:v46+s16+$0x0], $0xffff;
	(pc) =	sbr.rel @p1 .LBB2_10-.Ltmp4, $4  }
0x308: {  	v31 =	vadd.s32 s15, v61;
	v38 =	vadd.s32 v10, v19;
	v28 =	vor.u32 s14, v1;
	v47 =	vld.idx.msk [tilespmem:v47+s16+$0x0], $0xffff;
	[tilespmem:v17+s17+$0x0] =	vst.idx.msk $0xffff, v45  }
0x309: {  	v30 =	vadd.s32 s18, v61;
	v34 =	vadd.s32 v7, v28;
	v36 =	vadd.s32 v8, v28;
	v17 =	vmovc v27;
	v46 =	vld.idx.msk [tilespmem:v49+s16+$0x0], $0xffff  }
0x30a: {  	v40 =	vadd.s32 s15, v62;
	v35 =	vadd.s32 s18, v62;
	v28 =	vadd.s32 v9, v28;
	[tilespmem:v29+s17+$0x0] =	vst.idx.msk $0xffff, v48;
	v45 =	vld.idx.msk [tilespmem:v50+s16+$0x0], $0xffff  }
0x30b: {  	s7 =	sadd.s32 $0x40, s7;
	v27 =	vadd.s32 s15, v63;
	v29 =	vmovc v14;
	v14 =	vmov v26;
	v26 =	vadd.s32 s18, v63;
	v48 =	vld.idx.msk [tilespmem:v52+s16+$0x0], $0xffff;
	[tilespmem:v53+s17+$0x0] =	vst.idx.msk $0xffff, v51  }
0x30c: {  	_ =	sdelay $0x3  }
0x30d: {  	[tilespmem:v11+s17+$0x0] =	vst.idx.msk $0xffff, v42  }
0x30e: {  	v11 =	vor.u32 $0x10, v6;
	v50 =	vadd.s32 s0, v61;
	[tilespmem:v41+s17+$0x0] =	vst.idx.msk $0xffff, v44  }
0x30f: {  	[tilespmem:v12+s17+$0x0] =	vst.idx.msk $0xffff, v33;
	v51 =	vadd.s32 v11, v15;
	v39 =	vld.idx.msk [tilespmem:v39+s16+$0x0], $0xffff  }
0x310: {  	[tilespmem:v43+s17+$0x0] =	vst.idx.msk $0xffff, v47;
	v52 =	vadd.s32 v11, v16;
	v53 =	vld.idx.msk [tilespmem:v37+s16+$0x0], $0xffff  }
0x311: {  	v44 =	vadd.s32 v11, v18;
	[tilespmem:v20+s17+$0x0] =	vst.idx.msk $0xffff, v46;
	v20 =	vld.idx.msk [tilespmem:v38+s16+$0x0], $0xffff  }
0x312: {  	v47 =	vadd.s32 v11, v19;
	[tilespmem:v21+s17+$0x0] =	vst.idx.msk $0xffff, v45  }
0x313: {  	v21 =	vld.idx.msk [tilespmem:v22+s16+$0x0], $0xffff;
	[tilespmem:v50+s17+$0x0] =	vst.idx.msk $0xffff, v48  }
0x314: {  	v12 =	vor.u32 $0x18, v6;
	v6 =	vadd.s32 s0, v62;
	v41 =	vld.idx.msk [tilespmem:v51+s16+$0x0], $0xffff;
	[tilespmem:v34+s17+$0x0] =	vst.idx.msk $0xffff, v39  }
0x315: {  	v15 =	vadd.s32 v12, v15;
	[tilespmem:v31+s17+$0x0] =	vst.idx.msk $0xffff, v53;
	v22 =	vld.idx.msk [tilespmem:v52+s16+$0x0], $0xffff  }
0x316: {  	v16 =	vadd.s32 v12, v16;
	[tilespmem:v30+s17+$0x0] =	vst.idx.msk $0xffff, v20;
	v20 =	vld.idx.msk [tilespmem:v44+s16+$0x0], $0xffff  }
0x317: {  	[tilespmem:v29+s17+$0x0] =	vst.idx.msk $0xffff, v23;
	v18 =	vadd.s32 v12, v18;
	v23 =	vld.idx.msk [tilespmem:v47+s16+$0x0], $0xffff  }
0x318: {  	v19 =	vadd.s32 v12, v19;
	v24 =	vld.idx.msk [tilespmem:v24+s16+$0x0], $0xffff;
	[tilespmem:v13+s17+$0x0] =	vst.idx.msk $0xffff, v21  }
0x319: {  	v13 =	vld.idx.msk [tilespmem:v25+s16+$0x0], $0xffff;
	[tilespmem:v6+s17+$0x0] =	vst.idx.msk $0xffff, v41  }
0x31a: {  	v6 =	vld.idx.msk [tilespmem:v15+s16+$0x0], $0xffff;
	v15 =	vadd.s32 s0, v63;
	[tilespmem:v36+s17+$0x0] =	vst.idx.msk $0xffff, v22  }
0x31b: {  	[tilespmem:v40+s17+$0x0] =	vst.idx.msk $0xffff, v20;
	v16 =	vld.idx.msk [tilespmem:v16+s16+$0x0], $0xffff  }
0x31c: {  	[tilespmem:v35+s17+$0x0] =	vst.idx.msk $0xffff, v23;
	v18 =	vld.idx.msk [tilespmem:v18+s16+$0x0], $0xffff  }
0x31d: {  	[tilespmem:v17+s17+$0x0] =	vst.idx.msk $0xffff, v24;
	v17 =	vld.idx.msk [tilespmem:v19+s16+$0x0], $0xffff  }
0x31e: {  	s26 =	smul.u32 $0xFA0000, s5;
	[tilespmem:v14+s17+$0x0] =	vst.idx.msk $0xffff, v13  }
0x31f: {  	[tilespmem:v15+s17+$0x0] =	vst.idx.msk $0xffff, v6  }
0x320: {  	s0 =	sadd.s32 s21, s26;
	[tilespmem:v28+s17+$0x0] =	vst.idx.msk $0xffff, v16  }
0x321: {  	s0 =	sshrl.u32 s0, $0x3;
	[tilespmem:v27+s17+$0x0] =	vst.idx.msk $0xffff, v18  }
0x322: {  	s0 =	sadd.s32 s2, s0;
	[tilespmem:v26+s17+$0x0] =	vst.idx.msk $0xffff, v17  }
0x323: {  	[hbm4b:s0+s3] =	stream.linear.scatter [tilespmem:s17], [sflag:$0x3], $0x80, $0x38;
	[tilespmem:$0x1D680] =	vst v63  }
0x324: {  	s6 =	sadd.s32 $0x10, s0  }
0x325: {  	[hbm4b:s6+s3] =	stream.linear.scatter [tilespmem:s31], [sflag:$0x3], $0x80, $0x38;
	[tilespmem:$0x1D680] =	vst v63  }
0x326: {  	s7 =	simm.s32 $0x19390;
	s28 =	sadd.s32 $0x20, s0  }
0x327: {  	[hbm4b:s28+s3] =	stream.linear.scatter [tilespmem:s7], [sflag:$0x3], $0x80, $0x38;
	[tilespmem:$0x1D680] =	vst v63  }
0x328: {  	s10 =	simm.s32 $0x19418;
	s8 =	sadd.s32 $0x30, s0  }
0x329: {  	[hbm4b:s8+s3] =	stream.linear.scatter [tilespmem:s10], [sflag:$0x3], $0x80, $0x38;
	[tilespmem:$0x1D680] =	vst v63  }
0x32a: {  	s15 =	simm.s32 $0x194A0;
	s14 =	sadd.s32 $0x40, s0  }
0x32b: {  	[hbm4b:s14+s3] =	stream.linear.scatter [tilespmem:s15], [sflag:$0x3], $0x80, $0x38;
	[tilespmem:$0x1D680] =	vst v63  }
0x32c: {  	s19 =	simm.s32 $0x19528;
	s18 =	sadd.s32 $0x50, s0  }
0x32d: {  	[hbm4b:s18+s3] =	stream.linear.scatter [tilespmem:s19], [sflag:$0x3], $0x80, $0x38;
	[tilespmem:$0x1D680] =	vst v63  }
0x32e: {  	s25 =	simm.s32 $0x195B0;
	s22 =	sadd.s32 $0x60, s0  }
0x32f: {  	[hbm4b:s22+s3] =	stream.linear.scatter [tilespmem:s25], [sflag:$0x3], $0x80, $0x38;
	[tilespmem:$0x1D680] =	vst v63  }
0x330: {  	s26 =	sadd.s32 $0x70, s0;
	s28 =	simm.s32 $0x19638  }
0x331: {  	[hbm4b:s26+s3] =	stream.linear.scatter [tilespmem:s28], [sflag:$0x3], $0x80, $0x38;
	[tilespmem:$0x1D680] =	vst v63  }
0x332: {  	s8 =	sadd.s32 $0x1000, s0;
	s10 =	simm.s32 $0x196C0  }
0x333: {  	[hbm4b:s8+s3] =	stream.linear.scatter [tilespmem:s10], [sflag:$0x3], $0x80, $0x38;
	[tilespmem:$0x1D680] =	vst v63  }
0x334: {  	s14 =	sadd.s32 $0x1010, s0;
	s15 =	simm.s32 $0x19748  }
0x335: {  	[hbm4b:s14+s3] =	stream.linear.scatter [tilespmem:s15], [sflag:$0x3], $0x80, $0x38;
	[tilespmem:$0x1D680] =	vst v63  }
0x336: {  	s18 =	sadd.s32 $0x1020, s0;
	s19 =	simm.s32 $0x197D0  }
0x337: {  	[hbm4b:s18+s3] =	stream.linear.scatter [tilespmem:s19], [sflag:$0x3], $0x80, $0x38;
	[tilespmem:$0x1D680] =	vst v63  }
0x338: {  	s22 =	sadd.s32 $0x1030, s0;
	s25 =	simm.s32 $0x19858  }
0x339: {  	[hbm4b:s22+s3] =	stream.linear.scatter [tilespmem:s25], [sflag:$0x3], $0x80, $0x38;
	[tilespmem:$0x1D680] =	vst v63  }
0x33a: {  	s26 =	sadd.s32 $0x1040, s0;
	s28 =	simm.s32 $0x198E0  }
0x33b: {  	[hbm4b:s26+s3] =	stream.linear.scatter [tilespmem:s28], [sflag:$0x3], $0x80, $0x38;
	[tilespmem:$0x1D680] =	vst v63  }
0x33c: {  	s8 =	sadd.s32 $0x1050, s0;
	s10 =	simm.s32 $0x19968  }
0x33d: {  	[hbm4b:s8+s3] =	stream.linear.scatter [tilespmem:s10], [sflag:$0x3], $0x80, $0x38;
	[tilespmem:$0x1D680] =	vst v63  }
0x33e: {  	s14 =	sadd.s32 $0x1060, s0;
	s15 =	simm.s32 $0x199F0  }
0x33f: {  	[hbm4b:s14+s3] =	stream.linear.scatter [tilespmem:s15], [sflag:$0x3], $0x80, $0x38;
	[tilespmem:$0x1D680] =	vst v63  }
0x340: {  	s18 =	sadd.s32 $0x1070, s0;
	s19 =	simm.s32 $0x19A78  }
0x341: {  	[hbm4b:s18+s3] =	stream.linear.scatter [tilespmem:s19], [sflag:$0x3], $0x80, $0x38;
	[tilespmem:$0x1D680] =	vst v63  }
0x342: {  	s22 =	sadd.s32 $0x2000, s0;
	s25 =	simm.s32 $0x19B00  }
0x343: {  	[hbm4b:s22+s3] =	stream.linear.scatter [tilespmem:s25], [sflag:$0x3], $0x80, $0x38;
	[tilespmem:$0x1D680] =	vst v63  }
0x344: {  	s26 =	sadd.s32 $0x2010, s0;
	s28 =	simm.s32 $0x19B88  }
0x345: {  	[hbm4b:s26+s3] =	stream.linear.scatter [tilespmem:s28], [sflag:$0x3], $0x80, $0x38;
	[tilespmem:$0x1D680] =	vst v63  }
0x346: {  	s8 =	sadd.s32 $0x2020, s0;
	s10 =	simm.s32 $0x19C10  }
0x347: {  	[hbm4b:s8+s3] =	stream.linear.scatter [tilespmem:s10], [sflag:$0x3], $0x80, $0x38;
	[tilespmem:$0x1D680] =	vst v63  }
0x348: {  	s14 =	sadd.s32 $0x2030, s0;
	s15 =	simm.s32 $0x19C98  }
0x349: {  	[hbm4b:s14+s3] =	stream.linear.scatter [tilespmem:s15], [sflag:$0x3], $0x80, $0x38;
	[tilespmem:$0x1D680] =	vst v63  }
0x34a: {  	s18 =	sadd.s32 $0x2040, s0;
	s19 =	simm.s32 $0x19D20  }
0x34b: {  	[hbm4b:s18+s3] =	stream.linear.scatter [tilespmem:s19], [sflag:$0x3], $0x80, $0x38;
	[tilespmem:$0x1D680] =	vst v63  }
0x34c: {  	s22 =	sadd.s32 $0x2050, s0;
	s25 =	simm.s32 $0x19DA8  }
0x34d: {  	[hbm4b:s22+s3] =	stream.linear.scatter [tilespmem:s25], [sflag:$0x3], $0x80, $0x38;
	[tilespmem:$0x1D680] =	vst v63  }
0x34e: {  	s26 =	sadd.s32 $0x2060, s0;
	s28 =	simm.s32 $0x19E30  }
0x34f: {  	[hbm4b:s26+s3] =	stream.linear.scatter [tilespmem:s28], [sflag:$0x3], $0x80, $0x38;
	[tilespmem:$0x1D680] =	vst v63  }
0x350: {  	s8 =	sadd.s32 $0x2070, s0;
	s10 =	simm.s32 $0x19EB8  }
0x351: {  	[hbm4b:s8+s3] =	stream.linear.scatter [tilespmem:s10], [sflag:$0x3], $0x80, $0x38;
	[tilespmem:$0x1D680] =	vst v63  }
0x352: {  	s14 =	sadd.s32 $0x3000, s0;
	s15 =	simm.s32 $0x19F40  }
0x353: {  	[hbm4b:s14+s3] =	stream.linear.scatter [tilespmem:s15], [sflag:$0x3], $0x80, $0x38;
	[tilespmem:$0x1D680] =	vst v63  }
0x354: {  	s18 =	sadd.s32 $0x3010, s0;
	s19 =	simm.s32 $0x19FC8  }
0x355: {  	[hbm4b:s18+s3] =	stream.linear.scatter [tilespmem:s19], [sflag:$0x3], $0x80, $0x38;
	[tilespmem:$0x1D680] =	vst v63  }
0x356: {  	s22 =	sadd.s32 $0x3020, s0;
	s25 =	simm.s32 $0x1A050  }
0x357: {  	[hbm4b:s22+s3] =	stream.linear.scatter [tilespmem:s25], [sflag:$0x3], $0x80, $0x38;
	[tilespmem:$0x1D680] =	vst v63  }
0x358: {  	s26 =	sadd.s32 $0x3030, s0;
	s28 =	simm.s32 $0x1A0D8  }
0x359: {  	[hbm4b:s26+s3] =	stream.linear.scatter [tilespmem:s28], [sflag:$0x3], $0x80, $0x38;
	[tilespmem:$0x1D680] =	vst v63  }
0x35a: {  	s7 =	sadd.s32 $0x3040, s0;
	s8 =	simm.s32 $0x1A160  }
0x35b: {  	[hbm4b:s7+s3] =	stream.linear.scatter [tilespmem:s8], [sflag:$0x3], $0x80, $0x38;
	[tilespmem:$0x1D680] =	vst v63  }
0x35c: {  	s10 =	sadd.s32 $0x3050, s0;
	s14 =	simm.s32 $0x1A1E8  }
0x35d: {  	[hbm4b:s10+s3] =	stream.linear.scatter [tilespmem:s14], [sflag:$0x3], $0x80, $0x38;
	[tilespmem:$0x1D680] =	vst v63  }
0x35e: {  	s15 =	sadd.s32 $0x3060, s0;
	s18 =	simm.s32 $0x1A270  }
0x35f: {  	[hbm4b:s15+s3] =	stream.linear.scatter [tilespmem:s18], [sflag:$0x3], $0x80, $0x38;
	[tilespmem:$0x1D680] =	vst v63  }
0x360: {  	s0 =	sadd.s32 $0x3070, s0;
	s19 =	simm.s32 $0x1A2F8  }
0x361: {  	[hbm4b:s0+s3] =	stream.linear.scatter [tilespmem:s19], [sflag:$0x3], $0x80, $0x38;
	[tilespmem:$0x1D680] =	vst v63  }
0x362: {  	s0 =	simm.s32 @!p0 $0x4  }
0x363: {  	_ =	swait.ge @!p0 [sflag:s0], $0x1000  }
0x364: {  	[sflag:s0] =	ssyncset.done @!p0 $0x0  }
0x365: {  	[sflag:s0] =	ssyncadd.s32 @!p0 $0xFFFFF000  }
0x366: {  	v6 =	vld [tilespmem:s24+$0x0]  }
0x367: {  	v13 =	vld [tilespmem:s24+$0xFFFFFFE0]  }
0x368: {  	v14 =	vld [tilespmem:s24+$0xFFFFFFF0]  }
0x369: {  	v15 =	vld [tilespmem:s24+$0xFFFFFFD0];
	_ =	sdelay $0x2  }
0x36a: {  	v17 =	vmul.u32 $0x28, v13  }
0x36b: {  	v6 =	vmul.u32 $0x28, v6  }
0x36c: {  	v18 =	vmul.u32 $0x28, v14;
	v19 =	vmul.u32 $0x28, v15;
	v14 =	vor.u32 v32, v17  }
0x36d: {  	v13 =	vor.u32 v32, v6  }
0x36e: {  	s22 =	simm.s32 $0x0;
	s25 =	sadd.s32 $0x40, s24;
	s14 =	simm.s32 $0x1;
	v16 =	vor.u32 v32, v19  }
0x36f: {  	s8 =	simm.s32 $0xFFFFFFFB;
	s7 =	sand.u32 $0x5, s14;
	s0 =	sand.u32 $0x70, s22;
	v20 =	vld [tilespmem:s25+$0x0];
	v15 =	vor.u32 v32, v18  }
0x370: {  	s8 =	sand.u32 $0x7, s8;
	s10 =	simm.s32 $0x0;
	s28 =	sor.u32 s7, s0;
	v24 =	vld [tilespmem:s25+$0xFFFFFFE0]  }
0x371: {  	s14 =	simm.s32 $0x2;
	s15 =	sand.u32 $0x4, s10;
	s7 =	sor.u32 s8, s0;
	v22 =	vadd.s32 s28, v60;
	v14 =	vld.idx.msk [tilespmem:v14+s16+$0x0], $0xffff  }
0x372: {  	s18 =	sand.u32 $0x6, s14;
	s8 =	sor.u32 s15, s0;
	v23 =	vadd.s32 s7, v60;
	v25 =	vadd.s32 v10, v17;
	v13 =	vld.idx.msk [tilespmem:v13+s16+$0x0], $0xffff  }
0x373: {  	s26 =	sor.u32 s18, s0;
	v27 =	vadd.s32 s8, v60;
	v26 =	vadd.s32 v10, v6;
	v16 =	vld.idx.msk [tilespmem:v16+s16+$0x0], $0xffff  }
0x374: {  	v28 =	vadd.s32 s26, v60;
	v21 =	vld.idx.msk [tilespmem:v15+s16+$0x0], $0xffff  }
0x375: {  	v29 =	vld [tilespmem:s25+$0xFFFFFFF0];
	v15 =	vmul.u32 $0x28, v20;
	v20 =	vadd.s32 v10, v19  }
0x376: {  	v31 =	vld [tilespmem:s25+$0xFFFFFFD0];
	v30 =	vadd.s32 v10, v18;
	[tilespmem:v22+s1+$0x0] =	vst.idx.msk $0xffff, v14  }
0x377: {  	v22 =	vor.u32 v32, v15;
	[tilespmem:v23+s1+$0x0] =	vst.idx.msk $0xffff, v13;
	v23 =	vld.idx.msk [tilespmem:v25+s16+$0x0], $0xffff;
	v25 =	vadd.s32 s28, v61  }
0x378: {  	s0 =	sadd.s32 $0x40, s25;
	v13 =	vmul.u32 $0x28, v24;
	v24 =	vadd.s32 s7, v61;
	[tilespmem:v27+s1+$0x0] =	vst.idx.msk $0xffff, v16;
	v27 =	vadd.s32 v11, v17;
	v26 =	vld.idx.msk [tilespmem:v26+s16+$0x0], $0xffff  }
0x379: {  	v52 =	vld [tilespmem:s0+$0x0];
	[tilespmem:v28+s1+$0x0] =	vst.idx.msk $0xffff, v21;
	v21 =	vadd.s32 v11, v6  }
0x37a: {  	v14 =	vmul.u32 $0x28, v29;
	v20 =	vld.idx.msk [tilespmem:v20+s16+$0x0], $0xffff;
	v28 =	vor.u32 v32, v13  }
0x37b: {  	s19 =	simm.s32 $0x8;
	s22 =	simm.s32 $0xFFFFFFFF;
	v33 =	vor.u32 s8, v1;
	v29 =	vld.idx.msk [tilespmem:v30+s16+$0x0], $0xffff;
	v30 =	vadd.s32 s26, v61  }
0x37c: {  	s25 =	sand.u32 $0x70, s19;
	s8 =	sand.u32 $0x7, s22;
	v50 =	vadd.s32 v7, v33;
	v49 =	vor.u32 v32, v14;
	v22 =	vld.idx.msk [tilespmem:v22+s16+$0x0], $0xffff;
	[tilespmem:v25+s1+$0x0] =	vst.idx.msk $0xffff, v23  }
0x37d: {  	s10 =	sor.u32 s8, s25;
	v51 =	vadd.s32 v11, v18;
	v16 =	vmul.u32 $0x28, v31;
	[tilespmem:v24+s1+$0x0] =	vst.idx.msk $0xffff, v26;
	v24 =	vld.idx.msk [tilespmem:v27+s16+$0x0], $0xffff  }
0x37e: {  	s15 =	simm.s32 $0x5;
	v23 =	vadd.s32 v11, v19;
	v25 =	vadd.s32 s10, v60;
	v21 =	vld.idx.msk [tilespmem:v21+s16+$0x0], $0xffff  }
0x37f: {  	s8 =	sand.u32 $0x5, s15;
	v26 =	vor.u32 v32, v16;
	v27 =	vld.idx.msk [tilespmem:v28+s16+$0x0], $0xffff;
	v28 =	vadd.s32 s7, v62  }
0x380: {  	v40 =	vld [tilespmem:s0+$0xFFFFFFD0];
	s14 =	sor.u32 s8, s25;
	v31 =	vadd.s32 s28, v62;
	[tilespmem:v30+s1+$0x0] =	vst.idx.msk $0xffff, v29  }
0x381: {  	s18 =	simm.s32 $0x6;
	[tilespmem:v50+s1+$0x0] =	vst.idx.msk $0xffff, v20;
	v20 =	vadd.s32 s14, v60;
	v34 =	vld.idx.msk [tilespmem:v49+s16+$0x0], $0xffff  }
0x382: {  	s15 =	simm.s32 $0x4;
	s8 =	sand.u32 $0x6, s18;
	v6 =	vadd.s32 v12, v6;
	v30 =	vadd.s32 s26, v62;
	v29 =	vld.idx.msk [tilespmem:v51+s16+$0x0], $0xffff  }
0x383: {  	v53 =	vadd.s32 v8, v33;
	s18 =	sand.u32 $0x4, s15;
	s8 =	sor.u32 s8, s25;
	v23 =	vld.idx.msk [tilespmem:v23+s16+$0x0], $0xffff;
	[tilespmem:v25+s1+$0x0] =	vst.idx.msk $0xffff, v22;
	v25 =	vadd.s32 v10, v15  }
0x384: {  	s6 =	sor.u32 s18, s25;
	v38 =	vadd.s32 v12, v19;
	v36 =	vld.idx.msk [tilespmem:v26+s16+$0x0], $0xffff;
	v26 =	vadd.s32 s8, v60;
	[tilespmem:v28+s1+$0x0] =	vst.idx.msk $0xffff, v21  }
0x385: {  	v49 =	vld [tilespmem:s0+$0xFFFFFFF0];
	[tilespmem:v31+s1+$0x0] =	vst.idx.msk $0xffff, v24;
	v24 =	vadd.s32 s6, v60;
	v28 =	vadd.s32 v10, v13  }
0x386: {  	v48 =	vadd.s32 s7, v63;
	v22 =	vld [tilespmem:s0+$0xFFFFFFE0];
	[tilespmem:v20+s1+$0x0] =	vst.idx.msk $0xffff, v27;
	v20 =	vadd.s32 v12, v17  }
0x387: {  	v50 =	vadd.s32 v10, v16;
	[tilespmem:v30+s1+$0x0] =	vst.idx.msk $0xffff, v29;
	v29 =	vadd.s32 v12, v18;
	v39 =	vld.idx.msk [tilespmem:v6+s16+$0x0], $0xffff  }
0x388: {  	v19 =	vmul.u32 $0x28, v52;
	v21 =	vadd.s32 s8, v61;
	v31 =	vadd.s32 s14, v61;
	v51 =	vld.idx.msk [tilespmem:v25+s16+$0x0], $0xffff;
	[tilespmem:v53+s1+$0x0] =	vst.idx.msk $0xffff, v23  }
0x389: {  	v52 =	vadd.s32 v10, v14;
	v27 =	vadd.s32 s28, v63;
	[tilespmem:v26+s1+$0x0] =	vst.idx.msk $0xffff, v34;
	v53 =	vadd.s32 s10, v61;
	v25 =	vld.idx.msk [tilespmem:v38+s16+$0x0], $0xffff  }
0x38a: {  	v26 =	vor.u32 v32, v19;
	v34 =	vadd.s32 v9, v33;
	[tilespmem:v24+s1+$0x0] =	vst.idx.msk $0xffff, v36;
	v24 =	vld.idx.msk [tilespmem:v28+s16+$0x0], $0xffff  }
0x38b: {  	v18 =	vmul.u32 $0x28, v49;
	v17 =	vmul.u32 $0x28, v22;
	v33 =	vadd.s32 s26, v63;
	v23 =	vld.idx.msk [tilespmem:v20+s16+$0x0], $0xffff  }
0x38c: {  	s31 =	sor.u32 $0x1, s11;
	s19 =	simm.s32 $0xA;
	s25 =	simm.s32 $0x10;
	v22 =	vmul.u32 $0x28, v40;
	v20 =	vor.u32 s6, v1;
	v38 =	vadd.s32 v11, v13;
	v30 =	vld.idx.msk [tilespmem:v29+s16+$0x0], $0xffff  }
0x38d: {  	s22 =	sand.u32 $0x70, s25;
	s7 =	simm.s32 $0x8;
	s28 =	simm.s32 $0x3;
	v36 =	vadd.s32 v11, v15;
	[tilespmem:v48+s1+$0x0] =	vst.idx.msk $0xffff, v39;
	v28 =	vld.idx.msk [tilespmem:v50+s16+$0x0], $0xffff;
	v37 =	vadd.s32 v7, v20  }
0x38e: {  	s18 =	sand.u32 $0x7, s28;
	s26 =	simm.s32 $0x8;
	s6 =	sand.u32 $0x6, s19;
	v29 =	vor.u32 v32, v18;
	v35 =	vld.idx.msk [tilespmem:v52+s16+$0x0], $0xffff;
	v6 =	vor.u32 v32, v17;
	[tilespmem:v53+s1+$0x0] =	vst.idx.msk $0xffff, v51  }
.LBB2_12:
0x38f: {  	s28 =	sor.u32 s6, s22;
	s6 =	sor.u32 s18, s22;
	v26 =	vld.idx.msk [tilespmem:v26+s16+$0x0], $0xffff;
	s0 =	sadd.s32 $0x40, s0;
	v39 =	vadd.s32 v11, v14;
	[tilespmem:v34+s1+$0x0] =	vst.idx.msk $0xffff, v25  }
0x390: {  	s18 =	smov.u32 s7;
	s7 =	sadd.s32 $0x4, s7;
	v25 =	vld [tilespmem:s0+$0x0];
	v34 =	vor.u32 v32, v22;
	v40 =	vadd.s32 s28, v61;
	v41 =	vadd.s32 s6, v60;
	[tilespmem:v31+s1+$0x0] =	vst.idx.msk $0xffff, v24  }
0x391: {  	p1 =	slt.u32 s7, $0x3C;
	v24 =	vadd.s32 v11, v16;
	v31 =	vld.idx.msk [tilespmem:v38+s16+$0x0], $0xffff;
	[tilespmem:v27+s1+$0x0] =	vst.idx.msk $0xffff, v23  }
0x392: {  	s19 =	sadd.s32 $0x5, s15;
	s15 =	smov.u32 s18;
	v23 =	vadd.s32 s14, v62;
	[tilespmem:v37+s1+$0x0] =	vst.idx.msk $0xffff, v28;
	v27 =	vld.idx.msk [tilespmem:v36+s16+$0x0], $0xffff  }
0x393: {  	s18 =	sand.u32 $0x5, s19;
	v28 =	vadd.s32 s10, v62;
	v6 =	vld.idx.msk [tilespmem:v6+s16+$0x0], $0xffff;
	[tilespmem:v33+s1+$0x0] =	vst.idx.msk $0xffff, v30  }
0x394: {  	s18 =	sor.u32 s18, s22;
	v30 =	vadd.s32 v12, v15;
	v15 =	vmov v19;
	v29 =	vld.idx.msk [tilespmem:v29+s16+$0x0], $0xffff;
	[tilespmem:v21+s1+$0x0] =	vst.idx.msk $0xffff, v35;
	v21 =	vmov v40  }
0x395: {  	v19 =	vadd.s32 s18, v60;
	[tilespmem:v41+s1+$0x0] =	vst.idx.msk $0xffff, v26;
	v26 =	vld.idx.msk [tilespmem:v39+s16+$0x0], $0xffff  }
0x396: {  	v33 =	vadd.s32 s8, v62;
	v24 =	vld.idx.msk [tilespmem:v24+s16+$0x0], $0xffff  }
0x397: {  	s19 =	sand.u32 $0x4, s26;
	s26 =	smov.u32 s7;
	v37 =	vadd.s32 v8, v20;
	v36 =	vadd.s32 v10, v15;
	v35 =	vld [tilespmem:s0+$0xFFFFFFE0];
	[tilespmem:v23+s1+$0x0] =	vst.idx.msk $0xffff, v31  }
0x398: {  	s19 =	sor.u32 s19, s22;
	v31 =	vadd.s32 s28, v60;
	v23 =	vld.idx.msk [tilespmem:v34+s16+$0x0], $0xffff;
	v34 =	vadd.s32 v12, v16;
	[tilespmem:v28+s1+$0x0] =	vst.idx.msk $0xffff, v27;
	v16 =	vmov v22  }
0x399: {  	s25 =	sadd.s32 $0x8, s25;
	v22 =	vadd.s32 s19, v60;
	v27 =	vadd.s32 v10, v17;
	v28 =	vld.idx.msk [tilespmem:v30+s16+$0x0], $0xffff  }
0x39a: {  	v38 =	vadd.s32 s10, v63;
	s10 =	smov.u32 s6;
	v30 =	vadd.s32 v12, v13;
	v13 =	vmov v17;
	v39 =	vld [tilespmem:s0+$0xFFFFFFD0];
	[tilespmem:v19+s1+$0x0] =	vst.idx.msk $0xffff, v6  }
0x39b: {  	v41 =	vadd.s32 v10, v16;
	v19 =	vmul.u32 $0x28, v25;
	v40 =	vld [tilespmem:s0+$0xFFFFFFF0];
	[tilespmem:v33+s1+$0x0] =	vst.idx.msk $0xffff, v26;
	v33 =	vadd.s32 v12, v14  }
0x39c: {  	v42 =	vadd.s32 v10, v18;
	v14 =	vmov v18;
	v43 =	vld.idx.msk [tilespmem:v36+s16+$0x0], $0xffff;
	[tilespmem:v37+s1+$0x0] =	vst.idx.msk $0xffff, v24  }
0x39d: {  	v44 =	vadd.s32 s10, v61;
	v17 =	vmul.u32 $0x28, v35;
	v26 =	vor.u32 v32, v19;
	[tilespmem:v31+s1+$0x0] =	vst.idx.msk $0xffff, v29;
	v25 =	vld.idx.msk [tilespmem:v34+s16+$0x0], $0xffff  }
.Ltmp5:
0x39e: {  	v34 =	vadd.s32 v9, v20;
	[tilespmem:v22+s1+$0x0] =	vst.idx.msk $0xffff, v23;
	v24 =	vld.idx.msk [tilespmem:v27+s16+$0x0], $0xffff;
	(pc) =	sbr.rel @p1 .LBB2_12-.Ltmp5, $4  }
0x39f: {  	v31 =	vadd.s32 s18, v61;
	v6 =	vor.u32 v32, v17;
	v27 =	vadd.s32 s14, v63;
	s14 =	smov.u32 s18;
	v23 =	vld.idx.msk [tilespmem:v30+s16+$0x0], $0xffff;
	[tilespmem:v38+s1+$0x0] =	vst.idx.msk $0xffff, v28  }
0x3a0: {  	v20 =	vor.u32 s19, v1;
	v38 =	vadd.s32 v11, v13;
	v18 =	vmul.u32 $0x28, v40;
	v28 =	vld.idx.msk [tilespmem:v41+s16+$0x0], $0xffff  }
0x3a1: {  	s6 =	sadd.s32 $0x6, s15;
	v36 =	vadd.s32 v11, v15;
	s18 =	sadd.s32 $0xFFFFFFFF, s15;
	v37 =	vadd.s32 v7, v20;
	v30 =	vld.idx.msk [tilespmem:v33+s16+$0x0], $0xffff;
	v33 =	vadd.s32 s8, v63;
	s8 =	smov.u32 s28  }
0x3a2: {  	s22 =	sand.u32 $0x70, s25;
	s6 =	sand.u32 $0x6, s6;
	v22 =	vmul.u32 $0x28, v39;
	s18 =	sand.u32 $0x7, s18;
	v29 =	vor.u32 v32, v18;
	v35 =	vld.idx.msk [tilespmem:v42+s16+$0x0], $0xffff;
	[tilespmem:v44+s1+$0x0] =	vst.idx.msk $0xffff, v43  }
0x3a3: {  	_ =	sdelay $0x3  }
0x3a4: {  	s0 =	sor.u32 s18, s22;
	[tilespmem:v34+s1+$0x0] =	vst.idx.msk $0xffff, v25;
	v39 =	vor.u32 v32, v22  }
0x3a5: {  	v25 =	vld.idx.msk [tilespmem:v26+s16+$0x0], $0xffff;
	[tilespmem:v31+s1+$0x0] =	vst.idx.msk $0xffff, v24;
	s7 =	sadd.s32 $0x5, s15;
	v26 =	vadd.s32 s0, v60  }
0x3a6: {  	v31 =	vld.idx.msk [tilespmem:v38+s16+$0x0], $0xffff;
	[tilespmem:v27+s1+$0x0] =	vst.idx.msk $0xffff, v23;
	v23 =	vadd.s32 s14, v62;
	s7 =	sand.u32 $0x5, s7  }
0x3a7: {  	v24 =	vadd.s32 v11, v14;
	s26 =	sand.u32 $0x4, s26;
	v50 =	vadd.s32 s10, v62;
	[tilespmem:v37+s1+$0x0] =	vst.idx.msk $0xffff, v28;
	v28 =	vld.idx.msk [tilespmem:v36+s16+$0x0], $0xffff;
	s7 =	sor.u32 s7, s22  }
0x3a8: {  	v6 =	vld.idx.msk [tilespmem:v6+s16+$0x0], $0xffff;
	v27 =	vadd.s32 v11, v16;
	s28 =	sor.u32 s26, s22;
	[tilespmem:v21+s1+$0x0] =	vst.idx.msk $0xffff, v35;
	v21 =	vadd.s32 s7, v60  }
0x3a9: {  	s6 =	sor.u32 s6, s22;
	v52 =	vadd.s32 s28, v60;
	[tilespmem:v33+s1+$0x0] =	vst.idx.msk $0xffff, v30;
	v30 =	vadd.s32 v10, v19;
	v51 =	vld.idx.msk [tilespmem:v39+s16+$0x0], $0xffff  }
0x3aa: {  	v29 =	vld.idx.msk [tilespmem:v29+s16+$0x0], $0xffff;
	[tilespmem:v26+s1+$0x0] =	vst.idx.msk $0xffff, v25;
	v25 =	vadd.s32 s6, v60;
	v26 =	vadd.s32 v10, v17  }
0x3ab: {  	v53 =	vadd.s32 v10, v22;
	[tilespmem:v23+s1+$0x0] =	vst.idx.msk $0xffff, v31  }
0x3ac: {  	v40 =	vadd.s32 s8, v62;
	v24 =	vld.idx.msk [tilespmem:v24+s16+$0x0], $0xffff;
	[tilespmem:v50+s1+$0x0] =	vst.idx.msk $0xffff, v28  }
0x3ad: {  	v23 =	vadd.s32 v10, v18;
	v27 =	vld.idx.msk [tilespmem:v27+s16+$0x0], $0xffff;
	v31 =	vadd.s32 v8, v20;
	[tilespmem:v21+s1+$0x0] =	vst.idx.msk $0xffff, v6  }
0x3ae: {  	v15 =	vadd.s32 v12, v15;
	v28 =	vld.idx.msk [tilespmem:v30+s16+$0x0], $0xffff;
	v30 =	vadd.s32 s0, v61;
	[tilespmem:v52+s1+$0x0] =	vst.idx.msk $0xffff, v51  }
0x3af: {  	v16 =	vadd.s32 v12, v16;
	v41 =	vor.u32 s28, v1;
	[tilespmem:v25+s1+$0x0] =	vst.idx.msk $0xffff, v29;
	v25 =	vld.idx.msk [tilespmem:v26+s16+$0x0], $0xffff;
	v26 =	vadd.s32 s7, v61  }
0x3b0: {  	v42 =	vadd.s32 v11, v19;
	v21 =	vadd.s32 v7, v41;
	v6 =	vld.idx.msk [tilespmem:v53+s16+$0x0], $0xffff  }
0x3b1: {  	[tilespmem:v40+s1+$0x0] =	vst.idx.msk $0xffff, v24;
	v24 =	vadd.s32 v11, v17  }
0x3b2: {  	v43 =	vadd.s32 s6, v61;
	v29 =	vadd.s32 v11, v22;
	[tilespmem:v31+s1+$0x0] =	vst.idx.msk $0xffff, v27;
	v23 =	vld.idx.msk [tilespmem:v23+s16+$0x0], $0xffff  }
0x3b3: {  	v44 =	vadd.s32 s10, v63;
	v15 =	vld.idx.msk [tilespmem:v15+s16+$0x0], $0xffff;
	v27 =	vadd.s32 v11, v18;
	[tilespmem:v30+s1+$0x0] =	vst.idx.msk $0xffff, v28  }
0x3b4: {  	v20 =	vadd.s32 v9, v20;
	v16 =	vld.idx.msk [tilespmem:v16+s16+$0x0], $0xffff;
	[tilespmem:v26+s1+$0x0] =	vst.idx.msk $0xffff, v25  }
0x3b5: {  	v13 =	vadd.s32 v12, v13;
	[tilespmem:v21+s1+$0x0] =	vst.idx.msk $0xffff, v6;
	v6 =	vld.idx.msk [tilespmem:v42+s16+$0x0], $0xffff;
	v21 =	vadd.s32 s0, v62  }
0x3b6: {  	v14 =	vadd.s32 v12, v14;
	v28 =	vadd.s32 s7, v62;
	v24 =	vld.idx.msk [tilespmem:v24+s16+$0x0], $0xffff  }
0x3b7: {  	v19 =	vadd.s32 v12, v19;
	v26 =	vadd.s32 v8, v41;
	[tilespmem:v43+s1+$0x0] =	vst.idx.msk $0xffff, v23;
	v25 =	vld.idx.msk [tilespmem:v29+s16+$0x0], $0xffff  }
0x3b8: {  	v17 =	vadd.s32 v12, v17;
	[tilespmem:v44+s1+$0x0] =	vst.idx.msk $0xffff, v15;
	v23 =	vadd.s32 s6, v62;
	v15 =	vld.idx.msk [tilespmem:v27+s16+$0x0], $0xffff  }
0x3b9: {  	v22 =	vadd.s32 v12, v22;
	[tilespmem:v20+s1+$0x0] =	vst.idx.msk $0xffff, v16  }
0x3ba: {  	v13 =	vld.idx.msk [tilespmem:v13+s16+$0x0], $0xffff;
	v16 =	vadd.s32 v12, v18;
	v27 =	vadd.s32 s14, v63;
	[tilespmem:v21+s1+$0x0] =	vst.idx.msk $0xffff, v6  }
0x3bb: {  	v14 =	vld.idx.msk [tilespmem:v14+s16+$0x0], $0xffff;
	v18 =	vadd.s32 s8, v63;
	[tilespmem:v28+s1+$0x0] =	vst.idx.msk $0xffff, v24  }
0x3bc: {  	v6 =	vld.idx.msk [tilespmem:v19+s16+$0x0], $0xffff;
	v19 =	vadd.s32 s0, v63;
	[tilespmem:v26+s1+$0x0] =	vst.idx.msk $0xffff, v25  }
0x3bd: {  	[tilespmem:v23+s1+$0x0] =	vst.idx.msk $0xffff, v15;
	v15 =	vld.idx.msk [tilespmem:v17+s16+$0x0], $0xffff;
	v17 =	vadd.s32 s7, v63  }
0x3be: {  	v21 =	vadd.s32 v9, v41;
	v20 =	vld.idx.msk [tilespmem:v22+s16+$0x0], $0xffff  }
0x3bf: {  	[tilespmem:v27+s1+$0x0] =	vst.idx.msk $0xffff, v13;
	v13 =	vld.idx.msk [tilespmem:v16+s16+$0x0], $0xffff;
	v16 =	vadd.s32 s6, v63  }
0x3c0: {  	s10 =	smul.u32 $0x3E8000, s31;
	[tilespmem:v18+s1+$0x0] =	vst.idx.msk $0xffff, v14  }
0x3c1: {  	[tilespmem:v19+s1+$0x0] =	vst.idx.msk $0xffff, v6  }
0x3c2: {  	s0 =	sadd.s32 s21, s10;
	[tilespmem:v17+s1+$0x0] =	vst.idx.msk $0xffff, v15  }
0x3c3: {  	s0 =	sshrl.u32 s0, $0x3;
	[tilespmem:v21+s1+$0x0] =	vst.idx.msk $0xffff, v20  }
0x3c4: {  	s0 =	sadd.s32 s2, s0;
	[tilespmem:v16+s1+$0x0] =	vst.idx.msk $0xffff, v13  }
0x3c5: {  	[hbm4b:s0+s3] =	stream.linear.scatter [tilespmem:s1], [sflag:$0x4], $0x80, $0x38;
	[tilespmem:$0x1D680] =	vst v63  }
0x3c6: {  	s15 =	simm.s32 $0x1A408;
	s14 =	sadd.s32 $0x10, s0  }
0x3c7: {  	[hbm4b:s14+s3] =	stream.linear.scatter [tilespmem:s15], [sflag:$0x4], $0x80, $0x38;
	[tilespmem:$0x1D680] =	vst v63  }
0x3c8: {  	s19 =	simm.s32 $0x1A490;
	s18 =	sadd.s32 $0x20, s0  }
0x3c9: {  	[hbm4b:s18+s3] =	stream.linear.scatter [tilespmem:s19], [sflag:$0x4], $0x80, $0x38;
	[tilespmem:$0x1D680] =	vst v63  }
0x3ca: {  	s25 =	simm.s32 $0x1A518;
	s22 =	sadd.s32 $0x30, s0  }
0x3cb: {  	[hbm4b:s22+s3] =	stream.linear.scatter [tilespmem:s25], [sflag:$0x4], $0x80, $0x38;
	[tilespmem:$0x1D680] =	vst v63  }
0x3cc: {  	s28 =	simm.s32 $0x1A5A0;
	s26 =	sadd.s32 $0x40, s0  }
0x3cd: {  	[hbm4b:s26+s3] =	stream.linear.scatter [tilespmem:s28], [sflag:$0x4], $0x80, $0x38;
	[tilespmem:$0x1D680] =	vst v63  }
0x3ce: {  	s10 =	simm.s32 $0x1A628;
	s8 =	sadd.s32 $0x50, s0  }
0x3cf: {  	[hbm4b:s8+s3] =	stream.linear.scatter [tilespmem:s10], [sflag:$0x4], $0x80, $0x38;
	[tilespmem:$0x1D680] =	vst v63  }
0x3d0: {  	s14 =	sadd.s32 $0x60, s0;
	s15 =	simm.s32 $0x1A6B0  }
0x3d1: {  	[hbm4b:s14+s3] =	stream.linear.scatter [tilespmem:s15], [sflag:$0x4], $0x80, $0x38;
	[tilespmem:$0x1D680] =	vst v63  }
0x3d2: {  	s18 =	sadd.s32 $0x70, s0;
	s19 =	simm.s32 $0x1A738  }
0x3d3: {  	[hbm4b:s18+s3] =	stream.linear.scatter [tilespmem:s19], [sflag:$0x4], $0x80, $0x38;
	[tilespmem:$0x1D680] =	vst v63  }
0x3d4: {  	s22 =	sadd.s32 $0x1000, s0;
	s25 =	simm.s32 $0x1A7C0  }
0x3d5: {  	[hbm4b:s22+s3] =	stream.linear.scatter [tilespmem:s25], [sflag:$0x4], $0x80, $0x38;
	[tilespmem:$0x1D680] =	vst v63  }
0x3d6: {  	s26 =	sadd.s32 $0x1010, s0;
	s28 =	simm.s32 $0x1A848  }
0x3d7: {  	[hbm4b:s26+s3] =	stream.linear.scatter [tilespmem:s28], [sflag:$0x4], $0x80, $0x38;
	[tilespmem:$0x1D680] =	vst v63  }
0x3d8: {  	s8 =	sadd.s32 $0x1020, s0;
	s10 =	simm.s32 $0x1A8D0  }
0x3d9: {  	[hbm4b:s8+s3] =	stream.linear.scatter [tilespmem:s10], [sflag:$0x4], $0x80, $0x38;
	[tilespmem:$0x1D680] =	vst v63  }
0x3da: {  	s14 =	sadd.s32 $0x1030, s0;
	s15 =	simm.s32 $0x1A958  }
0x3db: {  	[hbm4b:s14+s3] =	stream.linear.scatter [tilespmem:s15], [sflag:$0x4], $0x80, $0x38;
	[tilespmem:$0x1D680] =	vst v63  }
0x3dc: {  	s18 =	sadd.s32 $0x1040, s0;
	s19 =	simm.s32 $0x1A9E0  }
0x3dd: {  	[hbm4b:s18+s3] =	stream.linear.scatter [tilespmem:s19], [sflag:$0x4], $0x80, $0x38;
	[tilespmem:$0x1D680] =	vst v63  }
0x3de: {  	s22 =	sadd.s32 $0x1050, s0;
	s25 =	simm.s32 $0x1AA68  }
0x3df: {  	[hbm4b:s22+s3] =	stream.linear.scatter [tilespmem:s25], [sflag:$0x4], $0x80, $0x38;
	[tilespmem:$0x1D680] =	vst v63  }
0x3e0: {  	s26 =	sadd.s32 $0x1060, s0;
	s28 =	simm.s32 $0x1AAF0  }
0x3e1: {  	[hbm4b:s26+s3] =	stream.linear.scatter [tilespmem:s28], [sflag:$0x4], $0x80, $0x38;
	[tilespmem:$0x1D680] =	vst v63  }
0x3e2: {  	s8 =	sadd.s32 $0x1070, s0;
	s10 =	simm.s32 $0x1AB78  }
0x3e3: {  	[hbm4b:s8+s3] =	stream.linear.scatter [tilespmem:s10], [sflag:$0x4], $0x80, $0x38;
	[tilespmem:$0x1D680] =	vst v63  }
0x3e4: {  	s14 =	sadd.s32 $0x2000, s0;
	s15 =	simm.s32 $0x1AC00  }
0x3e5: {  	[hbm4b:s14+s3] =	stream.linear.scatter [tilespmem:s15], [sflag:$0x4], $0x80, $0x38;
	[tilespmem:$0x1D680] =	vst v63  }
0x3e6: {  	s18 =	sadd.s32 $0x2010, s0;
	s19 =	simm.s32 $0x1AC88  }
0x3e7: {  	[hbm4b:s18+s3] =	stream.linear.scatter [tilespmem:s19], [sflag:$0x4], $0x80, $0x38;
	[tilespmem:$0x1D680] =	vst v63  }
0x3e8: {  	s22 =	sadd.s32 $0x2020, s0;
	s25 =	simm.s32 $0x1AD10  }
0x3e9: {  	[hbm4b:s22+s3] =	stream.linear.scatter [tilespmem:s25], [sflag:$0x4], $0x80, $0x38;
	[tilespmem:$0x1D680] =	vst v63  }
0x3ea: {  	s26 =	sadd.s32 $0x2030, s0;
	s28 =	simm.s32 $0x1AD98  }
0x3eb: {  	[hbm4b:s26+s3] =	stream.linear.scatter [tilespmem:s28], [sflag:$0x4], $0x80, $0x38;
	[tilespmem:$0x1D680] =	vst v63  }
0x3ec: {  	s8 =	sadd.s32 $0x2040, s0;
	s10 =	simm.s32 $0x1AE20  }
0x3ed: {  	[hbm4b:s8+s3] =	stream.linear.scatter [tilespmem:s10], [sflag:$0x4], $0x80, $0x38;
	[tilespmem:$0x1D680] =	vst v63  }
0x3ee: {  	s14 =	sadd.s32 $0x2050, s0;
	s15 =	simm.s32 $0x1AEA8  }
0x3ef: {  	[hbm4b:s14+s3] =	stream.linear.scatter [tilespmem:s15], [sflag:$0x4], $0x80, $0x38;
	[tilespmem:$0x1D680] =	vst v63  }
0x3f0: {  	s18 =	sadd.s32 $0x2060, s0;
	s19 =	simm.s32 $0x1AF30  }
0x3f1: {  	[hbm4b:s18+s3] =	stream.linear.scatter [tilespmem:s19], [sflag:$0x4], $0x80, $0x38;
	[tilespmem:$0x1D680] =	vst v63  }
0x3f2: {  	s22 =	sadd.s32 $0x2070, s0;
	s25 =	simm.s32 $0x1AFB8  }
0x3f3: {  	[hbm4b:s22+s3] =	stream.linear.scatter [tilespmem:s25], [sflag:$0x4], $0x80, $0x38;
	[tilespmem:$0x1D680] =	vst v63  }
0x3f4: {  	s26 =	sadd.s32 $0x3000, s0;
	s28 =	simm.s32 $0x1B040  }
0x3f5: {  	[hbm4b:s26+s3] =	stream.linear.scatter [tilespmem:s28], [sflag:$0x4], $0x80, $0x38;
	[tilespmem:$0x1D680] =	vst v63  }
0x3f6: {  	s8 =	sadd.s32 $0x3010, s0;
	s10 =	simm.s32 $0x1B0C8  }
0x3f7: {  	[hbm4b:s8+s3] =	stream.linear.scatter [tilespmem:s10], [sflag:$0x4], $0x80, $0x38;
	[tilespmem:$0x1D680] =	vst v63  }
0x3f8: {  	s14 =	sadd.s32 $0x3020, s0;
	s15 =	simm.s32 $0x1B150  }
0x3f9: {  	[hbm4b:s14+s3] =	stream.linear.scatter [tilespmem:s15], [sflag:$0x4], $0x80, $0x38;
	[tilespmem:$0x1D680] =	vst v63  }
0x3fa: {  	s18 =	sadd.s32 $0x3030, s0;
	s19 =	simm.s32 $0x1B1D8  }
0x3fb: {  	[hbm4b:s18+s3] =	stream.linear.scatter [tilespmem:s19], [sflag:$0x4], $0x80, $0x38;
	[tilespmem:$0x1D680] =	vst v63  }
0x3fc: {  	s22 =	sadd.s32 $0x3040, s0;
	s25 =	simm.s32 $0x1B260  }
0x3fd: {  	[hbm4b:s22+s3] =	stream.linear.scatter [tilespmem:s25], [sflag:$0x4], $0x80, $0x38;
	[tilespmem:$0x1D680] =	vst v63  }
0x3fe: {  	s26 =	sadd.s32 $0x3050, s0;
	s28 =	simm.s32 $0x1B2E8  }
0x3ff: {  	[hbm4b:s26+s3] =	stream.linear.scatter [tilespmem:s28], [sflag:$0x4], $0x80, $0x38;
	[tilespmem:$0x1D680] =	vst v63  }
0x400: {  	s7 =	sadd.s32 $0x3060, s0;
	s8 =	simm.s32 $0x1B370  }
0x401: {  	[hbm4b:s7+s3] =	stream.linear.scatter [tilespmem:s8], [sflag:$0x4], $0x80, $0x38;
	[tilespmem:$0x1D680] =	vst v63  }
0x402: {  	s0 =	sadd.s32 $0x3070, s0;
	s10 =	simm.s32 $0x1B3F8  }
0x403: {  	[hbm4b:s0+s3] =	stream.linear.scatter [tilespmem:s10], [sflag:$0x4], $0x80, $0x38;
	[tilespmem:$0x1D680] =	vst v63  }
0x404: {  	s0 =	simm.s32 @!p0 $0x5  }
0x405: {  	_ =	swait.ge @!p0 [sflag:s0], $0x1000  }
0x406: {  	[sflag:s0] =	ssyncset.done @!p0 $0x0  }
0x407: {  	[sflag:s0] =	ssyncadd.s32 @!p0 $0xFFFFF000  }
0x408: {  	v6 =	vld [tilespmem:s12+$0x0]  }
0x409: {  	v13 =	vld [tilespmem:s12+$0xFFFFFFE0]  }
0x40a: {  	v14 =	vld [tilespmem:s12+$0xFFFFFFF0]  }
0x40b: {  	v15 =	vld [tilespmem:s12+$0xFFFFFFD0];
	_ =	sdelay $0x2  }
0x40c: {  	v17 =	vmul.u32 $0x28, v13  }
0x40d: {  	v6 =	vmul.u32 $0x28, v6  }
0x40e: {  	v18 =	vmul.u32 $0x28, v14;
	v19 =	vmul.u32 $0x28, v15;
	v14 =	vor.u32 v32, v17  }
0x40f: {  	v13 =	vor.u32 v32, v6  }
0x410: {  	s6 =	sadd.s32 $0x40, s12;
	s14 =	simm.s32 $0x0;
	s15 =	simm.s32 $0x1;
	v16 =	vor.u32 v32, v19  }
0x411: {  	s18 =	simm.s32 $0xFFFFFFFB;
	s7 =	sand.u32 $0x5, s15;
	s0 =	sand.u32 $0x70, s14;
	v20 =	vld [tilespmem:s6+$0x0];
	v15 =	vor.u32 v32, v18  }
0x412: {  	s19 =	simm.s32 $0x0;
	s8 =	sand.u32 $0x7, s18;
	s28 =	sor.u32 s7, s0;
	v24 =	vld [tilespmem:s6+$0xFFFFFFE0]  }
0x413: {  	s22 =	simm.s32 $0x2;
	s25 =	sand.u32 $0x4, s19;
	s7 =	sor.u32 s8, s0;
	v22 =	vadd.s32 s28, v60;
	v14 =	vld.idx.msk [tilespmem:v14+s16+$0x0], $0xffff  }
0x414: {  	s26 =	sand.u32 $0x6, s22;
	s8 =	sor.u32 s25, s0;
	v23 =	vadd.s32 s7, v60;
	v25 =	vadd.s32 v10, v17;
	v13 =	vld.idx.msk [tilespmem:v13+s16+$0x0], $0xffff  }
0x415: {  	s26 =	sor.u32 s26, s0;
	v27 =	vadd.s32 s8, v60;
	v26 =	vadd.s32 v10, v6;
	v16 =	vld.idx.msk [tilespmem:v16+s16+$0x0], $0xffff  }
0x416: {  	v28 =	vadd.s32 s26, v60;
	v21 =	vld.idx.msk [tilespmem:v15+s16+$0x0], $0xffff  }
0x417: {  	v29 =	vld [tilespmem:s6+$0xFFFFFFF0];
	v15 =	vmul.u32 $0x28, v20;
	v20 =	vadd.s32 v10, v19  }
0x418: {  	v31 =	vld [tilespmem:s6+$0xFFFFFFD0];
	v30 =	vadd.s32 v10, v18;
	[tilespmem:v22+s30+$0x0] =	vst.idx.msk $0xffff, v14  }
0x419: {  	v22 =	vor.u32 v32, v15;
	[tilespmem:v23+s30+$0x0] =	vst.idx.msk $0xffff, v13;
	v23 =	vld.idx.msk [tilespmem:v25+s16+$0x0], $0xffff;
	v25 =	vadd.s32 s28, v61  }
0x41a: {  	s0 =	sadd.s32 $0x40, s6;
	v13 =	vmul.u32 $0x28, v24;
	v24 =	vadd.s32 s7, v61;
	[tilespmem:v27+s30+$0x0] =	vst.idx.msk $0xffff, v16;
	v27 =	vadd.s32 v11, v17;
	v26 =	vld.idx.msk [tilespmem:v26+s16+$0x0], $0xffff  }
0x41b: {  	v48 =	vld [tilespmem:s0+$0x0];
	[tilespmem:v28+s30+$0x0] =	vst.idx.msk $0xffff, v21;
	v21 =	vadd.s32 v11, v6  }
0x41c: {  	v14 =	vmul.u32 $0x28, v29;
	v20 =	vld.idx.msk [tilespmem:v20+s16+$0x0], $0xffff;
	v28 =	vor.u32 v32, v13  }
0x41d: {  	s15 =	simm.s32 $0xFFFFFFFF;
	s14 =	simm.s32 $0x8;
	v33 =	vor.u32 s8, v1;
	v29 =	vld.idx.msk [tilespmem:v30+s16+$0x0], $0xffff;
	v30 =	vadd.s32 s26, v61  }
0x41e: {  	s18 =	sand.u32 $0x70, s14;
	s8 =	sand.u32 $0x7, s15;
	v46 =	vadd.s32 v7, v33;
	v45 =	vor.u32 v32, v14;
	v22 =	vld.idx.msk [tilespmem:v22+s16+$0x0], $0xffff;
	[tilespmem:v25+s30+$0x0] =	vst.idx.msk $0xffff, v23  }
0x41f: {  	s10 =	sor.u32 s8, s18;
	v47 =	vadd.s32 v11, v18;
	v16 =	vmul.u32 $0x28, v31;
	[tilespmem:v24+s30+$0x0] =	vst.idx.msk $0xffff, v26;
	v24 =	vld.idx.msk [tilespmem:v27+s16+$0x0], $0xffff  }
0x420: {  	s19 =	simm.s32 $0x5;
	v23 =	vadd.s32 v11, v19;
	v25 =	vadd.s32 s10, v60;
	v21 =	vld.idx.msk [tilespmem:v21+s16+$0x0], $0xffff  }
0x421: {  	s8 =	sand.u32 $0x5, s19;
	v26 =	vor.u32 v32, v16;
	v27 =	vld.idx.msk [tilespmem:v28+s16+$0x0], $0xffff;
	v28 =	vadd.s32 s7, v62  }
0x422: {  	v40 =	vld [tilespmem:s0+$0xFFFFFFD0];
	s14 =	sor.u32 s8, s18;
	v31 =	vadd.s32 s28, v62;
	[tilespmem:v30+s30+$0x0] =	vst.idx.msk $0xffff, v29  }
0x423: {  	s22 =	simm.s32 $0x6;
	[tilespmem:v46+s30+$0x0] =	vst.idx.msk $0xffff, v20;
	v20 =	vadd.s32 s14, v60;
	v34 =	vld.idx.msk [tilespmem:v45+s16+$0x0], $0xffff  }
0x424: {  	s15 =	simm.s32 $0x4;
	s8 =	sand.u32 $0x6, s22;
	v6 =	vadd.s32 v12, v6;
	v30 =	vadd.s32 s26, v62;
	v29 =	vld.idx.msk [tilespmem:v47+s16+$0x0], $0xffff  }
0x425: {  	s25 =	sand.u32 $0x4, s15;
	v49 =	vadd.s32 v8, v33;
	s8 =	sor.u32 s8, s18;
	v23 =	vld.idx.msk [tilespmem:v23+s16+$0x0], $0xffff;
	[tilespmem:v25+s30+$0x0] =	vst.idx.msk $0xffff, v22;
	v25 =	vadd.s32 v10, v15  }
0x426: {  	s6 =	sor.u32 s25, s18;
	v51 =	vadd.s32 v12, v19;
	v50 =	vld.idx.msk [tilespmem:v26+s16+$0x0], $0xffff;
	v26 =	vadd.s32 s8, v60;
	[tilespmem:v28+s30+$0x0] =	vst.idx.msk $0xffff, v21  }
0x427: {  	v42 =	vld [tilespmem:s0+$0xFFFFFFF0];
	[tilespmem:v31+s30+$0x0] =	vst.idx.msk $0xffff, v24;
	v24 =	vadd.s32 s6, v60;
	v28 =	vadd.s32 v10, v13  }
0x428: {  	v36 =	vadd.s32 v11, v15;
	v22 =	vld [tilespmem:s0+$0xFFFFFFE0];
	[tilespmem:v20+s30+$0x0] =	vst.idx.msk $0xffff, v27;
	v20 =	vadd.s32 v12, v17  }
0x429: {  	v43 =	vadd.s32 v10, v16;
	[tilespmem:v30+s30+$0x0] =	vst.idx.msk $0xffff, v29;
	v29 =	vadd.s32 v12, v18;
	v52 =	vld.idx.msk [tilespmem:v6+s16+$0x0], $0xffff  }
0x42a: {  	v41 =	vadd.s32 s7, v63;
	v53 =	vadd.s32 v10, v14;
	v19 =	vmul.u32 $0x28, v48;
	v44 =	vld.idx.msk [tilespmem:v25+s16+$0x0], $0xffff;
	[tilespmem:v49+s30+$0x0] =	vst.idx.msk $0xffff, v23  }
0x42b: {  	v38 =	vadd.s32 v11, v13;
	v45 =	vadd.s32 s10, v61;
	[tilespmem:v26+s30+$0x0] =	vst.idx.msk $0xffff, v34;
	v25 =	vld.idx.msk [tilespmem:v51+s16+$0x0], $0xffff  }
0x42c: {  	v26 =	vor.u32 v32, v19;
	v34 =	vadd.s32 v9, v33;
	[tilespmem:v24+s30+$0x0] =	vst.idx.msk $0xffff, v50;
	v24 =	vld.idx.msk [tilespmem:v28+s16+$0x0], $0xffff  }
0x42d: {  	v21 =	vadd.s32 s8, v61;
	v31 =	vadd.s32 s14, v61;
	v27 =	vadd.s32 s28, v63;
	v23 =	vld.idx.msk [tilespmem:v20+s16+$0x0], $0xffff  }
0x42e: {  	s31 =	sor.u32 $0x2, s11;
	s19 =	simm.s32 $0xA;
	s25 =	simm.s32 $0x10;
	v18 =	vmul.u32 $0x28, v42;
	v17 =	vmul.u32 $0x28, v22;
	v20 =	vor.u32 s6, v1;
	v30 =	vld.idx.msk [tilespmem:v29+s16+$0x0], $0xffff  }
0x42f: {  	s22 =	sand.u32 $0x70, s25;
	s7 =	simm.s32 $0x8;
	s28 =	simm.s32 $0x3;
	v33 =	vadd.s32 s26, v63;
	v22 =	vmul.u32 $0x28, v40;
	[tilespmem:v41+s30+$0x0] =	vst.idx.msk $0xffff, v52;
	v28 =	vld.idx.msk [tilespmem:v43+s16+$0x0], $0xffff;
	v37 =	vadd.s32 v7, v20  }
0x430: {  	s18 =	sand.u32 $0x7, s28;
	s26 =	simm.s32 $0x8;
	s6 =	sand.u32 $0x6, s19;
	v29 =	vor.u32 v32, v18;
	v35 =	vld.idx.msk [tilespmem:v53+s16+$0x0], $0xffff;
	v6 =	vor.u32 v32, v17;
	[tilespmem:v45+s30+$0x0] =	vst.idx.msk $0xffff, v44  }
.LBB2_14:
0x431: {  	s28 =	sor.u32 s6, s22;
	s6 =	sor.u32 s18, s22;
	v26 =	vld.idx.msk [tilespmem:v26+s16+$0x0], $0xffff;
	s0 =	sadd.s32 $0x40, s0;
	v39 =	vadd.s32 v11, v14;
	[tilespmem:v34+s30+$0x0] =	vst.idx.msk $0xffff, v25  }
0x432: {  	s18 =	smov.u32 s7;
	s7 =	sadd.s32 $0x4, s7;
	v25 =	vld [tilespmem:s0+$0x0];
	v34 =	vor.u32 v32, v22;
	v40 =	vadd.s32 s28, v61;
	v41 =	vadd.s32 s6, v60;
	[tilespmem:v31+s30+$0x0] =	vst.idx.msk $0xffff, v24  }
0x433: {  	p1 =	slt.u32 s7, $0x3C;
	v24 =	vadd.s32 v11, v16;
	v31 =	vld.idx.msk [tilespmem:v38+s16+$0x0], $0xffff;
	[tilespmem:v27+s30+$0x0] =	vst.idx.msk $0xffff, v23  }
0x434: {  	s19 =	sadd.s32 $0x5, s15;
	s15 =	smov.u32 s18;
	v23 =	vadd.s32 s14, v62;
	[tilespmem:v37+s30+$0x0] =	vst.idx.msk $0xffff, v28;
	v27 =	vld.idx.msk [tilespmem:v36+s16+$0x0], $0xffff  }
0x435: {  	s18 =	sand.u32 $0x5, s19;
	v28 =	vadd.s32 s10, v62;
	v6 =	vld.idx.msk [tilespmem:v6+s16+$0x0], $0xffff;
	[tilespmem:v33+s30+$0x0] =	vst.idx.msk $0xffff, v30  }
0x436: {  	s18 =	sor.u32 s18, s22;
	v30 =	vadd.s32 v12, v15;
	v15 =	vmov v19;
	v29 =	vld.idx.msk [tilespmem:v29+s16+$0x0], $0xffff;
	[tilespmem:v21+s30+$0x0] =	vst.idx.msk $0xffff, v35;
	v21 =	vmov v40  }
0x437: {  	v19 =	vadd.s32 s18, v60;
	[tilespmem:v41+s30+$0x0] =	vst.idx.msk $0xffff, v26;
	v26 =	vld.idx.msk [tilespmem:v39+s16+$0x0], $0xffff  }
0x438: {  	v33 =	vadd.s32 s8, v62;
	v24 =	vld.idx.msk [tilespmem:v24+s16+$0x0], $0xffff  }
0x439: {  	s19 =	sand.u32 $0x4, s26;
	s26 =	smov.u32 s7;
	v37 =	vadd.s32 v8, v20;
	v36 =	vadd.s32 v10, v15;
	v35 =	vld [tilespmem:s0+$0xFFFFFFE0];
	[tilespmem:v23+s30+$0x0] =	vst.idx.msk $0xffff, v31  }
0x43a: {  	s19 =	sor.u32 s19, s22;
	v31 =	vadd.s32 s28, v60;
	v23 =	vld.idx.msk [tilespmem:v34+s16+$0x0], $0xffff;
	v34 =	vadd.s32 v12, v16;
	[tilespmem:v28+s30+$0x0] =	vst.idx.msk $0xffff, v27;
	v16 =	vmov v22  }
0x43b: {  	s25 =	sadd.s32 $0x8, s25;
	v22 =	vadd.s32 s19, v60;
	v27 =	vadd.s32 v10, v17;
	v28 =	vld.idx.msk [tilespmem:v30+s16+$0x0], $0xffff  }
0x43c: {  	v38 =	vadd.s32 s10, v63;
	s10 =	smov.u32 s6;
	v30 =	vadd.s32 v12, v13;
	v13 =	vmov v17;
	v39 =	vld [tilespmem:s0+$0xFFFFFFD0];
	[tilespmem:v19+s30+$0x0] =	vst.idx.msk $0xffff, v6  }
0x43d: {  	v41 =	vadd.s32 v10, v16;
	v19 =	vmul.u32 $0x28, v25;
	v40 =	vld [tilespmem:s0+$0xFFFFFFF0];
	[tilespmem:v33+s30+$0x0] =	vst.idx.msk $0xffff, v26;
	v33 =	vadd.s32 v12, v14  }
0x43e: {  	v42 =	vadd.s32 v10, v18;
	v14 =	vmov v18;
	v43 =	vld.idx.msk [tilespmem:v36+s16+$0x0], $0xffff;
	[tilespmem:v37+s30+$0x0] =	vst.idx.msk $0xffff, v24  }
0x43f: {  	v44 =	vadd.s32 s10, v61;
	v17 =	vmul.u32 $0x28, v35;
	v26 =	vor.u32 v32, v19;
	[tilespmem:v31+s30+$0x0] =	vst.idx.msk $0xffff, v29;
	v25 =	vld.idx.msk [tilespmem:v34+s16+$0x0], $0xffff  }
.Ltmp6:
0x440: {  	v34 =	vadd.s32 v9, v20;
	[tilespmem:v22+s30+$0x0] =	vst.idx.msk $0xffff, v23;
	v24 =	vld.idx.msk [tilespmem:v27+s16+$0x0], $0xffff;
	(pc) =	sbr.rel @p1 .LBB2_14-.Ltmp6, $4  }
0x441: {  	v31 =	vadd.s32 s18, v61;
	v6 =	vor.u32 v32, v17;
	v27 =	vadd.s32 s14, v63;
	s14 =	smov.u32 s18;
	v23 =	vld.idx.msk [tilespmem:v30+s16+$0x0], $0xffff;
	[tilespmem:v38+s30+$0x0] =	vst.idx.msk $0xffff, v28  }
0x442: {  	v20 =	vor.u32 s19, v1;
	v38 =	vadd.s32 v11, v13;
	v18 =	vmul.u32 $0x28, v40;
	v28 =	vld.idx.msk [tilespmem:v41+s16+$0x0], $0xffff  }
0x443: {  	s6 =	sadd.s32 $0x6, s15;
	v36 =	vadd.s32 v11, v15;
	s18 =	sadd.s32 $0xFFFFFFFF, s15;
	v37 =	vadd.s32 v7, v20;
	v30 =	vld.idx.msk [tilespmem:v33+s16+$0x0], $0xffff;
	v33 =	vadd.s32 s8, v63;
	s8 =	smov.u32 s28  }
0x444: {  	s22 =	sand.u32 $0x70, s25;
	s6 =	sand.u32 $0x6, s6;
	v22 =	vmul.u32 $0x28, v39;
	s18 =	sand.u32 $0x7, s18;
	v29 =	vor.u32 v32, v18;
	v35 =	vld.idx.msk [tilespmem:v42+s16+$0x0], $0xffff;
	[tilespmem:v44+s30+$0x0] =	vst.idx.msk $0xffff, v43  }
0x445: {  	_ =	sdelay $0x3  }
0x446: {  	s0 =	sor.u32 s18, s22;
	[tilespmem:v34+s30+$0x0] =	vst.idx.msk $0xffff, v25;
	v39 =	vor.u32 v32, v22  }
0x447: {  	v25 =	vld.idx.msk [tilespmem:v26+s16+$0x0], $0xffff;
	[tilespmem:v31+s30+$0x0] =	vst.idx.msk $0xffff, v24;
	s7 =	sadd.s32 $0x5, s15;
	v26 =	vadd.s32 s0, v60  }
0x448: {  	v31 =	vld.idx.msk [tilespmem:v38+s16+$0x0], $0xffff;
	[tilespmem:v27+s30+$0x0] =	vst.idx.msk $0xffff, v23;
	v23 =	vadd.s32 s14, v62;
	s7 =	sand.u32 $0x5, s7  }
0x449: {  	v24 =	vadd.s32 v11, v14;
	s26 =	sand.u32 $0x4, s26;
	v50 =	vadd.s32 s10, v62;
	[tilespmem:v37+s30+$0x0] =	vst.idx.msk $0xffff, v28;
	v28 =	vld.idx.msk [tilespmem:v36+s16+$0x0], $0xffff;
	s7 =	sor.u32 s7, s22  }
0x44a: {  	v6 =	vld.idx.msk [tilespmem:v6+s16+$0x0], $0xffff;
	v27 =	vadd.s32 v11, v16;
	s28 =	sor.u32 s26, s22;
	[tilespmem:v21+s30+$0x0] =	vst.idx.msk $0xffff, v35;
	v21 =	vadd.s32 s7, v60  }
0x44b: {  	s6 =	sor.u32 s6, s22;
	v52 =	vadd.s32 s28, v60;
	[tilespmem:v33+s30+$0x0] =	vst.idx.msk $0xffff, v30;
	v30 =	vadd.s32 v10, v19;
	v51 =	vld.idx.msk [tilespmem:v39+s16+$0x0], $0xffff  }
0x44c: {  	v29 =	vld.idx.msk [tilespmem:v29+s16+$0x0], $0xffff;
	[tilespmem:v26+s30+$0x0] =	vst.idx.msk $0xffff, v25;
	v25 =	vadd.s32 s6, v60;
	v26 =	vadd.s32 v10, v17  }
0x44d: {  	v53 =	vadd.s32 v10, v22;
	[tilespmem:v23+s30+$0x0] =	vst.idx.msk $0xffff, v31  }
0x44e: {  	v40 =	vadd.s32 s8, v62;
	v24 =	vld.idx.msk [tilespmem:v24+s16+$0x0], $0xffff;
	[tilespmem:v50+s30+$0x0] =	vst.idx.msk $0xffff, v28  }
0x44f: {  	v23 =	vadd.s32 v10, v18;
	v27 =	vld.idx.msk [tilespmem:v27+s16+$0x0], $0xffff;
	v31 =	vadd.s32 v8, v20;
	[tilespmem:v21+s30+$0x0] =	vst.idx.msk $0xffff, v6  }
0x450: {  	v15 =	vadd.s32 v12, v15;
	v28 =	vld.idx.msk [tilespmem:v30+s16+$0x0], $0xffff;
	v30 =	vadd.s32 s0, v61;
	[tilespmem:v52+s30+$0x0] =	vst.idx.msk $0xffff, v51  }
0x451: {  	v16 =	vadd.s32 v12, v16;
	v41 =	vor.u32 s28, v1;
	[tilespmem:v25+s30+$0x0] =	vst.idx.msk $0xffff, v29;
	v25 =	vld.idx.msk [tilespmem:v26+s16+$0x0], $0xffff;
	v26 =	vadd.s32 s7, v61  }
0x452: {  	v42 =	vadd.s32 v11, v19;
	v21 =	vadd.s32 v7, v41;
	v6 =	vld.idx.msk [tilespmem:v53+s16+$0x0], $0xffff  }
0x453: {  	[tilespmem:v40+s30+$0x0] =	vst.idx.msk $0xffff, v24;
	v24 =	vadd.s32 v11, v17  }
0x454: {  	v43 =	vadd.s32 s6, v61;
	v29 =	vadd.s32 v11, v22;
	[tilespmem:v31+s30+$0x0] =	vst.idx.msk $0xffff, v27;
	v23 =	vld.idx.msk [tilespmem:v23+s16+$0x0], $0xffff  }
0x455: {  	v44 =	vadd.s32 s10, v63;
	v15 =	vld.idx.msk [tilespmem:v15+s16+$0x0], $0xffff;
	v27 =	vadd.s32 v11, v18;
	[tilespmem:v30+s30+$0x0] =	vst.idx.msk $0xffff, v28  }
0x456: {  	v20 =	vadd.s32 v9, v20;
	v16 =	vld.idx.msk [tilespmem:v16+s16+$0x0], $0xffff;
	[tilespmem:v26+s30+$0x0] =	vst.idx.msk $0xffff, v25  }
0x457: {  	v13 =	vadd.s32 v12, v13;
	[tilespmem:v21+s30+$0x0] =	vst.idx.msk $0xffff, v6;
	v6 =	vld.idx.msk [tilespmem:v42+s16+$0x0], $0xffff;
	v21 =	vadd.s32 s0, v62  }
0x458: {  	v14 =	vadd.s32 v12, v14;
	v28 =	vadd.s32 s7, v62;
	v24 =	vld.idx.msk [tilespmem:v24+s16+$0x0], $0xffff  }
0x459: {  	v19 =	vadd.s32 v12, v19;
	v26 =	vadd.s32 v8, v41;
	[tilespmem:v43+s30+$0x0] =	vst.idx.msk $0xffff, v23;
	v25 =	vld.idx.msk [tilespmem:v29+s16+$0x0], $0xffff  }
0x45a: {  	v17 =	vadd.s32 v12, v17;
	[tilespmem:v44+s30+$0x0] =	vst.idx.msk $0xffff, v15;
	v23 =	vadd.s32 s6, v62;
	v15 =	vld.idx.msk [tilespmem:v27+s16+$0x0], $0xffff  }
0x45b: {  	v22 =	vadd.s32 v12, v22;
	[tilespmem:v20+s30+$0x0] =	vst.idx.msk $0xffff, v16  }
0x45c: {  	v13 =	vld.idx.msk [tilespmem:v13+s16+$0x0], $0xffff;
	v16 =	vadd.s32 v12, v18;
	v27 =	vadd.s32 s14, v63;
	[tilespmem:v21+s30+$0x0] =	vst.idx.msk $0xffff, v6  }
0x45d: {  	v14 =	vld.idx.msk [tilespmem:v14+s16+$0x0], $0xffff;
	v18 =	vadd.s32 s8, v63;
	[tilespmem:v28+s30+$0x0] =	vst.idx.msk $0xffff, v24  }
0x45e: {  	v6 =	vld.idx.msk [tilespmem:v19+s16+$0x0], $0xffff;
	v19 =	vadd.s32 s0, v63;
	[tilespmem:v26+s30+$0x0] =	vst.idx.msk $0xffff, v25  }
0x45f: {  	[tilespmem:v23+s30+$0x0] =	vst.idx.msk $0xffff, v15;
	v15 =	vld.idx.msk [tilespmem:v17+s16+$0x0], $0xffff;
	v17 =	vadd.s32 s7, v63  }
0x460: {  	v21 =	vadd.s32 v9, v41;
	v20 =	vld.idx.msk [tilespmem:v22+s16+$0x0], $0xffff  }
0x461: {  	[tilespmem:v27+s30+$0x0] =	vst.idx.msk $0xffff, v13;
	v13 =	vld.idx.msk [tilespmem:v16+s16+$0x0], $0xffff;
	v16 =	vadd.s32 s6, v63  }
0x462: {  	s8 =	smul.u32 $0x3E8000, s31;
	[tilespmem:v18+s30+$0x0] =	vst.idx.msk $0xffff, v14  }
0x463: {  	[tilespmem:v19+s30+$0x0] =	vst.idx.msk $0xffff, v6  }
0x464: {  	s0 =	sadd.s32 s21, s8;
	[tilespmem:v17+s30+$0x0] =	vst.idx.msk $0xffff, v15  }
0x465: {  	s0 =	sshrl.u32 s0, $0x3;
	[tilespmem:v21+s30+$0x0] =	vst.idx.msk $0xffff, v20  }
0x466: {  	s0 =	sadd.s32 s2, s0;
	[tilespmem:v16+s30+$0x0] =	vst.idx.msk $0xffff, v13  }
0x467: {  	[hbm4b:s0+s3] =	stream.linear.scatter [tilespmem:s30], [sflag:$0x5], $0x80, $0x38;
	[tilespmem:$0x1D680] =	vst v63  }
0x468: {  	s14 =	simm.s32 $0x1B508;
	s10 =	sadd.s32 $0x10, s0  }
0x469: {  	[hbm4b:s10+s3] =	stream.linear.scatter [tilespmem:s14], [sflag:$0x5], $0x80, $0x38;
	[tilespmem:$0x1D680] =	vst v63  }
0x46a: {  	s18 =	simm.s32 $0x1B590;
	s15 =	sadd.s32 $0x20, s0  }
0x46b: {  	[hbm4b:s15+s3] =	stream.linear.scatter [tilespmem:s18], [sflag:$0x5], $0x80, $0x38;
	[tilespmem:$0x1D680] =	vst v63  }
0x46c: {  	s22 =	simm.s32 $0x1B618;
	s19 =	sadd.s32 $0x30, s0  }
0x46d: {  	[hbm4b:s19+s3] =	stream.linear.scatter [tilespmem:s22], [sflag:$0x5], $0x80, $0x38;
	[tilespmem:$0x1D680] =	vst v63  }
0x46e: {  	s26 =	simm.s32 $0x1B6A0;
	s25 =	sadd.s32 $0x40, s0  }
0x46f: {  	[hbm4b:s25+s3] =	stream.linear.scatter [tilespmem:s26], [sflag:$0x5], $0x80, $0x38;
	[tilespmem:$0x1D680] =	vst v63  }
0x470: {  	s31 =	simm.s32 $0x1B728;
	s28 =	sadd.s32 $0x50, s0  }
0x471: {  	[hbm4b:s28+s3] =	stream.linear.scatter [tilespmem:s31], [sflag:$0x5], $0x80, $0x38;
	[tilespmem:$0x1D680] =	vst v63  }
0x472: {  	s8 =	simm.s32 $0x1B7B0;
	s7 =	sadd.s32 $0x60, s0  }
0x473: {  	[hbm4b:s7+s3] =	stream.linear.scatter [tilespmem:s8], [sflag:$0x5], $0x80, $0x38;
	[tilespmem:$0x1D680] =	vst v63  }
0x474: {  	s10 =	sadd.s32 $0x70, s0;
	s14 =	simm.s32 $0x1B838  }
0x475: {  	[hbm4b:s10+s3] =	stream.linear.scatter [tilespmem:s14], [sflag:$0x5], $0x80, $0x38;
	[tilespmem:$0x1D680] =	vst v63  }
0x476: {  	s15 =	sadd.s32 $0x1000, s0;
	s18 =	simm.s32 $0x1B8C0  }
0x477: {  	[hbm4b:s15+s3] =	stream.linear.scatter [tilespmem:s18], [sflag:$0x5], $0x80, $0x38;
	[tilespmem:$0x1D680] =	vst v63  }
0x478: {  	s19 =	sadd.s32 $0x1010, s0;
	s22 =	simm.s32 $0x1B948  }
0x479: {  	[hbm4b:s19+s3] =	stream.linear.scatter [tilespmem:s22], [sflag:$0x5], $0x80, $0x38;
	[tilespmem:$0x1D680] =	vst v63  }
0x47a: {  	s25 =	sadd.s32 $0x1020, s0;
	s26 =	simm.s32 $0x1B9D0  }
0x47b: {  	[hbm4b:s25+s3] =	stream.linear.scatter [tilespmem:s26], [sflag:$0x5], $0x80, $0x38;
	[tilespmem:$0x1D680] =	vst v63  }
0x47c: {  	s28 =	sadd.s32 $0x1030, s0;
	s31 =	simm.s32 $0x1BA58  }
0x47d: {  	[hbm4b:s28+s3] =	stream.linear.scatter [tilespmem:s31], [sflag:$0x5], $0x80, $0x38;
	[tilespmem:$0x1D680] =	vst v63  }
0x47e: {  	s7 =	sadd.s32 $0x1040, s0;
	s8 =	simm.s32 $0x1BAE0  }
0x47f: {  	[hbm4b:s7+s3] =	stream.linear.scatter [tilespmem:s8], [sflag:$0x5], $0x80, $0x38;
	[tilespmem:$0x1D680] =	vst v63  }
0x480: {  	s10 =	sadd.s32 $0x1050, s0;
	s14 =	simm.s32 $0x1BB68  }
0x481: {  	[hbm4b:s10+s3] =	stream.linear.scatter [tilespmem:s14], [sflag:$0x5], $0x80, $0x38;
	[tilespmem:$0x1D680] =	vst v63  }
0x482: {  	s15 =	sadd.s32 $0x1060, s0;
	s18 =	simm.s32 $0x1BBF0  }
0x483: {  	[hbm4b:s15+s3] =	stream.linear.scatter [tilespmem:s18], [sflag:$0x5], $0x80, $0x38;
	[tilespmem:$0x1D680] =	vst v63  }
0x484: {  	s19 =	sadd.s32 $0x1070, s0;
	s22 =	simm.s32 $0x1BC78  }
0x485: {  	[hbm4b:s19+s3] =	stream.linear.scatter [tilespmem:s22], [sflag:$0x5], $0x80, $0x38;
	[tilespmem:$0x1D680] =	vst v63  }
0x486: {  	s25 =	sadd.s32 $0x2000, s0;
	s26 =	simm.s32 $0x1BD00  }
0x487: {  	[hbm4b:s25+s3] =	stream.linear.scatter [tilespmem:s26], [sflag:$0x5], $0x80, $0x38;
	[tilespmem:$0x1D680] =	vst v63  }
0x488: {  	s28 =	sadd.s32 $0x2010, s0;
	s31 =	simm.s32 $0x1BD88  }
0x489: {  	[hbm4b:s28+s3] =	stream.linear.scatter [tilespmem:s31], [sflag:$0x5], $0x80, $0x38;
	[tilespmem:$0x1D680] =	vst v63  }
0x48a: {  	s7 =	sadd.s32 $0x2020, s0;
	s8 =	simm.s32 $0x1BE10  }
0x48b: {  	[hbm4b:s7+s3] =	stream.linear.scatter [tilespmem:s8], [sflag:$0x5], $0x80, $0x38;
	[tilespmem:$0x1D680] =	vst v63  }
0x48c: {  	s10 =	sadd.s32 $0x2030, s0;
	s14 =	simm.s32 $0x1BE98  }
0x48d: {  	[hbm4b:s10+s3] =	stream.linear.scatter [tilespmem:s14], [sflag:$0x5], $0x80, $0x38;
	[tilespmem:$0x1D680] =	vst v63  }
0x48e: {  	s15 =	sadd.s32 $0x2040, s0;
	s18 =	simm.s32 $0x1BF20  }
0x48f: {  	[hbm4b:s15+s3] =	stream.linear.scatter [tilespmem:s18], [sflag:$0x5], $0x80, $0x38;
	[tilespmem:$0x1D680] =	vst v63  }
0x490: {  	s19 =	sadd.s32 $0x2050, s0;
	s22 =	simm.s32 $0x1BFA8  }
0x491: {  	[hbm4b:s19+s3] =	stream.linear.scatter [tilespmem:s22], [sflag:$0x5], $0x80, $0x38;
	[tilespmem:$0x1D680] =	vst v63  }
0x492: {  	s25 =	sadd.s32 $0x2060, s0;
	s26 =	simm.s32 $0x1C030  }
0x493: {  	[hbm4b:s25+s3] =	stream.linear.scatter [tilespmem:s26], [sflag:$0x5], $0x80, $0x38;
	[tilespmem:$0x1D680] =	vst v63  }
0x494: {  	s28 =	sadd.s32 $0x2070, s0;
	s31 =	simm.s32 $0x1C0B8  }
0x495: {  	[hbm4b:s28+s3] =	stream.linear.scatter [tilespmem:s31], [sflag:$0x5], $0x80, $0x38;
	[tilespmem:$0x1D680] =	vst v63  }
0x496: {  	s7 =	sadd.s32 $0x3000, s0;
	s8 =	simm.s32 $0x1C140  }
0x497: {  	[hbm4b:s7+s3] =	stream.linear.scatter [tilespmem:s8], [sflag:$0x5], $0x80, $0x38;
	[tilespmem:$0x1D680] =	vst v63  }
0x498: {  	s10 =	sadd.s32 $0x3010, s0;
	s14 =	simm.s32 $0x1C1C8  }
0x499: {  	[hbm4b:s10+s3] =	stream.linear.scatter [tilespmem:s14], [sflag:$0x5], $0x80, $0x38;
	[tilespmem:$0x1D680] =	vst v63  }
0x49a: {  	s15 =	sadd.s32 $0x3020, s0;
	s18 =	simm.s32 $0x1C250  }
0x49b: {  	[hbm4b:s15+s3] =	stream.linear.scatter [tilespmem:s18], [sflag:$0x5], $0x80, $0x38;
	[tilespmem:$0x1D680] =	vst v63  }
0x49c: {  	s19 =	sadd.s32 $0x3030, s0;
	s22 =	simm.s32 $0x1C2D8  }
0x49d: {  	[hbm4b:s19+s3] =	stream.linear.scatter [tilespmem:s22], [sflag:$0x5], $0x80, $0x38;
	[tilespmem:$0x1D680] =	vst v63  }
0x49e: {  	s25 =	sadd.s32 $0x3040, s0;
	s26 =	simm.s32 $0x1C360  }
0x49f: {  	[hbm4b:s25+s3] =	stream.linear.scatter [tilespmem:s26], [sflag:$0x5], $0x80, $0x38;
	[tilespmem:$0x1D680] =	vst v63  }
0x4a0: {  	s28 =	sadd.s32 $0x3050, s0;
	s31 =	simm.s32 $0x1C3E8  }
0x4a1: {  	[hbm4b:s28+s3] =	stream.linear.scatter [tilespmem:s31], [sflag:$0x5], $0x80, $0x38;
	[tilespmem:$0x1D680] =	vst v63  }
0x4a2: {  	s8 =	sadd.s32 $0x3060, s0;
	s10 =	simm.s32 $0x1C470  }
0x4a3: {  	[hbm4b:s8+s3] =	stream.linear.scatter [tilespmem:s10], [sflag:$0x5], $0x80, $0x38;
	[tilespmem:$0x1D680] =	vst v63  }
0x4a4: {  	s0 =	sadd.s32 $0x3070, s0;
	s14 =	simm.s32 $0x1C4F8  }
0x4a5: {  	[hbm4b:s0+s3] =	stream.linear.scatter [tilespmem:s14], [sflag:$0x5], $0x80, $0x38;
	[tilespmem:$0x1D680] =	vst v63  }
0x4a6: {  	s0 =	simm.s32 @!p0 $0x6  }
0x4a7: {  	_ =	swait.ge @!p0 [sflag:s0], $0x1000  }
0x4a8: {  	[sflag:s0] =	ssyncset.done @!p0 $0x0  }
0x4a9: {  	[sflag:s0] =	ssyncadd.s32 @!p0 $0xFFFFF000  }
0x4aa: {  	v6 =	vld [tilespmem:s13+$0x0]  }
0x4ab: {  	v13 =	vld [tilespmem:s13+$0xFFFFFFE0]  }
0x4ac: {  	v14 =	vld [tilespmem:s13+$0xFFFFFFF0]  }
0x4ad: {  	v15 =	vld [tilespmem:s13+$0xFFFFFFD0];
	_ =	sdelay $0x2  }
0x4ae: {  	v17 =	vmul.u32 $0x28, v13  }
0x4af: {  	v6 =	vmul.u32 $0x28, v6  }
0x4b0: {  	v18 =	vmul.u32 $0x28, v14;
	v19 =	vmul.u32 $0x28, v15;
	v14 =	vor.u32 v32, v17  }
0x4b1: {  	v13 =	vor.u32 v32, v6  }
0x4b2: {  	s6 =	sadd.s32 $0x40, s13;
	s15 =	simm.s32 $0x0;
	s18 =	simm.s32 $0x1;
	v16 =	vor.u32 v32, v19  }
0x4b3: {  	s7 =	sand.u32 $0x5, s18;
	s19 =	simm.s32 $0xFFFFFFFB;
	s0 =	sand.u32 $0x70, s15;
	v20 =	vld [tilespmem:s6+$0x0];
	v15 =	vor.u32 v32, v18  }
0x4b4: {  	s22 =	simm.s32 $0x0;
	s8 =	sand.u32 $0x7, s19;
	s28 =	sor.u32 s7, s0;
	v24 =	vld [tilespmem:s6+$0xFFFFFFE0]  }
0x4b5: {  	s25 =	simm.s32 $0x2;
	s26 =	sand.u32 $0x4, s22;
	s7 =	sor.u32 s8, s0;
	v22 =	vadd.s32 s28, v60;
	v14 =	vld.idx.msk [tilespmem:v14+s16+$0x0], $0xffff  }
0x4b6: {  	s31 =	sand.u32 $0x6, s25;
	s8 =	sor.u32 s26, s0;
	v23 =	vadd.s32 s7, v60;
	v25 =	vadd.s32 v10, v17;
	v13 =	vld.idx.msk [tilespmem:v13+s16+$0x0], $0xffff  }
0x4b7: {  	s26 =	sor.u32 s31, s0;
	v27 =	vadd.s32 s8, v60;
	v26 =	vadd.s32 v10, v6;
	v16 =	vld.idx.msk [tilespmem:v16+s16+$0x0], $0xffff  }
0x4b8: {  	v28 =	vadd.s32 s26, v60;
	v21 =	vld.idx.msk [tilespmem:v15+s16+$0x0], $0xffff  }
0x4b9: {  	v29 =	vld [tilespmem:s6+$0xFFFFFFF0];
	v15 =	vmul.u32 $0x28, v20;
	v20 =	vadd.s32 v10, v19  }
0x4ba: {  	v31 =	vld [tilespmem:s6+$0xFFFFFFD0];
	v30 =	vadd.s32 v10, v18;
	[tilespmem:v22+s29+$0x0] =	vst.idx.msk $0xffff, v14  }
0x4bb: {  	v22 =	vor.u32 v32, v15;
	[tilespmem:v23+s29+$0x0] =	vst.idx.msk $0xffff, v13;
	v23 =	vld.idx.msk [tilespmem:v25+s16+$0x0], $0xffff;
	v25 =	vadd.s32 s28, v61  }
0x4bc: {  	s0 =	sadd.s32 $0x40, s6;
	v13 =	vmul.u32 $0x28, v24;
	v24 =	vadd.s32 s7, v61;
	[tilespmem:v27+s29+$0x0] =	vst.idx.msk $0xffff, v16;
	v27 =	vadd.s32 v11, v17;
	v26 =	vld.idx.msk [tilespmem:v26+s16+$0x0], $0xffff  }
0x4bd: {  	v48 =	vld [tilespmem:s0+$0x0];
	[tilespmem:v28+s29+$0x0] =	vst.idx.msk $0xffff, v21;
	v21 =	vadd.s32 v11, v6  }
0x4be: {  	v14 =	vmul.u32 $0x28, v29;
	v20 =	vld.idx.msk [tilespmem:v20+s16+$0x0], $0xffff;
	v28 =	vor.u32 v32, v13  }
0x4bf: {  	s14 =	simm.s32 $0x8;
	s15 =	simm.s32 $0xFFFFFFFF;
	v33 =	vor.u32 s8, v1;
	v29 =	vld.idx.msk [tilespmem:v30+s16+$0x0], $0xffff;
	v30 =	vadd.s32 s26, v61  }
0x4c0: {  	s18 =	sand.u32 $0x70, s14;
	s8 =	sand.u32 $0x7, s15;
	v46 =	vadd.s32 v7, v33;
	v45 =	vor.u32 v32, v14;
	v22 =	vld.idx.msk [tilespmem:v22+s16+$0x0], $0xffff;
	[tilespmem:v25+s29+$0x0] =	vst.idx.msk $0xffff, v23  }
0x4c1: {  	s10 =	sor.u32 s8, s18;
	v47 =	vadd.s32 v11, v18;
	v16 =	vmul.u32 $0x28, v31;
	[tilespmem:v24+s29+$0x0] =	vst.idx.msk $0xffff, v26;
	v24 =	vld.idx.msk [tilespmem:v27+s16+$0x0], $0xffff  }
0x4c2: {  	s19 =	simm.s32 $0x5;
	v23 =	vadd.s32 v11, v19;
	v25 =	vadd.s32 s10, v60;
	v21 =	vld.idx.msk [tilespmem:v21+s16+$0x0], $0xffff  }
0x4c3: {  	s8 =	sand.u32 $0x5, s19;
	v26 =	vor.u32 v32, v16;
	v27 =	vld.idx.msk [tilespmem:v28+s16+$0x0], $0xffff;
	v28 =	vadd.s32 s7, v62  }
0x4c4: {  	v40 =	vld [tilespmem:s0+$0xFFFFFFD0];
	s14 =	sor.u32 s8, s18;
	v31 =	vadd.s32 s28, v62;
	[tilespmem:v30+s29+$0x0] =	vst.idx.msk $0xffff, v29  }
0x4c5: {  	s22 =	simm.s32 $0x6;
	[tilespmem:v46+s29+$0x0] =	vst.idx.msk $0xffff, v20;
	v20 =	vadd.s32 s14, v60;
	v34 =	vld.idx.msk [tilespmem:v45+s16+$0x0], $0xffff  }
0x4c6: {  	s15 =	simm.s32 $0x4;
	s8 =	sand.u32 $0x6, s22;
	v6 =	vadd.s32 v12, v6;
	v30 =	vadd.s32 s26, v62;
	v29 =	vld.idx.msk [tilespmem:v47+s16+$0x0], $0xffff  }
0x4c7: {  	s25 =	sand.u32 $0x4, s15;
	v49 =	vadd.s32 v8, v33;
	s8 =	sor.u32 s8, s18;
	v23 =	vld.idx.msk [tilespmem:v23+s16+$0x0], $0xffff;
	[tilespmem:v25+s29+$0x0] =	vst.idx.msk $0xffff, v22;
	v25 =	vadd.s32 v10, v15  }
0x4c8: {  	s6 =	sor.u32 s25, s18;
	v51 =	vadd.s32 v12, v19;
	v50 =	vld.idx.msk [tilespmem:v26+s16+$0x0], $0xffff;
	v26 =	vadd.s32 s8, v60;
	[tilespmem:v28+s29+$0x0] =	vst.idx.msk $0xffff, v21  }
0x4c9: {  	v42 =	vld [tilespmem:s0+$0xFFFFFFF0];
	[tilespmem:v31+s29+$0x0] =	vst.idx.msk $0xffff, v24;
	v24 =	vadd.s32 s6, v60;
	v28 =	vadd.s32 v10, v13  }
0x4ca: {  	v36 =	vadd.s32 v11, v15;
	v22 =	vld [tilespmem:s0+$0xFFFFFFE0];
	[tilespmem:v20+s29+$0x0] =	vst.idx.msk $0xffff, v27;
	v20 =	vadd.s32 v12, v17  }
0x4cb: {  	v43 =	vadd.s32 v10, v16;
	[tilespmem:v30+s29+$0x0] =	vst.idx.msk $0xffff, v29;
	v29 =	vadd.s32 v12, v18;
	v52 =	vld.idx.msk [tilespmem:v6+s16+$0x0], $0xffff  }
0x4cc: {  	v41 =	vadd.s32 s7, v63;
	v53 =	vadd.s32 v10, v14;
	v19 =	vmul.u32 $0x28, v48;
	v44 =	vld.idx.msk [tilespmem:v25+s16+$0x0], $0xffff;
	[tilespmem:v49+s29+$0x0] =	vst.idx.msk $0xffff, v23  }
0x4cd: {  	v38 =	vadd.s32 v11, v13;
	v45 =	vadd.s32 s10, v61;
	[tilespmem:v26+s29+$0x0] =	vst.idx.msk $0xffff, v34;
	v25 =	vld.idx.msk [tilespmem:v51+s16+$0x0], $0xffff  }
0x4ce: {  	v26 =	vor.u32 v32, v19;
	v34 =	vadd.s32 v9, v33;
	[tilespmem:v24+s29+$0x0] =	vst.idx.msk $0xffff, v50;
	v24 =	vld.idx.msk [tilespmem:v28+s16+$0x0], $0xffff  }
0x4cf: {  	v21 =	vadd.s32 s8, v61;
	v31 =	vadd.s32 s14, v61;
	v27 =	vadd.s32 s28, v63;
	v23 =	vld.idx.msk [tilespmem:v20+s16+$0x0], $0xffff  }
0x4d0: {  	s11 =	sor.u32 $0x3, s11;
	s31 =	simm.s32 $0x3;
	s25 =	simm.s32 $0x10;
	v18 =	vmul.u32 $0x28, v42;
	v17 =	vmul.u32 $0x28, v22;
	v20 =	vor.u32 s6, v1;
	v30 =	vld.idx.msk [tilespmem:v29+s16+$0x0], $0xffff  }
0x4d1: {  	s22 =	sand.u32 $0x70, s25;
	s18 =	sand.u32 $0x7, s31;
	s28 =	simm.s32 $0xA;
	v33 =	vadd.s32 s26, v63;
	v22 =	vmul.u32 $0x28, v40;
	[tilespmem:v41+s29+$0x0] =	vst.idx.msk $0xffff, v52;
	v28 =	vld.idx.msk [tilespmem:v43+s16+$0x0], $0xffff;
	v37 =	vadd.s32 v7, v20  }
0x4d2: {  	s7 =	simm.s32 $0x8;
	s26 =	simm.s32 $0x8;
	s6 =	sand.u32 $0x6, s28;
	v29 =	vor.u32 v32, v18;
	v35 =	vld.idx.msk [tilespmem:v53+s16+$0x0], $0xffff;
	v6 =	vor.u32 v32, v17;
	[tilespmem:v45+s29+$0x0] =	vst.idx.msk $0xffff, v44  }
.LBB2_16:
0x4d3: {  	s28 =	sor.u32 s6, s22;
	s6 =	sor.u32 s18, s22;
	v26 =	vld.idx.msk [tilespmem:v26+s16+$0x0], $0xffff;
	s0 =	sadd.s32 $0x40, s0;
	v39 =	vadd.s32 v11, v14;
	[tilespmem:v34+s29+$0x0] =	vst.idx.msk $0xffff, v25  }
0x4d4: {  	s18 =	smov.u32 s7;
	s7 =	sadd.s32 $0x4, s7;
	v25 =	vld [tilespmem:s0+$0x0];
	v34 =	vor.u32 v32, v22;
	v40 =	vadd.s32 s28, v61;
	v41 =	vadd.s32 s6, v60;
	[tilespmem:v31+s29+$0x0] =	vst.idx.msk $0xffff, v24  }
0x4d5: {  	p0 =	slt.u32 s7, $0x3C;
	v24 =	vadd.s32 v11, v16;
	v31 =	vld.idx.msk [tilespmem:v38+s16+$0x0], $0xffff;
	[tilespmem:v27+s29+$0x0] =	vst.idx.msk $0xffff, v23  }
0x4d6: {  	s19 =	sadd.s32 $0x5, s15;
	s15 =	smov.u32 s18;
	v23 =	vadd.s32 s14, v62;
	[tilespmem:v37+s29+$0x0] =	vst.idx.msk $0xffff, v28;
	v27 =	vld.idx.msk [tilespmem:v36+s16+$0x0], $0xffff  }
0x4d7: {  	s18 =	sand.u32 $0x5, s19;
	v28 =	vadd.s32 s10, v62;
	v6 =	vld.idx.msk [tilespmem:v6+s16+$0x0], $0xffff;
	[tilespmem:v33+s29+$0x0] =	vst.idx.msk $0xffff, v30  }
0x4d8: {  	s18 =	sor.u32 s18, s22;
	v30 =	vadd.s32 v12, v15;
	v15 =	vmov v19;
	v29 =	vld.idx.msk [tilespmem:v29+s16+$0x0], $0xffff;
	[tilespmem:v21+s29+$0x0] =	vst.idx.msk $0xffff, v35;
	v21 =	vmov v40  }
0x4d9: {  	v19 =	vadd.s32 s18, v60;
	[tilespmem:v41+s29+$0x0] =	vst.idx.msk $0xffff, v26;
	v26 =	vld.idx.msk [tilespmem:v39+s16+$0x0], $0xffff  }
0x4da: {  	v33 =	vadd.s32 s8, v62;
	v24 =	vld.idx.msk [tilespmem:v24+s16+$0x0], $0xffff  }
0x4db: {  	s19 =	sand.u32 $0x4, s26;
	s26 =	smov.u32 s7;
	v37 =	vadd.s32 v8, v20;
	v36 =	vadd.s32 v10, v15;
	v35 =	vld [tilespmem:s0+$0xFFFFFFE0];
	[tilespmem:v23+s29+$0x0] =	vst.idx.msk $0xffff, v31  }
0x4dc: {  	s19 =	sor.u32 s19, s22;
	v31 =	vadd.s32 s28, v60;
	v23 =	vld.idx.msk [tilespmem:v34+s16+$0x0], $0xffff;
	v34 =	vadd.s32 v12, v16;
	[tilespmem:v28+s29+$0x0] =	vst.idx.msk $0xffff, v27;
	v16 =	vmov v22  }
0x4dd: {  	s25 =	sadd.s32 $0x8, s25;
	v22 =	vadd.s32 s19, v60;
	v27 =	vadd.s32 v10, v17;
	v28 =	vld.idx.msk [tilespmem:v30+s16+$0x0], $0xffff  }
0x4de: {  	v38 =	vadd.s32 s10, v63;
	s10 =	smov.u32 s6;
	v30 =	vadd.s32 v12, v13;
	v13 =	vmov v17;
	v39 =	vld [tilespmem:s0+$0xFFFFFFD0];
	[tilespmem:v19+s29+$0x0] =	vst.idx.msk $0xffff, v6  }
0x4df: {  	v41 =	vadd.s32 v10, v16;
	v19 =	vmul.u32 $0x28, v25;
	v40 =	vld [tilespmem:s0+$0xFFFFFFF0];
	[tilespmem:v33+s29+$0x0] =	vst.idx.msk $0xffff, v26;
	v33 =	vadd.s32 v12, v14  }
0x4e0: {  	v42 =	vadd.s32 v10, v18;
	v14 =	vmov v18;
	v43 =	vld.idx.msk [tilespmem:v36+s16+$0x0], $0xffff;
	[tilespmem:v37+s29+$0x0] =	vst.idx.msk $0xffff, v24  }
0x4e1: {  	v44 =	vadd.s32 s10, v61;
	v17 =	vmul.u32 $0x28, v35;
	v26 =	vor.u32 v32, v19;
	[tilespmem:v31+s29+$0x0] =	vst.idx.msk $0xffff, v29;
	v25 =	vld.idx.msk [tilespmem:v34+s16+$0x0], $0xffff  }
.Ltmp7:
0x4e2: {  	v34 =	vadd.s32 v9, v20;
	[tilespmem:v22+s29+$0x0] =	vst.idx.msk $0xffff, v23;
	v24 =	vld.idx.msk [tilespmem:v27+s16+$0x0], $0xffff;
	(pc) =	sbr.rel @p0 .LBB2_16-.Ltmp7, $4  }
0x4e3: {  	v31 =	vadd.s32 s18, v61;
	v6 =	vor.u32 v32, v17;
	v27 =	vadd.s32 s14, v63;
	s14 =	smov.u32 s18;
	v23 =	vld.idx.msk [tilespmem:v30+s16+$0x0], $0xffff;
	[tilespmem:v38+s29+$0x0] =	vst.idx.msk $0xffff, v28  }
0x4e4: {  	v20 =	vor.u32 s19, v1;
	v38 =	vadd.s32 v11, v13;
	v18 =	vmul.u32 $0x28, v40;
	v28 =	vld.idx.msk [tilespmem:v41+s16+$0x0], $0xffff  }
0x4e5: {  	s6 =	sadd.s32 $0x6, s15;
	v36 =	vadd.s32 v11, v15;
	s18 =	sadd.s32 $0xFFFFFFFF, s15;
	v37 =	vadd.s32 v7, v20;
	v30 =	vld.idx.msk [tilespmem:v33+s16+$0x0], $0xffff;
	v33 =	vadd.s32 s8, v63;
	s8 =	smov.u32 s28  }
0x4e6: {  	s22 =	sand.u32 $0x70, s25;
	s6 =	sand.u32 $0x6, s6;
	v22 =	vmul.u32 $0x28, v39;
	s18 =	sand.u32 $0x7, s18;
	v29 =	vor.u32 v32, v18;
	v35 =	vld.idx.msk [tilespmem:v42+s16+$0x0], $0xffff;
	[tilespmem:v44+s29+$0x0] =	vst.idx.msk $0xffff, v43  }
0x4e7: {  	_ =	sdelay $0x3  }
0x4e8: {  	v41 =	vld.idx.msk [tilespmem:v26+s16+$0x0], $0xffff;
	v39 =	vor.u32 v32, v22  }
0x4e9: {  	s0 =	sor.u32 s18, s22;
	[tilespmem:v31+s29+$0x0] =	vst.idx.msk $0xffff, v24;
	v43 =	vadd.s32 v11, v14;
	s7 =	sadd.s32 $0x5, s15;
	v46 =	vld.idx.msk [tilespmem:v36+s16+$0x0], $0xffff;
	v47 =	vadd.s32 s10, v62  }
0x4ea: {  	v45 =	vadd.s32 v11, v16;
	v6 =	vld.idx.msk [tilespmem:v6+s16+$0x0], $0xffff;
	v42 =	vadd.s32 s0, v60;
	[tilespmem:v27+s29+$0x0] =	vst.idx.msk $0xffff, v23;
	s7 =	sand.u32 $0x5, s7  }
0x4eb: {  	v44 =	vadd.s32 s14, v62;
	s28 =	sand.u32 $0x4, s26;
	v31 =	vld.idx.msk [tilespmem:v38+s16+$0x0], $0xffff;
	[tilespmem:v37+s29+$0x0] =	vst.idx.msk $0xffff, v28;
	s19 =	sor.u32 s7, s22  }
0x4ec: {  	v48 =	vadd.s32 v10, v19;
	v29 =	vld.idx.msk [tilespmem:v29+s16+$0x0], $0xffff;
	s15 =	sor.u32 s28, s22;
	[tilespmem:v33+s29+$0x0] =	vst.idx.msk $0xffff, v30;
	v51 =	vadd.s32 s19, v60  }
0x4ed: {  	v40 =	vadd.s32 v10, v17;
	v50 =	vadd.s32 s15, v60;
	s22 =	sor.u32 s6, s22;
	[tilespmem:v21+s29+$0x0] =	vst.idx.msk $0xffff, v35;
	v49 =	vld.idx.msk [tilespmem:v39+s16+$0x0], $0xffff  }
0x4ee: {  	v52 =	vadd.s32 v10, v22;
	v53 =	vadd.s32 s22, v60;
	v24 =	vld.idx.msk [tilespmem:v43+s16+$0x0], $0xffff;
	[tilespmem:v47+s29+$0x0] =	vst.idx.msk $0xffff, v46  }
0x4ef: {  	v27 =	vld.idx.msk [tilespmem:v45+s16+$0x0], $0xffff;
	v43 =	vadd.s32 v8, v20;
	[tilespmem:v42+s29+$0x0] =	vst.idx.msk $0xffff, v41;
	v42 =	vadd.s32 v10, v18  }
0x4f0: {  	v15 =	vadd.s32 v12, v15;
	v41 =	vadd.s32 s8, v62;
	[tilespmem:v44+s29+$0x0] =	vst.idx.msk $0xffff, v31  }
0x4f1: {  	v45 =	vadd.s32 s0, v61;
	v30 =	vld.idx.msk [tilespmem:v48+s16+$0x0], $0xffff;
	[tilespmem:v51+s29+$0x0] =	vst.idx.msk $0xffff, v6  }
0x4f2: {  	v28 =	vor.u32 s15, v1;
	v48 =	vld.idx.msk [tilespmem:v40+s16+$0x0], $0xffff;
	[tilespmem:v50+s29+$0x0] =	vst.idx.msk $0xffff, v49;
	v49 =	vadd.s32 s19, v61  }
0x4f3: {  	v46 =	vadd.s32 v7, v28;
	v47 =	vadd.s32 v11, v19;
	[tilespmem:v53+s29+$0x0] =	vst.idx.msk $0xffff, v29;
	v6 =	vld.idx.msk [tilespmem:v52+s16+$0x0], $0xffff  }
0x4f4: {  	v51 =	vadd.s32 s22, v61;
	[tilespmem:v43+s29+$0x0] =	vst.idx.msk $0xffff, v27;
	v23 =	vld.idx.msk [tilespmem:v42+s16+$0x0], $0xffff;
	v52 =	vadd.s32 v11, v17  }
0x4f5: {  	v37 =	vadd.s32 v11, v18;
	v15 =	vld.idx.msk [tilespmem:v15+s16+$0x0], $0xffff;
	v53 =	vadd.s32 s10, v63;
	[tilespmem:v41+s29+$0x0] =	vst.idx.msk $0xffff, v24  }
0x4f6: {  	v13 =	vadd.s32 v12, v13;
	[tilespmem:v45+s29+$0x0] =	vst.idx.msk $0xffff, v30  }
0x4f7: {  	v50 =	vadd.s32 v11, v22;
	[tilespmem:v49+s29+$0x0] =	vst.idx.msk $0xffff, v48  }
0x4f8: {  	v44 =	vadd.s32 v12, v16;
	v39 =	vadd.s32 s0, v62;
	[tilespmem:v46+s29+$0x0] =	vst.idx.msk $0xffff, v6;
	v6 =	vld.idx.msk [tilespmem:v47+s16+$0x0], $0xffff  }
0x4f9: {  	v14 =	vadd.s32 v12, v14;
	v43 =	vadd.s32 s19, v62;
	[tilespmem:v51+s29+$0x0] =	vst.idx.msk $0xffff, v23;
	v24 =	vld.idx.msk [tilespmem:v52+s16+$0x0], $0xffff  }
0x4fa: {  	v40 =	vadd.s32 v12, v19;
	v45 =	vadd.s32 s22, v62;
	[tilespmem:v53+s29+$0x0] =	vst.idx.msk $0xffff, v15;
	v15 =	vld.idx.msk [tilespmem:v37+s16+$0x0], $0xffff  }
0x4fb: {  	v13 =	vld.idx.msk [tilespmem:v13+s16+$0x0], $0xffff;
	v46 =	vadd.s32 v12, v17;
	v47 =	vadd.s32 s14, v63  }
0x4fc: {  	[tilespmem:v34+s29+$0x0] =	vst.idx.msk $0xffff, v25;
	v42 =	vadd.s32 v8, v28;
	v48 =	vadd.s32 v12, v18;
	v41 =	vld.idx.msk [tilespmem:v50+s16+$0x0], $0xffff  }
0x4fd: {  	v38 =	vadd.s32 v9, v20;
	v16 =	vld.idx.msk [tilespmem:v44+s16+$0x0], $0xffff;
	v44 =	vadd.s32 v12, v22;
	[tilespmem:v39+s29+$0x0] =	vst.idx.msk $0xffff, v6  }
0x4fe: {  	v14 =	vld.idx.msk [tilespmem:v14+s16+$0x0], $0xffff;
	v49 =	vadd.s32 s8, v63;
	[tilespmem:v43+s29+$0x0] =	vst.idx.msk $0xffff, v24  }
0x4ff: {  	v6 =	vadd.s32 s0, v63;
	[tilespmem:v45+s29+$0x0] =	vst.idx.msk $0xffff, v15;
	v19 =	vld.idx.msk [tilespmem:v40+s16+$0x0], $0xffff  }
0x500: {  	v52 =	vadd.s32 s19, v63;
	[tilespmem:v47+s29+$0x0] =	vst.idx.msk $0xffff, v13;
	v15 =	vld.idx.msk [tilespmem:v46+s16+$0x0], $0xffff  }
0x501: {  	v53 =	vadd.s32 s22, v63;
	[tilespmem:v42+s29+$0x0] =	vst.idx.msk $0xffff, v41;
	v13 =	vld.idx.msk [tilespmem:v48+s16+$0x0], $0xffff  }
0x502: {  	[tilespmem:v38+s29+$0x0] =	vst.idx.msk $0xffff, v16;
	v51 =	vadd.s32 v9, v28;
	v50 =	vld.idx.msk [tilespmem:v44+s16+$0x0], $0xffff  }
0x503: {  	s25 =	smul.u32 $0x3E8000, s11;
	[tilespmem:v49+s29+$0x0] =	vst.idx.msk $0xffff, v14  }
0x504: {  	[tilespmem:v6+s29+$0x0] =	vst.idx.msk $0xffff, v19  }
0x505: {  	s0 =	sadd.s32 s21, s25;
	[tilespmem:v52+s29+$0x0] =	vst.idx.msk $0xffff, v15  }
0x506: {  	s0 =	sshrl.u32 s0, $0x3;
	[tilespmem:v53+s29+$0x0] =	vst.idx.msk $0xffff, v13  }
0x507: {  	s0 =	sadd.s32 s2, s0;
	[tilespmem:v51+s29+$0x0] =	vst.idx.msk $0xffff, v50  }
0x508: {  	[hbm4b:s0+s3] =	stream.linear.scatter [tilespmem:s29], [sflag:$0x6], $0x80, $0x38;
	[tilespmem:$0x1D680] =	vst v63  }
0x509: {  	s28 =	simm.s32 $0x1C608;
	s26 =	sadd.s32 $0x10, s0  }
0x50a: {  	[hbm4b:s26+s3] =	stream.linear.scatter [tilespmem:s28], [sflag:$0x6], $0x80, $0x38;
	[tilespmem:$0x1D680] =	vst v63  }
0x50b: {  	s8 =	simm.s32 $0x1C690;
	s7 =	sadd.s32 $0x20, s0  }
0x50c: {  	[hbm4b:s7+s3] =	stream.linear.scatter [tilespmem:s8], [sflag:$0x6], $0x80, $0x38;
	[tilespmem:$0x1D680] =	vst v63  }
0x50d: {  	s11 =	simm.s32 $0x1C718;
	s10 =	sadd.s32 $0x30, s0  }
0x50e: {  	[hbm4b:s10+s3] =	stream.linear.scatter [tilespmem:s11], [sflag:$0x6], $0x80, $0x38;
	[tilespmem:$0x1D680] =	vst v63  }
0x50f: {  	s15 =	simm.s32 $0x1C7A0;
	s14 =	sadd.s32 $0x40, s0  }
0x510: {  	[hbm4b:s14+s3] =	stream.linear.scatter [tilespmem:s15], [sflag:$0x6], $0x80, $0x38;
	[tilespmem:$0x1D680] =	vst v63  }
0x511: {  	s19 =	simm.s32 $0x1C828;
	s18 =	sadd.s32 $0x50, s0  }
0x512: {  	[hbm4b:s18+s3] =	stream.linear.scatter [tilespmem:s19], [sflag:$0x6], $0x80, $0x38;
	[tilespmem:$0x1D680] =	vst v63  }
0x513: {  	s25 =	simm.s32 $0x1C8B0;
	s22 =	sadd.s32 $0x60, s0  }
0x514: {  	[hbm4b:s22+s3] =	stream.linear.scatter [tilespmem:s25], [sflag:$0x6], $0x80, $0x38;
	[tilespmem:$0x1D680] =	vst v63  }
0x515: {  	s26 =	sadd.s32 $0x70, s0;
	s28 =	simm.s32 $0x1C938  }
0x516: {  	[hbm4b:s26+s3] =	stream.linear.scatter [tilespmem:s28], [sflag:$0x6], $0x80, $0x38;
	[tilespmem:$0x1D680] =	vst v63  }
0x517: {  	s7 =	sadd.s32 $0x1000, s0;
	s8 =	simm.s32 $0x1C9C0  }
0x518: {  	[hbm4b:s7+s3] =	stream.linear.scatter [tilespmem:s8], [sflag:$0x6], $0x80, $0x38;
	[tilespmem:$0x1D680] =	vst v63  }
0x519: {  	s10 =	sadd.s32 $0x1010, s0;
	s11 =	simm.s32 $0x1CA48  }
0x51a: {  	[hbm4b:s10+s3] =	stream.linear.scatter [tilespmem:s11], [sflag:$0x6], $0x80, $0x38;
	[tilespmem:$0x1D680] =	vst v63  }
0x51b: {  	s14 =	sadd.s32 $0x1020, s0;
	s15 =	simm.s32 $0x1CAD0  }
0x51c: {  	[hbm4b:s14+s3] =	stream.linear.scatter [tilespmem:s15], [sflag:$0x6], $0x80, $0x38;
	[tilespmem:$0x1D680] =	vst v63  }
0x51d: {  	s18 =	sadd.s32 $0x1030, s0;
	s19 =	simm.s32 $0x1CB58  }
0x51e: {  	[hbm4b:s18+s3] =	stream.linear.scatter [tilespmem:s19], [sflag:$0x6], $0x80, $0x38;
	[tilespmem:$0x1D680] =	vst v63  }
0x51f: {  	s22 =	sadd.s32 $0x1040, s0;
	s25 =	simm.s32 $0x1CBE0  }
0x520: {  	[hbm4b:s22+s3] =	stream.linear.scatter [tilespmem:s25], [sflag:$0x6], $0x80, $0x38;
	[tilespmem:$0x1D680] =	vst v63  }
0x521: {  	s26 =	sadd.s32 $0x1050, s0;
	s28 =	simm.s32 $0x1CC68  }
0x522: {  	[hbm4b:s26+s3] =	stream.linear.scatter [tilespmem:s28], [sflag:$0x6], $0x80, $0x38;
	[tilespmem:$0x1D680] =	vst v63  }
0x523: {  	s7 =	sadd.s32 $0x1060, s0;
	s8 =	simm.s32 $0x1CCF0  }
0x524: {  	[hbm4b:s7+s3] =	stream.linear.scatter [tilespmem:s8], [sflag:$0x6], $0x80, $0x38;
	[tilespmem:$0x1D680] =	vst v63  }
0x525: {  	s10 =	sadd.s32 $0x1070, s0;
	s11 =	simm.s32 $0x1CD78  }
0x526: {  	[hbm4b:s10+s3] =	stream.linear.scatter [tilespmem:s11], [sflag:$0x6], $0x80, $0x38;
	[tilespmem:$0x1D680] =	vst v63  }
0x527: {  	s14 =	sadd.s32 $0x2000, s0;
	s15 =	simm.s32 $0x1CE00  }
0x528: {  	[hbm4b:s14+s3] =	stream.linear.scatter [tilespmem:s15], [sflag:$0x6], $0x80, $0x38;
	[tilespmem:$0x1D680] =	vst v63  }
0x529: {  	s18 =	sadd.s32 $0x2010, s0;
	s19 =	simm.s32 $0x1CE88  }
0x52a: {  	[hbm4b:s18+s3] =	stream.linear.scatter [tilespmem:s19], [sflag:$0x6], $0x80, $0x38;
	[tilespmem:$0x1D680] =	vst v63  }
0x52b: {  	s22 =	sadd.s32 $0x2020, s0;
	s25 =	simm.s32 $0x1CF10  }
0x52c: {  	[hbm4b:s22+s3] =	stream.linear.scatter [tilespmem:s25], [sflag:$0x6], $0x80, $0x38;
	[tilespmem:$0x1D680] =	vst v63  }
0x52d: {  	s26 =	sadd.s32 $0x2030, s0;
	s28 =	simm.s32 $0x1CF98  }
0x52e: {  	[hbm4b:s26+s3] =	stream.linear.scatter [tilespmem:s28], [sflag:$0x6], $0x80, $0x38;
	[tilespmem:$0x1D680] =	vst v63  }
0x52f: {  	s7 =	sadd.s32 $0x2040, s0;
	s8 =	simm.s32 $0x1D020  }
0x530: {  	[hbm4b:s7+s3] =	stream.linear.scatter [tilespmem:s8], [sflag:$0x6], $0x80, $0x38;
	[tilespmem:$0x1D680] =	vst v63  }
0x531: {  	s10 =	sadd.s32 $0x2050, s0;
	s11 =	simm.s32 $0x1D0A8  }
0x532: {  	[hbm4b:s10+s3] =	stream.linear.scatter [tilespmem:s11], [sflag:$0x6], $0x80, $0x38;
	[tilespmem:$0x1D680] =	vst v63  }
0x533: {  	s14 =	sadd.s32 $0x2060, s0;
	s15 =	simm.s32 $0x1D130  }
0x534: {  	[hbm4b:s14+s3] =	stream.linear.scatter [tilespmem:s15], [sflag:$0x6], $0x80, $0x38;
	[tilespmem:$0x1D680] =	vst v63  }
0x535: {  	s18 =	sadd.s32 $0x2070, s0;
	s19 =	simm.s32 $0x1D1B8  }
0x536: {  	[hbm4b:s18+s3] =	stream.linear.scatter [tilespmem:s19], [sflag:$0x6], $0x80, $0x38;
	[tilespmem:$0x1D680] =	vst v63  }
0x537: {  	s22 =	sadd.s32 $0x3000, s0;
	s25 =	simm.s32 $0x1D240  }
0x538: {  	[hbm4b:s22+s3] =	stream.linear.scatter [tilespmem:s25], [sflag:$0x6], $0x80, $0x38;
	[tilespmem:$0x1D680] =	vst v63  }
0x539: {  	s26 =	sadd.s32 $0x3010, s0;
	s28 =	simm.s32 $0x1D2C8  }
0x53a: {  	[hbm4b:s26+s3] =	stream.linear.scatter [tilespmem:s28], [sflag:$0x6], $0x80, $0x38;
	[tilespmem:$0x1D680] =	vst v63  }
0x53b: {  	s8 =	sadd.s32 $0x3020, s0;
	s10 =	simm.s32 $0x1D350  }
0x53c: {  	[hbm4b:s8+s3] =	stream.linear.scatter [tilespmem:s10], [sflag:$0x6], $0x80, $0x38;
	[tilespmem:$0x1D680] =	vst v63  }
0x53d: {  	s5 =	sadd.s32 $0x1, s5;
	s11 =	sadd.s32 $0x3030, s0;
	s14 =	simm.s32 $0x1D3D8  }
0x53e: {  	[hbm4b:s11+s3] =	stream.linear.scatter [tilespmem:s14], [sflag:$0x6], $0x80, $0x38;
	[tilespmem:$0x1D680] =	vst v63  }
0x53f: {  	s23 =	sadd.s32 $0x1000, s23;
	s15 =	sadd.s32 $0x3040, s0;
	s18 =	simm.s32 $0x1D460  }
0x540: {  	[hbm4b:s15+s3] =	stream.linear.scatter [tilespmem:s18], [sflag:$0x6], $0x80, $0x38;
	[tilespmem:$0x1D680] =	vst v63  }
0x541: {  	p0 =	sne.s32 s5, $0x5;
	s19 =	sadd.s32 $0x3050, s0;
	s22 =	simm.s32 $0x1D4E8  }
0x542: {  	[hbm4b:s19+s3] =	stream.linear.scatter [tilespmem:s22], [sflag:$0x6], $0x80, $0x38;
	[tilespmem:$0x1D680] =	vst v63  }
.Ltmp8:
0x543: {  	s24 =	sadd.s32 $0x1000, s24;
	s12 =	sadd.s32 $0x1000, s12;
	(pc) =	sbr.rel @p0 .LBB2_9-.Ltmp8, $4  }
0x544: {  	s13 =	sadd.s32 $0x1000, s13;
	s25 =	sadd.s32 $0x3060, s0;
	s26 =	simm.s32 $0x1D570  }
0x545: {  	[hbm4b:s25+s3] =	stream.linear.scatter [tilespmem:s26], [sflag:$0x6], $0x80, $0x38;
	[tilespmem:$0x1D680] =	vst v63  }
0x546: {  	s31 =	simm.s32 $0x19308;
	s0 =	sadd.s32 $0x3070, s0;
	s28 =	simm.s32 $0x1D5F8  }
0x547: {  	[hbm4b:s0+s3] =	stream.linear.scatter [tilespmem:s28], [sflag:$0x6], $0x80, $0x38;
	[tilespmem:$0x1D680] =	vst v63  }
0x548: {  	s10 =	sshll.u32 s20, $0x1  }
0x549: {  	s0 =	smin.u32 s10, $0x1D  }
0x54a: {  	s5 =	rddreg [dreg:$0x7];
	s0 =	sshll.u32 s0, $0x2  }
0x54b: {  	s6 =	simm.s32 $0x80;
	s0 =	sadd.s32 s0, s5  }
0x54c: {  	s7 =	simm.s32 $0x5A28;
	s5 =	simm.s32 $0x5A00;
	s8 =	sadd.s32 $0x0, s0  }
.LBB2_19:
0x54d: {  	[tilespmem:s5], [sflag:$0x1] =	stream.linear.gather [hbm4b:s8+s3], $0x20, $0x38;
	[tilespmem:$0x1D680] =	vst v63  }
0x54e: {  	s8 =	smov.u32 s6;
	s5 =	smov.u32 s7;
	p0 =	sne.s32 s6, $0x1F380  }
.Ltmp9:
0x54f: {  	s6 =	sadd.s32 $0x80, s6;
	(pc) =	sbr.rel @p0 .LBB2_19-.Ltmp9, $2  }
0x550: {  	_ =	sdelay $0x2  }
0x551: {  	s7 =	sadd.s32 $0x28, s7;
	s8 =	sadd.s32 s8, s0  }
0x552: {  	[tilespmem:s5], [sflag:$0x1] =	stream.linear.gather [hbm4b:s8+s3], $0x20, $0x38;
	[tilespmem:$0x1D680] =	vst v63  }
0x553: {  	s6 =	simm.s32 $0x2  }
0x554: {  	_ =	swait.ge [sflag:s6], $0x7D00  }
0x555: {  	v5 =	vld [tilespmem:$0x1FF10]  }
0x556: {  	v53 =	vld [tilespmem:$0x1FF20]  }
.Ltmp10:
0x557: {  	s0 =	sor.u32 $0x1, s10;
	v47 =	vld [tilespmem:$0x1FF30];
	(pc) =	sbr.rel .LBB2_21-.Ltmp10, $4  }
0x558: {  	s22 =	simm.s32 $0x0;
	s23 =	simm.s32 $0xA20;
	p0 =	sne.s32 s20, $0xF;
	v48 =	vld [tilespmem:$0x1FF40]  }
0x559: {  	p2 =	seq.s32 s20, $0xF;
	s24 =	simm.s32 $0x0;
	[dreg:$0xb] =	wrdreg s10;
	v49 =	vld [tilespmem:$0x1FF50]  }
0x55a: {  	s26 =	sshll.u32 s0, $0x11;
	[sflag:s6] =	ssyncset.done $0x0;
	s28 =	rddreg [dreg:$0x6];
	v50 =	vld [tilespmem:$0x1FF60]  }
0x55b: {  	p1 =	sgt.u32 s0, $0x1E;
	v51 =	vld [tilespmem:$0x1FF70];
	[sflag:s6] =	ssyncadd.s32 $0xFFFF8300;
	s21 =	sor.u32 s28, s26  }
.LBB2_49:
0x55c: {  	s0 =	smul.u32 @!p0 $0x3E8000, s5;
	_ =	sdelay $0x1  }
0x55d: {  	s0 =	sadd.s32 @!p0 s0, s9  }
0x55e: {  	s0 =	sshrl.u32 @!p0 s0, $0x3  }
0x55f: {  	s5 =	simm.s32 @!p0 $0x0;
	s6 =	simm.s32 @!p0 $0x1C580;
	s0 =	sadd.s32 @!p0 s2, s0  }
0x560: {  	[hbm4b:s0+s5] =	stream.linear.scatter @!p0 [tilespmem:s6], [sflag:$0x6], $0x80, $0x38;
	[tilespmem:$0x1D680] =	vst v63  }
0x561: {  	s7 =	simm.s32 @!p0 $0x1C608;
	s6 =	sadd.s32 @!p0 $0x10, s0  }
0x562: {  	[hbm4b:s6+s5] =	stream.linear.scatter @!p0 [tilespmem:s7], [sflag:$0x6], $0x80, $0x38;
	[tilespmem:$0x1D680] =	vst v63  }
0x563: {  	s6 =	sadd.s32 @!p0 $0x20, s0;
	s7 =	simm.s32 @!p0 $0x1C690  }
0x564: {  	[hbm4b:s6+s5] =	stream.linear.scatter @!p0 [tilespmem:s7], [sflag:$0x6], $0x80, $0x38;
	[tilespmem:$0x1D680] =	vst v63  }
0x565: {  	s6 =	sadd.s32 @!p0 $0x30, s0;
	s7 =	simm.s32 @!p0 $0x1C718  }
0x566: {  	[hbm4b:s6+s5] =	stream.linear.scatter @!p0 [tilespmem:s7], [sflag:$0x6], $0x80, $0x38;
	[tilespmem:$0x1D680] =	vst v63  }
0x567: {  	s24 =	sadd.s32 $0x1, s24;
	s6 =	sadd.s32 @!p0 $0x40, s0;
	s7 =	simm.s32 @!p0 $0x1C7A0  }
0x568: {  	[hbm4b:s6+s5] =	stream.linear.scatter @!p0 [tilespmem:s7], [sflag:$0x6], $0x80, $0x38;
	[tilespmem:$0x1D680] =	vst v63  }
0x569: {  	p3 =	sne.s32 s24, $0x5;
	s6 =	sadd.s32 @!p0 $0x50, s0;
	s7 =	simm.s32 @!p0 $0x1C828  }
0x56a: {  	[hbm4b:s6+s5] =	stream.linear.scatter @!p0 [tilespmem:s7], [sflag:$0x6], $0x80, $0x38;
	[tilespmem:$0x1D680] =	vst v63  }
.Ltmp11:
0x56b: {  	_ = 	snop;
	(pc) =	sbr.rel @!p3 .LBB2_50-.Ltmp11, $4  }
0x56c: {  	s6 =	sadd.s32 @!p0 $0x60, s0;
	s7 =	simm.s32 @!p0 $0x1C8B0  }
0x56d: {  	[hbm4b:s6+s5] =	stream.linear.scatter @!p0 [tilespmem:s7], [sflag:$0x6], $0x80, $0x38;
	[tilespmem:$0x1D680] =	vst v63  }
0x56e: {  	s23 =	sadd.s32 $0x1000, s23;
	s0 =	sadd.s32 @!p0 $0x70, s0;
	s6 =	simm.s32 @!p0 $0x1C938  }
0x56f: {  	[hbm4b:s0+s5] =	stream.linear.scatter @!p0 [tilespmem:s6], [sflag:$0x6], $0x80, $0x38;
	[tilespmem:$0x1D680] =	vst v63  }
.LBB2_21:
0x570: {  	p3 =	seq.s32 s24, $0x0  }
0x571: {  	p3 =	por p0, p3  }
0x572: {  	s0 =	simm.s32 @!p3 $0x3  }
0x573: {  	_ =	swait.ge @!p3 [sflag:s0], $0x400  }
0x574: {  	[sflag:s0] =	ssyncset.done @!p3 $0x0  }
0x575: {  	[sflag:s0] =	ssyncadd.s32 @!p3 $0xFFFFFC00;
	s0 =	simm.s32 @p3 $0x3  }
0x576: {  	_ =	swait.ge @p3 [sflag:s0], $0x1000  }
0x577: {  	[sflag:s0] =	ssyncset.done @p3 $0x0  }
0x578: {  	[sflag:s0] =	ssyncadd.s32 @p3 $0xFFFFF000  }
0x579: {  	v6 =	vld [tilespmem:s23+$0x10]  }
0x57a: {  	v13 =	vld [tilespmem:s23+$0xFFFFFFF0]  }
0x57b: {  	v14 =	vld [tilespmem:s23+$0x0]  }
0x57c: {  	v15 =	vld [tilespmem:s23+$0xFFFFFFE0];
	_ =	sdelay $0x2  }
0x57d: {  	v17 =	vmul.u32 $0x28, v13  }
0x57e: {  	v6 =	vmul.u32 $0x28, v6  }
0x57f: {  	v18 =	vmul.u32 $0x28, v14;
	v19 =	vmul.u32 $0x28, v15;
	v14 =	vor.u32 v32, v17  }
0x580: {  	v13 =	vor.u32 v32, v6  }
0x581: {  	s18 =	sadd.s32 $0x40, s23;
	s5 =	simm.s32 $0x1;
	v16 =	vor.u32 v32, v19  }
0x582: {  	s6 =	simm.s32 $0xFFFFFFFB;
	s7 =	sand.u32 $0x70, s22;
	s5 =	sand.u32 $0x5, s5;
	v20 =	vld [tilespmem:s18+$0x10];
	v15 =	vor.u32 v32, v18  }
0x583: {  	s8 =	simm.s32 $0x0;
	s6 =	sand.u32 $0x7, s6;
	s15 =	sor.u32 s5, s7;
	v24 =	vld [tilespmem:s18+$0xFFFFFFF0]  }
0x584: {  	s10 =	simm.s32 $0x2;
	s25 =	sand.u32 $0x4, s8;
	s19 =	sor.u32 s6, s7;
	v22 =	vadd.s32 s15, v60;
	v14 =	vld.idx.msk [tilespmem:v14+s4+$0x0], $0xffff  }
0x585: {  	s26 =	sand.u32 $0x6, s10;
	s6 =	sor.u32 s25, s7;
	v23 =	vadd.s32 s19, v60;
	v25 =	vadd.s32 v10, v17;
	v13 =	vld.idx.msk [tilespmem:v13+s4+$0x0], $0xffff  }
0x586: {  	s14 =	sor.u32 s26, s7;
	v27 =	vadd.s32 s6, v60;
	v26 =	vadd.s32 v10, v6;
	v16 =	vld.idx.msk [tilespmem:v16+s4+$0x0], $0xffff  }
0x587: {  	v28 =	vadd.s32 s14, v60;
	v21 =	vld.idx.msk [tilespmem:v15+s4+$0x0], $0xffff  }
0x588: {  	v29 =	vld [tilespmem:s18+$0x0];
	v15 =	vmul.u32 $0x28, v20;
	v20 =	vadd.s32 v10, v19  }
0x589: {  	v31 =	vld [tilespmem:s18+$0xFFFFFFE0];
	v30 =	vadd.s32 v10, v18;
	[tilespmem:v22+s17+$0x0] =	vst.idx.msk $0xffff, v14  }
0x58a: {  	v22 =	vor.u32 v32, v15;
	[tilespmem:v23+s17+$0x0] =	vst.idx.msk $0xffff, v13;
	v23 =	vld.idx.msk [tilespmem:v25+s4+$0x0], $0xffff;
	v25 =	vadd.s32 s15, v61  }
0x58b: {  	s0 =	sadd.s32 $0x40, s18;
	v13 =	vmul.u32 $0x28, v24;
	v24 =	vadd.s32 s19, v61;
	[tilespmem:v27+s17+$0x0] =	vst.idx.msk $0xffff, v16;
	v27 =	vadd.s32 v11, v17;
	v26 =	vld.idx.msk [tilespmem:v26+s4+$0x0], $0xffff  }
0x58c: {  	v37 =	vld [tilespmem:s0+$0x10];
	[tilespmem:v28+s17+$0x0] =	vst.idx.msk $0xffff, v21;
	v21 =	vadd.s32 v11, v6  }
0x58d: {  	v14 =	vmul.u32 $0x28, v29;
	v20 =	vld.idx.msk [tilespmem:v20+s4+$0x0], $0xffff;
	v28 =	vor.u32 v32, v13  }
0x58e: {  	s11 =	simm.s32 $0xFFFFFFFF;
	s10 =	simm.s32 $0x8;
	v33 =	vor.u32 s6, v1;
	v29 =	vld.idx.msk [tilespmem:v30+s4+$0x0], $0xffff;
	v30 =	vadd.s32 s14, v61  }
0x58f: {  	s7 =	sand.u32 $0x70, s10;
	s6 =	sand.u32 $0x7, s11;
	v35 =	vadd.s32 v7, v33;
	v34 =	vor.u32 v32, v14;
	v22 =	vld.idx.msk [tilespmem:v22+s4+$0x0], $0xffff;
	[tilespmem:v25+s17+$0x0] =	vst.idx.msk $0xffff, v23  }
0x590: {  	s10 =	sor.u32 s6, s7;
	v36 =	vadd.s32 v11, v18;
	v16 =	vmul.u32 $0x28, v31;
	[tilespmem:v24+s17+$0x0] =	vst.idx.msk $0xffff, v26;
	v24 =	vld.idx.msk [tilespmem:v27+s4+$0x0], $0xffff  }
0x591: {  	s12 =	simm.s32 $0x5;
	v23 =	vadd.s32 v11, v19;
	v25 =	vadd.s32 s10, v60;
	v21 =	vld.idx.msk [tilespmem:v21+s4+$0x0], $0xffff  }
0x592: {  	s6 =	sand.u32 $0x5, s12;
	v26 =	vor.u32 v32, v16;
	v27 =	vld.idx.msk [tilespmem:v28+s4+$0x0], $0xffff;
	v28 =	vadd.s32 s19, v62  }
0x593: {  	s11 =	sor.u32 s6, s7;
	v40 =	vld [tilespmem:s0+$0xFFFFFFE0];
	v31 =	vadd.s32 s15, v62;
	[tilespmem:v30+s17+$0x0] =	vst.idx.msk $0xffff, v29  }
0x594: {  	s13 =	simm.s32 $0x6;
	[tilespmem:v35+s17+$0x0] =	vst.idx.msk $0xffff, v20;
	v20 =	vadd.s32 s11, v60;
	v34 =	vld.idx.msk [tilespmem:v34+s4+$0x0], $0xffff  }
0x595: {  	s12 =	simm.s32 $0x4;
	s6 =	sand.u32 $0x6, s13;
	v6 =	vadd.s32 v12, v6;
	v30 =	vadd.s32 s14, v62;
	v29 =	vld.idx.msk [tilespmem:v36+s4+$0x0], $0xffff  }
0x596: {  	v52 =	vadd.s32 v8, v33;
	s8 =	sor.u32 s6, s7;
	s18 =	sand.u32 $0x4, s12;
	v23 =	vld.idx.msk [tilespmem:v23+s4+$0x0], $0xffff;
	[tilespmem:v25+s17+$0x0] =	vst.idx.msk $0xffff, v22;
	v25 =	vadd.s32 v10, v15  }
0x597: {  	s6 =	sor.u32 s18, s7;
	v38 =	vadd.s32 v12, v19;
	v36 =	vld.idx.msk [tilespmem:v26+s4+$0x0], $0xffff;
	v26 =	vadd.s32 s8, v60;
	[tilespmem:v28+s17+$0x0] =	vst.idx.msk $0xffff, v21  }
0x598: {  	v42 =	vld [tilespmem:s0+$0x0];
	[tilespmem:v31+s17+$0x0] =	vst.idx.msk $0xffff, v24;
	v24 =	vadd.s32 s6, v60;
	v28 =	vadd.s32 v10, v13  }
0x599: {  	v22 =	vld [tilespmem:s0+$0xFFFFFFF0];
	[tilespmem:v20+s17+$0x0] =	vst.idx.msk $0xffff, v27;
	v20 =	vadd.s32 v12, v17  }
0x59a: {  	v41 =	vadd.s32 s19, v63;
	v45 =	vadd.s32 s10, v61;
	[tilespmem:v30+s17+$0x0] =	vst.idx.msk $0xffff, v29;
	v29 =	vadd.s32 v12, v18;
	v39 =	vld.idx.msk [tilespmem:v6+s4+$0x0], $0xffff  }
0x59b: {  	v43 =	vadd.s32 v10, v16;
	v19 =	vmul.u32 $0x28, v37;
	v21 =	vadd.s32 s8, v61;
	v44 =	vld.idx.msk [tilespmem:v25+s4+$0x0], $0xffff;
	[tilespmem:v52+s17+$0x0] =	vst.idx.msk $0xffff, v23  }
0x59c: {  	v31 =	vadd.s32 s11, v61;
	v27 =	vadd.s32 s15, v63;
	v52 =	vadd.s32 v10, v14;
	[tilespmem:v26+s17+$0x0] =	vst.idx.msk $0xffff, v34;
	v25 =	vld.idx.msk [tilespmem:v38+s4+$0x0], $0xffff  }
0x59d: {  	v26 =	vor.u32 v32, v19;
	v34 =	vadd.s32 v9, v33;
	[tilespmem:v24+s17+$0x0] =	vst.idx.msk $0xffff, v36;
	v24 =	vld.idx.msk [tilespmem:v28+s4+$0x0], $0xffff  }
0x59e: {  	v18 =	vmul.u32 $0x28, v42;
	v17 =	vmul.u32 $0x28, v22;
	v33 =	vadd.s32 s14, v63;
	v23 =	vld.idx.msk [tilespmem:v20+s4+$0x0], $0xffff  }
0x59f: {  	s5 =	sshll.u32 s24, $0x2;
	s26 =	simm.s32 $0x3;
	s13 =	simm.s32 $0x10;
	v22 =	vmul.u32 $0x28, v40;
	v20 =	vor.u32 s6, v1;
	v38 =	vadd.s32 v11, v13;
	v30 =	vld.idx.msk [tilespmem:v29+s4+$0x0], $0xffff  }
0x5a0: {  	s25 =	sand.u32 $0x70, s13;
	s7 =	simm.s32 $0x8;
	s19 =	simm.s32 $0xA;
	v36 =	vadd.s32 v11, v15;
	[tilespmem:v41+s17+$0x0] =	vst.idx.msk $0xffff, v39;
	v28 =	vld.idx.msk [tilespmem:v43+s4+$0x0], $0xffff;
	v37 =	vadd.s32 v7, v20  }
0x5a1: {  	s18 =	sand.u32 $0x7, s26;
	s14 =	simm.s32 $0x8;
	s6 =	sand.u32 $0x6, s19;
	v29 =	vor.u32 v32, v18;
	v6 =	vor.u32 v32, v17;
	v35 =	vld.idx.msk [tilespmem:v52+s4+$0x0], $0xffff;
	[tilespmem:v45+s17+$0x0] =	vst.idx.msk $0xffff, v44  }
.LBB2_22:
0x5a2: {  	s15 =	sor.u32 s6, s25;
	s6 =	sor.u32 s18, s25;
	v26 =	vld.idx.msk [tilespmem:v26+s4+$0x0], $0xffff;
	s0 =	sadd.s32 $0x40, s0;
	v39 =	vadd.s32 v11, v14;
	[tilespmem:v34+s17+$0x0] =	vst.idx.msk $0xffff, v25  }
0x5a3: {  	s18 =	smov.u32 s7;
	s7 =	sadd.s32 $0x4, s7;
	v25 =	vld [tilespmem:s0+$0x10];
	v34 =	vor.u32 v32, v22;
	v40 =	vadd.s32 s15, v61;
	v41 =	vadd.s32 s6, v60;
	[tilespmem:v31+s17+$0x0] =	vst.idx.msk $0xffff, v24  }
0x5a4: {  	p4 =	slt.u32 s7, $0x3C;
	v24 =	vadd.s32 v11, v16;
	v31 =	vld.idx.msk [tilespmem:v38+s4+$0x0], $0xffff;
	[tilespmem:v27+s17+$0x0] =	vst.idx.msk $0xffff, v23  }
0x5a5: {  	s19 =	sadd.s32 $0x5, s12;
	s12 =	smov.u32 s18;
	v23 =	vadd.s32 s11, v62;
	[tilespmem:v37+s17+$0x0] =	vst.idx.msk $0xffff, v28;
	v27 =	vld.idx.msk [tilespmem:v36+s4+$0x0], $0xffff  }
0x5a6: {  	s18 =	sand.u32 $0x5, s19;
	v28 =	vadd.s32 s10, v62;
	v6 =	vld.idx.msk [tilespmem:v6+s4+$0x0], $0xffff;
	[tilespmem:v33+s17+$0x0] =	vst.idx.msk $0xffff, v30  }
0x5a7: {  	s18 =	sor.u32 s18, s25;
	v30 =	vadd.s32 v12, v15;
	v15 =	vmov v19;
	v29 =	vld.idx.msk [tilespmem:v29+s4+$0x0], $0xffff;
	[tilespmem:v21+s17+$0x0] =	vst.idx.msk $0xffff, v35;
	v21 =	vmov v40  }
0x5a8: {  	v19 =	vadd.s32 s18, v60;
	[tilespmem:v41+s17+$0x0] =	vst.idx.msk $0xffff, v26;
	v26 =	vld.idx.msk [tilespmem:v39+s4+$0x0], $0xffff  }
0x5a9: {  	v33 =	vadd.s32 s8, v62;
	v24 =	vld.idx.msk [tilespmem:v24+s4+$0x0], $0xffff  }
0x5aa: {  	s19 =	sand.u32 $0x4, s14;
	s14 =	smov.u32 s7;
	v37 =	vadd.s32 v8, v20;
	v36 =	vadd.s32 v10, v15;
	v35 =	vld [tilespmem:s0+$0xFFFFFFF0];
	[tilespmem:v23+s17+$0x0] =	vst.idx.msk $0xffff, v31  }
0x5ab: {  	s19 =	sor.u32 s19, s25;
	v31 =	vadd.s32 s15, v60;
	v23 =	vld.idx.msk [tilespmem:v34+s4+$0x0], $0xffff;
	v34 =	vadd.s32 v12, v16;
	[tilespmem:v28+s17+$0x0] =	vst.idx.msk $0xffff, v27;
	v16 =	vmov v22  }
0x5ac: {  	s13 =	sadd.s32 $0x8, s13;
	v22 =	vadd.s32 s19, v60;
	v27 =	vadd.s32 v10, v17;
	v28 =	vld.idx.msk [tilespmem:v30+s4+$0x0], $0xffff  }
0x5ad: {  	v38 =	vadd.s32 s10, v63;
	s10 =	smov.u32 s6;
	v30 =	vadd.s32 v12, v13;
	v13 =	vmov v17;
	v39 =	vld [tilespmem:s0+$0xFFFFFFE0];
	[tilespmem:v19+s17+$0x0] =	vst.idx.msk $0xffff, v6  }
0x5ae: {  	v41 =	vadd.s32 v10, v16;
	v19 =	vmul.u32 $0x28, v25;
	v40 =	vld [tilespmem:s0+$0x0];
	[tilespmem:v33+s17+$0x0] =	vst.idx.msk $0xffff, v26;
	v33 =	vadd.s32 v12, v14  }
0x5af: {  	v42 =	vadd.s32 v10, v18;
	v14 =	vmov v18;
	v43 =	vld.idx.msk [tilespmem:v36+s4+$0x0], $0xffff;
	[tilespmem:v37+s17+$0x0] =	vst.idx.msk $0xffff, v24  }
0x5b0: {  	v44 =	vadd.s32 s10, v61;
	v17 =	vmul.u32 $0x28, v35;
	v26 =	vor.u32 v32, v19;
	[tilespmem:v31+s17+$0x0] =	vst.idx.msk $0xffff, v29;
	v25 =	vld.idx.msk [tilespmem:v34+s4+$0x0], $0xffff  }
.Ltmp12:
0x5b1: {  	v34 =	vadd.s32 v9, v20;
	[tilespmem:v22+s17+$0x0] =	vst.idx.msk $0xffff, v23;
	v24 =	vld.idx.msk [tilespmem:v27+s4+$0x0], $0xffff;
	(pc) =	sbr.rel @p4 .LBB2_22-.Ltmp12, $4  }
0x5b2: {  	v31 =	vadd.s32 s18, v61;
	v6 =	vor.u32 v32, v17;
	v27 =	vadd.s32 s11, v63;
	s11 =	smov.u32 s18;
	v23 =	vld.idx.msk [tilespmem:v30+s4+$0x0], $0xffff;
	[tilespmem:v38+s17+$0x0] =	vst.idx.msk $0xffff, v28  }
0x5b3: {  	v20 =	vor.u32 s19, v1;
	v38 =	vadd.s32 v11, v13;
	v18 =	vmul.u32 $0x28, v40;
	v28 =	vld.idx.msk [tilespmem:v41+s4+$0x0], $0xffff  }
0x5b4: {  	s6 =	sadd.s32 $0x6, s12;
	v36 =	vadd.s32 v11, v15;
	s18 =	sadd.s32 $0xFFFFFFFF, s12;
	v37 =	vadd.s32 v7, v20;
	v30 =	vld.idx.msk [tilespmem:v33+s4+$0x0], $0xffff;
	v33 =	vadd.s32 s8, v63;
	s8 =	smov.u32 s15  }
0x5b5: {  	s25 =	sand.u32 $0x70, s13;
	s6 =	sand.u32 $0x6, s6;
	v22 =	vmul.u32 $0x28, v39;
	s18 =	sand.u32 $0x7, s18;
	v29 =	vor.u32 v32, v18;
	v35 =	vld.idx.msk [tilespmem:v42+s4+$0x0], $0xffff;
	[tilespmem:v44+s17+$0x0] =	vst.idx.msk $0xffff, v43  }
0x5b6: {  	_ =	sdelay $0x2  }
0x5b7: {  	v39 =	vor.u32 v32, v22  }
0x5b8: {  	s0 =	sor.u32 s18, s25;
	[tilespmem:v34+s17+$0x0] =	vst.idx.msk $0xffff, v25  }
0x5b9: {  	v46 =	vld.idx.msk [tilespmem:v26+s4+$0x0], $0xffff;
	[tilespmem:v31+s17+$0x0] =	vst.idx.msk $0xffff, v24;
	v52 =	vadd.s32 s0, v60  }
0x5ba: {  	v40 =	vadd.s32 v11, v14;
	s7 =	sadd.s32 $0x5, s12;
	v41 =	vadd.s32 s11, v62;
	s19 =	sand.u32 $0x4, s14;
	v31 =	vld.idx.msk [tilespmem:v38+s4+$0x0], $0xffff;
	[tilespmem:v27+s17+$0x0] =	vst.idx.msk $0xffff, v23  }
0x5bb: {  	v42 =	vadd.s32 v11, v16;
	v43 =	vadd.s32 s10, v62;
	s7 =	sand.u32 $0x5, s7;
	s13 =	sor.u32 s19, s25;
	[tilespmem:v37+s17+$0x0] =	vst.idx.msk $0xffff, v28;
	v28 =	vld.idx.msk [tilespmem:v36+s4+$0x0], $0xffff  }
0x5bc: {  	s7 =	sor.u32 s7, s25;
	v36 =	vadd.s32 s13, v60;
	[tilespmem:v33+s17+$0x0] =	vst.idx.msk $0xffff, v30;
	v30 =	vadd.s32 v10, v19;
	v33 =	vld.idx.msk [tilespmem:v39+s4+$0x0], $0xffff  }
0x5bd: {  	s26 =	sor.u32 s6, s25;
	v6 =	vld.idx.msk [tilespmem:v6+s4+$0x0], $0xffff;
	v45 =	vadd.s32 v10, v22;
	v44 =	vadd.s32 s7, v60;
	[tilespmem:v21+s17+$0x0] =	vst.idx.msk $0xffff, v35  }
0x5be: {  	v29 =	vld.idx.msk [tilespmem:v29+s4+$0x0], $0xffff;
	[tilespmem:v52+s17+$0x0] =	vst.idx.msk $0xffff, v46;
	v46 =	vadd.s32 s26, v60;
	v52 =	vadd.s32 v10, v17  }
0x5bf: {  	v24 =	vld.idx.msk [tilespmem:v40+s4+$0x0], $0xffff;
	v40 =	vadd.s32 s8, v62;
	[tilespmem:v41+s17+$0x0] =	vst.idx.msk $0xffff, v31;
	v41 =	vadd.s32 v10, v18  }
0x5c0: {  	v15 =	vadd.s32 v12, v15;
	v27 =	vld.idx.msk [tilespmem:v42+s4+$0x0], $0xffff;
	v42 =	vadd.s32 v8, v20;
	[tilespmem:v43+s17+$0x0] =	vst.idx.msk $0xffff, v28  }
0x5c1: {  	v43 =	vadd.s32 v12, v16;
	v28 =	vld.idx.msk [tilespmem:v30+s4+$0x0], $0xffff;
	v30 =	vadd.s32 s0, v61;
	[tilespmem:v36+s17+$0x0] =	vst.idx.msk $0xffff, v33;
	v33 =	vor.u32 s13, v1  }
0x5c2: {  	[tilespmem:v44+s17+$0x0] =	vst.idx.msk $0xffff, v6;
	v44 =	vadd.s32 v11, v19;
	v6 =	vld.idx.msk [tilespmem:v45+s4+$0x0], $0xffff;
	v21 =	vadd.s32 v7, v33  }
0x5c3: {  	[tilespmem:v46+s17+$0x0] =	vst.idx.msk $0xffff, v29;
	v46 =	vadd.s32 s7, v61;
	v45 =	vld.idx.msk [tilespmem:v52+s4+$0x0], $0xffff;
	v52 =	vadd.s32 v11, v22  }
0x5c4: {  	v35 =	vadd.s32 s26, v61;
	[tilespmem:v40+s17+$0x0] =	vst.idx.msk $0xffff, v24;
	v40 =	vadd.s32 v11, v17;
	v23 =	vld.idx.msk [tilespmem:v41+s4+$0x0], $0xffff  }
0x5c5: {  	v15 =	vld.idx.msk [tilespmem:v15+s4+$0x0], $0xffff;
	[tilespmem:v42+s17+$0x0] =	vst.idx.msk $0xffff, v27;
	v42 =	vadd.s32 v11, v18;
	v41 =	vadd.s32 s10, v63  }
0x5c6: {  	v13 =	vadd.s32 v12, v13;
	v16 =	vld.idx.msk [tilespmem:v43+s4+$0x0], $0xffff;
	v43 =	vadd.s32 v9, v20;
	[tilespmem:v30+s17+$0x0] =	vst.idx.msk $0xffff, v28  }
0x5c7: {  	v14 =	vadd.s32 v12, v14;
	[tilespmem:v21+s17+$0x0] =	vst.idx.msk $0xffff, v6;
	v6 =	vld.idx.msk [tilespmem:v44+s4+$0x0], $0xffff;
	v44 =	vadd.s32 s0, v62  }
0x5c8: {  	[tilespmem:v46+s17+$0x0] =	vst.idx.msk $0xffff, v45;
	v45 =	vadd.s32 v12, v19;
	v46 =	vld.idx.msk [tilespmem:v52+s4+$0x0], $0xffff;
	v52 =	vadd.s32 v8, v33  }
0x5c9: {  	v37 =	vadd.s32 v12, v22;
	v34 =	vadd.s32 s7, v62;
	[tilespmem:v35+s17+$0x0] =	vst.idx.msk $0xffff, v23;
	v24 =	vld.idx.msk [tilespmem:v40+s4+$0x0], $0xffff  }
0x5ca: {  	v38 =	vadd.s32 s26, v62;
	v39 =	vadd.s32 v12, v17;
	[tilespmem:v41+s17+$0x0] =	vst.idx.msk $0xffff, v15;
	v15 =	vld.idx.msk [tilespmem:v42+s4+$0x0], $0xffff  }
0x5cb: {  	v13 =	vld.idx.msk [tilespmem:v13+s4+$0x0], $0xffff;
	[tilespmem:v43+s17+$0x0] =	vst.idx.msk $0xffff, v16;
	v41 =	vadd.s32 v12, v18;
	v40 =	vadd.s32 s11, v63  }
0x5cc: {  	v14 =	vld.idx.msk [tilespmem:v14+s4+$0x0], $0xffff;
	v42 =	vadd.s32 s8, v63;
	[tilespmem:v44+s17+$0x0] =	vst.idx.msk $0xffff, v6  }
0x5cd: {  	v43 =	vadd.s32 s0, v63;
	v6 =	vld.idx.msk [tilespmem:v45+s4+$0x0], $0xffff;
	[tilespmem:v52+s17+$0x0] =	vst.idx.msk $0xffff, v46  }
0x5ce: {  	[tilespmem:v34+s17+$0x0] =	vst.idx.msk $0xffff, v24;
	v45 =	vadd.s32 v9, v33;
	v44 =	vld.idx.msk [tilespmem:v37+s4+$0x0], $0xffff  }
0x5cf: {  	[tilespmem:v38+s17+$0x0] =	vst.idx.msk $0xffff, v15;
	v46 =	vadd.s32 s7, v63;
	v15 =	vld.idx.msk [tilespmem:v39+s4+$0x0], $0xffff  }
0x5d0: {  	[tilespmem:v40+s17+$0x0] =	vst.idx.msk $0xffff, v13;
	v52 =	vadd.s32 s26, v63;
	v13 =	vld.idx.msk [tilespmem:v41+s4+$0x0], $0xffff  }
.Ltmp13:
0x5d1: {  	[tilespmem:v42+s17+$0x0] =	vst.idx.msk $0xffff, v14;
	(pc) =	sbr.rel @p1 .LBB2_25-.Ltmp13, $4  }
0x5d2: {  	[tilespmem:v43+s17+$0x0] =	vst.idx.msk $0xffff, v6  }
0x5d3: {  	[tilespmem:v45+s17+$0x0] =	vst.idx.msk $0xffff, v44  }
0x5d4: {  	[tilespmem:v46+s17+$0x0] =	vst.idx.msk $0xffff, v15  }
0x5d5: {  	s0 =	smul.u32 $0xFA0000, s24;
	[tilespmem:v52+s17+$0x0] =	vst.idx.msk $0xffff, v13  }
0x5d6: {  	_ = 	snop  }
0x5d7: {  	s6 =	sadd.s32 s21, s0  }
0x5d8: {  	s6 =	sshrl.u32 s6, $0x3  }
0x5d9: {  	s6 =	sadd.s32 s2, s6  }
0x5da: {  	[hbm4b:s6+s3] =	stream.linear.scatter [tilespmem:s17], [sflag:$0x3], $0x80, $0x38;
	[tilespmem:$0x1D680] =	vst v63  }
0x5db: {  	s7 =	sadd.s32 $0x10, s6  }
0x5dc: {  	[hbm4b:s7+s3] =	stream.linear.scatter [tilespmem:s31], [sflag:$0x3], $0x80, $0x38;
	[tilespmem:$0x1D680] =	vst v63  }
0x5dd: {  	s8 =	simm.s32 $0x19390;
	s13 =	sadd.s32 $0x20, s6  }
0x5de: {  	[hbm4b:s13+s3] =	stream.linear.scatter [tilespmem:s8], [sflag:$0x3], $0x80, $0x38;
	[tilespmem:$0x1D680] =	vst v63  }
0x5df: {  	s15 =	simm.s32 $0x19418;
	s14 =	sadd.s32 $0x30, s6  }
0x5e0: {  	[hbm4b:s14+s3] =	stream.linear.scatter [tilespmem:s15], [sflag:$0x3], $0x80, $0x38;
	[tilespmem:$0x1D680] =	vst v63  }
0x5e1: {  	s19 =	simm.s32 $0x194A0;
	s18 =	sadd.s32 $0x40, s6  }
0x5e2: {  	[hbm4b:s18+s3] =	stream.linear.scatter [tilespmem:s19], [sflag:$0x3], $0x80, $0x38;
	[tilespmem:$0x1D680] =	vst v63  }
0x5e3: {  	s26 =	simm.s32 $0x19528;
	s25 =	sadd.s32 $0x50, s6  }
0x5e4: {  	[hbm4b:s25+s3] =	stream.linear.scatter [tilespmem:s26], [sflag:$0x3], $0x80, $0x38;
	[tilespmem:$0x1D680] =	vst v63  }
0x5e5: {  	s11 =	simm.s32 $0x195B0;
	s10 =	sadd.s32 $0x60, s6  }
0x5e6: {  	[hbm4b:s10+s3] =	stream.linear.scatter [tilespmem:s11], [sflag:$0x3], $0x80, $0x38;
	[tilespmem:$0x1D680] =	vst v63  }
0x5e7: {  	s12 =	sadd.s32 $0x70, s6;
	s13 =	simm.s32 $0x19638  }
0x5e8: {  	[hbm4b:s12+s3] =	stream.linear.scatter [tilespmem:s13], [sflag:$0x3], $0x80, $0x38;
	[tilespmem:$0x1D680] =	vst v63  }
0x5e9: {  	s14 =	sadd.s32 $0x1000, s6;
	s15 =	simm.s32 $0x196C0  }
0x5ea: {  	[hbm4b:s14+s3] =	stream.linear.scatter [tilespmem:s15], [sflag:$0x3], $0x80, $0x38;
	[tilespmem:$0x1D680] =	vst v63  }
0x5eb: {  	s18 =	sadd.s32 $0x1010, s6;
	s19 =	simm.s32 $0x19748  }
0x5ec: {  	[hbm4b:s18+s3] =	stream.linear.scatter [tilespmem:s19], [sflag:$0x3], $0x80, $0x38;
	[tilespmem:$0x1D680] =	vst v63  }
0x5ed: {  	s25 =	sadd.s32 $0x1020, s6;
	s26 =	simm.s32 $0x197D0  }
0x5ee: {  	[hbm4b:s25+s3] =	stream.linear.scatter [tilespmem:s26], [sflag:$0x3], $0x80, $0x38;
	[tilespmem:$0x1D680] =	vst v63  }
0x5ef: {  	s10 =	sadd.s32 $0x1030, s6;
	s11 =	simm.s32 $0x19858  }
0x5f0: {  	[hbm4b:s10+s3] =	stream.linear.scatter [tilespmem:s11], [sflag:$0x3], $0x80, $0x38;
	[tilespmem:$0x1D680] =	vst v63  }
0x5f1: {  	s12 =	sadd.s32 $0x1040, s6;
	s13 =	simm.s32 $0x198E0  }
0x5f2: {  	[hbm4b:s12+s3] =	stream.linear.scatter [tilespmem:s13], [sflag:$0x3], $0x80, $0x38;
	[tilespmem:$0x1D680] =	vst v63  }
0x5f3: {  	s14 =	sadd.s32 $0x1050, s6;
	s15 =	simm.s32 $0x19968  }
0x5f4: {  	[hbm4b:s14+s3] =	stream.linear.scatter [tilespmem:s15], [sflag:$0x3], $0x80, $0x38;
	[tilespmem:$0x1D680] =	vst v63  }
0x5f5: {  	s18 =	sadd.s32 $0x1060, s6;
	s19 =	simm.s32 $0x199F0  }
0x5f6: {  	[hbm4b:s18+s3] =	stream.linear.scatter [tilespmem:s19], [sflag:$0x3], $0x80, $0x38;
	[tilespmem:$0x1D680] =	vst v63  }
0x5f7: {  	s25 =	sadd.s32 $0x1070, s6;
	s26 =	simm.s32 $0x19A78  }
0x5f8: {  	[hbm4b:s25+s3] =	stream.linear.scatter [tilespmem:s26], [sflag:$0x3], $0x80, $0x38;
	[tilespmem:$0x1D680] =	vst v63  }
0x5f9: {  	s10 =	sadd.s32 $0x2000, s6;
	s11 =	simm.s32 $0x19B00  }
0x5fa: {  	[hbm4b:s10+s3] =	stream.linear.scatter [tilespmem:s11], [sflag:$0x3], $0x80, $0x38;
	[tilespmem:$0x1D680] =	vst v63  }
0x5fb: {  	s12 =	sadd.s32 $0x2010, s6;
	s13 =	simm.s32 $0x19B88  }
0x5fc: {  	[hbm4b:s12+s3] =	stream.linear.scatter [tilespmem:s13], [sflag:$0x3], $0x80, $0x38;
	[tilespmem:$0x1D680] =	vst v63  }
0x5fd: {  	s14 =	sadd.s32 $0x2020, s6;
	s15 =	simm.s32 $0x19C10  }
0x5fe: {  	[hbm4b:s14+s3] =	stream.linear.scatter [tilespmem:s15], [sflag:$0x3], $0x80, $0x38;
	[tilespmem:$0x1D680] =	vst v63  }
0x5ff: {  	s18 =	sadd.s32 $0x2030, s6;
	s19 =	simm.s32 $0x19C98  }
0x600: {  	[hbm4b:s18+s3] =	stream.linear.scatter [tilespmem:s19], [sflag:$0x3], $0x80, $0x38;
	[tilespmem:$0x1D680] =	vst v63  }
0x601: {  	s25 =	sadd.s32 $0x2040, s6;
	s26 =	simm.s32 $0x19D20  }
0x602: {  	[hbm4b:s25+s3] =	stream.linear.scatter [tilespmem:s26], [sflag:$0x3], $0x80, $0x38;
	[tilespmem:$0x1D680] =	vst v63  }
0x603: {  	s10 =	sadd.s32 $0x2050, s6;
	s11 =	simm.s32 $0x19DA8  }
0x604: {  	[hbm4b:s10+s3] =	stream.linear.scatter [tilespmem:s11], [sflag:$0x3], $0x80, $0x38;
	[tilespmem:$0x1D680] =	vst v63  }
0x605: {  	s12 =	sadd.s32 $0x2060, s6;
	s13 =	simm.s32 $0x19E30  }
0x606: {  	[hbm4b:s12+s3] =	stream.linear.scatter [tilespmem:s13], [sflag:$0x3], $0x80, $0x38;
	[tilespmem:$0x1D680] =	vst v63  }
0x607: {  	s14 =	sadd.s32 $0x2070, s6;
	s15 =	simm.s32 $0x19EB8  }
0x608: {  	[hbm4b:s14+s3] =	stream.linear.scatter [tilespmem:s15], [sflag:$0x3], $0x80, $0x38;
	[tilespmem:$0x1D680] =	vst v63  }
0x609: {  	s18 =	sadd.s32 $0x3000, s6;
	s19 =	simm.s32 $0x19F40  }
0x60a: {  	[hbm4b:s18+s3] =	stream.linear.scatter [tilespmem:s19], [sflag:$0x3], $0x80, $0x38;
	[tilespmem:$0x1D680] =	vst v63  }
0x60b: {  	s25 =	sadd.s32 $0x3010, s6;
	s26 =	simm.s32 $0x19FC8  }
0x60c: {  	[hbm4b:s25+s3] =	stream.linear.scatter [tilespmem:s26], [sflag:$0x3], $0x80, $0x38;
	[tilespmem:$0x1D680] =	vst v63  }
0x60d: {  	s8 =	sadd.s32 $0x3020, s6;
	s10 =	simm.s32 $0x1A050  }
0x60e: {  	[hbm4b:s8+s3] =	stream.linear.scatter [tilespmem:s10], [sflag:$0x3], $0x80, $0x38;
	[tilespmem:$0x1D680] =	vst v63  }
0x60f: {  	s11 =	sadd.s32 $0x3030, s6;
	s12 =	simm.s32 $0x1A0D8  }
0x610: {  	[hbm4b:s11+s3] =	stream.linear.scatter [tilespmem:s12], [sflag:$0x3], $0x80, $0x38;
	[tilespmem:$0x1D680] =	vst v63  }
0x611: {  	s13 =	sadd.s32 $0x3040, s6;
	s14 =	simm.s32 $0x1A160  }
0x612: {  	[hbm4b:s13+s3] =	stream.linear.scatter [tilespmem:s14], [sflag:$0x3], $0x80, $0x38;
	[tilespmem:$0x1D680] =	vst v63  }
0x613: {  	s15 =	sadd.s32 $0x3050, s6;
	s18 =	simm.s32 $0x1A1E8  }
0x614: {  	[hbm4b:s15+s3] =	stream.linear.scatter [tilespmem:s18], [sflag:$0x3], $0x80, $0x38;
	[tilespmem:$0x1D680] =	vst v63  }
0x615: {  	s19 =	sadd.s32 $0x3060, s6;
	s25 =	simm.s32 $0x1A270  }
0x616: {  	[hbm4b:s19+s3] =	stream.linear.scatter [tilespmem:s25], [sflag:$0x3], $0x80, $0x38;
	[tilespmem:$0x1D680] =	vst v63  }
0x617: {  	s6 =	sadd.s32 $0x3070, s6;
	s26 =	simm.s32 $0x1A2F8  }
0x618: {  	[hbm4b:s6+s3] =	stream.linear.scatter [tilespmem:s26], [sflag:$0x3], $0x80, $0x38;
	[tilespmem:$0x1D680] =	vst v63  }
.LBB2_25:
.Ltmp14:
0x619: {  	(pc) =	sbr.rel @!p2 .LBB2_27-.Ltmp14, $2  }
0x61a: {  	_ =	sdelay $0x2  }
0x61b: {  	s11 =	sor.u32 $0x1, s5  }
0x61c: {  	s0 =	sadd.s32 s0, s9  }
0x61d: {  	s0 =	sshrl.u32 s0, $0x3  }
0x61e: {  	s0 =	sadd.s32 s2, s0  }
0x61f: {  	[hbm4b:s0+s3] =	stream.linear.scatter [tilespmem:s17], [sflag:$0x3], $0x80, $0x38;
	[tilespmem:$0x1D680] =	vst v63  }
0x620: {  	s6 =	sadd.s32 $0x10, s0  }
0x621: {  	[hbm4b:s6+s3] =	stream.linear.scatter [tilespmem:s31], [sflag:$0x3], $0x80, $0x38;
	[tilespmem:$0x1D680] =	vst v63  }
0x622: {  	s7 =	simm.s32 $0x19390;
	s8 =	sadd.s32 $0x20, s0  }
0x623: {  	[hbm4b:s8+s3] =	stream.linear.scatter [tilespmem:s7], [sflag:$0x3], $0x80, $0x38;
	[tilespmem:$0x1D680] =	vst v63  }
0x624: {  	s12 =	simm.s32 $0x19418;
	s10 =	sadd.s32 $0x30, s0  }
0x625: {  	[hbm4b:s10+s3] =	stream.linear.scatter [tilespmem:s12], [sflag:$0x3], $0x80, $0x38;
	[tilespmem:$0x1D680] =	vst v63  }
0x626: {  	s14 =	simm.s32 $0x194A0;
	s13 =	sadd.s32 $0x40, s0  }
0x627: {  	[hbm4b:s13+s3] =	stream.linear.scatter [tilespmem:s14], [sflag:$0x3], $0x80, $0x38;
	[tilespmem:$0x1D680] =	vst v63  }
0x628: {  	s18 =	simm.s32 $0x19528;
	s15 =	sadd.s32 $0x50, s0  }
0x629: {  	[hbm4b:s15+s3] =	stream.linear.scatter [tilespmem:s18], [sflag:$0x3], $0x80, $0x38;
	[tilespmem:$0x1D680] =	vst v63  }
.Ltmp15:
0x62a: {  	_ = 	snop;
	(pc) =	sbr.rel @!p3 .LBB2_28-.Ltmp15, $4  }
0x62b: {  	s25 =	simm.s32 $0x195B0;
	s19 =	sadd.s32 $0x60, s0  }
0x62c: {  	[hbm4b:s19+s3] =	stream.linear.scatter [tilespmem:s25], [sflag:$0x3], $0x80, $0x38;
	[tilespmem:$0x1D680] =	vst v63  }
0x62d: {  	s26 =	simm.s32 $0x19638;
	s0 =	sadd.s32 $0x70, s0  }
0x62e: {  	[hbm4b:s0+s3] =	stream.linear.scatter [tilespmem:s26], [sflag:$0x3], $0x80, $0x38;
	[tilespmem:$0x1D680] =	vst v63  }
.LBB2_27:
.Ltmp16:
0x62f: {  	(pc) =	sbr.rel .LBB2_29-.Ltmp16, $4  }
0x630: {  	s0 =	simm.s32 $0x4  }
0x631: {  	_ =	swait.ge [sflag:s0], $0x1000  }
0x632: {  	[sflag:s0] =	ssyncset.done $0x0  }
0x633: {  	[sflag:s0] =	ssyncadd.s32 $0xFFFFF000  }
.LBB2_28:
0x634: {  	s0 =	simm.s32 $0x4  }
0x635: {  	_ =	swait.ge [sflag:s0], $0x400  }
0x636: {  	[sflag:s0] =	ssyncset.done $0x0  }
0x637: {  	[sflag:s0] =	ssyncadd.s32 $0xFFFFFC00  }
.LBB2_29:
0x638: {  	s0 =	sshll.u32 s11, $0xC  }
0x639: {  	s0 =	sshra.s32 s0, $0x2  }
0x63a: {  	s0 =	sadd.s32 $0xA20, s0  }
0x63b: {  	v6 =	vld [tilespmem:s0+$0x10]  }
0x63c: {  	v13 =	vld [tilespmem:s0+$0xFFFFFFF0]  }
0x63d: {  	v14 =	vld [tilespmem:s0+$0x0]  }
0x63e: {  	v15 =	vld [tilespmem:s0+$0xFFFFFFE0];
	_ =	sdelay $0x2  }
0x63f: {  	v17 =	vmul.u32 $0x28, v13  }
0x640: {  	v6 =	vmul.u32 $0x28, v6  }
0x641: {  	v18 =	vmul.u32 $0x28, v14;
	v19 =	vmul.u32 $0x28, v15;
	v14 =	vor.u32 v32, v17  }
0x642: {  	v13 =	vor.u32 v32, v6  }
0x643: {  	s6 =	simm.s32 $0x0;
	s7 =	simm.s32 $0x1;
	s0 =	sadd.s32 $0x40, s0;
	v16 =	vor.u32 v32, v19  }
0x644: {  	s8 =	simm.s32 $0xFFFFFFFB;
	s6 =	sand.u32 $0x70, s6;
	s7 =	sand.u32 $0x5, s7;
	v20 =	vld [tilespmem:s0+$0x10];
	v15 =	vor.u32 v32, v18  }
0x645: {  	s10 =	simm.s32 $0x0;
	s8 =	sand.u32 $0x7, s8;
	s25 =	sor.u32 s7, s6;
	v24 =	vld [tilespmem:s0+$0xFFFFFFF0]  }
0x646: {  	s12 =	simm.s32 $0x2;
	s10 =	sand.u32 $0x4, s10;
	s26 =	sor.u32 s8, s6;
	v22 =	vadd.s32 s25, v60;
	v14 =	vld.idx.msk [tilespmem:v14+s4+$0x0], $0xffff  }
0x647: {  	s12 =	sand.u32 $0x6, s12;
	s8 =	sor.u32 s10, s6;
	v23 =	vadd.s32 s26, v60;
	v25 =	vadd.s32 v10, v17;
	v13 =	vld.idx.msk [tilespmem:v13+s4+$0x0], $0xffff  }
0x648: {  	s15 =	sor.u32 s12, s6;
	v27 =	vadd.s32 s8, v60;
	v26 =	vadd.s32 v10, v6;
	v16 =	vld.idx.msk [tilespmem:v16+s4+$0x0], $0xffff  }
0x649: {  	v28 =	vadd.s32 s15, v60;
	v21 =	vld.idx.msk [tilespmem:v15+s4+$0x0], $0xffff  }
0x64a: {  	v29 =	vld [tilespmem:s0+$0x0];
	v15 =	vmul.u32 $0x28, v20;
	v20 =	vadd.s32 v10, v19  }
0x64b: {  	v31 =	vld [tilespmem:s0+$0xFFFFFFE0];
	v30 =	vadd.s32 v10, v18;
	[tilespmem:v22+s1+$0x0] =	vst.idx.msk $0xffff, v14  }
0x64c: {  	v22 =	vor.u32 v32, v15;
	[tilespmem:v23+s1+$0x0] =	vst.idx.msk $0xffff, v13;
	v23 =	vld.idx.msk [tilespmem:v25+s4+$0x0], $0xffff;
	v25 =	vadd.s32 s25, v61  }
0x64d: {  	s0 =	sadd.s32 $0x40, s0;
	v13 =	vmul.u32 $0x28, v24;
	v24 =	vadd.s32 s26, v61;
	[tilespmem:v27+s1+$0x0] =	vst.idx.msk $0xffff, v16;
	v27 =	vadd.s32 v11, v17;
	v26 =	vld.idx.msk [tilespmem:v26+s4+$0x0], $0xffff  }
0x64e: {  	v37 =	vld [tilespmem:s0+$0x10];
	[tilespmem:v28+s1+$0x0] =	vst.idx.msk $0xffff, v21;
	v21 =	vadd.s32 v11, v6  }
0x64f: {  	v14 =	vmul.u32 $0x28, v29;
	v20 =	vld.idx.msk [tilespmem:v20+s4+$0x0], $0xffff;
	v28 =	vor.u32 v32, v13  }
0x650: {  	s13 =	simm.s32 $0x8;
	s14 =	simm.s32 $0xFFFFFFFF;
	v33 =	vor.u32 s8, v1;
	v29 =	vld.idx.msk [tilespmem:v30+s4+$0x0], $0xffff;
	v30 =	vadd.s32 s15, v61  }
0x651: {  	s6 =	sand.u32 $0x70, s13;
	s8 =	sand.u32 $0x7, s14;
	v35 =	vadd.s32 v7, v33;
	v34 =	vor.u32 v32, v14;
	v22 =	vld.idx.msk [tilespmem:v22+s4+$0x0], $0xffff;
	[tilespmem:v25+s1+$0x0] =	vst.idx.msk $0xffff, v23  }
0x652: {  	s10 =	sor.u32 s8, s6;
	v36 =	vadd.s32 v11, v18;
	v16 =	vmul.u32 $0x28, v31;
	[tilespmem:v24+s1+$0x0] =	vst.idx.msk $0xffff, v26;
	v24 =	vld.idx.msk [tilespmem:v27+s4+$0x0], $0xffff  }
0x653: {  	s18 =	simm.s32 $0x5;
	v23 =	vadd.s32 v11, v19;
	v25 =	vadd.s32 s10, v60;
	v21 =	vld.idx.msk [tilespmem:v21+s4+$0x0], $0xffff  }
0x654: {  	s8 =	sand.u32 $0x5, s18;
	v26 =	vor.u32 v32, v16;
	v27 =	vld.idx.msk [tilespmem:v28+s4+$0x0], $0xffff;
	v28 =	vadd.s32 s26, v62  }
0x655: {  	s12 =	sor.u32 s8, s6;
	v40 =	vld [tilespmem:s0+$0xFFFFFFE0];
	v31 =	vadd.s32 s25, v62;
	[tilespmem:v30+s1+$0x0] =	vst.idx.msk $0xffff, v29  }
0x656: {  	s19 =	simm.s32 $0x6;
	[tilespmem:v35+s1+$0x0] =	vst.idx.msk $0xffff, v20;
	v20 =	vadd.s32 s12, v60;
	v34 =	vld.idx.msk [tilespmem:v34+s4+$0x0], $0xffff  }
0x657: {  	s13 =	simm.s32 $0x4;
	s8 =	sand.u32 $0x6, s19;
	v6 =	vadd.s32 v12, v6;
	v30 =	vadd.s32 s15, v62;
	v29 =	vld.idx.msk [tilespmem:v36+s4+$0x0], $0xffff  }
0x658: {  	s14 =	sand.u32 $0x4, s13;
	s8 =	sor.u32 s8, s6;
	v35 =	vadd.s32 v8, v33;
	v23 =	vld.idx.msk [tilespmem:v23+s4+$0x0], $0xffff;
	[tilespmem:v25+s1+$0x0] =	vst.idx.msk $0xffff, v22;
	v25 =	vadd.s32 v10, v15  }
0x659: {  	s6 =	sor.u32 s14, s6;
	v38 =	vadd.s32 v12, v19;
	v52 =	vld.idx.msk [tilespmem:v26+s4+$0x0], $0xffff;
	v26 =	vadd.s32 s8, v60;
	[tilespmem:v28+s1+$0x0] =	vst.idx.msk $0xffff, v21  }
0x65a: {  	v42 =	vld [tilespmem:s0+$0x0];
	[tilespmem:v31+s1+$0x0] =	vst.idx.msk $0xffff, v24;
	v24 =	vadd.s32 s6, v60;
	v28 =	vadd.s32 v10, v13  }
0x65b: {  	v22 =	vld [tilespmem:s0+$0xFFFFFFF0];
	[tilespmem:v20+s1+$0x0] =	vst.idx.msk $0xffff, v27;
	v20 =	vadd.s32 v12, v17  }
0x65c: {  	v43 =	vadd.s32 v10, v16;
	[tilespmem:v30+s1+$0x0] =	vst.idx.msk $0xffff, v29;
	v29 =	vadd.s32 v12, v18;
	v39 =	vld.idx.msk [tilespmem:v6+s4+$0x0], $0xffff  }
0x65d: {  	v41 =	vadd.s32 s26, v63;
	v45 =	vadd.s32 v10, v14;
	v19 =	vmul.u32 $0x28, v37;
	v44 =	vld.idx.msk [tilespmem:v25+s4+$0x0], $0xffff;
	[tilespmem:v35+s1+$0x0] =	vst.idx.msk $0xffff, v23  }
0x65e: {  	v46 =	vadd.s32 s10, v61;
	v36 =	vadd.s32 v11, v15;
	v21 =	vadd.s32 s8, v61;
	[tilespmem:v26+s1+$0x0] =	vst.idx.msk $0xffff, v34;
	v25 =	vld.idx.msk [tilespmem:v38+s4+$0x0], $0xffff  }
0x65f: {  	v26 =	vor.u32 v32, v19;
	v35 =	vadd.s32 v9, v33;
	[tilespmem:v24+s1+$0x0] =	vst.idx.msk $0xffff, v52;
	v24 =	vld.idx.msk [tilespmem:v28+s4+$0x0], $0xffff  }
0x660: {  	v31 =	vadd.s32 s12, v61;
	v27 =	vadd.s32 s25, v63;
	v18 =	vmul.u32 $0x28, v42;
	v23 =	vld.idx.msk [tilespmem:v20+s4+$0x0], $0xffff  }
0x661: {  	s7 =	simm.s32 $0x8;
	s18 =	simm.s32 $0x3;
	v17 =	vmul.u32 $0x28, v22;
	v20 =	vor.u32 s6, v1;
	v38 =	vadd.s32 v11, v13;
	v30 =	vld.idx.msk [tilespmem:v29+s4+$0x0], $0xffff  }
0x662: {  	s18 =	sand.u32 $0x7, s18;
	s14 =	simm.s32 $0x10;
	s25 =	simm.s32 $0xA;
	v33 =	vadd.s32 s15, v63;
	v22 =	vmul.u32 $0x28, v40;
	[tilespmem:v41+s1+$0x0] =	vst.idx.msk $0xffff, v39;
	v28 =	vld.idx.msk [tilespmem:v43+s4+$0x0], $0xffff;
	v37 =	vadd.s32 v7, v20  }
0x663: {  	s26 =	sand.u32 $0x70, s14;
	s15 =	simm.s32 $0x8;
	s6 =	sand.u32 $0x6, s25;
	v29 =	vor.u32 v32, v18;
	v34 =	vld.idx.msk [tilespmem:v45+s4+$0x0], $0xffff;
	v6 =	vor.u32 v32, v17;
	[tilespmem:v46+s1+$0x0] =	vst.idx.msk $0xffff, v44  }
.LBB2_30:
0x664: {  	s25 =	sor.u32 s6, s26;
	s6 =	sor.u32 s18, s26;
	v26 =	vld.idx.msk [tilespmem:v26+s4+$0x0], $0xffff;
	s0 =	sadd.s32 $0x40, s0;
	v39 =	vadd.s32 v11, v14;
	[tilespmem:v35+s1+$0x0] =	vst.idx.msk $0xffff, v25  }
0x665: {  	s18 =	smov.u32 s7;
	s7 =	sadd.s32 $0x4, s7;
	v25 =	vld [tilespmem:s0+$0x10];
	v35 =	vor.u32 v32, v22;
	v40 =	vadd.s32 s25, v61;
	v41 =	vadd.s32 s6, v60;
	[tilespmem:v31+s1+$0x0] =	vst.idx.msk $0xffff, v24  }
0x666: {  	p4 =	slt.u32 s7, $0x3C;
	v24 =	vadd.s32 v11, v16;
	v31 =	vld.idx.msk [tilespmem:v38+s4+$0x0], $0xffff;
	[tilespmem:v27+s1+$0x0] =	vst.idx.msk $0xffff, v23  }
0x667: {  	s19 =	sadd.s32 $0x5, s13;
	s13 =	smov.u32 s18;
	v23 =	vadd.s32 s12, v62;
	[tilespmem:v37+s1+$0x0] =	vst.idx.msk $0xffff, v28;
	v27 =	vld.idx.msk [tilespmem:v36+s4+$0x0], $0xffff  }
0x668: {  	s18 =	sand.u32 $0x5, s19;
	v28 =	vadd.s32 s10, v62;
	v6 =	vld.idx.msk [tilespmem:v6+s4+$0x0], $0xffff;
	[tilespmem:v33+s1+$0x0] =	vst.idx.msk $0xffff, v30  }
0x669: {  	s18 =	sor.u32 s18, s26;
	v30 =	vadd.s32 v12, v15;
	v15 =	vmov v19;
	v29 =	vld.idx.msk [tilespmem:v29+s4+$0x0], $0xffff;
	[tilespmem:v21+s1+$0x0] =	vst.idx.msk $0xffff, v34;
	v21 =	vmov v40  }
0x66a: {  	v19 =	vadd.s32 s18, v60;
	[tilespmem:v41+s1+$0x0] =	vst.idx.msk $0xffff, v26;
	v26 =	vld.idx.msk [tilespmem:v39+s4+$0x0], $0xffff  }
0x66b: {  	v33 =	vadd.s32 s8, v62;
	v24 =	vld.idx.msk [tilespmem:v24+s4+$0x0], $0xffff  }
0x66c: {  	s19 =	sand.u32 $0x4, s15;
	s15 =	smov.u32 s7;
	v37 =	vadd.s32 v8, v20;
	v36 =	vadd.s32 v10, v15;
	v34 =	vld [tilespmem:s0+$0xFFFFFFF0];
	[tilespmem:v23+s1+$0x0] =	vst.idx.msk $0xffff, v31  }
0x66d: {  	s19 =	sor.u32 s19, s26;
	v31 =	vadd.s32 s25, v60;
	v23 =	vld.idx.msk [tilespmem:v35+s4+$0x0], $0xffff;
	v35 =	vadd.s32 v12, v16;
	[tilespmem:v28+s1+$0x0] =	vst.idx.msk $0xffff, v27;
	v16 =	vmov v22  }
0x66e: {  	s14 =	sadd.s32 $0x8, s14;
	v22 =	vadd.s32 s19, v60;
	v27 =	vadd.s32 v10, v17;
	v28 =	vld.idx.msk [tilespmem:v30+s4+$0x0], $0xffff  }
0x66f: {  	v38 =	vadd.s32 s10, v63;
	s10 =	smov.u32 s6;
	v30 =	vadd.s32 v12, v13;
	v13 =	vmov v17;
	v39 =	vld [tilespmem:s0+$0xFFFFFFE0];
	[tilespmem:v19+s1+$0x0] =	vst.idx.msk $0xffff, v6  }
0x670: {  	v41 =	vadd.s32 v10, v16;
	v19 =	vmul.u32 $0x28, v25;
	v40 =	vld [tilespmem:s0+$0x0];
	[tilespmem:v33+s1+$0x0] =	vst.idx.msk $0xffff, v26;
	v33 =	vadd.s32 v12, v14  }
0x671: {  	v42 =	vadd.s32 v10, v18;
	v14 =	vmov v18;
	v43 =	vld.idx.msk [tilespmem:v36+s4+$0x0], $0xffff;
	[tilespmem:v37+s1+$0x0] =	vst.idx.msk $0xffff, v24  }
0x672: {  	v44 =	vadd.s32 s10, v61;
	v17 =	vmul.u32 $0x28, v34;
	v26 =	vor.u32 v32, v19;
	[tilespmem:v31+s1+$0x0] =	vst.idx.msk $0xffff, v29;
	v25 =	vld.idx.msk [tilespmem:v35+s4+$0x0], $0xffff  }
.Ltmp17:
0x673: {  	v35 =	vadd.s32 v9, v20;
	[tilespmem:v22+s1+$0x0] =	vst.idx.msk $0xffff, v23;
	v24 =	vld.idx.msk [tilespmem:v27+s4+$0x0], $0xffff;
	(pc) =	sbr.rel @p4 .LBB2_30-.Ltmp17, $4  }
0x674: {  	v31 =	vadd.s32 s18, v61;
	v6 =	vor.u32 v32, v17;
	v27 =	vadd.s32 s12, v63;
	s12 =	smov.u32 s18;
	v23 =	vld.idx.msk [tilespmem:v30+s4+$0x0], $0xffff;
	[tilespmem:v38+s1+$0x0] =	vst.idx.msk $0xffff, v28  }
0x675: {  	v20 =	vor.u32 s19, v1;
	v38 =	vadd.s32 v11, v13;
	v18 =	vmul.u32 $0x28, v40;
	v28 =	vld.idx.msk [tilespmem:v41+s4+$0x0], $0xffff  }
0x676: {  	s6 =	sadd.s32 $0x6, s13;
	v36 =	vadd.s32 v11, v15;
	s18 =	sadd.s32 $0xFFFFFFFF, s13;
	v37 =	vadd.s32 v7, v20;
	v30 =	vld.idx.msk [tilespmem:v33+s4+$0x0], $0xffff;
	v33 =	vadd.s32 s8, v63;
	s8 =	smov.u32 s25  }
0x677: {  	s26 =	sand.u32 $0x70, s14;
	s6 =	sand.u32 $0x6, s6;
	v22 =	vmul.u32 $0x28, v39;
	s18 =	sand.u32 $0x7, s18;
	v29 =	vor.u32 v32, v18;
	v34 =	vld.idx.msk [tilespmem:v42+s4+$0x0], $0xffff;
	[tilespmem:v44+s1+$0x0] =	vst.idx.msk $0xffff, v43  }
0x678: {  	_ =	sdelay $0x2  }
0x679: {  	v39 =	vor.u32 v32, v22  }
0x67a: {  	s0 =	sor.u32 s18, s26;
	[tilespmem:v35+s1+$0x0] =	vst.idx.msk $0xffff, v25  }
0x67b: {  	v46 =	vld.idx.msk [tilespmem:v26+s4+$0x0], $0xffff;
	[tilespmem:v31+s1+$0x0] =	vst.idx.msk $0xffff, v24;
	v52 =	vadd.s32 s0, v60  }
0x67c: {  	v40 =	vadd.s32 v11, v14;
	s7 =	sadd.s32 $0x5, s13;
	v41 =	vadd.s32 s12, v62;
	s25 =	sand.u32 $0x4, s15;
	v31 =	vld.idx.msk [tilespmem:v38+s4+$0x0], $0xffff;
	[tilespmem:v27+s1+$0x0] =	vst.idx.msk $0xffff, v23  }
0x67d: {  	v42 =	vadd.s32 v11, v16;
	v43 =	vadd.s32 s10, v62;
	s7 =	sand.u32 $0x5, s7;
	s14 =	sor.u32 s25, s26;
	[tilespmem:v37+s1+$0x0] =	vst.idx.msk $0xffff, v28;
	v28 =	vld.idx.msk [tilespmem:v36+s4+$0x0], $0xffff  }
0x67e: {  	s7 =	sor.u32 s7, s26;
	v36 =	vadd.s32 s14, v60;
	[tilespmem:v33+s1+$0x0] =	vst.idx.msk $0xffff, v30;
	v30 =	vadd.s32 v10, v19;
	v33 =	vld.idx.msk [tilespmem:v39+s4+$0x0], $0xffff  }
0x67f: {  	v6 =	vld.idx.msk [tilespmem:v6+s4+$0x0], $0xffff;
	v45 =	vadd.s32 v10, v22;
	s26 =	sor.u32 s6, s26;
	v44 =	vadd.s32 s7, v60;
	[tilespmem:v21+s1+$0x0] =	vst.idx.msk $0xffff, v34  }
0x680: {  	v29 =	vld.idx.msk [tilespmem:v29+s4+$0x0], $0xffff;
	[tilespmem:v52+s1+$0x0] =	vst.idx.msk $0xffff, v46;
	v46 =	vadd.s32 s26, v60;
	v52 =	vadd.s32 v10, v17  }
0x681: {  	v24 =	vld.idx.msk [tilespmem:v40+s4+$0x0], $0xffff;
	v40 =	vadd.s32 s8, v62;
	[tilespmem:v41+s1+$0x0] =	vst.idx.msk $0xffff, v31;
	v41 =	vadd.s32 v10, v18  }
0x682: {  	v15 =	vadd.s32 v12, v15;
	v27 =	vld.idx.msk [tilespmem:v42+s4+$0x0], $0xffff;
	v42 =	vadd.s32 v8, v20;
	[tilespmem:v43+s1+$0x0] =	vst.idx.msk $0xffff, v28  }
0x683: {  	v43 =	vadd.s32 v12, v16;
	v28 =	vld.idx.msk [tilespmem:v30+s4+$0x0], $0xffff;
	v30 =	vadd.s32 s0, v61;
	[tilespmem:v36+s1+$0x0] =	vst.idx.msk $0xffff, v33;
	v33 =	vor.u32 s14, v1  }
0x684: {  	[tilespmem:v44+s1+$0x0] =	vst.idx.msk $0xffff, v6;
	v44 =	vadd.s32 v11, v19;
	v6 =	vld.idx.msk [tilespmem:v45+s4+$0x0], $0xffff;
	v21 =	vadd.s32 v7, v33  }
0x685: {  	[tilespmem:v46+s1+$0x0] =	vst.idx.msk $0xffff, v29;
	v46 =	vadd.s32 s7, v61;
	v45 =	vld.idx.msk [tilespmem:v52+s4+$0x0], $0xffff;
	v52 =	vadd.s32 v11, v22  }
0x686: {  	v35 =	vadd.s32 s26, v61;
	[tilespmem:v40+s1+$0x0] =	vst.idx.msk $0xffff, v24;
	v40 =	vadd.s32 v11, v17;
	v23 =	vld.idx.msk [tilespmem:v41+s4+$0x0], $0xffff  }
0x687: {  	v15 =	vld.idx.msk [tilespmem:v15+s4+$0x0], $0xffff;
	[tilespmem:v42+s1+$0x0] =	vst.idx.msk $0xffff, v27;
	v42 =	vadd.s32 v11, v18;
	v41 =	vadd.s32 s10, v63  }
0x688: {  	v13 =	vadd.s32 v12, v13;
	v16 =	vld.idx.msk [tilespmem:v43+s4+$0x0], $0xffff;
	v43 =	vadd.s32 v9, v20;
	[tilespmem:v30+s1+$0x0] =	vst.idx.msk $0xffff, v28  }
0x689: {  	v14 =	vadd.s32 v12, v14;
	[tilespmem:v21+s1+$0x0] =	vst.idx.msk $0xffff, v6;
	v6 =	vld.idx.msk [tilespmem:v44+s4+$0x0], $0xffff;
	v44 =	vadd.s32 s0, v62  }
0x68a: {  	[tilespmem:v46+s1+$0x0] =	vst.idx.msk $0xffff, v45;
	v45 =	vadd.s32 v12, v19;
	v46 =	vld.idx.msk [tilespmem:v52+s4+$0x0], $0xffff;
	v52 =	vadd.s32 v8, v33  }
0x68b: {  	v37 =	vadd.s32 v12, v22;
	v34 =	vadd.s32 s7, v62;
	[tilespmem:v35+s1+$0x0] =	vst.idx.msk $0xffff, v23;
	v24 =	vld.idx.msk [tilespmem:v40+s4+$0x0], $0xffff  }
0x68c: {  	v38 =	vadd.s32 s26, v62;
	v39 =	vadd.s32 v12, v17;
	[tilespmem:v41+s1+$0x0] =	vst.idx.msk $0xffff, v15;
	v15 =	vld.idx.msk [tilespmem:v42+s4+$0x0], $0xffff  }
0x68d: {  	v13 =	vld.idx.msk [tilespmem:v13+s4+$0x0], $0xffff;
	[tilespmem:v43+s1+$0x0] =	vst.idx.msk $0xffff, v16;
	v41 =	vadd.s32 v12, v18;
	v40 =	vadd.s32 s12, v63  }
0x68e: {  	v14 =	vld.idx.msk [tilespmem:v14+s4+$0x0], $0xffff;
	v42 =	vadd.s32 s8, v63;
	[tilespmem:v44+s1+$0x0] =	vst.idx.msk $0xffff, v6  }
0x68f: {  	v43 =	vadd.s32 s0, v63;
	v6 =	vld.idx.msk [tilespmem:v45+s4+$0x0], $0xffff;
	[tilespmem:v52+s1+$0x0] =	vst.idx.msk $0xffff, v46  }
0x690: {  	[tilespmem:v34+s1+$0x0] =	vst.idx.msk $0xffff, v24;
	v45 =	vadd.s32 v9, v33;
	v44 =	vld.idx.msk [tilespmem:v37+s4+$0x0], $0xffff  }
0x691: {  	[tilespmem:v38+s1+$0x0] =	vst.idx.msk $0xffff, v15;
	v46 =	vadd.s32 s7, v63;
	v15 =	vld.idx.msk [tilespmem:v39+s4+$0x0], $0xffff  }
0x692: {  	[tilespmem:v40+s1+$0x0] =	vst.idx.msk $0xffff, v13;
	v52 =	vadd.s32 s26, v63;
	v13 =	vld.idx.msk [tilespmem:v41+s4+$0x0], $0xffff  }
.Ltmp18:
0x693: {  	[tilespmem:v42+s1+$0x0] =	vst.idx.msk $0xffff, v14;
	(pc) =	sbr.rel @p1 .LBB2_33-.Ltmp18, $4  }
0x694: {  	[tilespmem:v43+s1+$0x0] =	vst.idx.msk $0xffff, v6  }
0x695: {  	[tilespmem:v45+s1+$0x0] =	vst.idx.msk $0xffff, v44  }
0x696: {  	[tilespmem:v46+s1+$0x0] =	vst.idx.msk $0xffff, v15  }
0x697: {  	s0 =	smul.u32 $0x3E8000, s11;
	[tilespmem:v52+s1+$0x0] =	vst.idx.msk $0xffff, v13  }
0x698: {  	_ = 	snop  }
0x699: {  	s6 =	sadd.s32 s21, s0  }
0x69a: {  	s6 =	sshrl.u32 s6, $0x3  }
0x69b: {  	s6 =	sadd.s32 s2, s6  }
0x69c: {  	[hbm4b:s6+s3] =	stream.linear.scatter [tilespmem:s1], [sflag:$0x4], $0x80, $0x38;
	[tilespmem:$0x1D680] =	vst v63  }
0x69d: {  	s8 =	simm.s32 $0x1A408;
	s7 =	sadd.s32 $0x10, s6  }
0x69e: {  	[hbm4b:s7+s3] =	stream.linear.scatter [tilespmem:s8], [sflag:$0x4], $0x80, $0x38;
	[tilespmem:$0x1D680] =	vst v63  }
0x69f: {  	s13 =	simm.s32 $0x1A490;
	s12 =	sadd.s32 $0x20, s6  }
0x6a0: {  	[hbm4b:s12+s3] =	stream.linear.scatter [tilespmem:s13], [sflag:$0x4], $0x80, $0x38;
	[tilespmem:$0x1D680] =	vst v63  }
0x6a1: {  	s15 =	simm.s32 $0x1A518;
	s14 =	sadd.s32 $0x30, s6  }
0x6a2: {  	[hbm4b:s14+s3] =	stream.linear.scatter [tilespmem:s15], [sflag:$0x4], $0x80, $0x38;
	[tilespmem:$0x1D680] =	vst v63  }
0x6a3: {  	s19 =	simm.s32 $0x1A5A0;
	s18 =	sadd.s32 $0x40, s6  }
0x6a4: {  	[hbm4b:s18+s3] =	stream.linear.scatter [tilespmem:s19], [sflag:$0x4], $0x80, $0x38;
	[tilespmem:$0x1D680] =	vst v63  }
0x6a5: {  	s26 =	simm.s32 $0x1A628;
	s25 =	sadd.s32 $0x50, s6  }
0x6a6: {  	[hbm4b:s25+s3] =	stream.linear.scatter [tilespmem:s26], [sflag:$0x4], $0x80, $0x38;
	[tilespmem:$0x1D680] =	vst v63  }
0x6a7: {  	s11 =	simm.s32 $0x1A6B0;
	s10 =	sadd.s32 $0x60, s6  }
0x6a8: {  	[hbm4b:s10+s3] =	stream.linear.scatter [tilespmem:s11], [sflag:$0x4], $0x80, $0x38;
	[tilespmem:$0x1D680] =	vst v63  }
0x6a9: {  	s12 =	sadd.s32 $0x70, s6;
	s13 =	simm.s32 $0x1A738  }
0x6aa: {  	[hbm4b:s12+s3] =	stream.linear.scatter [tilespmem:s13], [sflag:$0x4], $0x80, $0x38;
	[tilespmem:$0x1D680] =	vst v63  }
0x6ab: {  	s14 =	sadd.s32 $0x1000, s6;
	s15 =	simm.s32 $0x1A7C0  }
0x6ac: {  	[hbm4b:s14+s3] =	stream.linear.scatter [tilespmem:s15], [sflag:$0x4], $0x80, $0x38;
	[tilespmem:$0x1D680] =	vst v63  }
0x6ad: {  	s18 =	sadd.s32 $0x1010, s6;
	s19 =	simm.s32 $0x1A848  }
0x6ae: {  	[hbm4b:s18+s3] =	stream.linear.scatter [tilespmem:s19], [sflag:$0x4], $0x80, $0x38;
	[tilespmem:$0x1D680] =	vst v63  }
0x6af: {  	s25 =	sadd.s32 $0x1020, s6;
	s26 =	simm.s32 $0x1A8D0  }
0x6b0: {  	[hbm4b:s25+s3] =	stream.linear.scatter [tilespmem:s26], [sflag:$0x4], $0x80, $0x38;
	[tilespmem:$0x1D680] =	vst v63  }
0x6b1: {  	s10 =	sadd.s32 $0x1030, s6;
	s11 =	simm.s32 $0x1A958  }
0x6b2: {  	[hbm4b:s10+s3] =	stream.linear.scatter [tilespmem:s11], [sflag:$0x4], $0x80, $0x38;
	[tilespmem:$0x1D680] =	vst v63  }
0x6b3: {  	s12 =	sadd.s32 $0x1040, s6;
	s13 =	simm.s32 $0x1A9E0  }
0x6b4: {  	[hbm4b:s12+s3] =	stream.linear.scatter [tilespmem:s13], [sflag:$0x4], $0x80, $0x38;
	[tilespmem:$0x1D680] =	vst v63  }
0x6b5: {  	s14 =	sadd.s32 $0x1050, s6;
	s15 =	simm.s32 $0x1AA68  }
0x6b6: {  	[hbm4b:s14+s3] =	stream.linear.scatter [tilespmem:s15], [sflag:$0x4], $0x80, $0x38;
	[tilespmem:$0x1D680] =	vst v63  }
0x6b7: {  	s18 =	sadd.s32 $0x1060, s6;
	s19 =	simm.s32 $0x1AAF0  }
0x6b8: {  	[hbm4b:s18+s3] =	stream.linear.scatter [tilespmem:s19], [sflag:$0x4], $0x80, $0x38;
	[tilespmem:$0x1D680] =	vst v63  }
0x6b9: {  	s25 =	sadd.s32 $0x1070, s6;
	s26 =	simm.s32 $0x1AB78  }
0x6ba: {  	[hbm4b:s25+s3] =	stream.linear.scatter [tilespmem:s26], [sflag:$0x4], $0x80, $0x38;
	[tilespmem:$0x1D680] =	vst v63  }
0x6bb: {  	s10 =	sadd.s32 $0x2000, s6;
	s11 =	simm.s32 $0x1AC00  }
0x6bc: {  	[hbm4b:s10+s3] =	stream.linear.scatter [tilespmem:s11], [sflag:$0x4], $0x80, $0x38;
	[tilespmem:$0x1D680] =	vst v63  }
0x6bd: {  	s12 =	sadd.s32 $0x2010, s6;
	s13 =	simm.s32 $0x1AC88  }
0x6be: {  	[hbm4b:s12+s3] =	stream.linear.scatter [tilespmem:s13], [sflag:$0x4], $0x80, $0x38;
	[tilespmem:$0x1D680] =	vst v63  }
0x6bf: {  	s14 =	sadd.s32 $0x2020, s6;
	s15 =	simm.s32 $0x1AD10  }
0x6c0: {  	[hbm4b:s14+s3] =	stream.linear.scatter [tilespmem:s15], [sflag:$0x4], $0x80, $0x38;
	[tilespmem:$0x1D680] =	vst v63  }
0x6c1: {  	s18 =	sadd.s32 $0x2030, s6;
	s19 =	simm.s32 $0x1AD98  }
0x6c2: {  	[hbm4b:s18+s3] =	stream.linear.scatter [tilespmem:s19], [sflag:$0x4], $0x80, $0x38;
	[tilespmem:$0x1D680] =	vst v63  }
0x6c3: {  	s25 =	sadd.s32 $0x2040, s6;
	s26 =	simm.s32 $0x1AE20  }
0x6c4: {  	[hbm4b:s25+s3] =	stream.linear.scatter [tilespmem:s26], [sflag:$0x4], $0x80, $0x38;
	[tilespmem:$0x1D680] =	vst v63  }
0x6c5: {  	s10 =	sadd.s32 $0x2050, s6;
	s11 =	simm.s32 $0x1AEA8  }
0x6c6: {  	[hbm4b:s10+s3] =	stream.linear.scatter [tilespmem:s11], [sflag:$0x4], $0x80, $0x38;
	[tilespmem:$0x1D680] =	vst v63  }
0x6c7: {  	s12 =	sadd.s32 $0x2060, s6;
	s13 =	simm.s32 $0x1AF30  }
0x6c8: {  	[hbm4b:s12+s3] =	stream.linear.scatter [tilespmem:s13], [sflag:$0x4], $0x80, $0x38;
	[tilespmem:$0x1D680] =	vst v63  }
0x6c9: {  	s14 =	sadd.s32 $0x2070, s6;
	s15 =	simm.s32 $0x1AFB8  }
0x6ca: {  	[hbm4b:s14+s3] =	stream.linear.scatter [tilespmem:s15], [sflag:$0x4], $0x80, $0x38;
	[tilespmem:$0x1D680] =	vst v63  }
0x6cb: {  	s18 =	sadd.s32 $0x3000, s6;
	s19 =	simm.s32 $0x1B040  }
0x6cc: {  	[hbm4b:s18+s3] =	stream.linear.scatter [tilespmem:s19], [sflag:$0x4], $0x80, $0x38;
	[tilespmem:$0x1D680] =	vst v63  }
0x6cd: {  	s25 =	sadd.s32 $0x3010, s6;
	s26 =	simm.s32 $0x1B0C8  }
0x6ce: {  	[hbm4b:s25+s3] =	stream.linear.scatter [tilespmem:s26], [sflag:$0x4], $0x80, $0x38;
	[tilespmem:$0x1D680] =	vst v63  }
0x6cf: {  	s8 =	sadd.s32 $0x3020, s6;
	s10 =	simm.s32 $0x1B150  }
0x6d0: {  	[hbm4b:s8+s3] =	stream.linear.scatter [tilespmem:s10], [sflag:$0x4], $0x80, $0x38;
	[tilespmem:$0x1D680] =	vst v63  }
0x6d1: {  	s11 =	sadd.s32 $0x3030, s6;
	s12 =	simm.s32 $0x1B1D8  }
0x6d2: {  	[hbm4b:s11+s3] =	stream.linear.scatter [tilespmem:s12], [sflag:$0x4], $0x80, $0x38;
	[tilespmem:$0x1D680] =	vst v63  }
0x6d3: {  	s13 =	sadd.s32 $0x3040, s6;
	s14 =	simm.s32 $0x1B260  }
0x6d4: {  	[hbm4b:s13+s3] =	stream.linear.scatter [tilespmem:s14], [sflag:$0x4], $0x80, $0x38;
	[tilespmem:$0x1D680] =	vst v63  }
0x6d5: {  	s15 =	sadd.s32 $0x3050, s6;
	s18 =	simm.s32 $0x1B2E8  }
0x6d6: {  	[hbm4b:s15+s3] =	stream.linear.scatter [tilespmem:s18], [sflag:$0x4], $0x80, $0x38;
	[tilespmem:$0x1D680] =	vst v63  }
0x6d7: {  	s19 =	sadd.s32 $0x3060, s6;
	s25 =	simm.s32 $0x1B370  }
0x6d8: {  	[hbm4b:s19+s3] =	stream.linear.scatter [tilespmem:s25], [sflag:$0x4], $0x80, $0x38;
	[tilespmem:$0x1D680] =	vst v63  }
0x6d9: {  	s6 =	sadd.s32 $0x3070, s6;
	s26 =	simm.s32 $0x1B3F8  }
0x6da: {  	[hbm4b:s6+s3] =	stream.linear.scatter [tilespmem:s26], [sflag:$0x4], $0x80, $0x38;
	[tilespmem:$0x1D680] =	vst v63  }
.LBB2_33:
.Ltmp19:
0x6db: {  	(pc) =	sbr.rel @!p2 .LBB2_35-.Ltmp19, $2  }
0x6dc: {  	_ =	sdelay $0x2  }
0x6dd: {  	s11 =	sor.u32 $0x2, s5  }
0x6de: {  	s0 =	sadd.s32 s0, s9  }
0x6df: {  	s0 =	sshrl.u32 s0, $0x3  }
0x6e0: {  	s0 =	sadd.s32 s2, s0  }
0x6e1: {  	[hbm4b:s0+s3] =	stream.linear.scatter [tilespmem:s1], [sflag:$0x4], $0x80, $0x38;
	[tilespmem:$0x1D680] =	vst v63  }
0x6e2: {  	s7 =	simm.s32 $0x1A408;
	s6 =	sadd.s32 $0x10, s0  }
0x6e3: {  	[hbm4b:s6+s3] =	stream.linear.scatter [tilespmem:s7], [sflag:$0x4], $0x80, $0x38;
	[tilespmem:$0x1D680] =	vst v63  }
0x6e4: {  	s8 =	simm.s32 $0x1A490;
	s7 =	sadd.s32 $0x20, s0  }
0x6e5: {  	[hbm4b:s7+s3] =	stream.linear.scatter [tilespmem:s8], [sflag:$0x4], $0x80, $0x38;
	[tilespmem:$0x1D680] =	vst v63  }
0x6e6: {  	s12 =	simm.s32 $0x1A518;
	s10 =	sadd.s32 $0x30, s0  }
0x6e7: {  	[hbm4b:s10+s3] =	stream.linear.scatter [tilespmem:s12], [sflag:$0x4], $0x80, $0x38;
	[tilespmem:$0x1D680] =	vst v63  }
0x6e8: {  	s14 =	simm.s32 $0x1A5A0;
	s13 =	sadd.s32 $0x40, s0  }
0x6e9: {  	[hbm4b:s13+s3] =	stream.linear.scatter [tilespmem:s14], [sflag:$0x4], $0x80, $0x38;
	[tilespmem:$0x1D680] =	vst v63  }
0x6ea: {  	s18 =	simm.s32 $0x1A628;
	s15 =	sadd.s32 $0x50, s0  }
0x6eb: {  	[hbm4b:s15+s3] =	stream.linear.scatter [tilespmem:s18], [sflag:$0x4], $0x80, $0x38;
	[tilespmem:$0x1D680] =	vst v63  }
.Ltmp20:
0x6ec: {  	_ = 	snop;
	(pc) =	sbr.rel @!p3 .LBB2_36-.Ltmp20, $4  }
0x6ed: {  	s25 =	simm.s32 $0x1A6B0;
	s19 =	sadd.s32 $0x60, s0  }
0x6ee: {  	[hbm4b:s19+s3] =	stream.linear.scatter [tilespmem:s25], [sflag:$0x4], $0x80, $0x38;
	[tilespmem:$0x1D680] =	vst v63  }
0x6ef: {  	s26 =	simm.s32 $0x1A738;
	s0 =	sadd.s32 $0x70, s0  }
0x6f0: {  	[hbm4b:s0+s3] =	stream.linear.scatter [tilespmem:s26], [sflag:$0x4], $0x80, $0x38;
	[tilespmem:$0x1D680] =	vst v63  }
.LBB2_35:
.Ltmp21:
0x6f1: {  	(pc) =	sbr.rel .LBB2_37-.Ltmp21, $4  }
0x6f2: {  	s0 =	simm.s32 $0x5  }
0x6f3: {  	_ =	swait.ge [sflag:s0], $0x1000  }
0x6f4: {  	[sflag:s0] =	ssyncset.done $0x0  }
0x6f5: {  	[sflag:s0] =	ssyncadd.s32 $0xFFFFF000  }
.LBB2_36:
0x6f6: {  	s0 =	simm.s32 $0x5  }
0x6f7: {  	_ =	swait.ge [sflag:s0], $0x400  }
0x6f8: {  	[sflag:s0] =	ssyncset.done $0x0  }
0x6f9: {  	[sflag:s0] =	ssyncadd.s32 $0xFFFFFC00  }
.LBB2_37:
0x6fa: {  	s0 =	sshll.u32 s11, $0xC  }
0x6fb: {  	s0 =	sshra.s32 s0, $0x2  }
0x6fc: {  	s0 =	sadd.s32 $0xA20, s0  }
0x6fd: {  	v6 =	vld [tilespmem:s0+$0x10]  }
0x6fe: {  	v13 =	vld [tilespmem:s0+$0xFFFFFFF0]  }
0x6ff: {  	v14 =	vld [tilespmem:s0+$0x0]  }
0x700: {  	v15 =	vld [tilespmem:s0+$0xFFFFFFE0];
	_ =	sdelay $0x2  }
0x701: {  	v17 =	vmul.u32 $0x28, v13  }
0x702: {  	v6 =	vmul.u32 $0x28, v6  }
0x703: {  	v18 =	vmul.u32 $0x28, v14;
	v19 =	vmul.u32 $0x28, v15;
	v14 =	vor.u32 v32, v17  }
0x704: {  	v13 =	vor.u32 v32, v6  }
0x705: {  	s6 =	simm.s32 $0x0;
	s7 =	simm.s32 $0x1;
	s0 =	sadd.s32 $0x40, s0;
	v16 =	vor.u32 v32, v19  }
0x706: {  	s8 =	simm.s32 $0xFFFFFFFB;
	s6 =	sand.u32 $0x70, s6;
	s7 =	sand.u32 $0x5, s7;
	v20 =	vld [tilespmem:s0+$0x10];
	v15 =	vor.u32 v32, v18  }
0x707: {  	s10 =	simm.s32 $0x0;
	s8 =	sand.u32 $0x7, s8;
	s25 =	sor.u32 s7, s6;
	v24 =	vld [tilespmem:s0+$0xFFFFFFF0]  }
0x708: {  	s12 =	simm.s32 $0x2;
	s10 =	sand.u32 $0x4, s10;
	s26 =	sor.u32 s8, s6;
	v22 =	vadd.s32 s25, v60;
	v14 =	vld.idx.msk [tilespmem:v14+s4+$0x0], $0xffff  }
0x709: {  	s12 =	sand.u32 $0x6, s12;
	s8 =	sor.u32 s10, s6;
	v23 =	vadd.s32 s26, v60;
	v25 =	vadd.s32 v10, v17;
	v13 =	vld.idx.msk [tilespmem:v13+s4+$0x0], $0xffff  }
0x70a: {  	s15 =	sor.u32 s12, s6;
	v27 =	vadd.s32 s8, v60;
	v26 =	vadd.s32 v10, v6;
	v16 =	vld.idx.msk [tilespmem:v16+s4+$0x0], $0xffff  }
0x70b: {  	v28 =	vadd.s32 s15, v60;
	v21 =	vld.idx.msk [tilespmem:v15+s4+$0x0], $0xffff  }
0x70c: {  	v29 =	vld [tilespmem:s0+$0x0];
	v15 =	vmul.u32 $0x28, v20;
	v20 =	vadd.s32 v10, v19  }
0x70d: {  	v31 =	vld [tilespmem:s0+$0xFFFFFFE0];
	v30 =	vadd.s32 v10, v18;
	[tilespmem:v22+s30+$0x0] =	vst.idx.msk $0xffff, v14  }
0x70e: {  	v22 =	vor.u32 v32, v15;
	[tilespmem:v23+s30+$0x0] =	vst.idx.msk $0xffff, v13;
	v23 =	vld.idx.msk [tilespmem:v25+s4+$0x0], $0xffff;
	v25 =	vadd.s32 s25, v61  }
0x70f: {  	s0 =	sadd.s32 $0x40, s0;
	v13 =	vmul.u32 $0x28, v24;
	v24 =	vadd.s32 s26, v61;
	[tilespmem:v27+s30+$0x0] =	vst.idx.msk $0xffff, v16;
	v27 =	vadd.s32 v11, v17;
	v26 =	vld.idx.msk [tilespmem:v26+s4+$0x0], $0xffff  }
0x710: {  	v37 =	vld [tilespmem:s0+$0x10];
	[tilespmem:v28+s30+$0x0] =	vst.idx.msk $0xffff, v21;
	v21 =	vadd.s32 v11, v6  }
0x711: {  	v14 =	vmul.u32 $0x28, v29;
	v20 =	vld.idx.msk [tilespmem:v20+s4+$0x0], $0xffff;
	v28 =	vor.u32 v32, v13  }
0x712: {  	s13 =	simm.s32 $0x8;
	s14 =	simm.s32 $0xFFFFFFFF;
	v33 =	vor.u32 s8, v1;
	v29 =	vld.idx.msk [tilespmem:v30+s4+$0x0], $0xffff;
	v30 =	vadd.s32 s15, v61  }
0x713: {  	s6 =	sand.u32 $0x70, s13;
	s8 =	sand.u32 $0x7, s14;
	v35 =	vadd.s32 v7, v33;
	v34 =	vor.u32 v32, v14;
	v22 =	vld.idx.msk [tilespmem:v22+s4+$0x0], $0xffff;
	[tilespmem:v25+s30+$0x0] =	vst.idx.msk $0xffff, v23  }
0x714: {  	s10 =	sor.u32 s8, s6;
	v36 =	vadd.s32 v11, v18;
	v16 =	vmul.u32 $0x28, v31;
	[tilespmem:v24+s30+$0x0] =	vst.idx.msk $0xffff, v26;
	v24 =	vld.idx.msk [tilespmem:v27+s4+$0x0], $0xffff  }
0x715: {  	s18 =	simm.s32 $0x5;
	v23 =	vadd.s32 v11, v19;
	v25 =	vadd.s32 s10, v60;
	v21 =	vld.idx.msk [tilespmem:v21+s4+$0x0], $0xffff  }
0x716: {  	s8 =	sand.u32 $0x5, s18;
	v26 =	vor.u32 v32, v16;
	v27 =	vld.idx.msk [tilespmem:v28+s4+$0x0], $0xffff;
	v28 =	vadd.s32 s26, v62  }
0x717: {  	s12 =	sor.u32 s8, s6;
	v40 =	vld [tilespmem:s0+$0xFFFFFFE0];
	v31 =	vadd.s32 s25, v62;
	[tilespmem:v30+s30+$0x0] =	vst.idx.msk $0xffff, v29  }
0x718: {  	s19 =	simm.s32 $0x6;
	[tilespmem:v35+s30+$0x0] =	vst.idx.msk $0xffff, v20;
	v20 =	vadd.s32 s12, v60;
	v34 =	vld.idx.msk [tilespmem:v34+s4+$0x0], $0xffff  }
0x719: {  	s13 =	simm.s32 $0x4;
	s8 =	sand.u32 $0x6, s19;
	v6 =	vadd.s32 v12, v6;
	v30 =	vadd.s32 s15, v62;
	v29 =	vld.idx.msk [tilespmem:v36+s4+$0x0], $0xffff  }
0x71a: {  	s14 =	sand.u32 $0x4, s13;
	s8 =	sor.u32 s8, s6;
	v35 =	vadd.s32 v8, v33;
	v23 =	vld.idx.msk [tilespmem:v23+s4+$0x0], $0xffff;
	[tilespmem:v25+s30+$0x0] =	vst.idx.msk $0xffff, v22;
	v25 =	vadd.s32 v10, v15  }
0x71b: {  	s6 =	sor.u32 s14, s6;
	v38 =	vadd.s32 v12, v19;
	v52 =	vld.idx.msk [tilespmem:v26+s4+$0x0], $0xffff;
	v26 =	vadd.s32 s8, v60;
	[tilespmem:v28+s30+$0x0] =	vst.idx.msk $0xffff, v21  }
0x71c: {  	v42 =	vld [tilespmem:s0+$0x0];
	[tilespmem:v31+s30+$0x0] =	vst.idx.msk $0xffff, v24;
	v24 =	vadd.s32 s6, v60;
	v28 =	vadd.s32 v10, v13  }
0x71d: {  	v22 =	vld [tilespmem:s0+$0xFFFFFFF0];
	[tilespmem:v20+s30+$0x0] =	vst.idx.msk $0xffff, v27;
	v20 =	vadd.s32 v12, v17  }
0x71e: {  	v43 =	vadd.s32 v10, v16;
	[tilespmem:v30+s30+$0x0] =	vst.idx.msk $0xffff, v29;
	v29 =	vadd.s32 v12, v18;
	v39 =	vld.idx.msk [tilespmem:v6+s4+$0x0], $0xffff  }
0x71f: {  	v41 =	vadd.s32 s26, v63;
	v45 =	vadd.s32 v10, v14;
	v19 =	vmul.u32 $0x28, v37;
	v44 =	vld.idx.msk [tilespmem:v25+s4+$0x0], $0xffff;
	[tilespmem:v35+s30+$0x0] =	vst.idx.msk $0xffff, v23  }
0x720: {  	v46 =	vadd.s32 s10, v61;
	v36 =	vadd.s32 v11, v15;
	v21 =	vadd.s32 s8, v61;
	[tilespmem:v26+s30+$0x0] =	vst.idx.msk $0xffff, v34;
	v25 =	vld.idx.msk [tilespmem:v38+s4+$0x0], $0xffff  }
0x721: {  	v26 =	vor.u32 v32, v19;
	v35 =	vadd.s32 v9, v33;
	[tilespmem:v24+s30+$0x0] =	vst.idx.msk $0xffff, v52;
	v24 =	vld.idx.msk [tilespmem:v28+s4+$0x0], $0xffff  }
0x722: {  	v31 =	vadd.s32 s12, v61;
	v27 =	vadd.s32 s25, v63;
	v18 =	vmul.u32 $0x28, v42;
	v23 =	vld.idx.msk [tilespmem:v20+s4+$0x0], $0xffff  }
0x723: {  	s7 =	simm.s32 $0x8;
	s18 =	simm.s32 $0x3;
	v17 =	vmul.u32 $0x28, v22;
	v20 =	vor.u32 s6, v1;
	v38 =	vadd.s32 v11, v13;
	v30 =	vld.idx.msk [tilespmem:v29+s4+$0x0], $0xffff  }
0x724: {  	s18 =	sand.u32 $0x7, s18;
	s14 =	simm.s32 $0x10;
	s25 =	simm.s32 $0xA;
	v33 =	vadd.s32 s15, v63;
	v22 =	vmul.u32 $0x28, v40;
	[tilespmem:v41+s30+$0x0] =	vst.idx.msk $0xffff, v39;
	v28 =	vld.idx.msk [tilespmem:v43+s4+$0x0], $0xffff;
	v37 =	vadd.s32 v7, v20  }
0x725: {  	s26 =	sand.u32 $0x70, s14;
	s15 =	simm.s32 $0x8;
	s6 =	sand.u32 $0x6, s25;
	v29 =	vor.u32 v32, v18;
	v34 =	vld.idx.msk [tilespmem:v45+s4+$0x0], $0xffff;
	v6 =	vor.u32 v32, v17;
	[tilespmem:v46+s30+$0x0] =	vst.idx.msk $0xffff, v44  }
.LBB2_38:
0x726: {  	s25 =	sor.u32 s6, s26;
	s6 =	sor.u32 s18, s26;
	v26 =	vld.idx.msk [tilespmem:v26+s4+$0x0], $0xffff;
	s0 =	sadd.s32 $0x40, s0;
	v39 =	vadd.s32 v11, v14;
	[tilespmem:v35+s30+$0x0] =	vst.idx.msk $0xffff, v25  }
0x727: {  	s18 =	smov.u32 s7;
	s7 =	sadd.s32 $0x4, s7;
	v25 =	vld [tilespmem:s0+$0x10];
	v35 =	vor.u32 v32, v22;
	v40 =	vadd.s32 s25, v61;
	v41 =	vadd.s32 s6, v60;
	[tilespmem:v31+s30+$0x0] =	vst.idx.msk $0xffff, v24  }
0x728: {  	p4 =	slt.u32 s7, $0x3C;
	v24 =	vadd.s32 v11, v16;
	v31 =	vld.idx.msk [tilespmem:v38+s4+$0x0], $0xffff;
	[tilespmem:v27+s30+$0x0] =	vst.idx.msk $0xffff, v23  }
0x729: {  	s19 =	sadd.s32 $0x5, s13;
	s13 =	smov.u32 s18;
	v23 =	vadd.s32 s12, v62;
	[tilespmem:v37+s30+$0x0] =	vst.idx.msk $0xffff, v28;
	v27 =	vld.idx.msk [tilespmem:v36+s4+$0x0], $0xffff  }
0x72a: {  	s18 =	sand.u32 $0x5, s19;
	v28 =	vadd.s32 s10, v62;
	v6 =	vld.idx.msk [tilespmem:v6+s4+$0x0], $0xffff;
	[tilespmem:v33+s30+$0x0] =	vst.idx.msk $0xffff, v30  }
0x72b: {  	s18 =	sor.u32 s18, s26;
	v30 =	vadd.s32 v12, v15;
	v15 =	vmov v19;
	v29 =	vld.idx.msk [tilespmem:v29+s4+$0x0], $0xffff;
	[tilespmem:v21+s30+$0x0] =	vst.idx.msk $0xffff, v34;
	v21 =	vmov v40  }
0x72c: {  	v19 =	vadd.s32 s18, v60;
	[tilespmem:v41+s30+$0x0] =	vst.idx.msk $0xffff, v26;
	v26 =	vld.idx.msk [tilespmem:v39+s4+$0x0], $0xffff  }
0x72d: {  	v33 =	vadd.s32 s8, v62;
	v24 =	vld.idx.msk [tilespmem:v24+s4+$0x0], $0xffff  }
0x72e: {  	s19 =	sand.u32 $0x4, s15;
	s15 =	smov.u32 s7;
	v37 =	vadd.s32 v8, v20;
	v36 =	vadd.s32 v10, v15;
	v34 =	vld [tilespmem:s0+$0xFFFFFFF0];
	[tilespmem:v23+s30+$0x0] =	vst.idx.msk $0xffff, v31  }
0x72f: {  	s19 =	sor.u32 s19, s26;
	v31 =	vadd.s32 s25, v60;
	v23 =	vld.idx.msk [tilespmem:v35+s4+$0x0], $0xffff;
	v35 =	vadd.s32 v12, v16;
	[tilespmem:v28+s30+$0x0] =	vst.idx.msk $0xffff, v27;
	v16 =	vmov v22  }
0x730: {  	s14 =	sadd.s32 $0x8, s14;
	v22 =	vadd.s32 s19, v60;
	v27 =	vadd.s32 v10, v17;
	v28 =	vld.idx.msk [tilespmem:v30+s4+$0x0], $0xffff  }
0x731: {  	v38 =	vadd.s32 s10, v63;
	s10 =	smov.u32 s6;
	v30 =	vadd.s32 v12, v13;
	v13 =	vmov v17;
	v39 =	vld [tilespmem:s0+$0xFFFFFFE0];
	[tilespmem:v19+s30+$0x0] =	vst.idx.msk $0xffff, v6  }
0x732: {  	v41 =	vadd.s32 v10, v16;
	v19 =	vmul.u32 $0x28, v25;
	v40 =	vld [tilespmem:s0+$0x0];
	[tilespmem:v33+s30+$0x0] =	vst.idx.msk $0xffff, v26;
	v33 =	vadd.s32 v12, v14  }
0x733: {  	v42 =	vadd.s32 v10, v18;
	v14 =	vmov v18;
	v43 =	vld.idx.msk [tilespmem:v36+s4+$0x0], $0xffff;
	[tilespmem:v37+s30+$0x0] =	vst.idx.msk $0xffff, v24  }
0x734: {  	v44 =	vadd.s32 s10, v61;
	v17 =	vmul.u32 $0x28, v34;
	v26 =	vor.u32 v32, v19;
	[tilespmem:v31+s30+$0x0] =	vst.idx.msk $0xffff, v29;
	v25 =	vld.idx.msk [tilespmem:v35+s4+$0x0], $0xffff  }
.Ltmp22:
0x735: {  	v35 =	vadd.s32 v9, v20;
	[tilespmem:v22+s30+$0x0] =	vst.idx.msk $0xffff, v23;
	v24 =	vld.idx.msk [tilespmem:v27+s4+$0x0], $0xffff;
	(pc) =	sbr.rel @p4 .LBB2_38-.Ltmp22, $4  }
0x736: {  	v31 =	vadd.s32 s18, v61;
	v6 =	vor.u32 v32, v17;
	v27 =	vadd.s32 s12, v63;
	s12 =	smov.u32 s18;
	v23 =	vld.idx.msk [tilespmem:v30+s4+$0x0], $0xffff;
	[tilespmem:v38+s30+$0x0] =	vst.idx.msk $0xffff, v28  }
0x737: {  	v20 =	vor.u32 s19, v1;
	v38 =	vadd.s32 v11, v13;
	v18 =	vmul.u32 $0x28, v40;
	v28 =	vld.idx.msk [tilespmem:v41+s4+$0x0], $0xffff  }
0x738: {  	s6 =	sadd.s32 $0x6, s13;
	v36 =	vadd.s32 v11, v15;
	s18 =	sadd.s32 $0xFFFFFFFF, s13;
	v37 =	vadd.s32 v7, v20;
	v30 =	vld.idx.msk [tilespmem:v33+s4+$0x0], $0xffff;
	v33 =	vadd.s32 s8, v63;
	s8 =	smov.u32 s25  }
0x739: {  	s26 =	sand.u32 $0x70, s14;
	s6 =	sand.u32 $0x6, s6;
	v22 =	vmul.u32 $0x28, v39;
	s18 =	sand.u32 $0x7, s18;
	v29 =	vor.u32 v32, v18;
	v34 =	vld.idx.msk [tilespmem:v42+s4+$0x0], $0xffff;
	[tilespmem:v44+s30+$0x0] =	vst.idx.msk $0xffff, v43  }
0x73a: {  	_ =	sdelay $0x2  }
0x73b: {  	v39 =	vor.u32 v32, v22  }
0x73c: {  	s0 =	sor.u32 s18, s26;
	[tilespmem:v35+s30+$0x0] =	vst.idx.msk $0xffff, v25  }
0x73d: {  	v46 =	vld.idx.msk [tilespmem:v26+s4+$0x0], $0xffff;
	[tilespmem:v31+s30+$0x0] =	vst.idx.msk $0xffff, v24;
	v52 =	vadd.s32 s0, v60  }
0x73e: {  	v40 =	vadd.s32 v11, v14;
	s7 =	sadd.s32 $0x5, s13;
	v41 =	vadd.s32 s12, v62;
	s25 =	sand.u32 $0x4, s15;
	v31 =	vld.idx.msk [tilespmem:v38+s4+$0x0], $0xffff;
	[tilespmem:v27+s30+$0x0] =	vst.idx.msk $0xffff, v23  }
0x73f: {  	v42 =	vadd.s32 v11, v16;
	v43 =	vadd.s32 s10, v62;
	s7 =	sand.u32 $0x5, s7;
	s14 =	sor.u32 s25, s26;
	[tilespmem:v37+s30+$0x0] =	vst.idx.msk $0xffff, v28;
	v28 =	vld.idx.msk [tilespmem:v36+s4+$0x0], $0xffff  }
0x740: {  	s7 =	sor.u32 s7, s26;
	v36 =	vadd.s32 s14, v60;
	[tilespmem:v33+s30+$0x0] =	vst.idx.msk $0xffff, v30;
	v30 =	vadd.s32 v10, v19;
	v33 =	vld.idx.msk [tilespmem:v39+s4+$0x0], $0xffff  }
0x741: {  	v6 =	vld.idx.msk [tilespmem:v6+s4+$0x0], $0xffff;
	v45 =	vadd.s32 v10, v22;
	s26 =	sor.u32 s6, s26;
	v44 =	vadd.s32 s7, v60;
	[tilespmem:v21+s30+$0x0] =	vst.idx.msk $0xffff, v34  }
0x742: {  	v29 =	vld.idx.msk [tilespmem:v29+s4+$0x0], $0xffff;
	[tilespmem:v52+s30+$0x0] =	vst.idx.msk $0xffff, v46;
	v46 =	vadd.s32 s26, v60;
	v52 =	vadd.s32 v10, v17  }
0x743: {  	v24 =	vld.idx.msk [tilespmem:v40+s4+$0x0], $0xffff;
	v40 =	vadd.s32 s8, v62;
	[tilespmem:v41+s30+$0x0] =	vst.idx.msk $0xffff, v31;
	v41 =	vadd.s32 v10, v18  }
0x744: {  	v15 =	vadd.s32 v12, v15;
	v27 =	vld.idx.msk [tilespmem:v42+s4+$0x0], $0xffff;
	v42 =	vadd.s32 v8, v20;
	[tilespmem:v43+s30+$0x0] =	vst.idx.msk $0xffff, v28  }
0x745: {  	v43 =	vadd.s32 v12, v16;
	v28 =	vld.idx.msk [tilespmem:v30+s4+$0x0], $0xffff;
	v30 =	vadd.s32 s0, v61;
	[tilespmem:v36+s30+$0x0] =	vst.idx.msk $0xffff, v33;
	v33 =	vor.u32 s14, v1  }
0x746: {  	[tilespmem:v44+s30+$0x0] =	vst.idx.msk $0xffff, v6;
	v44 =	vadd.s32 v11, v19;
	v6 =	vld.idx.msk [tilespmem:v45+s4+$0x0], $0xffff;
	v21 =	vadd.s32 v7, v33  }
0x747: {  	[tilespmem:v46+s30+$0x0] =	vst.idx.msk $0xffff, v29;
	v46 =	vadd.s32 s7, v61;
	v45 =	vld.idx.msk [tilespmem:v52+s4+$0x0], $0xffff;
	v52 =	vadd.s32 v11, v22  }
0x748: {  	v35 =	vadd.s32 s26, v61;
	[tilespmem:v40+s30+$0x0] =	vst.idx.msk $0xffff, v24;
	v40 =	vadd.s32 v11, v17;
	v23 =	vld.idx.msk [tilespmem:v41+s4+$0x0], $0xffff  }
0x749: {  	v15 =	vld.idx.msk [tilespmem:v15+s4+$0x0], $0xffff;
	[tilespmem:v42+s30+$0x0] =	vst.idx.msk $0xffff, v27;
	v42 =	vadd.s32 v11, v18;
	v41 =	vadd.s32 s10, v63  }
0x74a: {  	v13 =	vadd.s32 v12, v13;
	v16 =	vld.idx.msk [tilespmem:v43+s4+$0x0], $0xffff;
	v43 =	vadd.s32 v9, v20;
	[tilespmem:v30+s30+$0x0] =	vst.idx.msk $0xffff, v28  }
0x74b: {  	v14 =	vadd.s32 v12, v14;
	[tilespmem:v21+s30+$0x0] =	vst.idx.msk $0xffff, v6;
	v6 =	vld.idx.msk [tilespmem:v44+s4+$0x0], $0xffff;
	v44 =	vadd.s32 s0, v62  }
0x74c: {  	[tilespmem:v46+s30+$0x0] =	vst.idx.msk $0xffff, v45;
	v45 =	vadd.s32 v12, v19;
	v46 =	vld.idx.msk [tilespmem:v52+s4+$0x0], $0xffff;
	v52 =	vadd.s32 v8, v33  }
0x74d: {  	v37 =	vadd.s32 v12, v22;
	v34 =	vadd.s32 s7, v62;
	[tilespmem:v35+s30+$0x0] =	vst.idx.msk $0xffff, v23;
	v24 =	vld.idx.msk [tilespmem:v40+s4+$0x0], $0xffff  }
0x74e: {  	v38 =	vadd.s32 s26, v62;
	v39 =	vadd.s32 v12, v17;
	[tilespmem:v41+s30+$0x0] =	vst.idx.msk $0xffff, v15;
	v15 =	vld.idx.msk [tilespmem:v42+s4+$0x0], $0xffff  }
0x74f: {  	v13 =	vld.idx.msk [tilespmem:v13+s4+$0x0], $0xffff;
	[tilespmem:v43+s30+$0x0] =	vst.idx.msk $0xffff, v16;
	v41 =	vadd.s32 v12, v18;
	v40 =	vadd.s32 s12, v63  }
0x750: {  	v14 =	vld.idx.msk [tilespmem:v14+s4+$0x0], $0xffff;
	v42 =	vadd.s32 s8, v63;
	[tilespmem:v44+s30+$0x0] =	vst.idx.msk $0xffff, v6  }
0x751: {  	v43 =	vadd.s32 s0, v63;
	v6 =	vld.idx.msk [tilespmem:v45+s4+$0x0], $0xffff;
	[tilespmem:v52+s30+$0x0] =	vst.idx.msk $0xffff, v46  }
0x752: {  	[tilespmem:v34+s30+$0x0] =	vst.idx.msk $0xffff, v24;
	v45 =	vadd.s32 v9, v33;
	v44 =	vld.idx.msk [tilespmem:v37+s4+$0x0], $0xffff  }
0x753: {  	[tilespmem:v38+s30+$0x0] =	vst.idx.msk $0xffff, v15;
	v46 =	vadd.s32 s7, v63;
	v15 =	vld.idx.msk [tilespmem:v39+s4+$0x0], $0xffff  }
0x754: {  	[tilespmem:v40+s30+$0x0] =	vst.idx.msk $0xffff, v13;
	v52 =	vadd.s32 s26, v63;
	v13 =	vld.idx.msk [tilespmem:v41+s4+$0x0], $0xffff  }
.Ltmp23:
0x755: {  	[tilespmem:v42+s30+$0x0] =	vst.idx.msk $0xffff, v14;
	(pc) =	sbr.rel @p1 .LBB2_41-.Ltmp23, $4  }
0x756: {  	[tilespmem:v43+s30+$0x0] =	vst.idx.msk $0xffff, v6  }
0x757: {  	[tilespmem:v45+s30+$0x0] =	vst.idx.msk $0xffff, v44  }
0x758: {  	[tilespmem:v46+s30+$0x0] =	vst.idx.msk $0xffff, v15  }
0x759: {  	s0 =	smul.u32 $0x3E8000, s11;
	[tilespmem:v52+s30+$0x0] =	vst.idx.msk $0xffff, v13  }
0x75a: {  	_ = 	snop  }
0x75b: {  	s6 =	sadd.s32 s21, s0  }
0x75c: {  	s6 =	sshrl.u32 s6, $0x3  }
0x75d: {  	s6 =	sadd.s32 s2, s6  }
0x75e: {  	[hbm4b:s6+s3] =	stream.linear.scatter [tilespmem:s30], [sflag:$0x5], $0x80, $0x38;
	[tilespmem:$0x1D680] =	vst v63  }
0x75f: {  	s8 =	simm.s32 $0x1B508;
	s7 =	sadd.s32 $0x10, s6  }
0x760: {  	[hbm4b:s7+s3] =	stream.linear.scatter [tilespmem:s8], [sflag:$0x5], $0x80, $0x38;
	[tilespmem:$0x1D680] =	vst v63  }
0x761: {  	s13 =	simm.s32 $0x1B590;
	s12 =	sadd.s32 $0x20, s6  }
0x762: {  	[hbm4b:s12+s3] =	stream.linear.scatter [tilespmem:s13], [sflag:$0x5], $0x80, $0x38;
	[tilespmem:$0x1D680] =	vst v63  }
0x763: {  	s15 =	simm.s32 $0x1B618;
	s14 =	sadd.s32 $0x30, s6  }
0x764: {  	[hbm4b:s14+s3] =	stream.linear.scatter [tilespmem:s15], [sflag:$0x5], $0x80, $0x38;
	[tilespmem:$0x1D680] =	vst v63  }
0x765: {  	s19 =	simm.s32 $0x1B6A0;
	s18 =	sadd.s32 $0x40, s6  }
0x766: {  	[hbm4b:s18+s3] =	stream.linear.scatter [tilespmem:s19], [sflag:$0x5], $0x80, $0x38;
	[tilespmem:$0x1D680] =	vst v63  }
0x767: {  	s26 =	simm.s32 $0x1B728;
	s25 =	sadd.s32 $0x50, s6  }
0x768: {  	[hbm4b:s25+s3] =	stream.linear.scatter [tilespmem:s26], [sflag:$0x5], $0x80, $0x38;
	[tilespmem:$0x1D680] =	vst v63  }
0x769: {  	s11 =	simm.s32 $0x1B7B0;
	s10 =	sadd.s32 $0x60, s6  }
0x76a: {  	[hbm4b:s10+s3] =	stream.linear.scatter [tilespmem:s11], [sflag:$0x5], $0x80, $0x38;
	[tilespmem:$0x1D680] =	vst v63  }
0x76b: {  	s12 =	sadd.s32 $0x70, s6;
	s13 =	simm.s32 $0x1B838  }
0x76c: {  	[hbm4b:s12+s3] =	stream.linear.scatter [tilespmem:s13], [sflag:$0x5], $0x80, $0x38;
	[tilespmem:$0x1D680] =	vst v63  }
0x76d: {  	s14 =	sadd.s32 $0x1000, s6;
	s15 =	simm.s32 $0x1B8C0  }
0x76e: {  	[hbm4b:s14+s3] =	stream.linear.scatter [tilespmem:s15], [sflag:$0x5], $0x80, $0x38;
	[tilespmem:$0x1D680] =	vst v63  }
0x76f: {  	s18 =	sadd.s32 $0x1010, s6;
	s19 =	simm.s32 $0x1B948  }
0x770: {  	[hbm4b:s18+s3] =	stream.linear.scatter [tilespmem:s19], [sflag:$0x5], $0x80, $0x38;
	[tilespmem:$0x1D680] =	vst v63  }
0x771: {  	s25 =	sadd.s32 $0x1020, s6;
	s26 =	simm.s32 $0x1B9D0  }
0x772: {  	[hbm4b:s25+s3] =	stream.linear.scatter [tilespmem:s26], [sflag:$0x5], $0x80, $0x38;
	[tilespmem:$0x1D680] =	vst v63  }
0x773: {  	s10 =	sadd.s32 $0x1030, s6;
	s11 =	simm.s32 $0x1BA58  }
0x774: {  	[hbm4b:s10+s3] =	stream.linear.scatter [tilespmem:s11], [sflag:$0x5], $0x80, $0x38;
	[tilespmem:$0x1D680] =	vst v63  }
0x775: {  	s12 =	sadd.s32 $0x1040, s6;
	s13 =	simm.s32 $0x1BAE0  }
0x776: {  	[hbm4b:s12+s3] =	stream.linear.scatter [tilespmem:s13], [sflag:$0x5], $0x80, $0x38;
	[tilespmem:$0x1D680] =	vst v63  }
0x777: {  	s14 =	sadd.s32 $0x1050, s6;
	s15 =	simm.s32 $0x1BB68  }
0x778: {  	[hbm4b:s14+s3] =	stream.linear.scatter [tilespmem:s15], [sflag:$0x5], $0x80, $0x38;
	[tilespmem:$0x1D680] =	vst v63  }
0x779: {  	s18 =	sadd.s32 $0x1060, s6;
	s19 =	simm.s32 $0x1BBF0  }
0x77a: {  	[hbm4b:s18+s3] =	stream.linear.scatter [tilespmem:s19], [sflag:$0x5], $0x80, $0x38;
	[tilespmem:$0x1D680] =	vst v63  }
0x77b: {  	s25 =	sadd.s32 $0x1070, s6;
	s26 =	simm.s32 $0x1BC78  }
0x77c: {  	[hbm4b:s25+s3] =	stream.linear.scatter [tilespmem:s26], [sflag:$0x5], $0x80, $0x38;
	[tilespmem:$0x1D680] =	vst v63  }
0x77d: {  	s10 =	sadd.s32 $0x2000, s6;
	s11 =	simm.s32 $0x1BD00  }
0x77e: {  	[hbm4b:s10+s3] =	stream.linear.scatter [tilespmem:s11], [sflag:$0x5], $0x80, $0x38;
	[tilespmem:$0x1D680] =	vst v63  }
0x77f: {  	s12 =	sadd.s32 $0x2010, s6;
	s13 =	simm.s32 $0x1BD88  }
0x780: {  	[hbm4b:s12+s3] =	stream.linear.scatter [tilespmem:s13], [sflag:$0x5], $0x80, $0x38;
	[tilespmem:$0x1D680] =	vst v63  }
0x781: {  	s14 =	sadd.s32 $0x2020, s6;
	s15 =	simm.s32 $0x1BE10  }
0x782: {  	[hbm4b:s14+s3] =	stream.linear.scatter [tilespmem:s15], [sflag:$0x5], $0x80, $0x38;
	[tilespmem:$0x1D680] =	vst v63  }
0x783: {  	s18 =	sadd.s32 $0x2030, s6;
	s19 =	simm.s32 $0x1BE98  }
0x784: {  	[hbm4b:s18+s3] =	stream.linear.scatter [tilespmem:s19], [sflag:$0x5], $0x80, $0x38;
	[tilespmem:$0x1D680] =	vst v63  }
0x785: {  	s25 =	sadd.s32 $0x2040, s6;
	s26 =	simm.s32 $0x1BF20  }
0x786: {  	[hbm4b:s25+s3] =	stream.linear.scatter [tilespmem:s26], [sflag:$0x5], $0x80, $0x38;
	[tilespmem:$0x1D680] =	vst v63  }
0x787: {  	s10 =	sadd.s32 $0x2050, s6;
	s11 =	simm.s32 $0x1BFA8  }
0x788: {  	[hbm4b:s10+s3] =	stream.linear.scatter [tilespmem:s11], [sflag:$0x5], $0x80, $0x38;
	[tilespmem:$0x1D680] =	vst v63  }
0x789: {  	s12 =	sadd.s32 $0x2060, s6;
	s13 =	simm.s32 $0x1C030  }
0x78a: {  	[hbm4b:s12+s3] =	stream.linear.scatter [tilespmem:s13], [sflag:$0x5], $0x80, $0x38;
	[tilespmem:$0x1D680] =	vst v63  }
0x78b: {  	s14 =	sadd.s32 $0x2070, s6;
	s15 =	simm.s32 $0x1C0B8  }
0x78c: {  	[hbm4b:s14+s3] =	stream.linear.scatter [tilespmem:s15], [sflag:$0x5], $0x80, $0x38;
	[tilespmem:$0x1D680] =	vst v63  }
0x78d: {  	s18 =	sadd.s32 $0x3000, s6;
	s19 =	simm.s32 $0x1C140  }
0x78e: {  	[hbm4b:s18+s3] =	stream.linear.scatter [tilespmem:s19], [sflag:$0x5], $0x80, $0x38;
	[tilespmem:$0x1D680] =	vst v63  }
0x78f: {  	s25 =	sadd.s32 $0x3010, s6;
	s26 =	simm.s32 $0x1C1C8  }
0x790: {  	[hbm4b:s25+s3] =	stream.linear.scatter [tilespmem:s26], [sflag:$0x5], $0x80, $0x38;
	[tilespmem:$0x1D680] =	vst v63  }
0x791: {  	s8 =	sadd.s32 $0x3020, s6;
	s10 =	simm.s32 $0x1C250  }
0x792: {  	[hbm4b:s8+s3] =	stream.linear.scatter [tilespmem:s10], [sflag:$0x5], $0x80, $0x38;
	[tilespmem:$0x1D680] =	vst v63  }
0x793: {  	s11 =	sadd.s32 $0x3030, s6;
	s12 =	simm.s32 $0x1C2D8  }
0x794: {  	[hbm4b:s11+s3] =	stream.linear.scatter [tilespmem:s12], [sflag:$0x5], $0x80, $0x38;
	[tilespmem:$0x1D680] =	vst v63  }
0x795: {  	s13 =	sadd.s32 $0x3040, s6;
	s14 =	simm.s32 $0x1C360  }
0x796: {  	[hbm4b:s13+s3] =	stream.linear.scatter [tilespmem:s14], [sflag:$0x5], $0x80, $0x38;
	[tilespmem:$0x1D680] =	vst v63  }
0x797: {  	s15 =	sadd.s32 $0x3050, s6;
	s18 =	simm.s32 $0x1C3E8  }
0x798: {  	[hbm4b:s15+s3] =	stream.linear.scatter [tilespmem:s18], [sflag:$0x5], $0x80, $0x38;
	[tilespmem:$0x1D680] =	vst v63  }
0x799: {  	s19 =	sadd.s32 $0x3060, s6;
	s25 =	simm.s32 $0x1C470  }
0x79a: {  	[hbm4b:s19+s3] =	stream.linear.scatter [tilespmem:s25], [sflag:$0x5], $0x80, $0x38;
	[tilespmem:$0x1D680] =	vst v63  }
0x79b: {  	s6 =	sadd.s32 $0x3070, s6;
	s26 =	simm.s32 $0x1C4F8  }
0x79c: {  	[hbm4b:s6+s3] =	stream.linear.scatter [tilespmem:s26], [sflag:$0x5], $0x80, $0x38;
	[tilespmem:$0x1D680] =	vst v63  }
.LBB2_41:
.Ltmp24:
0x79d: {  	(pc) =	sbr.rel @!p2 .LBB2_43-.Ltmp24, $2  }
0x79e: {  	_ =	sdelay $0x2  }
0x79f: {  	s5 =	sor.u32 $0x3, s5  }
0x7a0: {  	s0 =	sadd.s32 s0, s9  }
0x7a1: {  	s0 =	sshrl.u32 s0, $0x3  }
0x7a2: {  	s0 =	sadd.s32 s2, s0  }
0x7a3: {  	[hbm4b:s0+s3] =	stream.linear.scatter [tilespmem:s30], [sflag:$0x5], $0x80, $0x38;
	[tilespmem:$0x1D680] =	vst v63  }
0x7a4: {  	s7 =	simm.s32 $0x1B508;
	s6 =	sadd.s32 $0x10, s0  }
0x7a5: {  	[hbm4b:s6+s3] =	stream.linear.scatter [tilespmem:s7], [sflag:$0x5], $0x80, $0x38;
	[tilespmem:$0x1D680] =	vst v63  }
0x7a6: {  	s10 =	simm.s32 $0x1B590;
	s8 =	sadd.s32 $0x20, s0  }
0x7a7: {  	[hbm4b:s8+s3] =	stream.linear.scatter [tilespmem:s10], [sflag:$0x5], $0x80, $0x38;
	[tilespmem:$0x1D680] =	vst v63  }
0x7a8: {  	s12 =	simm.s32 $0x1B618;
	s11 =	sadd.s32 $0x30, s0  }
0x7a9: {  	[hbm4b:s11+s3] =	stream.linear.scatter [tilespmem:s12], [sflag:$0x5], $0x80, $0x38;
	[tilespmem:$0x1D680] =	vst v63  }
0x7aa: {  	s14 =	simm.s32 $0x1B6A0;
	s13 =	sadd.s32 $0x40, s0  }
0x7ab: {  	[hbm4b:s13+s3] =	stream.linear.scatter [tilespmem:s14], [sflag:$0x5], $0x80, $0x38;
	[tilespmem:$0x1D680] =	vst v63  }
0x7ac: {  	s18 =	simm.s32 $0x1B728;
	s15 =	sadd.s32 $0x50, s0  }
0x7ad: {  	[hbm4b:s15+s3] =	stream.linear.scatter [tilespmem:s18], [sflag:$0x5], $0x80, $0x38;
	[tilespmem:$0x1D680] =	vst v63  }
.Ltmp25:
0x7ae: {  	_ = 	snop;
	(pc) =	sbr.rel @!p3 .LBB2_44-.Ltmp25, $4  }
0x7af: {  	s25 =	simm.s32 $0x1B7B0;
	s19 =	sadd.s32 $0x60, s0  }
0x7b0: {  	[hbm4b:s19+s3] =	stream.linear.scatter [tilespmem:s25], [sflag:$0x5], $0x80, $0x38;
	[tilespmem:$0x1D680] =	vst v63  }
0x7b1: {  	s26 =	simm.s32 $0x1B838;
	s0 =	sadd.s32 $0x70, s0  }
0x7b2: {  	[hbm4b:s0+s3] =	stream.linear.scatter [tilespmem:s26], [sflag:$0x5], $0x80, $0x38;
	[tilespmem:$0x1D680] =	vst v63  }
.LBB2_43:
.Ltmp26:
0x7b3: {  	(pc) =	sbr.rel .LBB2_45-.Ltmp26, $4  }
0x7b4: {  	s0 =	simm.s32 $0x6  }
0x7b5: {  	_ =	swait.ge [sflag:s0], $0x1000  }
0x7b6: {  	[sflag:s0] =	ssyncset.done $0x0  }
0x7b7: {  	[sflag:s0] =	ssyncadd.s32 $0xFFFFF000  }
.LBB2_44:
0x7b8: {  	s0 =	simm.s32 $0x6  }
0x7b9: {  	_ =	swait.ge [sflag:s0], $0x400  }
0x7ba: {  	[sflag:s0] =	ssyncset.done $0x0  }
0x7bb: {  	[sflag:s0] =	ssyncadd.s32 $0xFFFFFC00  }
.LBB2_45:
0x7bc: {  	s0 =	sshll.u32 s5, $0xC  }
0x7bd: {  	s0 =	sshra.s32 s0, $0x2  }
0x7be: {  	s0 =	sadd.s32 $0xA20, s0  }
0x7bf: {  	v6 =	vld [tilespmem:s0+$0x10]  }
0x7c0: {  	v13 =	vld [tilespmem:s0+$0xFFFFFFF0]  }
0x7c1: {  	v14 =	vld [tilespmem:s0+$0x0]  }
0x7c2: {  	v15 =	vld [tilespmem:s0+$0xFFFFFFE0];
	_ =	sdelay $0x2  }
0x7c3: {  	v17 =	vmul.u32 $0x28, v13  }
0x7c4: {  	v6 =	vmul.u32 $0x28, v6  }
0x7c5: {  	v18 =	vmul.u32 $0x28, v14;
	v19 =	vmul.u32 $0x28, v15;
	v14 =	vor.u32 v32, v17  }
0x7c6: {  	v13 =	vor.u32 v32, v6  }
0x7c7: {  	s6 =	simm.s32 $0x0;
	s7 =	simm.s32 $0x1;
	s0 =	sadd.s32 $0x40, s0;
	v16 =	vor.u32 v32, v19  }
0x7c8: {  	s8 =	simm.s32 $0xFFFFFFFB;
	s6 =	sand.u32 $0x70, s6;
	s7 =	sand.u32 $0x5, s7;
	v20 =	vld [tilespmem:s0+$0x10];
	v15 =	vor.u32 v32, v18  }
0x7c9: {  	s10 =	simm.s32 $0x0;
	s8 =	sand.u32 $0x7, s8;
	s15 =	sor.u32 s7, s6;
	v24 =	vld [tilespmem:s0+$0xFFFFFFF0]  }
0x7ca: {  	s11 =	simm.s32 $0x2;
	s25 =	sand.u32 $0x4, s10;
	s19 =	sor.u32 s8, s6;
	v22 =	vadd.s32 s15, v60;
	v14 =	vld.idx.msk [tilespmem:v14+s4+$0x0], $0xffff  }
0x7cb: {  	s26 =	sand.u32 $0x6, s11;
	s8 =	sor.u32 s25, s6;
	v23 =	vadd.s32 s19, v60;
	v25 =	vadd.s32 v10, v17;
	v13 =	vld.idx.msk [tilespmem:v13+s4+$0x0], $0xffff  }
0x7cc: {  	s14 =	sor.u32 s26, s6;
	v27 =	vadd.s32 s8, v60;
	v26 =	vadd.s32 v10, v6;
	v16 =	vld.idx.msk [tilespmem:v16+s4+$0x0], $0xffff  }
0x7cd: {  	v28 =	vadd.s32 s14, v60;
	v21 =	vld.idx.msk [tilespmem:v15+s4+$0x0], $0xffff  }
0x7ce: {  	v29 =	vld [tilespmem:s0+$0x0];
	v15 =	vmul.u32 $0x28, v20;
	v20 =	vadd.s32 v10, v19  }
0x7cf: {  	v31 =	vld [tilespmem:s0+$0xFFFFFFE0];
	v30 =	vadd.s32 v10, v18;
	[tilespmem:v22+s29+$0x0] =	vst.idx.msk $0xffff, v14  }
0x7d0: {  	v22 =	vor.u32 v32, v15;
	[tilespmem:v23+s29+$0x0] =	vst.idx.msk $0xffff, v13;
	v23 =	vld.idx.msk [tilespmem:v25+s4+$0x0], $0xffff;
	v25 =	vadd.s32 s15, v61  }
0x7d1: {  	s0 =	sadd.s32 $0x40, s0;
	v13 =	vmul.u32 $0x28, v24;
	v24 =	vadd.s32 s19, v61;
	[tilespmem:v27+s29+$0x0] =	vst.idx.msk $0xffff, v16;
	v27 =	vadd.s32 v11, v17;
	v26 =	vld.idx.msk [tilespmem:v26+s4+$0x0], $0xffff  }
0x7d2: {  	v37 =	vld [tilespmem:s0+$0x10];
	[tilespmem:v28+s29+$0x0] =	vst.idx.msk $0xffff, v21;
	v21 =	vadd.s32 v11, v6  }
0x7d3: {  	v14 =	vmul.u32 $0x28, v29;
	v20 =	vld.idx.msk [tilespmem:v20+s4+$0x0], $0xffff;
	v28 =	vor.u32 v32, v13  }
0x7d4: {  	s12 =	simm.s32 $0xFFFFFFFF;
	s11 =	simm.s32 $0x8;
	v33 =	vor.u32 s8, v1;
	v29 =	vld.idx.msk [tilespmem:v30+s4+$0x0], $0xffff;
	v30 =	vadd.s32 s14, v61  }
0x7d5: {  	s6 =	sand.u32 $0x70, s11;
	s8 =	sand.u32 $0x7, s12;
	v35 =	vadd.s32 v7, v33;
	v34 =	vor.u32 v32, v14;
	v22 =	vld.idx.msk [tilespmem:v22+s4+$0x0], $0xffff;
	[tilespmem:v25+s29+$0x0] =	vst.idx.msk $0xffff, v23  }
0x7d6: {  	s10 =	sor.u32 s8, s6;
	v36 =	vadd.s32 v11, v18;
	v16 =	vmul.u32 $0x28, v31;
	[tilespmem:v24+s29+$0x0] =	vst.idx.msk $0xffff, v26;
	v24 =	vld.idx.msk [tilespmem:v27+s4+$0x0], $0xffff  }
0x7d7: {  	s13 =	simm.s32 $0x5;
	v23 =	vadd.s32 v11, v19;
	v25 =	vadd.s32 s10, v60;
	v21 =	vld.idx.msk [tilespmem:v21+s4+$0x0], $0xffff  }
0x7d8: {  	s8 =	sand.u32 $0x5, s13;
	v26 =	vor.u32 v32, v16;
	v27 =	vld.idx.msk [tilespmem:v28+s4+$0x0], $0xffff;
	v28 =	vadd.s32 s19, v62  }
0x7d9: {  	s11 =	sor.u32 s8, s6;
	v40 =	vld [tilespmem:s0+$0xFFFFFFE0];
	v31 =	vadd.s32 s15, v62;
	[tilespmem:v30+s29+$0x0] =	vst.idx.msk $0xffff, v29  }
0x7da: {  	s18 =	simm.s32 $0x6;
	[tilespmem:v35+s29+$0x0] =	vst.idx.msk $0xffff, v20;
	v20 =	vadd.s32 s11, v60;
	v34 =	vld.idx.msk [tilespmem:v34+s4+$0x0], $0xffff  }
0x7db: {  	s12 =	simm.s32 $0x4;
	s8 =	sand.u32 $0x6, s18;
	v6 =	vadd.s32 v12, v6;
	v30 =	vadd.s32 s14, v62;
	v29 =	vld.idx.msk [tilespmem:v36+s4+$0x0], $0xffff  }
0x7dc: {  	s13 =	sand.u32 $0x4, s12;
	s8 =	sor.u32 s8, s6;
	v35 =	vadd.s32 v8, v33;
	v23 =	vld.idx.msk [tilespmem:v23+s4+$0x0], $0xffff;
	[tilespmem:v25+s29+$0x0] =	vst.idx.msk $0xffff, v22;
	v25 =	vadd.s32 v10, v15  }
0x7dd: {  	s6 =	sor.u32 s13, s6;
	v38 =	vadd.s32 v12, v19;
	v52 =	vld.idx.msk [tilespmem:v26+s4+$0x0], $0xffff;
	v26 =	vadd.s32 s8, v60;
	[tilespmem:v28+s29+$0x0] =	vst.idx.msk $0xffff, v21  }
0x7de: {  	v42 =	vld [tilespmem:s0+$0x0];
	[tilespmem:v31+s29+$0x0] =	vst.idx.msk $0xffff, v24;
	v24 =	vadd.s32 s6, v60;
	v28 =	vadd.s32 v10, v13  }
0x7df: {  	v22 =	vld [tilespmem:s0+$0xFFFFFFF0];
	[tilespmem:v20+s29+$0x0] =	vst.idx.msk $0xffff, v27;
	v20 =	vadd.s32 v12, v17  }
0x7e0: {  	v43 =	vadd.s32 v10, v16;
	[tilespmem:v30+s29+$0x0] =	vst.idx.msk $0xffff, v29;
	v29 =	vadd.s32 v12, v18;
	v39 =	vld.idx.msk [tilespmem:v6+s4+$0x0], $0xffff  }
0x7e1: {  	v41 =	vadd.s32 s19, v63;
	v45 =	vadd.s32 v10, v14;
	v19 =	vmul.u32 $0x28, v37;
	v44 =	vld.idx.msk [tilespmem:v25+s4+$0x0], $0xffff;
	[tilespmem:v35+s29+$0x0] =	vst.idx.msk $0xffff, v23  }
0x7e2: {  	v46 =	vadd.s32 s10, v61;
	v36 =	vadd.s32 v11, v15;
	v21 =	vadd.s32 s8, v61;
	[tilespmem:v26+s29+$0x0] =	vst.idx.msk $0xffff, v34;
	v25 =	vld.idx.msk [tilespmem:v38+s4+$0x0], $0xffff  }
0x7e3: {  	v26 =	vor.u32 v32, v19;
	v35 =	vadd.s32 v9, v33;
	[tilespmem:v24+s29+$0x0] =	vst.idx.msk $0xffff, v52;
	v24 =	vld.idx.msk [tilespmem:v28+s4+$0x0], $0xffff  }
0x7e4: {  	v31 =	vadd.s32 s11, v61;
	v27 =	vadd.s32 s15, v63;
	v18 =	vmul.u32 $0x28, v42;
	v23 =	vld.idx.msk [tilespmem:v20+s4+$0x0], $0xffff  }
0x7e5: {  	s7 =	simm.s32 $0x8;
	s26 =	simm.s32 $0x3;
	v17 =	vmul.u32 $0x28, v22;
	v20 =	vor.u32 s6, v1;
	v38 =	vadd.s32 v11, v13;
	v30 =	vld.idx.msk [tilespmem:v29+s4+$0x0], $0xffff  }
0x7e6: {  	s18 =	sand.u32 $0x7, s26;
	s13 =	simm.s32 $0x10;
	s19 =	simm.s32 $0xA;
	v33 =	vadd.s32 s14, v63;
	v22 =	vmul.u32 $0x28, v40;
	[tilespmem:v41+s29+$0x0] =	vst.idx.msk $0xffff, v39;
	v28 =	vld.idx.msk [tilespmem:v43+s4+$0x0], $0xffff;
	v37 =	vadd.s32 v7, v20  }
0x7e7: {  	s25 =	sand.u32 $0x70, s13;
	s14 =	simm.s32 $0x8;
	s6 =	sand.u32 $0x6, s19;
	v29 =	vor.u32 v32, v18;
	v34 =	vld.idx.msk [tilespmem:v45+s4+$0x0], $0xffff;
	v6 =	vor.u32 v32, v17;
	[tilespmem:v46+s29+$0x0] =	vst.idx.msk $0xffff, v44  }
.LBB2_46:
0x7e8: {  	s15 =	sor.u32 s6, s25;
	s6 =	sor.u32 s18, s25;
	v26 =	vld.idx.msk [tilespmem:v26+s4+$0x0], $0xffff;
	s0 =	sadd.s32 $0x40, s0;
	v39 =	vadd.s32 v11, v14;
	[tilespmem:v35+s29+$0x0] =	vst.idx.msk $0xffff, v25  }
0x7e9: {  	s18 =	smov.u32 s7;
	s7 =	sadd.s32 $0x4, s7;
	v25 =	vld [tilespmem:s0+$0x10];
	v35 =	vor.u32 v32, v22;
	v40 =	vadd.s32 s15, v61;
	v41 =	vadd.s32 s6, v60;
	[tilespmem:v31+s29+$0x0] =	vst.idx.msk $0xffff, v24  }
0x7ea: {  	p3 =	slt.u32 s7, $0x3C;
	v24 =	vadd.s32 v11, v16;
	v31 =	vld.idx.msk [tilespmem:v38+s4+$0x0], $0xffff;
	[tilespmem:v27+s29+$0x0] =	vst.idx.msk $0xffff, v23  }
0x7eb: {  	s19 =	sadd.s32 $0x5, s12;
	s12 =	smov.u32 s18;
	v23 =	vadd.s32 s11, v62;
	[tilespmem:v37+s29+$0x0] =	vst.idx.msk $0xffff, v28;
	v27 =	vld.idx.msk [tilespmem:v36+s4+$0x0], $0xffff  }
0x7ec: {  	s18 =	sand.u32 $0x5, s19;
	v28 =	vadd.s32 s10, v62;
	v6 =	vld.idx.msk [tilespmem:v6+s4+$0x0], $0xffff;
	[tilespmem:v33+s29+$0x0] =	vst.idx.msk $0xffff, v30  }
0x7ed: {  	s18 =	sor.u32 s18, s25;
	v30 =	vadd.s32 v12, v15;
	v15 =	vmov v19;
	v29 =	vld.idx.msk [tilespmem:v29+s4+$0x0], $0xffff;
	[tilespmem:v21+s29+$0x0] =	vst.idx.msk $0xffff, v34;
	v21 =	vmov v40  }
0x7ee: {  	v19 =	vadd.s32 s18, v60;
	[tilespmem:v41+s29+$0x0] =	vst.idx.msk $0xffff, v26;
	v26 =	vld.idx.msk [tilespmem:v39+s4+$0x0], $0xffff  }
0x7ef: {  	v33 =	vadd.s32 s8, v62;
	v24 =	vld.idx.msk [tilespmem:v24+s4+$0x0], $0xffff  }
0x7f0: {  	s19 =	sand.u32 $0x4, s14;
	s14 =	smov.u32 s7;
	v37 =	vadd.s32 v8, v20;
	v36 =	vadd.s32 v10, v15;
	v34 =	vld [tilespmem:s0+$0xFFFFFFF0];
	[tilespmem:v23+s29+$0x0] =	vst.idx.msk $0xffff, v31  }
0x7f1: {  	s19 =	sor.u32 s19, s25;
	v31 =	vadd.s32 s15, v60;
	v23 =	vld.idx.msk [tilespmem:v35+s4+$0x0], $0xffff;
	v35 =	vadd.s32 v12, v16;
	[tilespmem:v28+s29+$0x0] =	vst.idx.msk $0xffff, v27;
	v16 =	vmov v22  }
0x7f2: {  	s13 =	sadd.s32 $0x8, s13;
	v22 =	vadd.s32 s19, v60;
	v27 =	vadd.s32 v10, v17;
	v28 =	vld.idx.msk [tilespmem:v30+s4+$0x0], $0xffff  }
0x7f3: {  	v38 =	vadd.s32 s10, v63;
	s10 =	smov.u32 s6;
	v30 =	vadd.s32 v12, v13;
	v13 =	vmov v17;
	v39 =	vld [tilespmem:s0+$0xFFFFFFE0];
	[tilespmem:v19+s29+$0x0] =	vst.idx.msk $0xffff, v6  }
0x7f4: {  	v41 =	vadd.s32 v10, v16;
	v19 =	vmul.u32 $0x28, v25;
	v40 =	vld [tilespmem:s0+$0x0];
	[tilespmem:v33+s29+$0x0] =	vst.idx.msk $0xffff, v26;
	v33 =	vadd.s32 v12, v14  }
0x7f5: {  	v42 =	vadd.s32 v10, v18;
	v14 =	vmov v18;
	v43 =	vld.idx.msk [tilespmem:v36+s4+$0x0], $0xffff;
	[tilespmem:v37+s29+$0x0] =	vst.idx.msk $0xffff, v24  }
0x7f6: {  	v44 =	vadd.s32 s10, v61;
	v17 =	vmul.u32 $0x28, v34;
	v26 =	vor.u32 v32, v19;
	[tilespmem:v31+s29+$0x0] =	vst.idx.msk $0xffff, v29;
	v25 =	vld.idx.msk [tilespmem:v35+s4+$0x0], $0xffff  }
.Ltmp27:
0x7f7: {  	v35 =	vadd.s32 v9, v20;
	[tilespmem:v22+s29+$0x0] =	vst.idx.msk $0xffff, v23;
	v24 =	vld.idx.msk [tilespmem:v27+s4+$0x0], $0xffff;
	(pc) =	sbr.rel @p3 .LBB2_46-.Ltmp27, $4  }
0x7f8: {  	v31 =	vadd.s32 s18, v61;
	v6 =	vor.u32 v32, v17;
	v27 =	vadd.s32 s11, v63;
	s11 =	smov.u32 s18;
	v23 =	vld.idx.msk [tilespmem:v30+s4+$0x0], $0xffff;
	[tilespmem:v38+s29+$0x0] =	vst.idx.msk $0xffff, v28  }
0x7f9: {  	v20 =	vor.u32 s19, v1;
	v38 =	vadd.s32 v11, v13;
	v18 =	vmul.u32 $0x28, v40;
	v28 =	vld.idx.msk [tilespmem:v41+s4+$0x0], $0xffff  }
0x7fa: {  	s6 =	sadd.s32 $0x6, s12;
	v36 =	vadd.s32 v11, v15;
	s18 =	sadd.s32 $0xFFFFFFFF, s12;
	v37 =	vadd.s32 v7, v20;
	v30 =	vld.idx.msk [tilespmem:v33+s4+$0x0], $0xffff;
	v33 =	vadd.s32 s8, v63;
	s8 =	smov.u32 s15  }
0x7fb: {  	s25 =	sand.u32 $0x70, s13;
	s6 =	sand.u32 $0x6, s6;
	v22 =	vmul.u32 $0x28, v39;
	s18 =	sand.u32 $0x7, s18;
	v29 =	vor.u32 v32, v18;
	v34 =	vld.idx.msk [tilespmem:v42+s4+$0x0], $0xffff;
	[tilespmem:v44+s29+$0x0] =	vst.idx.msk $0xffff, v43  }
0x7fc: {  	_ =	sdelay $0x2  }
0x7fd: {  	v39 =	vor.u32 v32, v22  }
0x7fe: {  	s0 =	sor.u32 s18, s25;
	[tilespmem:v35+s29+$0x0] =	vst.idx.msk $0xffff, v25  }
0x7ff: {  	v46 =	vld.idx.msk [tilespmem:v26+s4+$0x0], $0xffff;
	[tilespmem:v31+s29+$0x0] =	vst.idx.msk $0xffff, v24;
	v52 =	vadd.s32 s0, v60  }
0x800: {  	v40 =	vadd.s32 v11, v14;
	s7 =	sadd.s32 $0x5, s12;
	v41 =	vadd.s32 s11, v62;
	s19 =	sand.u32 $0x4, s14;
	v31 =	vld.idx.msk [tilespmem:v38+s4+$0x0], $0xffff;
	[tilespmem:v27+s29+$0x0] =	vst.idx.msk $0xffff, v23  }
0x801: {  	v42 =	vadd.s32 v11, v16;
	v43 =	vadd.s32 s10, v62;
	s7 =	sand.u32 $0x5, s7;
	s13 =	sor.u32 s19, s25;
	[tilespmem:v37+s29+$0x0] =	vst.idx.msk $0xffff, v28;
	v28 =	vld.idx.msk [tilespmem:v36+s4+$0x0], $0xffff  }
0x802: {  	s7 =	sor.u32 s7, s25;
	v36 =	vadd.s32 s13, v60;
	[tilespmem:v33+s29+$0x0] =	vst.idx.msk $0xffff, v30;
	v30 =	vadd.s32 v10, v19;
	v33 =	vld.idx.msk [tilespmem:v39+s4+$0x0], $0xffff  }
0x803: {  	s26 =	sor.u32 s6, s25;
	v6 =	vld.idx.msk [tilespmem:v6+s4+$0x0], $0xffff;
	v45 =	vadd.s32 v10, v22;
	v44 =	vadd.s32 s7, v60;
	[tilespmem:v21+s29+$0x0] =	vst.idx.msk $0xffff, v34  }
0x804: {  	v29 =	vld.idx.msk [tilespmem:v29+s4+$0x0], $0xffff;
	[tilespmem:v52+s29+$0x0] =	vst.idx.msk $0xffff, v46;
	v46 =	vadd.s32 s26, v60;
	v52 =	vadd.s32 v10, v17  }
0x805: {  	v24 =	vld.idx.msk [tilespmem:v40+s4+$0x0], $0xffff;
	v40 =	vadd.s32 s8, v62;
	[tilespmem:v41+s29+$0x0] =	vst.idx.msk $0xffff, v31;
	v41 =	vadd.s32 v10, v18  }
0x806: {  	v15 =	vadd.s32 v12, v15;
	v27 =	vld.idx.msk [tilespmem:v42+s4+$0x0], $0xffff;
	v42 =	vadd.s32 v8, v20;
	[tilespmem:v43+s29+$0x0] =	vst.idx.msk $0xffff, v28  }
0x807: {  	v43 =	vadd.s32 v12, v16;
	v28 =	vld.idx.msk [tilespmem:v30+s4+$0x0], $0xffff;
	v30 =	vadd.s32 s0, v61;
	[tilespmem:v36+s29+$0x0] =	vst.idx.msk $0xffff, v33;
	v33 =	vor.u32 s13, v1  }
0x808: {  	[tilespmem:v44+s29+$0x0] =	vst.idx.msk $0xffff, v6;
	v44 =	vadd.s32 v11, v19;
	v6 =	vld.idx.msk [tilespmem:v45+s4+$0x0], $0xffff;
	v21 =	vadd.s32 v7, v33  }
0x809: {  	[tilespmem:v46+s29+$0x0] =	vst.idx.msk $0xffff, v29;
	v46 =	vadd.s32 s7, v61;
	v45 =	vld.idx.msk [tilespmem:v52+s4+$0x0], $0xffff;
	v52 =	vadd.s32 v11, v22  }
0x80a: {  	v35 =	vadd.s32 s26, v61;
	[tilespmem:v40+s29+$0x0] =	vst.idx.msk $0xffff, v24;
	v40 =	vadd.s32 v11, v17;
	v23 =	vld.idx.msk [tilespmem:v41+s4+$0x0], $0xffff  }
0x80b: {  	v15 =	vld.idx.msk [tilespmem:v15+s4+$0x0], $0xffff;
	[tilespmem:v42+s29+$0x0] =	vst.idx.msk $0xffff, v27;
	v42 =	vadd.s32 v11, v18;
	v41 =	vadd.s32 s10, v63  }
0x80c: {  	v13 =	vadd.s32 v12, v13;
	v16 =	vld.idx.msk [tilespmem:v43+s4+$0x0], $0xffff;
	v43 =	vadd.s32 v9, v20;
	[tilespmem:v30+s29+$0x0] =	vst.idx.msk $0xffff, v28  }
0x80d: {  	v14 =	vadd.s32 v12, v14;
	[tilespmem:v21+s29+$0x0] =	vst.idx.msk $0xffff, v6;
	v6 =	vld.idx.msk [tilespmem:v44+s4+$0x0], $0xffff;
	v44 =	vadd.s32 s0, v62  }
0x80e: {  	[tilespmem:v46+s29+$0x0] =	vst.idx.msk $0xffff, v45;
	v45 =	vadd.s32 v12, v19;
	v46 =	vld.idx.msk [tilespmem:v52+s4+$0x0], $0xffff;
	v52 =	vadd.s32 v8, v33  }
0x80f: {  	v37 =	vadd.s32 v12, v22;
	v34 =	vadd.s32 s7, v62;
	[tilespmem:v35+s29+$0x0] =	vst.idx.msk $0xffff, v23;
	v24 =	vld.idx.msk [tilespmem:v40+s4+$0x0], $0xffff  }
0x810: {  	v38 =	vadd.s32 s26, v62;
	v39 =	vadd.s32 v12, v17;
	[tilespmem:v41+s29+$0x0] =	vst.idx.msk $0xffff, v15;
	v15 =	vld.idx.msk [tilespmem:v42+s4+$0x0], $0xffff  }
0x811: {  	v13 =	vld.idx.msk [tilespmem:v13+s4+$0x0], $0xffff;
	[tilespmem:v43+s29+$0x0] =	vst.idx.msk $0xffff, v16;
	v41 =	vadd.s32 v12, v18;
	v40 =	vadd.s32 s11, v63  }
0x812: {  	v14 =	vld.idx.msk [tilespmem:v14+s4+$0x0], $0xffff;
	v42 =	vadd.s32 s8, v63;
	[tilespmem:v44+s29+$0x0] =	vst.idx.msk $0xffff, v6  }
0x813: {  	v43 =	vadd.s32 s0, v63;
	v6 =	vld.idx.msk [tilespmem:v45+s4+$0x0], $0xffff;
	[tilespmem:v52+s29+$0x0] =	vst.idx.msk $0xffff, v46  }
0x814: {  	[tilespmem:v34+s29+$0x0] =	vst.idx.msk $0xffff, v24;
	v45 =	vadd.s32 v9, v33;
	v44 =	vld.idx.msk [tilespmem:v37+s4+$0x0], $0xffff  }
0x815: {  	[tilespmem:v38+s29+$0x0] =	vst.idx.msk $0xffff, v15;
	v46 =	vadd.s32 s7, v63;
	v15 =	vld.idx.msk [tilespmem:v39+s4+$0x0], $0xffff  }
0x816: {  	[tilespmem:v40+s29+$0x0] =	vst.idx.msk $0xffff, v13;
	v52 =	vadd.s32 s26, v63;
	v13 =	vld.idx.msk [tilespmem:v41+s4+$0x0], $0xffff  }
.Ltmp28:
0x817: {  	[tilespmem:v42+s29+$0x0] =	vst.idx.msk $0xffff, v14;
	(pc) =	sbr.rel @p1 .LBB2_49-.Ltmp28, $4  }
0x818: {  	[tilespmem:v43+s29+$0x0] =	vst.idx.msk $0xffff, v6  }
0x819: {  	[tilespmem:v45+s29+$0x0] =	vst.idx.msk $0xffff, v44  }
0x81a: {  	[tilespmem:v46+s29+$0x0] =	vst.idx.msk $0xffff, v15  }
0x81b: {  	[tilespmem:v52+s29+$0x0] =	vst.idx.msk $0xffff, v13;
	v45 =	vmov v0  }
0x81c: {  	s0 =	smul.u32 $0x3E8000, s5;
	_ =	sdelay $0x1  }
0x81d: {  	s0 =	sadd.s32 s21, s0  }
0x81e: {  	s0 =	sshrl.u32 s0, $0x3  }
0x81f: {  	s0 =	sadd.s32 s2, s0  }
0x820: {  	[hbm4b:s0+s3] =	stream.linear.scatter [tilespmem:s29], [sflag:$0x6], $0x80, $0x38;
	[tilespmem:$0x1D680] =	vst v63  }
0x821: {  	s7 =	simm.s32 $0x1C608;
	s6 =	sadd.s32 $0x10, s0  }
0x822: {  	[hbm4b:s6+s3] =	stream.linear.scatter [tilespmem:s7], [sflag:$0x6], $0x80, $0x38;
	[tilespmem:$0x1D680] =	vst v63  }
0x823: {  	s8 =	simm.s32 $0x1C690;
	s7 =	sadd.s32 $0x20, s0  }
0x824: {  	[hbm4b:s7+s3] =	stream.linear.scatter [tilespmem:s8], [sflag:$0x6], $0x80, $0x38;
	[tilespmem:$0x1D680] =	vst v63  }
0x825: {  	s11 =	simm.s32 $0x1C718;
	s10 =	sadd.s32 $0x30, s0  }
0x826: {  	[hbm4b:s10+s3] =	stream.linear.scatter [tilespmem:s11], [sflag:$0x6], $0x80, $0x38;
	[tilespmem:$0x1D680] =	vst v63  }
0x827: {  	s13 =	simm.s32 $0x1C7A0;
	s12 =	sadd.s32 $0x40, s0  }
0x828: {  	[hbm4b:s12+s3] =	stream.linear.scatter [tilespmem:s13], [sflag:$0x6], $0x80, $0x38;
	[tilespmem:$0x1D680] =	vst v63  }
0x829: {  	s15 =	simm.s32 $0x1C828;
	s14 =	sadd.s32 $0x50, s0  }
0x82a: {  	[hbm4b:s14+s3] =	stream.linear.scatter [tilespmem:s15], [sflag:$0x6], $0x80, $0x38;
	[tilespmem:$0x1D680] =	vst v63  }
0x82b: {  	s19 =	simm.s32 $0x1C8B0;
	s18 =	sadd.s32 $0x60, s0  }
0x82c: {  	[hbm4b:s18+s3] =	stream.linear.scatter [tilespmem:s19], [sflag:$0x6], $0x80, $0x38;
	[tilespmem:$0x1D680] =	vst v63  }
0x82d: {  	s26 =	simm.s32 $0x1C938;
	s25 =	sadd.s32 $0x70, s0  }
0x82e: {  	[hbm4b:s25+s3] =	stream.linear.scatter [tilespmem:s26], [sflag:$0x6], $0x80, $0x38;
	[tilespmem:$0x1D680] =	vst v63  }
0x82f: {  	s7 =	sadd.s32 $0x1000, s0;
	s8 =	simm.s32 $0x1C9C0  }
0x830: {  	[hbm4b:s7+s3] =	stream.linear.scatter [tilespmem:s8], [sflag:$0x6], $0x80, $0x38;
	[tilespmem:$0x1D680] =	vst v63  }
0x831: {  	s10 =	sadd.s32 $0x1010, s0;
	s11 =	simm.s32 $0x1CA48  }
0x832: {  	[hbm4b:s10+s3] =	stream.linear.scatter [tilespmem:s11], [sflag:$0x6], $0x80, $0x38;
	[tilespmem:$0x1D680] =	vst v63  }
0x833: {  	s12 =	sadd.s32 $0x1020, s0;
	s13 =	simm.s32 $0x1CAD0  }
0x834: {  	[hbm4b:s12+s3] =	stream.linear.scatter [tilespmem:s13], [sflag:$0x6], $0x80, $0x38;
	[tilespmem:$0x1D680] =	vst v63  }
0x835: {  	s14 =	sadd.s32 $0x1030, s0;
	s15 =	simm.s32 $0x1CB58  }
0x836: {  	[hbm4b:s14+s3] =	stream.linear.scatter [tilespmem:s15], [sflag:$0x6], $0x80, $0x38;
	[tilespmem:$0x1D680] =	vst v63  }
0x837: {  	s18 =	sadd.s32 $0x1040, s0;
	s19 =	simm.s32 $0x1CBE0  }
0x838: {  	[hbm4b:s18+s3] =	stream.linear.scatter [tilespmem:s19], [sflag:$0x6], $0x80, $0x38;
	[tilespmem:$0x1D680] =	vst v63  }
0x839: {  	s25 =	sadd.s32 $0x1050, s0;
	s26 =	simm.s32 $0x1CC68  }
0x83a: {  	[hbm4b:s25+s3] =	stream.linear.scatter [tilespmem:s26], [sflag:$0x6], $0x80, $0x38;
	[tilespmem:$0x1D680] =	vst v63  }
0x83b: {  	s7 =	sadd.s32 $0x1060, s0;
	s8 =	simm.s32 $0x1CCF0  }
0x83c: {  	[hbm4b:s7+s3] =	stream.linear.scatter [tilespmem:s8], [sflag:$0x6], $0x80, $0x38;
	[tilespmem:$0x1D680] =	vst v63  }
0x83d: {  	s10 =	sadd.s32 $0x1070, s0;
	s11 =	simm.s32 $0x1CD78  }
0x83e: {  	[hbm4b:s10+s3] =	stream.linear.scatter [tilespmem:s11], [sflag:$0x6], $0x80, $0x38;
	[tilespmem:$0x1D680] =	vst v63  }
0x83f: {  	s12 =	sadd.s32 $0x2000, s0;
	s13 =	simm.s32 $0x1CE00  }
0x840: {  	[hbm4b:s12+s3] =	stream.linear.scatter [tilespmem:s13], [sflag:$0x6], $0x80, $0x38;
	[tilespmem:$0x1D680] =	vst v63  }
0x841: {  	s14 =	sadd.s32 $0x2010, s0;
	s15 =	simm.s32 $0x1CE88  }
0x842: {  	[hbm4b:s14+s3] =	stream.linear.scatter [tilespmem:s15], [sflag:$0x6], $0x80, $0x38;
	[tilespmem:$0x1D680] =	vst v63  }
0x843: {  	s18 =	sadd.s32 $0x2020, s0;
	s19 =	simm.s32 $0x1CF10  }
0x844: {  	[hbm4b:s18+s3] =	stream.linear.scatter [tilespmem:s19], [sflag:$0x6], $0x80, $0x38;
	[tilespmem:$0x1D680] =	vst v63  }
0x845: {  	s25 =	sadd.s32 $0x2030, s0;
	s26 =	simm.s32 $0x1CF98  }
0x846: {  	[hbm4b:s25+s3] =	stream.linear.scatter [tilespmem:s26], [sflag:$0x6], $0x80, $0x38;
	[tilespmem:$0x1D680] =	vst v63  }
0x847: {  	s7 =	sadd.s32 $0x2040, s0;
	s8 =	simm.s32 $0x1D020  }
0x848: {  	[hbm4b:s7+s3] =	stream.linear.scatter [tilespmem:s8], [sflag:$0x6], $0x80, $0x38;
	[tilespmem:$0x1D680] =	vst v63  }
0x849: {  	s10 =	sadd.s32 $0x2050, s0;
	s11 =	simm.s32 $0x1D0A8  }
0x84a: {  	[hbm4b:s10+s3] =	stream.linear.scatter [tilespmem:s11], [sflag:$0x6], $0x80, $0x38;
	[tilespmem:$0x1D680] =	vst v63  }
0x84b: {  	s12 =	sadd.s32 $0x2060, s0;
	s13 =	simm.s32 $0x1D130  }
0x84c: {  	[hbm4b:s12+s3] =	stream.linear.scatter [tilespmem:s13], [sflag:$0x6], $0x80, $0x38;
	[tilespmem:$0x1D680] =	vst v63  }
0x84d: {  	s14 =	sadd.s32 $0x2070, s0;
	s15 =	simm.s32 $0x1D1B8  }
0x84e: {  	[hbm4b:s14+s3] =	stream.linear.scatter [tilespmem:s15], [sflag:$0x6], $0x80, $0x38;
	[tilespmem:$0x1D680] =	vst v63  }
0x84f: {  	s18 =	sadd.s32 $0x3000, s0;
	s19 =	simm.s32 $0x1D240  }
0x850: {  	[hbm4b:s18+s3] =	stream.linear.scatter [tilespmem:s19], [sflag:$0x6], $0x80, $0x38;
	[tilespmem:$0x1D680] =	vst v63  }
0x851: {  	s25 =	sadd.s32 $0x3010, s0;
	s26 =	simm.s32 $0x1D2C8  }
0x852: {  	[hbm4b:s25+s3] =	stream.linear.scatter [tilespmem:s26], [sflag:$0x6], $0x80, $0x38;
	[tilespmem:$0x1D680] =	vst v63  }
0x853: {  	s8 =	sadd.s32 $0x3020, s0;
	s10 =	simm.s32 $0x1D350  }
0x854: {  	[hbm4b:s8+s3] =	stream.linear.scatter [tilespmem:s10], [sflag:$0x6], $0x80, $0x38;
	[tilespmem:$0x1D680] =	vst v63  }
0x855: {  	s11 =	sadd.s32 $0x3030, s0;
	s12 =	simm.s32 $0x1D3D8  }
0x856: {  	[hbm4b:s11+s3] =	stream.linear.scatter [tilespmem:s12], [sflag:$0x6], $0x80, $0x38;
	[tilespmem:$0x1D680] =	vst v63  }
0x857: {  	s13 =	sadd.s32 $0x3040, s0;
	s14 =	simm.s32 $0x1D460  }
0x858: {  	[hbm4b:s13+s3] =	stream.linear.scatter [tilespmem:s14], [sflag:$0x6], $0x80, $0x38;
	[tilespmem:$0x1D680] =	vst v63  }
0x859: {  	s15 =	sadd.s32 $0x3050, s0;
	s18 =	simm.s32 $0x1D4E8  }
0x85a: {  	[hbm4b:s15+s3] =	stream.linear.scatter [tilespmem:s18], [sflag:$0x6], $0x80, $0x38;
	[tilespmem:$0x1D680] =	vst v63  }
.Ltmp29:
0x85b: {  	_ = 	snop;
	(pc) =	sbr.rel .LBB2_49-.Ltmp29, $4  }
0x85c: {  	s19 =	sadd.s32 $0x3060, s0;
	s25 =	simm.s32 $0x1D570  }
0x85d: {  	[hbm4b:s19+s3] =	stream.linear.scatter [tilespmem:s25], [sflag:$0x6], $0x80, $0x38;
	[tilespmem:$0x1D680] =	vst v63  }
0x85e: {  	s0 =	sadd.s32 $0x3070, s0;
	s26 =	simm.s32 $0x1D5F8  }
0x85f: {  	[hbm4b:s0+s3] =	stream.linear.scatter [tilespmem:s26], [sflag:$0x6], $0x80, $0x38;
	[tilespmem:$0x1D680] =	vst v63  }
.LBB2_50:
0x860: {  	s0 =	rddreg [dreg:$0xb]  }
0x861: {  	s0 =	smin.u32 s0, $0x1C  }
0x862: {  	s5 =	rddreg [dreg:$0x8];
	s0 =	sshll.u32 s0, $0x2  }
0x863: {  	s6 =	simm.s32 $0x80;
	s0 =	sadd.s32 s0, s5  }
0x864: {  	s7 =	simm.s32 $0xF668;
	s5 =	simm.s32 $0xF640;
	s8 =	sadd.s32 $0x0, s0  }
.LBB2_51:
0x865: {  	[tilespmem:s5], [sflag:$0x2] =	stream.linear.gather [hbm4b:s8+s3], $0x20, $0x38;
	[tilespmem:$0x1D680] =	vst v63  }
0x866: {  	s8 =	smov.u32 s6;
	s5 =	smov.u32 s7;
	p0 =	sne.s32 s6, $0x1F380  }
.Ltmp30:
0x867: {  	s6 =	sadd.s32 $0x80, s6;
	(pc) =	sbr.rel @p0 .LBB2_51-.Ltmp30, $2  }
0x868: {  	_ =	sdelay $0x2  }
0x869: {  	s7 =	sadd.s32 $0x28, s7;
	s8 =	sadd.s32 s8, s0  }
0x86a: {  	s20 =	sadd.s32 $0x1, s20  }
0x86b: {  	p0 =	sne.s32 s20, $0x10  }
.Ltmp31:
0x86c: {  	_ = 	snop;
	(pc) =	sbr.rel @p0 .LBB2_8-.Ltmp31, $2  }
0x86d: {  	_ =	sdelay $0x2  }
0x86e: {  	[tilespmem:s5], [sflag:$0x2] =	stream.linear.gather [hbm4b:s8+s3], $0x20, $0x38;
	[tilespmem:$0x1D680] =	vst v63  }
0x86f: {  	s0 =	simm.s32 $0x3  }
0x870: {  	_ =	swait.ge [sflag:s0], $0x400  }
0x871: {  	[sflag:s0] =	ssyncset.done $0x0  }
0x872: {  	s22 =	simm.s32 $0x4;
	[sflag:s0] =	ssyncadd.s32 $0xFFFFFC00  }
0x873: {  	_ =	swait.ge [sflag:s22], $0x400  }
0x874: {  	[sflag:s22] =	ssyncset.done $0x0  }
0x875: {  	s23 =	simm.s32 $0x5;
	[sflag:s22] =	ssyncadd.s32 $0xFFFFFC00  }
0x876: {  	_ =	swait.ge [sflag:s23], $0x400  }
0x877: {  	[sflag:s23] =	ssyncset.done $0x0  }
0x878: {  	s24 =	simm.s32 $0x6;
	[sflag:s23] =	ssyncadd.s32 $0xFFFFFC00  }
0x879: {  	_ =	swait.ge [sflag:s24], $0x400  }
0x87a: {  	[sflag:s24] =	ssyncset.done $0x0  }
0x87b: {  	s25 =	simm.s32 $0x1;
	[sflag:s24] =	ssyncadd.s32 $0xFFFFFC00  }
0x87c: {  	_ =	swait.ge [sflag:s25], $0x7D00  }
0x87d: {  	[sflag:s25] =	ssyncset.done $0x0  }
0x87e: {  	s5 =	simm.s32 $0x2;
	[sflag:s25] =	ssyncadd.s32 $0xFFFF8300  }
0x87f: {  	_ =	swait.ge [sflag:s5], $0x7D00  }
0x880: {  	v14 =	vld [tilespmem:$0x1FCC0]  }
0x881: {  	v15 =	vld [tilespmem:$0x1FCD0]  }
0x882: {  	v16 =	vld [tilespmem:$0x1FCE0]  }
0x883: {  	v17 =	vld [tilespmem:$0x1FCF0]  }
0x884: {  	v18 =	vld [tilespmem:$0x1FD00]  }
0x885: {  	v19 =	vld [tilespmem:$0x1FD10]  }
0x886: {  	v20 =	vld [tilespmem:$0x1FD20]  }
0x887: {  	v21 =	vld [tilespmem:$0x1FD30]  }
0x888: {  	v22 =	vld [tilespmem:$0x1FD40]  }
0x889: {  	v23 =	vld [tilespmem:$0x1FD50]  }
0x88a: {  	v24 =	vld [tilespmem:$0x1FD60]  }
0x88b: {  	v25 =	vld [tilespmem:$0x1FD70]  }
0x88c: {  	v26 =	vld [tilespmem:$0x1FD80]  }
0x88d: {  	v27 =	vld [tilespmem:$0x1FD90]  }
0x88e: {  	v28 =	vld [tilespmem:$0x1FDA0]  }
0x88f: {  	v29 =	vld [tilespmem:$0x1FDB0]  }
0x890: {  	v30 =	vld [tilespmem:$0x1FDC0]  }
0x891: {  	v31 =	vld [tilespmem:$0x1FDD0]  }
0x892: {  	v32 =	vld [tilespmem:$0x1FDE0]  }
0x893: {  	v33 =	vld [tilespmem:$0x1FDF0]  }
0x894: {  	v34 =	vld [tilespmem:$0x1FE00]  }
0x895: {  	v35 =	vld [tilespmem:$0x1FE10]  }
0x896: {  	v36 =	vld [tilespmem:$0x1FE20]  }
0x897: {  	v37 =	vld [tilespmem:$0x1FE30]  }
0x898: {  	v38 =	vld [tilespmem:$0x1FE40]  }
0x899: {  	v39 =	vld [tilespmem:$0x1FE50]  }
0x89a: {  	v40 =	vld [tilespmem:$0x1FE60]  }
0x89b: {  	v41 =	vld [tilespmem:$0x1FE70]  }
0x89c: {  	v42 =	vld [tilespmem:$0x1FE80]  }
0x89d: {  	v43 =	vld [tilespmem:$0x1FE90]  }
0x89e: {  	s6 =	rddreg [dreg:$0xa];
	v44 =	vld [tilespmem:$0x1FEA0]  }
0x89f: {  	s26 =	rddreg [dreg:$0x9];
	v52 =	vld [tilespmem:$0x1FEB0];
	s6 =	sadd.s32 $0x1, s6  }
0x8a0: {  	v11 =	vld [tilespmem:$0x1FEC0];
	p0 =	sne.s32 s6, s26  }
.Ltmp32:
0x8a1: {  	v10 =	vld [tilespmem:$0x1FED0];
	(pc) =	sbr.rel @p0 .LBB2_1-.Ltmp32, $4  }
0x8a2: {  	v8 =	vld [tilespmem:$0x1FEE0]  }
0x8a3: {  	v2 =	vld [tilespmem:$0x1FEF0]  }
0x8a4: {  	[sflag:s5] =	ssyncset.done $0x0;
	s8 =	rddreg [dreg:$0x3];
	v0 =	vld [tilespmem:$0x1FF00]  }
0x8a5: {  	v9 =	vmov v3;
	s10 =	rddreg [dreg:$0x5];
	v3 =	vld [tilespmem:$0x1FFD0];
	[sflag:s5] =	ssyncadd.s32 $0xFFFF8300  }
0x8a6: {  	_ =	sfence.sel $0x180000  }
0x8a7: {  	[bflag:$0x0] =	sbarrier.arrive $0xFFFF  }
0x8a8: {  	_ =	strace $0x90000047  }
0x8a9: {  	s0 =	stileid.u32;
	[bflag:$0x2] =	sbarrier.arrive $0xFFFF  }
0x8aa: {  	p0 =	sne.s32 s0, $0x0;
	s0 =	rddreg [dreg:$0x2]  }
0x8ab: {  	s0 =	sadd.s32 @!p0 $0x100000, s0  }
0x8ac: {  	[sflag:s0] =	ssyncadd.tile.s32 @!p0 $0x1;
	_ =	shalt  }
.Lfunc_end2:
_tile_overlayer_lowered:
.L_overlay_start_2:
0x8ad: {  	(tag) =	ssettag $0x2  }
0x8ae: {  	s0 =	rddreg [dreg:$0x0];
	s2 =	stileid.u32  }
0x8af: {  	s1 =	rddreg [dreg:$0x1];
	p0 =	sne.s32 s2, $0x0  }
0x8b0: {  	s3 =	rddreg [dreg:$0x2];
	[bflag:$0x3] =	sbarrier.arrive $0xFFFF;
	s2 =	simm.s32 @!p0 $0x1C08  }
0x8b1: {  	[timem:s3], [sflag:s2] =	dma.local @!p0 [hbm:s0], s1  }
0x8b2: {  	s0 =	simm.s32 @!p0 $0x8  }
0x8b3: {  	_ =	swait.ge @!p0 [sflag:s0], s1  }
0x8b4: {  	s1 =	ssub.s32 @!p0 $0x0, s1;
	[sflag:s0] =	ssyncset.done @!p0 $0x0  }
0x8b5: {  	[sflag:s0] =	ssyncadd.s32 @!p0 s1  }
0x8b6: {  	[bflag:$0x3] =	sbarrier.arrive $0xFFFF  }
0x8b7: {  	_ =	shalt  }

</sc_bundles>
